<compile_context>
chip_gen: v7x
topology: tpu7x:2x2x1
jax: 0.10.2.dev20260603
libtpu: 0.0.44.dev20260713+nightly
codegen_flags: <defaults>
</compile_context>

<pallas_src>
import functools

import jax
import jax.numpy as jnp
from jax import lax
from jax.experimental import pallas as pl
from jax.experimental.pallas import tpu as pltpu
from jax.experimental.pallas import tpu_sc as plsc

DIM = 128
SLOPE = 0.1
NW = 32
LANES = 16
EB = 128


def _dense_body(f_ref, w_ref, b_ref, at_ref, ab_ref, ne_ref, sc_ref):
    ne = jnp.dot(f_ref[...], w_ref[...], preferred_element_type=jnp.float32)
    ne = ne + b_ref[...]
    ne_ref[...] = ne
    sc_ref[0, :] = jnp.sum(ne * at_ref[...], axis=1)
    sc_ref[1, :] = jnp.sum(ne * ab_ref[...], axis=1)


def _combine_body(a0_ref, a1_ref, rs_ref, o_ref):
    tot = a0_ref[...] + a1_ref[...]
    r = jnp.sum(rs_ref[...], axis=0)
    o_ref[...] = tot / r[:, None]


def _make_sc_kernel(npad, steps):
    rows_per_tile = npad // LANES
    mesh = plsc.VectorSubcoreMesh(core_axis_name="c", subcore_axis_name="s")

    @functools.partial(
        pl.kernel,
        out_type=(
            jax.ShapeDtypeStruct((2, npad, DIM), jnp.float32),
            jax.ShapeDtypeStruct((2, npad), jnp.float32),
        ),
        mesh=mesh,
        scratch_types=[
            [pltpu.VMEM((EB,), jnp.int32)] * 2,
            [pltpu.VMEM((EB,), jnp.int32)] * 2,
            [pltpu.VMEM((EB, DIM), jnp.float32)] * 2,
            [pltpu.VMEM((EB,), jnp.float32)] * 2,
            [pltpu.VMEM((EB,), jnp.float32)] * 2,
            [pltpu.VMEM((EB,), jnp.float32)] * 2,
            pltpu.VMEM((npad // LANES,), jnp.float32),
            pltpu.VMEM_SHARED((npad, DIM), jnp.float32),
            pltpu.VMEM_SHARED((npad,), jnp.float32),
            [pltpu.SemaphoreType.DMA] * 2,
            [pltpu.SemaphoreType.DMA] * 2,
        ],
        compiler_params=pltpu.CompilerParams(needs_layout_passes=False),
    )
    def sc_kernel(ne_hbm, s_hbm, d_hbm, src_hbm, dst_hbm,
                  acc_out, rs_out,
                  src_b, dst_b, rows, sv, dv, vals, zeros1d,
                  acc, rs_sh, sem, ssem):
        cid = lax.axis_index("c")
        sid = lax.axis_index("s")
        wid = sid * 2 + cid

        zero16 = jnp.zeros((LANES,), jnp.float32)

        def zrow(j, carry):
            for c8 in range(DIM // LANES):
                rows[0][j, pl.ds(c8 * LANES, LANES)] = zero16
            return carry
        lax.fori_loop(0, EB, zrow, 0)

        def zz(j, carry):
            zeros1d[pl.ds(j * LANES, LANES)] = zero16
            return carry
        lax.fori_loop(0, rows_per_tile // LANES, zz, 0)

        for t in range(rows_per_tile // EB):
            pltpu.sync_copy(rows[0],
                            acc.at[pl.ds(sid * rows_per_tile + t * EB, EB)])
        pltpu.sync_copy(zeros1d, rs_sh.at[pl.ds(sid * rows_per_tile, rows_per_tile)])
        plsc.subcore_barrier()

        def prefetch(st, k):
            pltpu.sync_copy(src_hbm.at[wid, st], src_b[k])
            pltpu.sync_copy(dst_hbm.at[wid, st], dst_b[k])
            pltpu.make_async_copy(ne_hbm.at[dst_b[k]], rows[k], sem[k]).start()
            pltpu.make_async_copy(s_hbm.at[src_b[k]], sv[k], sem[k]).start()
            pltpu.make_async_copy(d_hbm.at[dst_b[k]], dv[k], sem[k]).start()

        def compute(k):
            pltpu.make_async_copy(ne_hbm.at[dst_b[k]], rows[k], sem[k]).wait()
            pltpu.make_async_copy(s_hbm.at[src_b[k]], sv[k], sem[k]).wait()
            pltpu.make_async_copy(d_hbm.at[dst_b[k]], dv[k], sem[k]).wait()

            def grp(gg, carry2):
                sl16 = pl.ds(gg * LANES, LANES)
                x = sv[k][sl16] + dv[k][sl16]
                v = jnp.exp(jnp.maximum(x, x * SLOPE))
                vals[k][sl16] = v
                for l in range(LANES):
                    vv = jnp.broadcast_to(v[l], (LANES,))
                    j = gg * LANES + l
                    for c8 in range(DIM // LANES):
                        sl = pl.ds(c8 * LANES, LANES)
                        rows[k][j, sl] = rows[k][j, sl] * vv
                return carry2
            lax.fori_loop(0, EB // LANES, grp, 0)

        def scatter_start(k):
            pltpu.async_copy(rows[k], acc.at[src_b[k]], ssem[k], add=True)
            pltpu.async_copy(vals[k], rs_sh.at[src_b[k]], ssem[k], add=True)

        def scatter_wait(k):
            pltpu.make_async_copy(rows[k], acc.at[src_b[k]], ssem[k]).wait()
            pltpu.make_async_copy(vals[k], rs_sh.at[src_b[k]], ssem[k]).wait()

        prefetch(0, 0)

        def body(i, carry):
            st = i * 2

            @pl.when(st > 0)
            def _():
                scatter_wait(1)
            prefetch(st + 1, 1)
            compute(0)
            scatter_start(0)
            compute(1)
            @pl.when(st + 2 < steps)
            def _():
                scatter_wait(0)
                prefetch(st + 2, 0)
            scatter_start(1)
            return carry
        lax.fori_loop(0, steps // 2, body, 0)

        scatter_wait(0)
        scatter_wait(1)
        plsc.subcore_barrier()
        pltpu.sync_copy(acc.at[pl.ds(sid * rows_per_tile, rows_per_tile)],
                        acc_out.at[cid, pl.ds(sid * rows_per_tile, rows_per_tile)])
        pltpu.sync_copy(rs_sh.at[pl.ds(sid * rows_per_tile, rows_per_tile)],
                        rs_out.at[cid, pl.ds(sid * rows_per_tile, rows_per_tile)])

    return sc_kernel


def kernel(features, W, b, a, nodes, edge_index, ind):
    n = features.shape[0]
    npad = -((n + 1) // -(LANES * EB)) * (LANES * EB)

    n_edges = edge_index.shape[1] + nodes.shape[0]
    steps = 2 * -(n_edges // -(NW * EB * 2))
    epad = NW * steps * EB

    feat_pad = jnp.pad(features, ((0, npad - n), (0, 0)))
    a_top = a[:DIM, 0].reshape(1, DIM)
    a_bot = a[DIM:, 0].reshape(1, DIM)
    blk = 1024
    ne, scores = pl.pallas_call(
        _dense_body,
        grid=(npad // blk,),
        in_specs=[
            pl.BlockSpec((blk, DIM), lambda i: (i, 0)),
            pl.BlockSpec((DIM, DIM), lambda i: (0, 0)),
            pl.BlockSpec((1, DIM), lambda i: (0, 0)),
            pl.BlockSpec((1, DIM), lambda i: (0, 0)),
            pl.BlockSpec((1, DIM), lambda i: (0, 0)),
        ],
        out_specs=[
            pl.BlockSpec((blk, DIM), lambda i: (i, 0)),
            pl.BlockSpec((2, blk), lambda i: (0, i)),
        ],
        out_shape=[
            jax.ShapeDtypeStruct((npad, DIM), jnp.float32),
            jax.ShapeDtypeStruct((2, npad), jnp.float32),
        ],
    )(feat_pad, W, b.reshape(1, DIM), a_top, a_bot)

    pad_e = epad - n_edges
    pad_src = n + jnp.arange(pad_e, dtype=jnp.int32) % (npad - n)
    src = jnp.concatenate(
        [edge_index[0], nodes, pad_src]).astype(jnp.int32)
    dst = jnp.concatenate(
        [edge_index[1], nodes, jnp.zeros((pad_e,), jnp.int32)]).astype(jnp.int32)
    srcm = src.reshape(NW, steps, EB)
    dstm = dst.reshape(NW, steps, EB)

    acc, rs = _make_sc_kernel(npad, steps)(ne, scores[0], scores[1], srcm, dstm)

    out_pad = pl.pallas_call(
        _combine_body,
        grid=(npad // blk,),
        in_specs=[
            pl.BlockSpec((blk, DIM), lambda i: (i, 0)),
            pl.BlockSpec((blk, DIM), lambda i: (i, 0)),
            pl.BlockSpec((2, blk), lambda i: (0, i)),
        ],
        out_specs=pl.BlockSpec((blk, DIM), lambda i: (i, 0)),
        out_shape=jax.ShapeDtypeStruct((npad, DIM), jnp.float32),
    )(acc[0], acc[1], rs)
    return out_pad[:n]

# --- scband reference (transcript-rebuilt; emitter-appended) ---
"""Pipeline reference for scband-attention-aggregator-71871982731886 (READ-ONLY COPY).

The authoritative reference and input builder live on the scoring server;
editing this copy changes nothing except your own understanding.
"""

import jax, jax.numpy as jnp
import numpy as np

NODE_NUM, IN_DIM, OUT_DIM, N_EDGES = 10000, 128, 128, 320000
SLOPE = 0.1

def setup_inputs(seed: int = 0):
    key = jax.random.key(seed)
    k0, k1, k2, k3 = jax.random.split(key, 4)
    nodes = jnp.arange(NODE_NUM, dtype=jnp.int32)
    edge_index = jax.random.randint(k0, (2, N_EDGES), 0, NODE_NUM, dtype=jnp.int32)
    features = jax.random.normal(k1, (NODE_NUM, IN_DIM), dtype=jnp.float32)
    W = jax.random.normal(k2, (IN_DIM, OUT_DIM), dtype=jnp.float32) / np.sqrt(IN_DIM)
    b = jnp.zeros((OUT_DIM,), dtype=jnp.float32)
    a = jax.random.normal(k3, (2 * OUT_DIM, 1), dtype=jnp.float32) * np.sqrt(2.0 / (2 * OUT_DIM))
    return {"features": features, "W": W, "b": b, "a": a, "nodes": nodes, "edge_index": edge_index, "ind": 0}

def reference(features, W, b, a, nodes, edge_index, ind):
    # --- index preprocessing (mirrors the numpy code in the torch forward) ---
    # nodes always spans all rows of features, so the unique/relabel mapping is
    # the identity permutation and the batch node count is the static row count.
    batch_node_num = features.shape[0]
    src = jnp.concatenate((edge_index[0], nodes)).astype(jnp.int32)
    dst = jnp.concatenate((edge_index[1], nodes)).astype(jnp.int32)
    n2 = nodes.astype(jnp.int32)
    out_idx = nodes.astype(jnp.int32)
    # --- module math ---
    f = jnp.take(features, n2, axis=0)                       # embedding lookup
    new_emb = f @ W + b                                      # out_linear_layer
    edge_h_2 = jnp.concatenate((jnp.take(new_emb, src, axis=0), jnp.take(new_emb, dst, axis=0)), axis=1)
    vals = jnp.exp(jax.nn.leaky_relu((edge_h_2 @ a)[:, 0], negative_slope=SLOPE))
    row_sum = jax.ops.segment_sum(vals, src, num_segments=batch_node_num)   # sparse.mm(matrix, ones)
    results = jax.ops.segment_sum(vals[:, None] * jnp.take(new_emb, dst, axis=0), src, num_segments=batch_node_num)  # sparse.mm(matrix, new_emb)
    output_emb = results / row_sum[:, None]
    return jnp.take(output_emb, out_idx, axis=0)

if __name__ == "__main__":
    import jax
    _d = setup_inputs()
    print(jax.jit(kernel)(*tuple(_d.values())))

</pallas_src>

<mosaic_0001>
#map = affine_map<(d0, d1) -> (0, 0)>
#map1 = affine_map<(d0, d1) -> (0)>
#map2 = affine_map<(d0, d1) -> (0, 0, 0)>
module attributes {stable_mosaic.version = 14 : i64} {
  func.func @sc_kernel(%arg0: i32, %arg1: i32, %arg2: memref<10240x128xf32, #tpu.memory_space<hbm>>, %arg3: memref<10240xf32, #tpu.memory_space<hbm>>, %arg4: memref<10240xf32, #tpu.memory_space<hbm>>, %arg5: memref<32x82x128xi32, #tpu.memory_space<hbm>>, %arg6: memref<32x82x128xi32, #tpu.memory_space<hbm>>, %arg7: memref<2x10240x128xf32, #tpu.memory_space<hbm>>, %arg8: memref<2x10240xf32, #tpu.memory_space<hbm>>, %arg9: memref<128xi32, #tpu.memory_space<vmem>>, %arg10: memref<128xi32, #tpu.memory_space<vmem>>, %arg11: memref<128xi32, #tpu.memory_space<vmem>>, %arg12: memref<128xi32, #tpu.memory_space<vmem>>, %arg13: memref<128x128xf32, #tpu.memory_space<vmem>>, %arg14: memref<128x128xf32, #tpu.memory_space<vmem>>, %arg15: memref<128xf32, #tpu.memory_space<vmem>>, %arg16: memref<128xf32, #tpu.memory_space<vmem>>, %arg17: memref<128xf32, #tpu.memory_space<vmem>>, %arg18: memref<128xf32, #tpu.memory_space<vmem>>, %arg19: memref<128xf32, #tpu.memory_space<vmem>>, %arg20: memref<128xf32, #tpu.memory_space<vmem>>, %arg21: memref<640xf32, #tpu.memory_space<vmem>>, %arg22: memref<10240x128xf32, #tpu.memory_space<vmem_shared>>, %arg23: memref<10240xf32, #tpu.memory_space<vmem_shared>>, %arg24: memref<!tpu.dma_semaphore, #tpu.memory_space<semaphore_mem>>, %arg25: memref<!tpu.dma_semaphore, #tpu.memory_space<semaphore_mem>>, %arg26: memref<!tpu.dma_semaphore, #tpu.memory_space<semaphore_mem>>, %arg27: memref<!tpu.dma_semaphore, #tpu.memory_space<semaphore_mem>>) attributes {dimension_semantics = [#tpu.dimension_semantics<core_parallel>, #tpu.dimension_semantics<subcore_parallel>], iteration_bounds = array<i64: 2, 16>, scalar_prefetch = 0 : i64, scratch_operands = 19 : i64, tpu.core_type = #tpu.core_type<sc_vector_subcore>, window_params = [{transform_indices = #map}, {transform_indices = #map1}, {transform_indices = #map1}, {transform_indices = #map2}, {transform_indices = #map2}, {transform_indices = #map2}, {transform_indices = #map}]} {
    %mul3A = arith.constant 2 : i32
    %mul3A_0 = arith.muli %arg1, %mul3A : i32
    %add3A = arith.addi %mul3A_0, %arg0 : i32
    %broadcast_in_dim3A = arith.constant 0.000000e+00 : f32
    %broadcast_in_dim3A_1 = vector.broadcast %broadcast_in_dim3A : f32 to vector<16xf32>
    %scan3A = arith.constant 0 : i32
    %scan3A_2 = arith.constant 0 : i32
    %scan3A_3 = arith.constant 128 : i32
    %scan3A_4 = arith.addi %scan3A_2, %scan3A_3 : i32
    %scan3A_5 = arith.constant 1 : i32
    scf.for %scan3A_66 = %scan3A_2 to %scan3A_4 step %scan3A_5  : i32 {
      %swap3A = arith.index_cast %scan3A_66 : i32 to index
      %swap3A_67 = arith.constant 0 : index
      %swap3A_68 = tpu.vector_load %arg13[%swap3A, %swap3A_67] {strides = array<i32>} : memref<128x128xf32, #tpu.memory_space<vmem>>, vector<16xf32>,
      tpu.vector_store %arg13[%swap3A, %swap3A_67], %broadcast_in_dim3A_1 {strides = array<i32>} : memref<128x128xf32, #tpu.memory_space<vmem>>, vector<16xf32>,
      %swap3A_69 = arith.index_cast %scan3A_66 : i32 to index
      %swap3A_70 = arith.constant 16 : index
      %swap3A_71 = tpu.vector_load %arg13[%swap3A_69, %swap3A_70] {strides = array<i32>} : memref<128x128xf32, #tpu.memory_space<vmem>>, vector<16xf32>,
      tpu.vector_store %arg13[%swap3A_69, %swap3A_70], %broadcast_in_dim3A_1 {strides = array<i32>} : memref<128x128xf32, #tpu.memory_space<vmem>>, vector<16xf32>,
      %swap3A_72 = arith.index_cast %scan3A_66 : i32 to index
      %swap3A_73 = arith.constant 32 : index
      %swap3A_74 = tpu.vector_load %arg13[%swap3A_72, %swap3A_73] {strides = array<i32>} : memref<128x128xf32, #tpu.memory_space<vmem>>, vector<16xf32>,
      tpu.vector_store %arg13[%swap3A_72, %swap3A_73], %broadcast_in_dim3A_1 {strides = array<i32>} : memref<128x128xf32, #tpu.memory_space<vmem>>, vector<16xf32>,
      %swap3A_75 = arith.index_cast %scan3A_66 : i32 to index
      %swap3A_76 = arith.constant 48 : index
      %swap3A_77 = tpu.vector_load %arg13[%swap3A_75, %swap3A_76] {strides = array<i32>} : memref<128x128xf32, #tpu.memory_space<vmem>>, vector<16xf32>,
      tpu.vector_store %arg13[%swap3A_75, %swap3A_76], %broadcast_in_dim3A_1 {strides = array<i32>} : memref<128x128xf32, #tpu.memory_space<vmem>>, vector<16xf32>,
      %swap3A_78 = arith.index_cast %scan3A_66 : i32 to index
      %swap3A_79 = arith.constant 64 : index
      %swap3A_80 = tpu.vector_load %arg13[%swap3A_78, %swap3A_79] {strides = array<i32>} : memref<128x128xf32, #tpu.memory_space<vmem>>, vector<16xf32>,
      tpu.vector_store %arg13[%swap3A_78, %swap3A_79], %broadcast_in_dim3A_1 {strides = array<i32>} : memref<128x128xf32, #tpu.memory_space<vmem>>, vector<16xf32>,
      %swap3A_81 = arith.index_cast %scan3A_66 : i32 to index
      %swap3A_82 = arith.constant 80 : index
      %swap3A_83 = tpu.vector_load %arg13[%swap3A_81, %swap3A_82] {strides = array<i32>} : memref<128x128xf32, #tpu.memory_space<vmem>>, vector<16xf32>,
      tpu.vector_store %arg13[%swap3A_81, %swap3A_82], %broadcast_in_dim3A_1 {strides = array<i32>} : memref<128x128xf32, #tpu.memory_space<vmem>>, vector<16xf32>,
      %swap3A_84 = arith.index_cast %scan3A_66 : i32 to index
      %swap3A_85 = arith.constant 96 : index
      %swap3A_86 = tpu.vector_load %arg13[%swap3A_84, %swap3A_85] {strides = array<i32>} : memref<128x128xf32, #tpu.memory_space<vmem>>, vector<16xf32>,
      tpu.vector_store %arg13[%swap3A_84, %swap3A_85], %broadcast_in_dim3A_1 {strides = array<i32>} : memref<128x128xf32, #tpu.memory_space<vmem>>, vector<16xf32>,
      %swap3A_87 = arith.index_cast %scan3A_66 : i32 to index
      %swap3A_88 = arith.constant 112 : index
      %swap3A_89 = tpu.vector_load %arg13[%swap3A_87, %swap3A_88] {strides = array<i32>} : memref<128x128xf32, #tpu.memory_space<vmem>>, vector<16xf32>,
      tpu.vector_store %arg13[%swap3A_87, %swap3A_88], %broadcast_in_dim3A_1 {strides = array<i32>} : memref<128x128xf32, #tpu.memory_space<vmem>>, vector<16xf32>,
    }
    %scan3A_6 = arith.constant 128 : i32
    %scan3A_7 = arith.constant 0 : i32
    %scan3A_8 = arith.constant 0 : i32
    %scan3A_9 = arith.constant 40 : i32
    %scan3A_10 = arith.addi %scan3A_8, %scan3A_9 : i32
    %scan3A_11 = arith.constant 1 : i32
    scf.for %scan3A_66 = %scan3A_8 to %scan3A_10 step %scan3A_11  : i32 {
      %mul3A_67 = arith.constant 16 : i32
      %mul3A_68 = arith.muli %scan3A_66, %mul3A_67 : i32
      %swap3A = arith.index_cast %mul3A_68 : i32 to index
      %swap3A_69 = tpu.vector_load %arg21[%swap3A] {strides = array<i32>} : memref<640xf32, #tpu.memory_space<vmem>>, vector<16xf32>,
      tpu.vector_store %arg21[%swap3A], %broadcast_in_dim3A_1 {strides = array<i32>} : memref<640xf32, #tpu.memory_space<vmem>>, vector<16xf32>,
    }
    %scan3A_12 = arith.constant 40 : i32
    %mul3A_13 = arith.constant 640 : i32
    %mul3A_14 = arith.muli %arg1, %mul3A_13 : i32
    %add3A_15 = arith.constant 0 : i32
    %add3A_16 = arith.addi %mul3A_14, %add3A_15 : i32
    "tpu.region"() ({
      %run_scoped3A_66 = tpu.sem_alloc : memref<!tpu.dma_semaphore, #tpu.memory_space<semaphore_mem>>
      %dma_start3A_67 = arith.constant 0 : i32
      %dma_start3A_68 = tpu.memref_slice %arg22[%add3A_16, %dma_start3A_67] : memref<10240x128xf32, #tpu.memory_space<vmem_shared>> -> memref<128x128xf32, #tpu.memory_space<vmem_shared>>
      %dma_start3A_69 = arith.constant 0 : i32
      %dma_start3A_70 = tpu.memref_slice %arg22[%add3A_16, %dma_start3A_69] : memref<10240x128xf32, #tpu.memory_space<vmem_shared>> -> memref<128x128xf32, #tpu.memory_space<vmem_shared>>
      tpu.enqueue_dma source(%arg13 : memref<128x128xf32, #tpu.memory_space<vmem>>) target(%dma_start3A_70 : memref<128x128xf32, #tpu.memory_space<vmem_shared>>) target_semaphore(%run_scoped3A_66 : memref<!tpu.dma_semaphore, #tpu.memory_space<semaphore_mem>>)
      %dma_wait3A_71 = arith.constant 0 : i32
      %dma_wait3A_72 = tpu.memref_slice %arg22[%add3A_16, %dma_wait3A_71] : memref<10240x128xf32, #tpu.memory_space<vmem_shared>> -> memref<128x128xf32, #tpu.memory_space<vmem_shared>>
      %dma_wait3A_73 = arith.constant 0 : i32
      %dma_wait3A_74 = tpu.memref_slice %arg22[%add3A_16, %dma_wait3A_73] : memref<10240x128xf32, #tpu.memory_space<vmem_shared>> -> memref<128x128xf32, #tpu.memory_space<vmem_shared>>
      tpu.wait_dma2 semaphore(%run_scoped3A_66 : memref<!tpu.dma_semaphore, #tpu.memory_space<semaphore_mem>>) src(%arg13 : memref<128x128xf32, #tpu.memory_space<vmem>>) dst(%dma_wait3A_74 : memref<128x128xf32, #tpu.memory_space<vmem_shared>>)
      tpu.yield
    }) : () -> ()
    %mul3A_17 = arith.constant 640 : i32
    %mul3A_18 = arith.muli %arg1, %mul3A_17 : i32
    %add3A_19 = arith.constant 128 : i32
    %add3A_20 = arith.addi %mul3A_18, %add3A_19 : i32
    "tpu.region"() ({
      %run_scoped3A_66 = tpu.sem_alloc : memref<!tpu.dma_semaphore, #tpu.memory_space<semaphore_mem>>
      %dma_start3A_67 = arith.constant 0 : i32
      %dma_start3A_68 = tpu.memref_slice %arg22[%add3A_20, %dma_start3A_67] : memref<10240x128xf32, #tpu.memory_space<vmem_shared>> -> memref<128x128xf32, #tpu.memory_space<vmem_shared>>
      %dma_start3A_69 = arith.constant 0 : i32
      %dma_start3A_70 = tpu.memref_slice %arg22[%add3A_20, %dma_start3A_69] : memref<10240x128xf32, #tpu.memory_space<vmem_shared>> -> memref<128x128xf32, #tpu.memory_space<vmem_shared>>
      tpu.enqueue_dma source(%arg13 : memref<128x128xf32, #tpu.memory_space<vmem>>) target(%dma_start3A_70 : memref<128x128xf32, #tpu.memory_space<vmem_shared>>) target_semaphore(%run_scoped3A_66 : memref<!tpu.dma_semaphore, #tpu.memory_space<semaphore_mem>>)
      %dma_wait3A_71 = arith.constant 0 : i32
      %dma_wait3A_72 = tpu.memref_slice %arg22[%add3A_20, %dma_wait3A_71] : memref<10240x128xf32, #tpu.memory_space<vmem_shared>> -> memref<128x128xf32, #tpu.memory_space<vmem_shared>>
      %dma_wait3A_73 = arith.constant 0 : i32
      %dma_wait3A_74 = tpu.memref_slice %arg22[%add3A_20, %dma_wait3A_73] : memref<10240x128xf32, #tpu.memory_space<vmem_shared>> -> memref<128x128xf32, #tpu.memory_space<vmem_shared>>
      tpu.wait_dma2 semaphore(%run_scoped3A_66 : memref<!tpu.dma_semaphore, #tpu.memory_space<semaphore_mem>>) src(%arg13 : memref<128x128xf32, #tpu.memory_space<vmem>>) dst(%dma_wait3A_74 : memref<128x128xf32, #tpu.memory_space<vmem_shared>>)
      tpu.yield
    }) : () -> ()
    %mul3A_21 = arith.constant 640 : i32
    %mul3A_22 = arith.muli %arg1, %mul3A_21 : i32
    %add3A_23 = arith.constant 256 : i32
    %add3A_24 = arith.addi %mul3A_22, %add3A_23 : i32
    "tpu.region"() ({
      %run_scoped3A_66 = tpu.sem_alloc : memref<!tpu.dma_semaphore, #tpu.memory_space<semaphore_mem>>
      %dma_start3A_67 = arith.constant 0 : i32
      %dma_start3A_68 = tpu.memref_slice %arg22[%add3A_24, %dma_start3A_67] : memref<10240x128xf32, #tpu.memory_space<vmem_shared>> -> memref<128x128xf32, #tpu.memory_space<vmem_shared>>
      %dma_start3A_69 = arith.constant 0 : i32
      %dma_start3A_70 = tpu.memref_slice %arg22[%add3A_24, %dma_start3A_69] : memref<10240x128xf32, #tpu.memory_space<vmem_shared>> -> memref<128x128xf32, #tpu.memory_space<vmem_shared>>
      tpu.enqueue_dma source(%arg13 : memref<128x128xf32, #tpu.memory_space<vmem>>) target(%dma_start3A_70 : memref<128x128xf32, #tpu.memory_space<vmem_shared>>) target_semaphore(%run_scoped3A_66 : memref<!tpu.dma_semaphore, #tpu.memory_space<semaphore_mem>>)
      %dma_wait3A_71 = arith.constant 0 : i32
      %dma_wait3A_72 = tpu.memref_slice %arg22[%add3A_24, %dma_wait3A_71] : memref<10240x128xf32, #tpu.memory_space<vmem_shared>> -> memref<128x128xf32, #tpu.memory_space<vmem_shared>>
      %dma_wait3A_73 = arith.constant 0 : i32
      %dma_wait3A_74 = tpu.memref_slice %arg22[%add3A_24, %dma_wait3A_73] : memref<10240x128xf32, #tpu.memory_space<vmem_shared>> -> memref<128x128xf32, #tpu.memory_space<vmem_shared>>
      tpu.wait_dma2 semaphore(%run_scoped3A_66 : memref<!tpu.dma_semaphore, #tpu.memory_space<semaphore_mem>>) src(%arg13 : memref<128x128xf32, #tpu.memory_space<vmem>>) dst(%dma_wait3A_74 : memref<128x128xf32, #tpu.memory_space<vmem_shared>>)
      tpu.yield
    }) : () -> ()
    %mul3A_25 = arith.constant 640 : i32
    %mul3A_26 = arith.muli %arg1, %mul3A_25 : i32
    %add3A_27 = arith.constant 384 : i32
    %add3A_28 = arith.addi %mul3A_26, %add3A_27 : i32
    "tpu.region"() ({
      %run_scoped3A_66 = tpu.sem_alloc : memref<!tpu.dma_semaphore, #tpu.memory_space<semaphore_mem>>
      %dma_start3A_67 = arith.constant 0 : i32
      %dma_start3A_68 = tpu.memref_slice %arg22[%add3A_28, %dma_start3A_67] : memref<10240x128xf32, #tpu.memory_space<vmem_shared>> -> memref<128x128xf32, #tpu.memory_space<vmem_shared>>
      %dma_start3A_69 = arith.constant 0 : i32
      %dma_start3A_70 = tpu.memref_slice %arg22[%add3A_28, %dma_start3A_69] : memref<10240x128xf32, #tpu.memory_space<vmem_shared>> -> memref<128x128xf32, #tpu.memory_space<vmem_shared>>
      tpu.enqueue_dma source(%arg13 : memref<128x128xf32, #tpu.memory_space<vmem>>) target(%dma_start3A_70 : memref<128x128xf32, #tpu.memory_space<vmem_shared>>) target_semaphore(%run_scoped3A_66 : memref<!tpu.dma_semaphore, #tpu.memory_space<semaphore_mem>>)
      %dma_wait3A_71 = arith.constant 0 : i32
      %dma_wait3A_72 = tpu.memref_slice %arg22[%add3A_28, %dma_wait3A_71] : memref<10240x128xf32, #tpu.memory_space<vmem_shared>> -> memref<128x128xf32, #tpu.memory_space<vmem_shared>>
      %dma_wait3A_73 = arith.constant 0 : i32
      %dma_wait3A_74 = tpu.memref_slice %arg22[%add3A_28, %dma_wait3A_73] : memref<10240x128xf32, #tpu.memory_space<vmem_shared>> -> memref<128x128xf32, #tpu.memory_space<vmem_shared>>
      tpu.wait_dma2 semaphore(%run_scoped3A_66 : memref<!tpu.dma_semaphore, #tpu.memory_space<semaphore_mem>>) src(%arg13 : memref<128x128xf32, #tpu.memory_space<vmem>>) dst(%dma_wait3A_74 : memref<128x128xf32, #tpu.memory_space<vmem_shared>>)
      tpu.yield
    }) : () -> ()
    %mul3A_29 = arith.constant 640 : i32
    %mul3A_30 = arith.muli %arg1, %mul3A_29 : i32
    %add3A_31 = arith.constant 512 : i32
    %add3A_32 = arith.addi %mul3A_30, %add3A_31 : i32
    "tpu.region"() ({
      %run_scoped3A_66 = tpu.sem_alloc : memref<!tpu.dma_semaphore, #tpu.memory_space<semaphore_mem>>
      %dma_start3A_67 = arith.constant 0 : i32
      %dma_start3A_68 = tpu.memref_slice %arg22[%add3A_32, %dma_start3A_67] : memref<10240x128xf32, #tpu.memory_space<vmem_shared>> -> memref<128x128xf32, #tpu.memory_space<vmem_shared>>
      %dma_start3A_69 = arith.constant 0 : i32
      %dma_start3A_70 = tpu.memref_slice %arg22[%add3A_32, %dma_start3A_69] : memref<10240x128xf32, #tpu.memory_space<vmem_shared>> -> memref<128x128xf32, #tpu.memory_space<vmem_shared>>
      tpu.enqueue_dma source(%arg13 : memref<128x128xf32, #tpu.memory_space<vmem>>) target(%dma_start3A_70 : memref<128x128xf32, #tpu.memory_space<vmem_shared>>) target_semaphore(%run_scoped3A_66 : memref<!tpu.dma_semaphore, #tpu.memory_space<semaphore_mem>>)
      %dma_wait3A_71 = arith.constant 0 : i32
      %dma_wait3A_72 = tpu.memref_slice %arg22[%add3A_32, %dma_wait3A_71] : memref<10240x128xf32, #tpu.memory_space<vmem_shared>> -> memref<128x128xf32, #tpu.memory_space<vmem_shared>>
      %dma_wait3A_73 = arith.constant 0 : i32
      %dma_wait3A_74 = tpu.memref_slice %arg22[%add3A_32, %dma_wait3A_73] : memref<10240x128xf32, #tpu.memory_space<vmem_shared>> -> memref<128x128xf32, #tpu.memory_space<vmem_shared>>
      tpu.wait_dma2 semaphore(%run_scoped3A_66 : memref<!tpu.dma_semaphore, #tpu.memory_space<semaphore_mem>>) src(%arg13 : memref<128x128xf32, #tpu.memory_space<vmem>>) dst(%dma_wait3A_74 : memref<128x128xf32, #tpu.memory_space<vmem_shared>>)
      tpu.yield
    }) : () -> ()
    %mul3A_33 = arith.constant 640 : i32
    %mul3A_34 = arith.muli %arg1, %mul3A_33 : i32
    "tpu.region"() ({
      %run_scoped3A_66 = tpu.sem_alloc : memref<!tpu.dma_semaphore, #tpu.memory_space<semaphore_mem>>
      %dma_start3A_67 = tpu.memref_slice %arg23[%mul3A_34] : memref<10240xf32, #tpu.memory_space<vmem_shared>> -> memref<640xf32, #tpu.memory_space<vmem_shared>>
      %dma_start3A_68 = tpu.memref_slice %arg23[%mul3A_34] : memref<10240xf32, #tpu.memory_space<vmem_shared>> -> memref<640xf32, #tpu.memory_space<vmem_shared>>
      tpu.enqueue_dma source(%arg21 : memref<640xf32, #tpu.memory_space<vmem>>) target(%dma_start3A_68 : memref<640xf32, #tpu.memory_space<vmem_shared>>) target_semaphore(%run_scoped3A_66 : memref<!tpu.dma_semaphore, #tpu.memory_space<semaphore_mem>>)
      %dma_wait3A_69 = tpu.memref_slice %arg23[%mul3A_34] : memref<10240xf32, #tpu.memory_space<vmem_shared>> -> memref<640xf32, #tpu.memory_space<vmem_shared>>
      %dma_wait3A_70 = tpu.memref_slice %arg23[%mul3A_34] : memref<10240xf32, #tpu.memory_space<vmem_shared>> -> memref<640xf32, #tpu.memory_space<vmem_shared>>
      tpu.wait_dma2 semaphore(%run_scoped3A_66 : memref<!tpu.dma_semaphore, #tpu.memory_space<semaphore_mem>>) src(%arg21 : memref<640xf32, #tpu.memory_space<vmem>>) dst(%dma_wait3A_70 : memref<640xf32, #tpu.memory_space<vmem_shared>>)
      tpu.yield
    }) : () -> ()
    %barrier3A = arith.constant 0 : index
    tpu.barrier barrier_id(%barrier3A)
    %run_scoped3A = arith.constant 0 : i32
    "tpu.region"() ({
      %run_scoped3A_66 = tpu.sem_alloc : memref<!tpu.dma_semaphore, #tpu.memory_space<semaphore_mem>>
      %dma_start3A_67 = arith.constant 0 : i32
      %dma_start3A_68 = tpu.memref_slice %arg5[%add3A, %run_scoped3A, %dma_start3A_67] : memref<32x82x128xi32, #tpu.memory_space<hbm>> -> memref<1x1x128xi32, #tpu.memory_space<hbm>>
      %dma_start3A_69 = tpu.memref_squeeze %dma_start3A_68 : memref<1x1x128xi32, #tpu.memory_space<hbm>> -> memref<128xi32, #tpu.memory_space<hbm>>
      %dma_start3A_70 = arith.constant 0 : i32
      %dma_start3A_71 = tpu.memref_slice %arg5[%add3A, %run_scoped3A, %dma_start3A_70] : memref<32x82x128xi32, #tpu.memory_space<hbm>> -> memref<1x1x128xi32, #tpu.memory_space<hbm>>
      %dma_start3A_72 = tpu.memref_squeeze %dma_start3A_71 : memref<1x1x128xi32, #tpu.memory_space<hbm>> -> memref<128xi32, #tpu.memory_space<hbm>>
      tpu.enqueue_dma source(%dma_start3A_72 : memref<128xi32, #tpu.memory_space<hbm>>) target(%arg9 : memref<128xi32, #tpu.memory_space<vmem>>) target_semaphore(%run_scoped3A_66 : memref<!tpu.dma_semaphore, #tpu.memory_space<semaphore_mem>>)
      %dma_wait3A_73 = arith.constant 0 : i32
      %dma_wait3A_74 = tpu.memref_slice %arg5[%add3A, %run_scoped3A, %dma_wait3A_73] : memref<32x82x128xi32, #tpu.memory_space<hbm>> -> memref<1x1x128xi32, #tpu.memory_space<hbm>>
      %dma_wait3A_75 = tpu.memref_squeeze %dma_wait3A_74 : memref<1x1x128xi32, #tpu.memory_space<hbm>> -> memref<128xi32, #tpu.memory_space<hbm>>
      %dma_wait3A_76 = arith.constant 0 : i32
      %dma_wait3A_77 = tpu.memref_slice %arg5[%add3A, %run_scoped3A, %dma_wait3A_76] : memref<32x82x128xi32, #tpu.memory_space<hbm>> -> memref<1x1x128xi32, #tpu.memory_space<hbm>>
      %dma_wait3A_78 = tpu.memref_squeeze %dma_wait3A_77 : memref<1x1x128xi32, #tpu.memory_space<hbm>> -> memref<128xi32, #tpu.memory_space<hbm>>
      tpu.wait_dma2 semaphore(%run_scoped3A_66 : memref<!tpu.dma_semaphore, #tpu.memory_space<semaphore_mem>>) src(%dma_wait3A_78 : memref<128xi32, #tpu.memory_space<hbm>>) dst(%arg9 : memref<128xi32, #tpu.memory_space<vmem>>)
      tpu.yield
    }) : () -> ()
    %run_scoped3A_35 = arith.constant 0 : i32
    "tpu.region"() ({
      %run_scoped3A_66 = tpu.sem_alloc : memref<!tpu.dma_semaphore, #tpu.memory_space<semaphore_mem>>
      %dma_start3A_67 = arith.constant 0 : i32
      %dma_start3A_68 = tpu.memref_slice %arg6[%add3A, %run_scoped3A_35, %dma_start3A_67] : memref<32x82x128xi32, #tpu.memory_space<hbm>> -> memref<1x1x128xi32, #tpu.memory_space<hbm>>
      %dma_start3A_69 = tpu.memref_squeeze %dma_start3A_68 : memref<1x1x128xi32, #tpu.memory_space<hbm>> -> memref<128xi32, #tpu.memory_space<hbm>>
      %dma_start3A_70 = arith.constant 0 : i32
      %dma_start3A_71 = tpu.memref_slice %arg6[%add3A, %run_scoped3A_35, %dma_start3A_70] : memref<32x82x128xi32, #tpu.memory_space<hbm>> -> memref<1x1x128xi32, #tpu.memory_space<hbm>>
      %dma_start3A_72 = tpu.memref_squeeze %dma_start3A_71 : memref<1x1x128xi32, #tpu.memory_space<hbm>> -> memref<128xi32, #tpu.memory_space<hbm>>
      tpu.enqueue_dma source(%dma_start3A_72 : memref<128xi32, #tpu.memory_space<hbm>>) target(%arg11 : memref<128xi32, #tpu.memory_space<vmem>>) target_semaphore(%run_scoped3A_66 : memref<!tpu.dma_semaphore, #tpu.memory_space<semaphore_mem>>)
      %dma_wait3A_73 = arith.constant 0 : i32
      %dma_wait3A_74 = tpu.memref_slice %arg6[%add3A, %run_scoped3A_35, %dma_wait3A_73] : memref<32x82x128xi32, #tpu.memory_space<hbm>> -> memref<1x1x128xi32, #tpu.memory_space<hbm>>
      %dma_wait3A_75 = tpu.memref_squeeze %dma_wait3A_74 : memref<1x1x128xi32, #tpu.memory_space<hbm>> -> memref<128xi32, #tpu.memory_space<hbm>>
      %dma_wait3A_76 = arith.constant 0 : i32
      %dma_wait3A_77 = tpu.memref_slice %arg6[%add3A, %run_scoped3A_35, %dma_wait3A_76] : memref<32x82x128xi32, #tpu.memory_space<hbm>> -> memref<1x1x128xi32, #tpu.memory_space<hbm>>
      %dma_wait3A_78 = tpu.memref_squeeze %dma_wait3A_77 : memref<1x1x128xi32, #tpu.memory_space<hbm>> -> memref<128xi32, #tpu.memory_space<hbm>>
      tpu.wait_dma2 semaphore(%run_scoped3A_66 : memref<!tpu.dma_semaphore, #tpu.memory_space<semaphore_mem>>) src(%dma_wait3A_78 : memref<128xi32, #tpu.memory_space<hbm>>) dst(%arg11 : memref<128xi32, #tpu.memory_space<vmem>>)
      tpu.yield
    }) : () -> ()
    %dma_start3A = arith.constant 0 : i32
    %dma_start3A_36 = arith.constant 0 : i32
    %dma_start3A_37 = tpu.memref_slice %arg2[%dma_start3A, %dma_start3A_36] : memref<10240x128xf32, #tpu.memory_space<hbm>> -> memref<10240x128xf32, #tpu.memory_space<hbm>>
    tpu.enqueue_indirect_dma source(%dma_start3A_37 : memref<10240x128xf32, #tpu.memory_space<hbm>>) target(%arg13 : memref<128x128xf32, #tpu.memory_space<vmem>>) offsets(%arg11 : memref<128xi32, #tpu.memory_space<vmem>>) semaphore(%arg24 : memref<!tpu.dma_semaphore, #tpu.memory_space<semaphore_mem>>)
    %dma_start3A_38 = arith.constant 0 : i32
    %dma_start3A_39 = tpu.memref_slice %arg3[%dma_start3A_38] : memref<10240xf32, #tpu.memory_space<hbm>> -> memref<10240xf32, #tpu.memory_space<hbm>>
    tpu.enqueue_indirect_dma source(%dma_start3A_39 : memref<10240xf32, #tpu.memory_space<hbm>>) target(%arg15 : memref<128xf32, #tpu.memory_space<vmem>>) offsets(%arg9 : memref<128xi32, #tpu.memory_space<vmem>>) semaphore(%arg24 : memref<!tpu.dma_semaphore, #tpu.memory_space<semaphore_mem>>)
    %dma_start3A_40 = arith.constant 0 : i32
    %dma_start3A_41 = tpu.memref_slice %arg4[%dma_start3A_40] : memref<10240xf32, #tpu.memory_space<hbm>> -> memref<10240xf32, #tpu.memory_space<hbm>>
    tpu.enqueue_indirect_dma source(%dma_start3A_41 : memref<10240xf32, #tpu.memory_space<hbm>>) target(%arg17 : memref<128xf32, #tpu.memory_space<vmem>>) offsets(%arg11 : memref<128xi32, #tpu.memory_space<vmem>>) semaphore(%arg24 : memref<!tpu.dma_semaphore, #tpu.memory_space<semaphore_mem>>)
    %scan3A_42 = arith.constant 0 : i32
    %scan3A_43 = arith.constant 0 : i32
    %scan3A_44 = arith.constant 41 : i32
    %scan3A_45 = arith.addi %scan3A_43, %scan3A_44 : i32
    %scan3A_46 = arith.constant 1 : i32
    scf.for %scan3A_66 = %scan3A_43 to %scan3A_45 step %scan3A_46  : i32 {
      %mul3A_67 = arith.constant 2 : i32
      %mul3A_68 = arith.muli %scan3A_66, %mul3A_67 : i32
      %gt3A = arith.constant 0 : i32
      %gt3A_69 = arith.cmpi sgt, %mul3A_68, %gt3A : i32
      %convert_element_type3A = arith.extui %gt3A_69 : i1 to i32
      %cond3A = arith.constant 0 : i32
      %cond3A_70 = arith.cmpi ne, %convert_element_type3A, %cond3A : i32
      scf.if %cond3A_70 {
        %dma_wait3A_122 = arith.constant 0 : i32
        %dma_wait3A_123 = arith.constant 0 : i32
        %dma_wait3A_124 = tpu.memref_slice %arg22[%dma_wait3A_122, %dma_wait3A_123] : memref<10240x128xf32, #tpu.memory_space<vmem_shared>> -> memref<10240x128xf32, #tpu.memory_space<vmem_shared>>
        tpu.wait_indirect_dma semaphore(%arg27 : memref<!tpu.dma_semaphore, #tpu.memory_space<semaphore_mem>>) src(%arg14 : memref<128x128xf32, #tpu.memory_space<vmem>>) dst(%dma_wait3A_124 : memref<10240x128xf32, #tpu.memory_space<vmem_shared>>)
        %dma_wait3A_125 = arith.constant 0 : i32
        %dma_wait3A_126 = tpu.memref_slice %arg23[%dma_wait3A_125] : memref<10240xf32, #tpu.memory_space<vmem_shared>> -> memref<10240xf32, #tpu.memory_space<vmem_shared>>
        tpu.wait_indirect_dma semaphore(%arg27 : memref<!tpu.dma_semaphore, #tpu.memory_space<semaphore_mem>>) src(%arg20 : memref<128xf32, #tpu.memory_space<vmem>>) dst(%dma_wait3A_126 : memref<10240xf32, #tpu.memory_space<vmem_shared>>)
      } else {
      }
      %add3A_71 = arith.constant 1 : i32
      %add3A_72 = arith.addi %mul3A_68, %add3A_71 : i32
      "tpu.region"() ({
        %run_scoped3A_122 = tpu.sem_alloc : memref<!tpu.dma_semaphore, #tpu.memory_space<semaphore_mem>>
        %dma_start3A_123 = arith.constant 0 : i32
        %dma_start3A_124 = tpu.memref_slice %arg5[%add3A, %add3A_72, %dma_start3A_123] : memref<32x82x128xi32, #tpu.memory_space<hbm>> -> memref<1x1x128xi32, #tpu.memory_space<hbm>>
        %dma_start3A_125 = tpu.memref_squeeze %dma_start3A_124 : memref<1x1x128xi32, #tpu.memory_space<hbm>> -> memref<128xi32, #tpu.memory_space<hbm>>
        %dma_start3A_126 = arith.constant 0 : i32
        %dma_start3A_127 = tpu.memref_slice %arg5[%add3A, %add3A_72, %dma_start3A_126] : memref<32x82x128xi32, #tpu.memory_space<hbm>> -> memref<1x1x128xi32, #tpu.memory_space<hbm>>
        %dma_start3A_128 = tpu.memref_squeeze %dma_start3A_127 : memref<1x1x128xi32, #tpu.memory_space<hbm>> -> memref<128xi32, #tpu.memory_space<hbm>>
        tpu.enqueue_dma source(%dma_start3A_128 : memref<128xi32, #tpu.memory_space<hbm>>) target(%arg10 : memref<128xi32, #tpu.memory_space<vmem>>) target_semaphore(%run_scoped3A_122 : memref<!tpu.dma_semaphore, #tpu.memory_space<semaphore_mem>>)
        %dma_wait3A_129 = arith.constant 0 : i32
        %dma_wait3A_130 = tpu.memref_slice %arg5[%add3A, %add3A_72, %dma_wait3A_129] : memref<32x82x128xi32, #tpu.memory_space<hbm>> -> memref<1x1x128xi32, #tpu.memory_space<hbm>>
        %dma_wait3A_131 = tpu.memref_squeeze %dma_wait3A_130 : memref<1x1x128xi32, #tpu.memory_space<hbm>> -> memref<128xi32, #tpu.memory_space<hbm>>
        %dma_wait3A_132 = arith.constant 0 : i32
        %dma_wait3A_133 = tpu.memref_slice %arg5[%add3A, %add3A_72, %dma_wait3A_132] : memref<32x82x128xi32, #tpu.memory_space<hbm>> -> memref<1x1x128xi32, #tpu.memory_space<hbm>>
        %dma_wait3A_134 = tpu.memref_squeeze %dma_wait3A_133 : memref<1x1x128xi32, #tpu.memory_space<hbm>> -> memref<128xi32, #tpu.memory_space<hbm>>
        tpu.wait_dma2 semaphore(%run_scoped3A_122 : memref<!tpu.dma_semaphore, #tpu.memory_space<semaphore_mem>>) src(%dma_wait3A_134 : memref<128xi32, #tpu.memory_space<hbm>>) dst(%arg10 : memref<128xi32, #tpu.memory_space<vmem>>)
        tpu.yield
      }) : () -> ()
      "tpu.region"() ({
        %run_scoped3A_122 = tpu.sem_alloc : memref<!tpu.dma_semaphore, #tpu.memory_space<semaphore_mem>>
        %dma_start3A_123 = arith.constant 0 : i32
        %dma_start3A_124 = tpu.memref_slice %arg6[%add3A, %add3A_72, %dma_start3A_123] : memref<32x82x128xi32, #tpu.memory_space<hbm>> -> memref<1x1x128xi32, #tpu.memory_space<hbm>>
        %dma_start3A_125 = tpu.memref_squeeze %dma_start3A_124 : memref<1x1x128xi32, #tpu.memory_space<hbm>> -> memref<128xi32, #tpu.memory_space<hbm>>
        %dma_start3A_126 = arith.constant 0 : i32
        %dma_start3A_127 = tpu.memref_slice %arg6[%add3A, %add3A_72, %dma_start3A_126] : memref<32x82x128xi32, #tpu.memory_space<hbm>> -> memref<1x1x128xi32, #tpu.memory_space<hbm>>
        %dma_start3A_128 = tpu.memref_squeeze %dma_start3A_127 : memref<1x1x128xi32, #tpu.memory_space<hbm>> -> memref<128xi32, #tpu.memory_space<hbm>>
        tpu.enqueue_dma source(%dma_start3A_128 : memref<128xi32, #tpu.memory_space<hbm>>) target(%arg12 : memref<128xi32, #tpu.memory_space<vmem>>) target_semaphore(%run_scoped3A_122 : memref<!tpu.dma_semaphore, #tpu.memory_space<semaphore_mem>>)
        %dma_wait3A_129 = arith.constant 0 : i32
        %dma_wait3A_130 = tpu.memref_slice %arg6[%add3A, %add3A_72, %dma_wait3A_129] : memref<32x82x128xi32, #tpu.memory_space<hbm>> -> memref<1x1x128xi32, #tpu.memory_space<hbm>>
        %dma_wait3A_131 = tpu.memref_squeeze %dma_wait3A_130 : memref<1x1x128xi32, #tpu.memory_space<hbm>> -> memref<128xi32, #tpu.memory_space<hbm>>
        %dma_wait3A_132 = arith.constant 0 : i32
        %dma_wait3A_133 = tpu.memref_slice %arg6[%add3A, %add3A_72, %dma_wait3A_132] : memref<32x82x128xi32, #tpu.memory_space<hbm>> -> memref<1x1x128xi32, #tpu.memory_space<hbm>>
        %dma_wait3A_134 = tpu.memref_squeeze %dma_wait3A_133 : memref<1x1x128xi32, #tpu.memory_space<hbm>> -> memref<128xi32, #tpu.memory_space<hbm>>
        tpu.wait_dma2 semaphore(%run_scoped3A_122 : memref<!tpu.dma_semaphore, #tpu.memory_space<semaphore_mem>>) src(%dma_wait3A_134 : memref<128xi32, #tpu.memory_space<hbm>>) dst(%arg12 : memref<128xi32, #tpu.memory_space<vmem>>)
        tpu.yield
      }) : () -> ()
      %dma_start3A_73 = arith.constant 0 : i32
      %dma_start3A_74 = arith.constant 0 : i32
      %dma_start3A_75 = tpu.memref_slice %arg2[%dma_start3A_73, %dma_start3A_74] : memref<10240x128xf32, #tpu.memory_space<hbm>> -> memref<10240x128xf32, #tpu.memory_space<hbm>>
      tpu.enqueue_indirect_dma source(%dma_start3A_75 : memref<10240x128xf32, #tpu.memory_space<hbm>>) target(%arg14 : memref<128x128xf32, #tpu.memory_space<vmem>>) offsets(%arg12 : memref<128xi32, #tpu.memory_space<vmem>>) semaphore(%arg25 : memref<!tpu.dma_semaphore, #tpu.memory_space<semaphore_mem>>)
      %dma_start3A_76 = arith.constant 0 : i32
      %dma_start3A_77 = tpu.memref_slice %arg3[%dma_start3A_76] : memref<10240xf32, #tpu.memory_space<hbm>> -> memref<10240xf32, #tpu.memory_space<hbm>>
      tpu.enqueue_indirect_dma source(%dma_start3A_77 : memref<10240xf32, #tpu.memory_space<hbm>>) target(%arg16 : memref<128xf32, #tpu.memory_space<vmem>>) offsets(%arg10 : memref<128xi32, #tpu.memory_space<vmem>>) semaphore(%arg25 : memref<!tpu.dma_semaphore, #tpu.memory_space<semaphore_mem>>)
      %dma_start3A_78 = arith.constant 0 : i32
      %dma_start3A_79 = tpu.memref_slice %arg4[%dma_start3A_78] : memref<10240xf32, #tpu.memory_space<hbm>> -> memref<10240xf32, #tpu.memory_space<hbm>>
      tpu.enqueue_indirect_dma source(%dma_start3A_79 : memref<10240xf32, #tpu.memory_space<hbm>>) target(%arg18 : memref<128xf32, #tpu.memory_space<vmem>>) offsets(%arg12 : memref<128xi32, #tpu.memory_space<vmem>>) semaphore(%arg25 : memref<!tpu.dma_semaphore, #tpu.memory_space<semaphore_mem>>)
      %dma_wait3A_80 = arith.constant 0 : i32
      %dma_wait3A_81 = arith.constant 0 : i32
      %dma_wait3A_82 = tpu.memref_slice %arg2[%dma_wait3A_80, %dma_wait3A_81] : memref<10240x128xf32, #tpu.memory_space<hbm>> -> memref<10240x128xf32, #tpu.memory_space<hbm>>
      tpu.wait_indirect_dma semaphore(%arg24 : memref<!tpu.dma_semaphore, #tpu.memory_space<semaphore_mem>>) src(%dma_wait3A_82 : memref<10240x128xf32, #tpu.memory_space<hbm>>) dst(%arg13 : memref<128x128xf32, #tpu.memory_space<vmem>>)
      %dma_wait3A_83 = arith.constant 0 : i32
      %dma_wait3A_84 = tpu.memref_slice %arg3[%dma_wait3A_83] : memref<10240xf32, #tpu.memory_space<hbm>> -> memref<10240xf32, #tpu.memory_space<hbm>>
      tpu.wait_indirect_dma semaphore(%arg24 : memref<!tpu.dma_semaphore, #tpu.memory_space<semaphore_mem>>) src(%dma_wait3A_84 : memref<10240xf32, #tpu.memory_space<hbm>>) dst(%arg15 : memref<128xf32, #tpu.memory_space<vmem>>)
      %dma_wait3A_85 = arith.constant 0 : i32
      %dma_wait3A_86 = tpu.memref_slice %arg4[%dma_wait3A_85] : memref<10240xf32, #tpu.memory_space<hbm>> -> memref<10240xf32, #tpu.memory_space<hbm>>
      tpu.wait_indirect_dma semaphore(%arg24 : memref<!tpu.dma_semaphore, #tpu.memory_space<semaphore_mem>>) src(%dma_wait3A_86 : memref<10240xf32, #tpu.memory_space<hbm>>) dst(%arg17 : memref<128xf32, #tpu.memory_space<vmem>>)
      %scan3A_87 = arith.constant 0 : i32
      %scan3A_88 = arith.constant 0 : i32
      %scan3A_89 = arith.constant 8 : i32
      %scan3A_90 = arith.addi %scan3A_88, %scan3A_89 : i32
      %scan3A_91 = arith.constant 1 : i32
      scf.for %scan3A_122 = %scan3A_88 to %scan3A_90 step %scan3A_91  : i32 {
        %mul3A_123 = arith.constant 16 : i32
        %mul3A_124 = arith.muli %scan3A_122, %mul3A_123 : i32
        %get3A = arith.index_cast %mul3A_124 : i32 to index
        %get3A_125 = tpu.vector_load %arg15[%get3A] {strides = array<i32>} : memref<128xf32, #tpu.memory_space<vmem>>, vector<16xf32>,
        %get3A_126 = arith.index_cast %mul3A_124 : i32 to index
        %get3A_127 = tpu.vector_load %arg17[%get3A_126] {strides = array<i32>} : memref<128xf32, #tpu.memory_space<vmem>>, vector<16xf32>,
        %add3A_128 = arith.addf %get3A_125, %get3A_127 : vector<16xf32>
        %mul3A_129 = arith.constant 1.000000e-01 : f32
        %mul3A_130 = vector.broadcast %mul3A_129 : f32 to vector<16xf32>
        %mul3A_131 = arith.mulf %add3A_128, %mul3A_130 : vector<16xf32>
        %max3A = arith.maximumf %add3A_128, %mul3A_131 : vector<16xf32>
        %exp3A = math.exp %max3A : vector<16xf32>
        %swap3A = arith.index_cast %mul3A_124 : i32 to index
        %swap3A_132 = tpu.vector_load %arg19[%swap3A] {strides = array<i32>} : memref<128xf32, #tpu.memory_space<vmem>>, vector<16xf32>,
        tpu.vector_store %arg19[%swap3A], %exp3A {strides = array<i32>} : memref<128xf32, #tpu.memory_space<vmem>>, vector<16xf32>,
        %slice3A = vector.extract_strided_slice %exp3A {offsets = [0], sizes = [1], strides = [1]} : vector<16xf32> to vector<1xf32>
        %squeeze3A = vector.extract %slice3A[0] : f32 from vector<1xf32>
        %broadcast_in_dim3A_133 = vector.broadcast %squeeze3A : f32 to vector<16xf32>
        %mul3A_134 = arith.constant 16 : i32
        %mul3A_135 = arith.muli %scan3A_122, %mul3A_134 : i32
        %add3A_136 = arith.constant 0 : i32
        %add3A_137 = arith.addi %mul3A_135, %add3A_136 : i32
        %get3A_138 = arith.index_cast %add3A_137 : i32 to index
        %get3A_139 = arith.constant 0 : index
        %get3A_140 = tpu.vector_load %arg13[%get3A_138, %get3A_139] {strides = array<i32>} : memref<128x128xf32, #tpu.memory_space<vmem>>, vector<16xf32>,
        %mul3A_141 = arith.mulf %get3A_140, %broadcast_in_dim3A_133 : vector<16xf32>
        %swap3A_142 = arith.index_cast %add3A_137 : i32 to index
        %swap3A_143 = arith.constant 0 : index
        %swap3A_144 = tpu.vector_load %arg13[%swap3A_142, %swap3A_143] {strides = array<i32>} : memref<128x128xf32, #tpu.memory_space<vmem>>, vector<16xf32>,
        tpu.vector_store %arg13[%swap3A_142, %swap3A_143], %mul3A_141 {strides = array<i32>} : memref<128x128xf32, #tpu.memory_space<vmem>>, vector<16xf32>,
        %get3A_145 = arith.index_cast %add3A_137 : i32 to index
        %get3A_146 = arith.constant 16 : index
        %get3A_147 = tpu.vector_load %arg13[%get3A_145, %get3A_146] {strides = array<i32>} : memref<128x128xf32, #tpu.memory_space<vmem>>, vector<16xf32>,
        %mul3A_148 = arith.mulf %get3A_147, %broadcast_in_dim3A_133 : vector<16xf32>
        %swap3A_149 = arith.index_cast %add3A_137 : i32 to index
        %swap3A_150 = arith.constant 16 : index
        %swap3A_151 = tpu.vector_load %arg13[%swap3A_149, %swap3A_150] {strides = array<i32>} : memref<128x128xf32, #tpu.memory_space<vmem>>, vector<16xf32>,
        tpu.vector_store %arg13[%swap3A_149, %swap3A_150], %mul3A_148 {strides = array<i32>} : memref<128x128xf32, #tpu.memory_space<vmem>>, vector<16xf32>,
        %get3A_152 = arith.index_cast %add3A_137 : i32 to index
        %get3A_153 = arith.constant 32 : index
        %get3A_154 = tpu.vector_load %arg13[%get3A_152, %get3A_153] {strides = array<i32>} : memref<128x128xf32, #tpu.memory_space<vmem>>, vector<16xf32>,
        %mul3A_155 = arith.mulf %get3A_154, %broadcast_in_dim3A_133 : vector<16xf32>
        %swap3A_156 = arith.index_cast %add3A_137 : i32 to index
        %swap3A_157 = arith.constant 32 : index
        %swap3A_158 = tpu.vector_load %arg13[%swap3A_156, %swap3A_157] {strides = array<i32>} : memref<128x128xf32, #tpu.memory_space<vmem>>, vector<16xf32>,
        tpu.vector_store %arg13[%swap3A_156, %swap3A_157], %mul3A_155 {strides = array<i32>} : memref<128x128xf32, #tpu.memory_space<vmem>>, vector<16xf32>,
        %get3A_159 = arith.index_cast %add3A_137 : i32 to index
        %get3A_160 = arith.constant 48 : index
        %get3A_161 = tpu.vector_load %arg13[%get3A_159, %get3A_160] {strides = array<i32>} : memref<128x128xf32, #tpu.memory_space<vmem>>, vector<16xf32>,
        %mul3A_162 = arith.mulf %get3A_161, %broadcast_in_dim3A_133 : vector<16xf32>
        %swap3A_163 = arith.index_cast %add3A_137 : i32 to index
        %swap3A_164 = arith.constant 48 : index
        %swap3A_165 = tpu.vector_load %arg13[%swap3A_163, %swap3A_164] {strides = array<i32>} : memref<128x128xf32, #tpu.memory_space<vmem>>, vector<16xf32>,
        tpu.vector_store %arg13[%swap3A_163, %swap3A_164], %mul3A_162 {strides = array<i32>} : memref<128x128xf32, #tpu.memory_space<vmem>>, vector<16xf32>,
        %get3A_166 = arith.index_cast %add3A_137 : i32 to index
        %get3A_167 = arith.constant 64 : index
        %get3A_168 = tpu.vector_load %arg13[%get3A_166, %get3A_167] {strides = array<i32>} : memref<128x128xf32, #tpu.memory_space<vmem>>, vector<16xf32>,
        %mul3A_169 = arith.mulf %get3A_168, %broadcast_in_dim3A_133 : vector<16xf32>
        %swap3A_170 = arith.index_cast %add3A_137 : i32 to index
        %swap3A_171 = arith.constant 64 : index
        %swap3A_172 = tpu.vector_load %arg13[%swap3A_170, %swap3A_171] {strides = array<i32>} : memref<128x128xf32, #tpu.memory_space<vmem>>, vector<16xf32>,
        tpu.vector_store %arg13[%swap3A_170, %swap3A_171], %mul3A_169 {strides = array<i32>} : memref<128x128xf32, #tpu.memory_space<vmem>>, vector<16xf32>,
        %get3A_173 = arith.index_cast %add3A_137 : i32 to index
        %get3A_174 = arith.constant 80 : index
        %get3A_175 = tpu.vector_load %arg13[%get3A_173, %get3A_174] {strides = array<i32>} : memref<128x128xf32, #tpu.memory_space<vmem>>, vector<16xf32>,
        %mul3A_176 = arith.mulf %get3A_175, %broadcast_in_dim3A_133 : vector<16xf32>
        %swap3A_177 = arith.index_cast %add3A_137 : i32 to index
        %swap3A_178 = arith.constant 80 : index
        %swap3A_179 = tpu.vector_load %arg13[%swap3A_177, %swap3A_178] {strides = array<i32>} : memref<128x128xf32, #tpu.memory_space<vmem>>, vector<16xf32>,
        tpu.vector_store %arg13[%swap3A_177, %swap3A_178], %mul3A_176 {strides = array<i32>} : memref<128x128xf32, #tpu.memory_space<vmem>>, vector<16xf32>,
        %get3A_180 = arith.index_cast %add3A_137 : i32 to index
        %get3A_181 = arith.constant 96 : index
        %get3A_182 = tpu.vector_load %arg13[%get3A_180, %get3A_181] {strides = array<i32>} : memref<128x128xf32, #tpu.memory_space<vmem>>, vector<16xf32>,
        %mul3A_183 = arith.mulf %get3A_182, %broadcast_in_dim3A_133 : vector<16xf32>
        %swap3A_184 = arith.index_cast %add3A_137 : i32 to index
        %swap3A_185 = arith.constant 96 : index
        %swap3A_186 = tpu.vector_load %arg13[%swap3A_184, %swap3A_185] {strides = array<i32>} : memref<128x128xf32, #tpu.memory_space<vmem>>, vector<16xf32>,
        tpu.vector_store %arg13[%swap3A_184, %swap3A_185], %mul3A_183 {strides = array<i32>} : memref<128x128xf32, #tpu.memory_space<vmem>>, vector<16xf32>,
        %get3A_187 = arith.index_cast %add3A_137 : i32 to index
        %get3A_188 = arith.constant 112 : index
        %get3A_189 = tpu.vector_load %arg13[%get3A_187, %get3A_188] {strides = array<i32>} : memref<128x128xf32, #tpu.memory_space<vmem>>, vector<16xf32>,
        %mul3A_190 = arith.mulf %get3A_189, %broadcast_in_dim3A_133 : vector<16xf32>
        %swap3A_191 = arith.index_cast %add3A_137 : i32 to index
        %swap3A_192 = arith.constant 112 : index
        %swap3A_193 = tpu.vector_load %arg13[%swap3A_191, %swap3A_192] {strides = array<i32>} : memref<128x128xf32, #tpu.memory_space<vmem>>, vector<16xf32>,
        tpu.vector_store %arg13[%swap3A_191, %swap3A_192], %mul3A_190 {strides = array<i32>} : memref<128x128xf32, #tpu.memory_space<vmem>>, vector<16xf32>,
        %slice3A_194 = vector.extract_strided_slice %exp3A {offsets = [1], sizes = [1], strides = [1]} : vector<16xf32> to vector<1xf32>
        %squeeze3A_195 = vector.extract %slice3A_194[0] : f32 from vector<1xf32>
        %broadcast_in_dim3A_196 = vector.broadcast %squeeze3A_195 : f32 to vector<16xf32>
        %mul3A_197 = arith.constant 16 : i32
        %mul3A_198 = arith.muli %scan3A_122, %mul3A_197 : i32
        %add3A_199 = arith.constant 1 : i32
        %add3A_200 = arith.addi %mul3A_198, %add3A_199 : i32
        %get3A_201 = arith.index_cast %add3A_200 : i32 to index
        %get3A_202 = arith.constant 0 : index
        %get3A_203 = tpu.vector_load %arg13[%get3A_201, %get3A_202] {strides = array<i32>} : memref<128x128xf32, #tpu.memory_space<vmem>>, vector<16xf32>,
        %mul3A_204 = arith.mulf %get3A_203, %broadcast_in_dim3A_196 : vector<16xf32>
        %swap3A_205 = arith.index_cast %add3A_200 : i32 to index
        %swap3A_206 = arith.constant 0 : index
        %swap3A_207 = tpu.vector_load %arg13[%swap3A_205, %swap3A_206] {strides = array<i32>} : memref<128x128xf32, #tpu.memory_space<vmem>>, vector<16xf32>,
        tpu.vector_store %arg13[%swap3A_205, %swap3A_206], %mul3A_204 {strides = array<i32>} : memref<128x128xf32, #tpu.memory_space<vmem>>, vector<16xf32>,
        %get3A_208 = arith.index_cast %add3A_200 : i32 to index
        %get3A_209 = arith.constant 16 : index
        %get3A_210 = tpu.vector_load %arg13[%get3A_208, %get3A_209] {strides = array<i32>} : memref<128x128xf32, #tpu.memory_space<vmem>>, vector<16xf32>,
        %mul3A_211 = arith.mulf %get3A_210, %broadcast_in_dim3A_196 : vector<16xf32>
        %swap3A_212 = arith.index_cast %add3A_200 : i32 to index
        %swap3A_213 = arith.constant 16 : index
        %swap3A_214 = tpu.vector_load %arg13[%swap3A_212, %swap3A_213] {strides = array<i32>} : memref<128x128xf32, #tpu.memory_space<vmem>>, vector<16xf32>,
        tpu.vector_store %arg13[%swap3A_212, %swap3A_213], %mul3A_211 {strides = array<i32>} : memref<128x128xf32, #tpu.memory_space<vmem>>, vector<16xf32>,
        %get3A_215 = arith.index_cast %add3A_200 : i32 to index
        %get3A_216 = arith.constant 32 : index
        %get3A_217 = tpu.vector_load %arg13[%get3A_215, %get3A_216] {strides = array<i32>} : memref<128x128xf32, #tpu.memory_space<vmem>>, vector<16xf32>,
        %mul3A_218 = arith.mulf %get3A_217, %broadcast_in_dim3A_196 : vector<16xf32>
        %swap3A_219 = arith.index_cast %add3A_200 : i32 to index
        %swap3A_220 = arith.constant 32 : index
        %swap3A_221 = tpu.vector_load %arg13[%swap3A_219, %swap3A_220] {strides = array<i32>} : memref<128x128xf32, #tpu.memory_space<vmem>>, vector<16xf32>,
        tpu.vector_store %arg13[%swap3A_219, %swap3A_220], %mul3A_218 {strides = array<i32>} : memref<128x128xf32, #tpu.memory_space<vmem>>, vector<16xf32>,
        %get3A_222 = arith.index_cast %add3A_200 : i32 to index
        %get3A_223 = arith.constant 48 : index
        %get3A_224 = tpu.vector_load %arg13[%get3A_222, %get3A_223] {strides = array<i32>} : memref<128x128xf32, #tpu.memory_space<vmem>>, vector<16xf32>,
        %mul3A_225 = arith.mulf %get3A_224, %broadcast_in_dim3A_196 : vector<16xf32>
        %swap3A_226 = arith.index_cast %add3A_200 : i32 to index
        %swap3A_227 = arith.constant 48 : index
        %swap3A_228 = tpu.vector_load %arg13[%swap3A_226, %swap3A_227] {strides = array<i32>} : memref<128x128xf32, #tpu.memory_space<vmem>>, vector<16xf32>,
        tpu.vector_store %arg13[%swap3A_226, %swap3A_227], %mul3A_225 {strides = array<i32>} : memref<128x128xf32, #tpu.memory_space<vmem>>, vector<16xf32>,
        %get3A_229 = arith.index_cast %add3A_200 : i32 to index
        %get3A_230 = arith.constant 64 : index
        %get3A_231 = tpu.vector_load %arg13[%get3A_229, %get3A_230] {strides = array<i32>} : memref<128x128xf32, #tpu.memory_space<vmem>>, vector<16xf32>,
        %mul3A_232 = arith.mulf %get3A_231, %broadcast_in_dim3A_196 : vector<16xf32>
        %swap3A_233 = arith.index_cast %add3A_200 : i32 to index
        %swap3A_234 = arith.constant 64 : index
        %swap3A_235 = tpu.vector_load %arg13[%swap3A_233, %swap3A_234] {strides = array<i32>} : memref<128x128xf32, #tpu.memory_space<vmem>>, vector<16xf32>,
        tpu.vector_store %arg13[%swap3A_233, %swap3A_234], %mul3A_232 {strides = array<i32>} : memref<128x128xf32, #tpu.memory_space<vmem>>, vector<16xf32>,
        %get3A_236 = arith.index_cast %add3A_200 : i32 to index
        %get3A_237 = arith.constant 80 : index
        %get3A_238 = tpu.vector_load %arg13[%get3A_236, %get3A_237] {strides = array<i32>} : memref<128x128xf32, #tpu.memory_space<vmem>>, vector<16xf32>,
        %mul3A_239 = arith.mulf %get3A_238, %broadcast_in_dim3A_196 : vector<16xf32>
        %swap3A_240 = arith.index_cast %add3A_200 : i32 to index
        %swap3A_241 = arith.constant 80 : index
        %swap3A_242 = tpu.vector_load %arg13[%swap3A_240, %swap3A_241] {strides = array<i32>} : memref<128x128xf32, #tpu.memory_space<vmem>>, vector<16xf32>,
        tpu.vector_store %arg13[%swap3A_240, %swap3A_241], %mul3A_239 {strides = array<i32>} : memref<128x128xf32, #tpu.memory_space<vmem>>, vector<16xf32>,
        %get3A_243 = arith.index_cast %add3A_200 : i32 to index
        %get3A_244 = arith.constant 96 : index
        %get3A_245 = tpu.vector_load %arg13[%get3A_243, %get3A_244] {strides = array<i32>} : memref<128x128xf32, #tpu.memory_space<vmem>>, vector<16xf32>,
        %mul3A_246 = arith.mulf %get3A_245, %broadcast_in_dim3A_196 : vector<16xf32>
        %swap3A_247 = arith.index_cast %add3A_200 : i32 to index
        %swap3A_248 = arith.constant 96 : index
        %swap3A_249 = tpu.vector_load %arg13[%swap3A_247, %swap3A_248] {strides = array<i32>} : memref<128x128xf32, #tpu.memory_space<vmem>>, vector<16xf32>,
        tpu.vector_store %arg13[%swap3A_247, %swap3A_248], %mul3A_246 {strides = array<i32>} : memref<128x128xf32, #tpu.memory_space<vmem>>, vector<16xf32>,
        %get3A_250 = arith.index_cast %add3A_200 : i32 to index
        %get3A_251 = arith.constant 112 : index
        %get3A_252 = tpu.vector_load %arg13[%get3A_250, %get3A_251] {strides = array<i32>} : memref<128x128xf32, #tpu.memory_space<vmem>>, vector<16xf32>,
        %mul3A_253 = arith.mulf %get3A_252, %broadcast_in_dim3A_196 : vector<16xf32>
        %swap3A_254 = arith.index_cast %add3A_200 : i32 to index
        %swap3A_255 = arith.constant 112 : index
        %swap3A_256 = tpu.vector_load %arg13[%swap3A_254, %swap3A_255] {strides = array<i32>} : memref<128x128xf32, #tpu.memory_space<vmem>>, vector<16xf32>,
        tpu.vector_store %arg13[%swap3A_254, %swap3A_255], %mul3A_253 {strides = array<i32>} : memref<128x128xf32, #tpu.memory_space<vmem>>, vector<16xf32>,
        %slice3A_257 = vector.extract_strided_slice %exp3A {offsets = [2], sizes = [1], strides = [1]} : vector<16xf32> to vector<1xf32>
        %squeeze3A_258 = vector.extract %slice3A_257[0] : f32 from vector<1xf32>
        %broadcast_in_dim3A_259 = vector.broadcast %squeeze3A_258 : f32 to vector<16xf32>
        %mul3A_260 = arith.constant 16 : i32
        %mul3A_261 = arith.muli %scan3A_122, %mul3A_260 : i32
        %add3A_262 = arith.constant 2 : i32
        %add3A_263 = arith.addi %mul3A_261, %add3A_262 : i32
        %get3A_264 = arith.index_cast %add3A_263 : i32 to index
        %get3A_265 = arith.constant 0 : index
        %get3A_266 = tpu.vector_load %arg13[%get3A_264, %get3A_265] {strides = array<i32>} : memref<128x128xf32, #tpu.memory_space<vmem>>, vector<16xf32>,
        %mul3A_267 = arith.mulf %get3A_266, %broadcast_in_dim3A_259 : vector<16xf32>
        %swap3A_268 = arith.index_cast %add3A_263 : i32 to index
        %swap3A_269 = arith.constant 0 : index
        %swap3A_270 = tpu.vector_load %arg13[%swap3A_268, %swap3A_269] {strides = array<i32>} : memref<128x128xf32, #tpu.memory_space<vmem>>, vector<16xf32>,
        tpu.vector_store %arg13[%swap3A_268, %swap3A_269], %mul3A_267 {strides = array<i32>} : memref<128x128xf32, #tpu.memory_space<vmem>>, vector<16xf32>,
        %get3A_271 = arith.index_cast %add3A_263 : i32 to index
        %get3A_272 = arith.constant 16 : index
        %get3A_273 = tpu.vector_load %arg13[%get3A_271, %get3A_272] {strides = array<i32>} : memref<128x128xf32, #tpu.memory_space<vmem>>, vector<16xf32>,
        %mul3A_274 = arith.mulf %get3A_273, %broadcast_in_dim3A_259 : vector<16xf32>
        %swap3A_275 = arith.index_cast %add3A_263 : i32 to index
        %swap3A_276 = arith.constant 16 : index
        %swap3A_277 = tpu.vector_load %arg13[%swap3A_275, %swap3A_276] {strides = array<i32>} : memref<128x128xf32, #tpu.memory_space<vmem>>, vector<16xf32>,
        tpu.vector_store %arg13[%swap3A_275, %swap3A_276], %mul3A_274 {strides = array<i32>} : memref<128x128xf32, #tpu.memory_space<vmem>>, vector<16xf32>,
        %get3A_278 = arith.index_cast %add3A_263 : i32 to index
        %get3A_279 = arith.constant 32 : index
        %get3A_280 = tpu.vector_load %arg13[%get3A_278, %get3A_279] {strides = array<i32>} : memref<128x128xf32, #tpu.memory_space<vmem>>, vector<16xf32>,
        %mul3A_281 = arith.mulf %get3A_280, %broadcast_in_dim3A_259 : vector<16xf32>
        %swap3A_282 = arith.index_cast %add3A_263 : i32 to index
        %swap3A_283 = arith.constant 32 : index
        %swap3A_284 = tpu.vector_load %arg13[%swap3A_282, %swap3A_283] {strides = array<i32>} : memref<128x128xf32, #tpu.memory_space<vmem>>, vector<16xf32>,
        tpu.vector_store %arg13[%swap3A_282, %swap3A_283], %mul3A_281 {strides = array<i32>} : memref<128x128xf32, #tpu.memory_space<vmem>>, vector<16xf32>,
        %get3A_285 = arith.index_cast %add3A_263 : i32 to index
        %get3A_286 = arith.constant 48 : index
        %get3A_287 = tpu.vector_load %arg13[%get3A_285, %get3A_286] {strides = array<i32>} : memref<128x128xf32, #tpu.memory_space<vmem>>, vector<16xf32>,
        %mul3A_288 = arith.mulf %get3A_287, %broadcast_in_dim3A_259 : vector<16xf32>
        %swap3A_289 = arith.index_cast %add3A_263 : i32 to index
        %swap3A_290 = arith.constant 48 : index
        %swap3A_291 = tpu.vector_load %arg13[%swap3A_289, %swap3A_290] {strides = array<i32>} : memref<128x128xf32, #tpu.memory_space<vmem>>, vector<16xf32>,
        tpu.vector_store %arg13[%swap3A_289, %swap3A_290], %mul3A_288 {strides = array<i32>} : memref<128x128xf32, #tpu.memory_space<vmem>>, vector<16xf32>,
        %get3A_292 = arith.index_cast %add3A_263 : i32 to index
        %get3A_293 = arith.constant 64 : index
        %get3A_294 = tpu.vector_load %arg13[%get3A_292, %get3A_293] {strides = array<i32>} : memref<128x128xf32, #tpu.memory_space<vmem>>, vector<16xf32>,
        %mul3A_295 = arith.mulf %get3A_294, %broadcast_in_dim3A_259 : vector<16xf32>
        %swap3A_296 = arith.index_cast %add3A_263 : i32 to index
        %swap3A_297 = arith.constant 64 : index
        %swap3A_298 = tpu.vector_load %arg13[%swap3A_296, %swap3A_297] {strides = array<i32>} : memref<128x128xf32, #tpu.memory_space<vmem>>, vector<16xf32>,
        tpu.vector_store %arg13[%swap3A_296, %swap3A_297], %mul3A_295 {strides = array<i32>} : memref<128x128xf32, #tpu.memory_space<vmem>>, vector<16xf32>,
        %get3A_299 = arith.index_cast %add3A_263 : i32 to index
        %get3A_300 = arith.constant 80 : index
        %get3A_301 = tpu.vector_load %arg13[%get3A_299, %get3A_300] {strides = array<i32>} : memref<128x128xf32, #tpu.memory_space<vmem>>, vector<16xf32>,
        %mul3A_302 = arith.mulf %get3A_301, %broadcast_in_dim3A_259 : vector<16xf32>
        %swap3A_303 = arith.index_cast %add3A_263 : i32 to index
        %swap3A_304 = arith.constant 80 : index
        %swap3A_305 = tpu.vector_load %arg13[%swap3A_303, %swap3A_304] {strides = array<i32>} : memref<128x128xf32, #tpu.memory_space<vmem>>, vector<16xf32>,
        tpu.vector_store %arg13[%swap3A_303, %swap3A_304], %mul3A_302 {strides = array<i32>} : memref<128x128xf32, #tpu.memory_space<vmem>>, vector<16xf32>,
        %get3A_306 = arith.index_cast %add3A_263 : i32 to index
        %get3A_307 = arith.constant 96 : index
        %get3A_308 = tpu.vector_load %arg13[%get3A_306, %get3A_307] {strides = array<i32>} : memref<128x128xf32, #tpu.memory_space<vmem>>, vector<16xf32>,
        %mul3A_309 = arith.mulf %get3A_308, %broadcast_in_dim3A_259 : vector<16xf32>
        %swap3A_310 = arith.index_cast %add3A_263 : i32 to index
        %swap3A_311 = arith.constant 96 : index
        %swap3A_312 = tpu.vector_load %arg13[%swap3A_310, %swap3A_311] {strides = array<i32>} : memref<128x128xf32, #tpu.memory_space<vmem>>, vector<16xf32>,
        tpu.vector_store %arg13[%swap3A_310, %swap3A_311], %mul3A_309 {strides = array<i32>} : memref<128x128xf32, #tpu.memory_space<vmem>>, vector<16xf32>,
        %get3A_313 = arith.index_cast %add3A_263 : i32 to index
        %get3A_314 = arith.constant 112 : index
        %get3A_315 = tpu.vector_load %arg13[%get3A_313, %get3A_314] {strides = array<i32>} : memref<128x128xf32, #tpu.memory_space<vmem>>, vector<16xf32>,
        %mul3A_316 = arith.mulf %get3A_315, %broadcast_in_dim3A_259 : vector<16xf32>
        %swap3A_317 = arith.index_cast %add3A_263 : i32 to index
        %swap3A_318 = arith.constant 112 : index
        %swap3A_319 = tpu.vector_load %arg13[%swap3A_317, %swap3A_318] {strides = array<i32>} : memref<128x128xf32, #tpu.memory_space<vmem>>, vector<16xf32>,
        tpu.vector_store %arg13[%swap3A_317, %swap3A_318], %mul3A_316 {strides = array<i32>} : memref<128x128xf32, #tpu.memory_space<vmem>>, vector<16xf32>,
        %slice3A_320 = vector.extract_strided_slice %exp3A {offsets = [3], sizes = [1], strides = [1]} : vector<16xf32> to vector<1xf32>
        %squeeze3A_321 = vector.extract %slice3A_320[0] : f32 from vector<1xf32>
        %broadcast_in_dim3A_322 = vector.broadcast %squeeze3A_321 : f32 to vector<16xf32>
        %mul3A_323 = arith.constant 16 : i32
        %mul3A_324 = arith.muli %scan3A_122, %mul3A_323 : i32
        %add3A_325 = arith.constant 3 : i32
        %add3A_326 = arith.addi %mul3A_324, %add3A_325 : i32
        %get3A_327 = arith.index_cast %add3A_326 : i32 to index
        %get3A_328 = arith.constant 0 : index
        %get3A_329 = tpu.vector_load %arg13[%get3A_327, %get3A_328] {strides = array<i32>} : memref<128x128xf32, #tpu.memory_space<vmem>>, vector<16xf32>,
        %mul3A_330 = arith.mulf %get3A_329, %broadcast_in_dim3A_322 : vector<16xf32>
        %swap3A_331 = arith.index_cast %add3A_326 : i32 to index
        %swap3A_332 = arith.constant 0 : index
        %swap3A_333 = tpu.vector_load %arg13[%swap3A_331, %swap3A_332] {strides = array<i32>} : memref<128x128xf32, #tpu.memory_space<vmem>>, vector<16xf32>,
        tpu.vector_store %arg13[%swap3A_331, %swap3A_332], %mul3A_330 {strides = array<i32>} : memref<128x128xf32, #tpu.memory_space<vmem>>, vector<16xf32>,
        %get3A_334 = arith.index_cast %add3A_326 : i32 to index
        %get3A_335 = arith.constant 16 : index
        %get3A_336 = tpu.vector_load %arg13[%get3A_334, %get3A_335] {strides = array<i32>} : memref<128x128xf32, #tpu.memory_space<vmem>>, vector<16xf32>,
        %mul3A_337 = arith.mulf %get3A_336, %broadcast_in_dim3A_322 : vector<16xf32>
        %swap3A_338 = arith.index_cast %add3A_326 : i32 to index
        %swap3A_339 = arith.constant 16 : index
        %swap3A_340 = tpu.vector_load %arg13[%swap3A_338, %swap3A_339] {strides = array<i32>} : memref<128x128xf32, #tpu.memory_space<vmem>>, vector<16xf32>,
        tpu.vector_store %arg13[%swap3A_338, %swap3A_339], %mul3A_337 {strides = array<i32>} : memref<128x128xf32, #tpu.memory_space<vmem>>, vector<16xf32>,
        %get3A_341 = arith.index_cast %add3A_326 : i32 to index
        %get3A_342 = arith.constant 32 : index
        %get3A_343 = tpu.vector_load %arg13[%get3A_341, %get3A_342] {strides = array<i32>} : memref<128x128xf32, #tpu.memory_space<vmem>>, vector<16xf32>,
        %mul3A_344 = arith.mulf %get3A_343, %broadcast_in_dim3A_322 : vector<16xf32>
        %swap3A_345 = arith.index_cast %add3A_326 : i32 to index
        %swap3A_346 = arith.constant 32 : index
        %swap3A_347 = tpu.vector_load %arg13[%swap3A_345, %swap3A_346] {strides = array<i32>} : memref<128x128xf32, #tpu.memory_space<vmem>>, vector<16xf32>,
        tpu.vector_store %arg13[%swap3A_345, %swap3A_346], %mul3A_344 {strides = array<i32>} : memref<128x128xf32, #tpu.memory_space<vmem>>, vector<16xf32>,
        %get3A_348 = arith.index_cast %add3A_326 : i32 to index
        %get3A_349 = arith.constant 48 : index
        %get3A_350 = tpu.vector_load %arg13[%get3A_348, %get3A_349] {strides = array<i32>} : memref<128x128xf32, #tpu.memory_space<vmem>>, vector<16xf32>,
        %mul3A_351 = arith.mulf %get3A_350, %broadcast_in_dim3A_322 : vector<16xf32>
        %swap3A_352 = arith.index_cast %add3A_326 : i32 to index
        %swap3A_353 = arith.constant 48 : index
        %swap3A_354 = tpu.vector_load %arg13[%swap3A_352, %swap3A_353] {strides = array<i32>} : memref<128x128xf32, #tpu.memory_space<vmem>>, vector<16xf32>,
        tpu.vector_store %arg13[%swap3A_352, %swap3A_353], %mul3A_351 {strides = array<i32>} : memref<128x128xf32, #tpu.memory_space<vmem>>, vector<16xf32>,
        %get3A_355 = arith.index_cast %add3A_326 : i32 to index
        %get3A_356 = arith.constant 64 : index
        %get3A_357 = tpu.vector_load %arg13[%get3A_355, %get3A_356] {strides = array<i32>} : memref<128x128xf32, #tpu.memory_space<vmem>>, vector<16xf32>,
        %mul3A_358 = arith.mulf %get3A_357, %broadcast_in_dim3A_322 : vector<16xf32>
        %swap3A_359 = arith.index_cast %add3A_326 : i32 to index
        %swap3A_360 = arith.constant 64 : index
        %swap3A_361 = tpu.vector_load %arg13[%swap3A_359, %swap3A_360] {strides = array<i32>} : memref<128x128xf32, #tpu.memory_space<vmem>>, vector<16xf32>,
        tpu.vector_store %arg13[%swap3A_359, %swap3A_360], %mul3A_358 {strides = array<i32>} : memref<128x128xf32, #tpu.memory_space<vmem>>, vector<16xf32>,
        %get3A_362 = arith.index_cast %add3A_326 : i32 to index
        %get3A_363 = arith.constant 80 : index
        %get3A_364 = tpu.vector_load %arg13[%get3A_362, %get3A_363] {strides = array<i32>} : memref<128x128xf32, #tpu.memory_space<vmem>>, vector<16xf32>,
        %mul3A_365 = arith.mulf %get3A_364, %broadcast_in_dim3A_322 : vector<16xf32>
        %swap3A_366 = arith.index_cast %add3A_326 : i32 to index
        %swap3A_367 = arith.constant 80 : index
        %swap3A_368 = tpu.vector_load %arg13[%swap3A_366, %swap3A_367] {strides = array<i32>} : memref<128x128xf32, #tpu.memory_space<vmem>>, vector<16xf32>,
        tpu.vector_store %arg13[%swap3A_366, %swap3A_367], %mul3A_365 {strides = array<i32>} : memref<128x128xf32, #tpu.memory_space<vmem>>, vector<16xf32>,
        %get3A_369 = arith.index_cast %add3A_326 : i32 to index
        %get3A_370 = arith.constant 96 : index
        %get3A_371 = tpu.vector_load %arg13[%get3A_369, %get3A_370] {strides = array<i32>} : memref<128x128xf32, #tpu.memory_space<vmem>>, vector<16xf32>,
        %mul3A_372 = arith.mulf %get3A_371, %broadcast_in_dim3A_322 : vector<16xf32>
        %swap3A_373 = arith.index_cast %add3A_326 : i32 to index
        %swap3A_374 = arith.constant 96 : index
        %swap3A_375 = tpu.vector_load %arg13[%swap3A_373, %swap3A_374] {strides = array<i32>} : memref<128x128xf32, #tpu.memory_space<vmem>>, vector<16xf32>,
        tpu.vector_store %arg13[%swap3A_373, %swap3A_374], %mul3A_372 {strides = array<i32>} : memref<128x128xf32, #tpu.memory_space<vmem>>, vector<16xf32>,
        %get3A_376 = arith.index_cast %add3A_326 : i32 to index
        %get3A_377 = arith.constant 112 : index
        %get3A_378 = tpu.vector_load %arg13[%get3A_376, %get3A_377] {strides = array<i32>} : memref<128x128xf32, #tpu.memory_space<vmem>>, vector<16xf32>,
        %mul3A_379 = arith.mulf %get3A_378, %broadcast_in_dim3A_322 : vector<16xf32>
        %swap3A_380 = arith.index_cast %add3A_326 : i32 to index
        %swap3A_381 = arith.constant 112 : index
        %swap3A_382 = tpu.vector_load %arg13[%swap3A_380, %swap3A_381] {strides = array<i32>} : memref<128x128xf32, #tpu.memory_space<vmem>>, vector<16xf32>,
        tpu.vector_store %arg13[%swap3A_380, %swap3A_381], %mul3A_379 {strides = array<i32>} : memref<128x128xf32, #tpu.memory_space<vmem>>, vector<16xf32>,
        %slice3A_383 = vector.extract_strided_slice %exp3A {offsets = [4], sizes = [1], strides = [1]} : vector<16xf32> to vector<1xf32>
        %squeeze3A_384 = vector.extract %slice3A_383[0] : f32 from vector<1xf32>
        %broadcast_in_dim3A_385 = vector.broadcast %squeeze3A_384 : f32 to vector<16xf32>
        %mul3A_386 = arith.constant 16 : i32
        %mul3A_387 = arith.muli %scan3A_122, %mul3A_386 : i32
        %add3A_388 = arith.constant 4 : i32
        %add3A_389 = arith.addi %mul3A_387, %add3A_388 : i32
        %get3A_390 = arith.index_cast %add3A_389 : i32 to index
        %get3A_391 = arith.constant 0 : index
        %get3A_392 = tpu.vector_load %arg13[%get3A_390, %get3A_391] {strides = array<i32>} : memref<128x128xf32, #tpu.memory_space<vmem>>, vector<16xf32>,
        %mul3A_393 = arith.mulf %get3A_392, %broadcast_in_dim3A_385 : vector<16xf32>
        %swap3A_394 = arith.index_cast %add3A_389 : i32 to index
        %swap3A_395 = arith.constant 0 : index
        %swap3A_396 = tpu.vector_load %arg13[%swap3A_394, %swap3A_395] {strides = array<i32>} : memref<128x128xf32, #tpu.memory_space<vmem>>, vector<16xf32>,
        tpu.vector_store %arg13[%swap3A_394, %swap3A_395], %mul3A_393 {strides = array<i32>} : memref<128x128xf32, #tpu.memory_space<vmem>>, vector<16xf32>,
        %get3A_397 = arith.index_cast %add3A_389 : i32 to index
        %get3A_398 = arith.constant 16 : index
        %get3A_399 = tpu.vector_load %arg13[%get3A_397, %get3A_398] {strides = array<i32>} : memref<128x128xf32, #tpu.memory_space<vmem>>, vector<16xf32>,
        %mul3A_400 = arith.mulf %get3A_399, %broadcast_in_dim3A_385 : vector<16xf32>
        %swap3A_401 = arith.index_cast %add3A_389 : i32 to index
        %swap3A_402 = arith.constant 16 : index
        %swap3A_403 = tpu.vector_load %arg13[%swap3A_401, %swap3A_402] {strides = array<i32>} : memref<128x128xf32, #tpu.memory_space<vmem>>, vector<16xf32>,
        tpu.vector_store %arg13[%swap3A_401, %swap3A_402], %mul3A_400 {strides = array<i32>} : memref<128x128xf32, #tpu.memory_space<vmem>>, vector<16xf32>,
        %get3A_404 = arith.index_cast %add3A_389 : i32 to index
        %get3A_405 = arith.constant 32 : index
        %get3A_406 = tpu.vector_load %arg13[%get3A_404, %get3A_405] {strides = array<i32>} : memref<128x128xf32, #tpu.memory_space<vmem>>, vector<16xf32>,
        %mul3A_407 = arith.mulf %get3A_406, %broadcast_in_dim3A_385 : vector<16xf32>
        %swap3A_408 = arith.index_cast %add3A_389 : i32 to index
        %swap3A_409 = arith.constant 32 : index
        %swap3A_410 = tpu.vector_load %arg13[%swap3A_408, %swap3A_409] {strides = array<i32>} : memref<128x128xf32, #tpu.memory_space<vmem>>, vector<16xf32>,
        tpu.vector_store %arg13[%swap3A_408, %swap3A_409], %mul3A_407 {strides = array<i32>} : memref<128x128xf32, #tpu.memory_space<vmem>>, vector<16xf32>,
        %get3A_411 = arith.index_cast %add3A_389 : i32 to index
        %get3A_412 = arith.constant 48 : index
        %get3A_413 = tpu.vector_load %arg13[%get3A_411, %get3A_412] {strides = array<i32>} : memref<128x128xf32, #tpu.memory_space<vmem>>, vector<16xf32>,
        %mul3A_414 = arith.mulf %get3A_413, %broadcast_in_dim3A_385 : vector<16xf32>
        %swap3A_415 = arith.index_cast %add3A_389 : i32 to index
        %swap3A_416 = arith.constant 48 : index
        %swap3A_417 = tpu.vector_load %arg13[%swap3A_415, %swap3A_416] {strides = array<i32>} : memref<128x128xf32, #tpu.memory_space<vmem>>, vector<16xf32>,
        tpu.vector_store %arg13[%swap3A_415, %swap3A_416], %mul3A_414 {strides = array<i32>} : memref<128x128xf32, #tpu.memory_space<vmem>>, vector<16xf32>,
        %get3A_418 = arith.index_cast %add3A_389 : i32 to index
        %get3A_419 = arith.constant 64 : index
        %get3A_420 = tpu.vector_load %arg13[%get3A_418, %get3A_419] {strides = array<i32>} : memref<128x128xf32, #tpu.memory_space<vmem>>, vector<16xf32>,
        %mul3A_421 = arith.mulf %get3A_420, %broadcast_in_dim3A_385 : vector<16xf32>
        %swap3A_422 = arith.index_cast %add3A_389 : i32 to index
        %swap3A_423 = arith.constant 64 : index
        %swap3A_424 = tpu.vector_load %arg13[%swap3A_422, %swap3A_423] {strides = array<i32>} : memref<128x128xf32, #tpu.memory_space<vmem>>, vector<16xf32>,
        tpu.vector_store %arg13[%swap3A_422, %swap3A_423], %mul3A_421 {strides = array<i32>} : memref<128x128xf32, #tpu.memory_space<vmem>>, vector<16xf32>,
        %get3A_425 = arith.index_cast %add3A_389 : i32 to index
        %get3A_426 = arith.constant 80 : index
        %get3A_427 = tpu.vector_load %arg13[%get3A_425, %get3A_426] {strides = array<i32>} : memref<128x128xf32, #tpu.memory_space<vmem>>, vector<16xf32>,
        %mul3A_428 = arith.mulf %get3A_427, %broadcast_in_dim3A_385 : vector<16xf32>
        %swap3A_429 = arith.index_cast %add3A_389 : i32 to index
        %swap3A_430 = arith.constant 80 : index
        %swap3A_431 = tpu.vector_load %arg13[%swap3A_429, %swap3A_430] {strides = array<i32>} : memref<128x128xf32, #tpu.memory_space<vmem>>, vector<16xf32>,
        tpu.vector_store %arg13[%swap3A_429, %swap3A_430], %mul3A_428 {strides = array<i32>} : memref<128x128xf32, #tpu.memory_space<vmem>>, vector<16xf32>,
        %get3A_432 = arith.index_cast %add3A_389 : i32 to index
        %get3A_433 = arith.constant 96 : index
        %get3A_434 = tpu.vector_load %arg13[%get3A_432, %get3A_433] {strides = array<i32>} : memref<128x128xf32, #tpu.memory_space<vmem>>, vector<16xf32>,
        %mul3A_435 = arith.mulf %get3A_434, %broadcast_in_dim3A_385 : vector<16xf32>
        %swap3A_436 = arith.index_cast %add3A_389 : i32 to index
        %swap3A_437 = arith.constant 96 : index
        %swap3A_438 = tpu.vector_load %arg13[%swap3A_436, %swap3A_437] {strides = array<i32>} : memref<128x128xf32, #tpu.memory_space<vmem>>, vector<16xf32>,
        tpu.vector_store %arg13[%swap3A_436, %swap3A_437], %mul3A_435 {strides = array<i32>} : memref<128x128xf32, #tpu.memory_space<vmem>>, vector<16xf32>,
        %get3A_439 = arith.index_cast %add3A_389 : i32 to index
        %get3A_440 = arith.constant 112 : index
        %get3A_441 = tpu.vector_load %arg13[%get3A_439, %get3A_440] {strides = array<i32>} : memref<128x128xf32, #tpu.memory_space<vmem>>, vector<16xf32>,
        %mul3A_442 = arith.mulf %get3A_441, %broadcast_in_dim3A_385 : vector<16xf32>
        %swap3A_443 = arith.index_cast %add3A_389 : i32 to index
        %swap3A_444 = arith.constant 112 : index
        %swap3A_445 = tpu.vector_load %arg13[%swap3A_443, %swap3A_444] {strides = array<i32>} : memref<128x128xf32, #tpu.memory_space<vmem>>, vector<16xf32>,
        tpu.vector_store %arg13[%swap3A_443, %swap3A_444], %mul3A_442 {strides = array<i32>} : memref<128x128xf32, #tpu.memory_space<vmem>>, vector<16xf32>,
        %slice3A_446 = vector.extract_strided_slice %exp3A {offsets = [5], sizes = [1], strides = [1]} : vector<16xf32> to vector<1xf32>
        %squeeze3A_447 = vector.extract %slice3A_446[0] : f32 from vector<1xf32>
        %broadcast_in_dim3A_448 = vector.broadcast %squeeze3A_447 : f32 to vector<16xf32>
        %mul3A_449 = arith.constant 16 : i32
        %mul3A_450 = arith.muli %scan3A_122, %mul3A_449 : i32
        %add3A_451 = arith.constant 5 : i32
        %add3A_452 = arith.addi %mul3A_450, %add3A_451 : i32
        %get3A_453 = arith.index_cast %add3A_452 : i32 to index
        %get3A_454 = arith.constant 0 : index
        %get3A_455 = tpu.vector_load %arg13[%get3A_453, %get3A_454] {strides = array<i32>} : memref<128x128xf32, #tpu.memory_space<vmem>>, vector<16xf32>,
        %mul3A_456 = arith.mulf %get3A_455, %broadcast_in_dim3A_448 : vector<16xf32>
        %swap3A_457 = arith.index_cast %add3A_452 : i32 to index
        %swap3A_458 = arith.constant 0 : index
        %swap3A_459 = tpu.vector_load %arg13[%swap3A_457, %swap3A_458] {strides = array<i32>} : memref<128x128xf32, #tpu.memory_space<vmem>>, vector<16xf32>,
        tpu.vector_store %arg13[%swap3A_457, %swap3A_458], %mul3A_456 {strides = array<i32>} : memref<128x128xf32, #tpu.memory_space<vmem>>, vector<16xf32>,
        %get3A_460 = arith.index_cast %add3A_452 : i32 to index
        %get3A_461 = arith.constant 16 : index
        %get3A_462 = tpu.vector_load %arg13[%get3A_460, %get3A_461] {strides = array<i32>} : memref<128x128xf32, #tpu.memory_space<vmem>>, vector<16xf32>,
        %mul3A_463 = arith.mulf %get3A_462, %broadcast_in_dim3A_448 : vector<16xf32>
        %swap3A_464 = arith.index_cast %add3A_452 : i32 to index
        %swap3A_465 = arith.constant 16 : index
        %swap3A_466 = tpu.vector_load %arg13[%swap3A_464, %swap3A_465] {strides = array<i32>} : memref<128x128xf32, #tpu.memory_space<vmem>>, vector<16xf32>,
        tpu.vector_store %arg13[%swap3A_464, %swap3A_465], %mul3A_463 {strides = array<i32>} : memref<128x128xf32, #tpu.memory_space<vmem>>, vector<16xf32>,
        %get3A_467 = arith.index_cast %add3A_452 : i32 to index
        %get3A_468 = arith.constant 32 : index
        %get3A_469 = tpu.vector_load %arg13[%get3A_467, %get3A_468] {strides = array<i32>} : memref<128x128xf32, #tpu.memory_space<vmem>>, vector<16xf32>,
        %mul3A_470 = arith.mulf %get3A_469, %broadcast_in_dim3A_448 : vector<16xf32>
        %swap3A_471 = arith.index_cast %add3A_452 : i32 to index
        %swap3A_472 = arith.constant 32 : index
        %swap3A_473 = tpu.vector_load %arg13[%swap3A_471, %swap3A_472] {strides = array<i32>} : memref<128x128xf32, #tpu.memory_space<vmem>>, vector<16xf32>,
        tpu.vector_store %arg13[%swap3A_471, %swap3A_472], %mul3A_470 {strides = array<i32>} : memref<128x128xf32, #tpu.memory_space<vmem>>, vector<16xf32>,
        %get3A_474 = arith.index_cast %add3A_452 : i32 to index
        %get3A_475 = arith.constant 48 : index
        %get3A_476 = tpu.vector_load %arg13[%get3A_474, %get3A_475] {strides = array<i32>} : memref<128x128xf32, #tpu.memory_space<vmem>>, vector<16xf32>,
        %mul3A_477 = arith.mulf %get3A_476, %broadcast_in_dim3A_448 : vector<16xf32>
        %swap3A_478 = arith.index_cast %add3A_452 : i32 to index
        %swap3A_479 = arith.constant 48 : index
        %swap3A_480 = tpu.vector_load %arg13[%swap3A_478, %swap3A_479] {strides = array<i32>} : memref<128x128xf32, #tpu.memory_space<vmem>>, vector<16xf32>,
        tpu.vector_store %arg13[%swap3A_478, %swap3A_479], %mul3A_477 {strides = array<i32>} : memref<128x128xf32, #tpu.memory_space<vmem>>, vector<16xf32>,
        %get3A_481 = arith.index_cast %add3A_452 : i32 to index
        %get3A_482 = arith.constant 64 : index
        %get3A_483 = tpu.vector_load %arg13[%get3A_481, %get3A_482] {strides = array<i32>} : memref<128x128xf32, #tpu.memory_space<vmem>>, vector<16xf32>,
        %mul3A_484 = arith.mulf %get3A_483, %broadcast_in_dim3A_448 : vector<16xf32>
        %swap3A_485 = arith.index_cast %add3A_452 : i32 to index
        %swap3A_486 = arith.constant 64 : index
        %swap3A_487 = tpu.vector_load %arg13[%swap3A_485, %swap3A_486] {strides = array<i32>} : memref<128x128xf32, #tpu.memory_space<vmem>>, vector<16xf32>,
        tpu.vector_store %arg13[%swap3A_485, %swap3A_486], %mul3A_484 {strides = array<i32>} : memref<128x128xf32, #tpu.memory_space<vmem>>, vector<16xf32>,
        %get3A_488 = arith.index_cast %add3A_452 : i32 to index
        %get3A_489 = arith.constant 80 : index
        %get3A_490 = tpu.vector_load %arg13[%get3A_488, %get3A_489] {strides = array<i32>} : memref<128x128xf32, #tpu.memory_space<vmem>>, vector<16xf32>,
        %mul3A_491 = arith.mulf %get3A_490, %broadcast_in_dim3A_448 : vector<16xf32>
        %swap3A_492 = arith.index_cast %add3A_452 : i32 to index
        %swap3A_493 = arith.constant 80 : index
        %swap3A_494 = tpu.vector_load %arg13[%swap3A_492, %swap3A_493] {strides = array<i32>} : memref<128x128xf32, #tpu.memory_space<vmem>>, vector<16xf32>,
        tpu.vector_store %arg13[%swap3A_492, %swap3A_493], %mul3A_491 {strides = array<i32>} : memref<128x128xf32, #tpu.memory_space<vmem>>, vector<16xf32>,
        %get3A_495 = arith.index_cast %add3A_452 : i32 to index
        %get3A_496 = arith.constant 96 : index
        %get3A_497 = tpu.vector_load %arg13[%get3A_495, %get3A_496] {strides = array<i32>} : memref<128x128xf32, #tpu.memory_space<vmem>>, vector<16xf32>,
        %mul3A_498 = arith.mulf %get3A_497, %broadcast_in_dim3A_448 : vector<16xf32>
        %swap3A_499 = arith.index_cast %add3A_452 : i32 to index
        %swap3A_500 = arith.constant 96 : index
        %swap3A_501 = tpu.vector_load %arg13[%swap3A_499, %swap3A_500] {strides = array<i32>} : memref<128x128xf32, #tpu.memory_space<vmem>>, vector<16xf32>,
        tpu.vector_store %arg13[%swap3A_499, %swap3A_500], %mul3A_498 {strides = array<i32>} : memref<128x128xf32, #tpu.memory_space<vmem>>, vector<16xf32>,
        %get3A_502 = arith.index_cast %add3A_452 : i32 to index
        %get3A_503 = arith.constant 112 : index
        %get3A_504 = tpu.vector_load %arg13[%get3A_502, %get3A_503] {strides = array<i32>} : memref<128x128xf32, #tpu.memory_space<vmem>>, vector<16xf32>,
        %mul3A_505 = arith.mulf %get3A_504, %broadcast_in_dim3A_448 : vector<16xf32>
        %swap3A_506 = arith.index_cast %add3A_452 : i32 to index
        %swap3A_507 = arith.constant 112 : index
        %swap3A_508 = tpu.vector_load %arg13[%swap3A_506, %swap3A_507] {strides = array<i32>} : memref<128x128xf32, #tpu.memory_space<vmem>>, vector<16xf32>,
        tpu.vector_store %arg13[%swap3A_506, %swap3A_507], %mul3A_505 {strides = array<i32>} : memref<128x128xf32, #tpu.memory_space<vmem>>, vector<16xf32>,
        %slice3A_509 = vector.extract_strided_slice %exp3A {offsets = [6], sizes = [1], strides = [1]} : vector<16xf32> to vector<1xf32>
        %squeeze3A_510 = vector.extract %slice3A_509[0] : f32 from vector<1xf32>
        %broadcast_in_dim3A_511 = vector.broadcast %squeeze3A_510 : f32 to vector<16xf32>
        %mul3A_512 = arith.constant 16 : i32
        %mul3A_513 = arith.muli %scan3A_122, %mul3A_512 : i32
        %add3A_514 = arith.constant 6 : i32
        %add3A_515 = arith.addi %mul3A_513, %add3A_514 : i32
        %get3A_516 = arith.index_cast %add3A_515 : i32 to index
        %get3A_517 = arith.constant 0 : index
        %get3A_518 = tpu.vector_load %arg13[%get3A_516, %get3A_517] {strides = array<i32>} : memref<128x128xf32, #tpu.memory_space<vmem>>, vector<16xf32>,
        %mul3A_519 = arith.mulf %get3A_518, %broadcast_in_dim3A_511 : vector<16xf32>
        %swap3A_520 = arith.index_cast %add3A_515 : i32 to index
        %swap3A_521 = arith.constant 0 : index
        %swap3A_522 = tpu.vector_load %arg13[%swap3A_520, %swap3A_521] {strides = array<i32>} : memref<128x128xf32, #tpu.memory_space<vmem>>, vector<16xf32>,
        tpu.vector_store %arg13[%swap3A_520, %swap3A_521], %mul3A_519 {strides = array<i32>} : memref<128x128xf32, #tpu.memory_space<vmem>>, vector<16xf32>,
        %get3A_523 = arith.index_cast %add3A_515 : i32 to index
        %get3A_524 = arith.constant 16 : index
        %get3A_525 = tpu.vector_load %arg13[%get3A_523, %get3A_524] {strides = array<i32>} : memref<128x128xf32, #tpu.memory_space<vmem>>, vector<16xf32>,
        %mul3A_526 = arith.mulf %get3A_525, %broadcast_in_dim3A_511 : vector<16xf32>
        %swap3A_527 = arith.index_cast %add3A_515 : i32 to index
        %swap3A_528 = arith.constant 16 : index
        %swap3A_529 = tpu.vector_load %arg13[%swap3A_527, %swap3A_528] {strides = array<i32>} : memref<128x128xf32, #tpu.memory_space<vmem>>, vector<16xf32>,
        tpu.vector_store %arg13[%swap3A_527, %swap3A_528], %mul3A_526 {strides = array<i32>} : memref<128x128xf32, #tpu.memory_space<vmem>>, vector<16xf32>,
        %get3A_530 = arith.index_cast %add3A_515 : i32 to index
        %get3A_531 = arith.constant 32 : index
        %get3A_532 = tpu.vector_load %arg13[%get3A_530, %get3A_531] {strides = array<i32>} : memref<128x128xf32, #tpu.memory_space<vmem>>, vector<16xf32>,
        %mul3A_533 = arith.mulf %get3A_532, %broadcast_in_dim3A_511 : vector<16xf32>
        %swap3A_534 = arith.index_cast %add3A_515 : i32 to index
        %swap3A_535 = arith.constant 32 : index
        %swap3A_536 = tpu.vector_load %arg13[%swap3A_534, %swap3A_535] {strides = array<i32>} : memref<128x128xf32, #tpu.memory_space<vmem>>, vector<16xf32>,
        tpu.vector_store %arg13[%swap3A_534, %swap3A_535], %mul3A_533 {strides = array<i32>} : memref<128x128xf32, #tpu.memory_space<vmem>>, vector<16xf32>,
        %get3A_537 = arith.index_cast %add3A_515 : i32 to index
        %get3A_538 = arith.constant 48 : index
        %get3A_539 = tpu.vector_load %arg13[%get3A_537, %get3A_538] {strides = array<i32>} : memref<128x128xf32, #tpu.memory_space<vmem>>, vector<16xf32>,
        %mul3A_540 = arith.mulf %get3A_539, %broadcast_in_dim3A_511 : vector<16xf32>
        %swap3A_541 = arith.index_cast %add3A_515 : i32 to index
        %swap3A_542 = arith.constant 48 : index
        %swap3A_543 = tpu.vector_load %arg13[%swap3A_541, %swap3A_542] {strides = array<i32>} : memref<128x128xf32, #tpu.memory_space<vmem>>, vector<16xf32>,
        tpu.vector_store %arg13[%swap3A_541, %swap3A_542], %mul3A_540 {strides = array<i32>} : memref<128x128xf32, #tpu.memory_space<vmem>>, vector<16xf32>,
        %get3A_544 = arith.index_cast %add3A_515 : i32 to index
        %get3A_545 = arith.constant 64 : index
        %get3A_546 = tpu.vector_load %arg13[%get3A_544, %get3A_545] {strides = array<i32>} : memref<128x128xf32, #tpu.memory_space<vmem>>, vector<16xf32>,
        %mul3A_547 = arith.mulf %get3A_546, %broadcast_in_dim3A_511 : vector<16xf32>
        %swap3A_548 = arith.index_cast %add3A_515 : i32 to index
        %swap3A_549 = arith.constant 64 : index
        %swap3A_550 = tpu.vector_load %arg13[%swap3A_548, %swap3A_549] {strides = array<i32>} : memref<128x128xf32, #tpu.memory_space<vmem>>, vector<16xf32>,
        tpu.vector_store %arg13[%swap3A_548, %swap3A_549], %mul3A_547 {strides = array<i32>} : memref<128x128xf32, #tpu.memory_space<vmem>>, vector<16xf32>,
        %get3A_551 = arith.index_cast %add3A_515 : i32 to index
        %get3A_552 = arith.constant 80 : index
        %get3A_553 = tpu.vector_load %arg13[%get3A_551, %get3A_552] {strides = array<i32>} : memref<128x128xf32, #tpu.memory_space<vmem>>, vector<16xf32>,
        %mul3A_554 = arith.mulf %get3A_553, %broadcast_in_dim3A_511 : vector<16xf32>
        %swap3A_555 = arith.index_cast %add3A_515 : i32 to index
        %swap3A_556 = arith.constant 80 : index
        %swap3A_557 = tpu.vector_load %arg13[%swap3A_555, %swap3A_556] {strides = array<i32>} : memref<128x128xf32, #tpu.memory_space<vmem>>, vector<16xf32>,
        tpu.vector_store %arg13[%swap3A_555, %swap3A_556], %mul3A_554 {strides = array<i32>} : memref<128x128xf32, #tpu.memory_space<vmem>>, vector<16xf32>,
        %get3A_558 = arith.index_cast %add3A_515 : i32 to index
        %get3A_559 = arith.constant 96 : index
        %get3A_560 = tpu.vector_load %arg13[%get3A_558, %get3A_559] {strides = array<i32>} : memref<128x128xf32, #tpu.memory_space<vmem>>, vector<16xf32>,
        %mul3A_561 = arith.mulf %get3A_560, %broadcast_in_dim3A_511 : vector<16xf32>
        %swap3A_562 = arith.index_cast %add3A_515 : i32 to index
        %swap3A_563 = arith.constant 96 : index
        %swap3A_564 = tpu.vector_load %arg13[%swap3A_562, %swap3A_563] {strides = array<i32>} : memref<128x128xf32, #tpu.memory_space<vmem>>, vector<16xf32>,
        tpu.vector_store %arg13[%swap3A_562, %swap3A_563], %mul3A_561 {strides = array<i32>} : memref<128x128xf32, #tpu.memory_space<vmem>>, vector<16xf32>,
        %get3A_565 = arith.index_cast %add3A_515 : i32 to index
        %get3A_566 = arith.constant 112 : index
        %get3A_567 = tpu.vector_load %arg13[%get3A_565, %get3A_566] {strides = array<i32>} : memref<128x128xf32, #tpu.memory_space<vmem>>, vector<16xf32>,
        %mul3A_568 = arith.mulf %get3A_567, %broadcast_in_dim3A_511 : vector<16xf32>
        %swap3A_569 = arith.index_cast %add3A_515 : i32 to index
        %swap3A_570 = arith.constant 112 : index
        %swap3A_571 = tpu.vector_load %arg13[%swap3A_569, %swap3A_570] {strides = array<i32>} : memref<128x128xf32, #tpu.memory_space<vmem>>, vector<16xf32>,
        tpu.vector_store %arg13[%swap3A_569, %swap3A_570], %mul3A_568 {strides = array<i32>} : memref<128x128xf32, #tpu.memory_space<vmem>>, vector<16xf32>,
        %slice3A_572 = vector.extract_strided_slice %exp3A {offsets = [7], sizes = [1], strides = [1]} : vector<16xf32> to vector<1xf32>
        %squeeze3A_573 = vector.extract %slice3A_572[0] : f32 from vector<1xf32>
        %broadcast_in_dim3A_574 = vector.broadcast %squeeze3A_573 : f32 to vector<16xf32>
        %mul3A_575 = arith.constant 16 : i32
        %mul3A_576 = arith.muli %scan3A_122, %mul3A_575 : i32
        %add3A_577 = arith.constant 7 : i32
        %add3A_578 = arith.addi %mul3A_576, %add3A_577 : i32
        %get3A_579 = arith.index_cast %add3A_578 : i32 to index
        %get3A_580 = arith.constant 0 : index
        %get3A_581 = tpu.vector_load %arg13[%get3A_579, %get3A_580] {strides = array<i32>} : memref<128x128xf32, #tpu.memory_space<vmem>>, vector<16xf32>,
        %mul3A_582 = arith.mulf %get3A_581, %broadcast_in_dim3A_574 : vector<16xf32>
        %swap3A_583 = arith.index_cast %add3A_578 : i32 to index
        %swap3A_584 = arith.constant 0 : index
        %swap3A_585 = tpu.vector_load %arg13[%swap3A_583, %swap3A_584] {strides = array<i32>} : memref<128x128xf32, #tpu.memory_space<vmem>>, vector<16xf32>,
        tpu.vector_store %arg13[%swap3A_583, %swap3A_584], %mul3A_582 {strides = array<i32>} : memref<128x128xf32, #tpu.memory_space<vmem>>, vector<16xf32>,
        %get3A_586 = arith.index_cast %add3A_578 : i32 to index
        %get3A_587 = arith.constant 16 : index
        %get3A_588 = tpu.vector_load %arg13[%get3A_586, %get3A_587] {strides = array<i32>} : memref<128x128xf32, #tpu.memory_space<vmem>>, vector<16xf32>,
        %mul3A_589 = arith.mulf %get3A_588, %broadcast_in_dim3A_574 : vector<16xf32>
        %swap3A_590 = arith.index_cast %add3A_578 : i32 to index
        %swap3A_591 = arith.constant 16 : index
        %swap3A_592 = tpu.vector_load %arg13[%swap3A_590, %swap3A_591] {strides = array<i32>} : memref<128x128xf32, #tpu.memory_space<vmem>>, vector<16xf32>,
        tpu.vector_store %arg13[%swap3A_590, %swap3A_591], %mul3A_589 {strides = array<i32>} : memref<128x128xf32, #tpu.memory_space<vmem>>, vector<16xf32>,
        %get3A_593 = arith.index_cast %add3A_578 : i32 to index
        %get3A_594 = arith.constant 32 : index
        %get3A_595 = tpu.vector_load %arg13[%get3A_593, %get3A_594] {strides = array<i32>} : memref<128x128xf32, #tpu.memory_space<vmem>>, vector<16xf32>,
        %mul3A_596 = arith.mulf %get3A_595, %broadcast_in_dim3A_574 : vector<16xf32>
        %swap3A_597 = arith.index_cast %add3A_578 : i32 to index
        %swap3A_598 = arith.constant 32 : index
        %swap3A_599 = tpu.vector_load %arg13[%swap3A_597, %swap3A_598] {strides = array<i32>} : memref<128x128xf32, #tpu.memory_space<vmem>>, vector<16xf32>,
        tpu.vector_store %arg13[%swap3A_597, %swap3A_598], %mul3A_596 {strides = array<i32>} : memref<128x128xf32, #tpu.memory_space<vmem>>, vector<16xf32>,
        %get3A_600 = arith.index_cast %add3A_578 : i32 to index
        %get3A_601 = arith.constant 48 : index
        %get3A_602 = tpu.vector_load %arg13[%get3A_600, %get3A_601] {strides = array<i32>} : memref<128x128xf32, #tpu.memory_space<vmem>>, vector<16xf32>,
        %mul3A_603 = arith.mulf %get3A_602, %broadcast_in_dim3A_574 : vector<16xf32>
        %swap3A_604 = arith.index_cast %add3A_578 : i32 to index
        %swap3A_605 = arith.constant 48 : index
        %swap3A_606 = tpu.vector_load %arg13[%swap3A_604, %swap3A_605] {strides = array<i32>} : memref<128x128xf32, #tpu.memory_space<vmem>>, vector<16xf32>,
        tpu.vector_store %arg13[%swap3A_604, %swap3A_605], %mul3A_603 {strides = array<i32>} : memref<128x128xf32, #tpu.memory_space<vmem>>, vector<16xf32>,
        %get3A_607 = arith.index_cast %add3A_578 : i32 to index
        %get3A_608 = arith.constant 64 : index
        %get3A_609 = tpu.vector_load %arg13[%get3A_607, %get3A_608] {strides = array<i32>} : memref<128x128xf32, #tpu.memory_space<vmem>>, vector<16xf32>,
        %mul3A_610 = arith.mulf %get3A_609, %broadcast_in_dim3A_574 : vector<16xf32>
        %swap3A_611 = arith.index_cast %add3A_578 : i32 to index
        %swap3A_612 = arith.constant 64 : index
        %swap3A_613 = tpu.vector_load %arg13[%swap3A_611, %swap3A_612] {strides = array<i32>} : memref<128x128xf32, #tpu.memory_space<vmem>>, vector<16xf32>,
        tpu.vector_store %arg13[%swap3A_611, %swap3A_612], %mul3A_610 {strides = array<i32>} : memref<128x128xf32, #tpu.memory_space<vmem>>, vector<16xf32>,
        %get3A_614 = arith.index_cast %add3A_578 : i32 to index
        %get3A_615 = arith.constant 80 : index
        %get3A_616 = tpu.vector_load %arg13[%get3A_614, %get3A_615] {strides = array<i32>} : memref<128x128xf32, #tpu.memory_space<vmem>>, vector<16xf32>,
        %mul3A_617 = arith.mulf %get3A_616, %broadcast_in_dim3A_574 : vector<16xf32>
        %swap3A_618 = arith.index_cast %add3A_578 : i32 to index
        %swap3A_619 = arith.constant 80 : index
        %swap3A_620 = tpu.vector_load %arg13[%swap3A_618, %swap3A_619] {strides = array<i32>} : memref<128x128xf32, #tpu.memory_space<vmem>>, vector<16xf32>,
        tpu.vector_store %arg13[%swap3A_618, %swap3A_619], %mul3A_617 {strides = array<i32>} : memref<128x128xf32, #tpu.memory_space<vmem>>, vector<16xf32>,
        %get3A_621 = arith.index_cast %add3A_578 : i32 to index
        %get3A_622 = arith.constant 96 : index
        %get3A_623 = tpu.vector_load %arg13[%get3A_621, %get3A_622] {strides = array<i32>} : memref<128x128xf32, #tpu.memory_space<vmem>>, vector<16xf32>,
        %mul3A_624 = arith.mulf %get3A_623, %broadcast_in_dim3A_574 : vector<16xf32>
        %swap3A_625 = arith.index_cast %add3A_578 : i32 to index
        %swap3A_626 = arith.constant 96 : index
        %swap3A_627 = tpu.vector_load %arg13[%swap3A_625, %swap3A_626] {strides = array<i32>} : memref<128x128xf32, #tpu.memory_space<vmem>>, vector<16xf32>,
        tpu.vector_store %arg13[%swap3A_625, %swap3A_626], %mul3A_624 {strides = array<i32>} : memref<128x128xf32, #tpu.memory_space<vmem>>, vector<16xf32>,
        %get3A_628 = arith.index_cast %add3A_578 : i32 to index
        %get3A_629 = arith.constant 112 : index
        %get3A_630 = tpu.vector_load %arg13[%get3A_628, %get3A_629] {strides = array<i32>} : memref<128x128xf32, #tpu.memory_space<vmem>>, vector<16xf32>,
        %mul3A_631 = arith.mulf %get3A_630, %broadcast_in_dim3A_574 : vector<16xf32>
        %swap3A_632 = arith.index_cast %add3A_578 : i32 to index
        %swap3A_633 = arith.constant 112 : index
        %swap3A_634 = tpu.vector_load %arg13[%swap3A_632, %swap3A_633] {strides = array<i32>} : memref<128x128xf32, #tpu.memory_space<vmem>>, vector<16xf32>,
        tpu.vector_store %arg13[%swap3A_632, %swap3A_633], %mul3A_631 {strides = array<i32>} : memref<128x128xf32, #tpu.memory_space<vmem>>, vector<16xf32>,
        %slice3A_635 = vector.extract_strided_slice %exp3A {offsets = [8], sizes = [1], strides = [1]} : vector<16xf32> to vector<1xf32>
        %squeeze3A_636 = vector.extract %slice3A_635[0] : f32 from vector<1xf32>
        %broadcast_in_dim3A_637 = vector.broadcast %squeeze3A_636 : f32 to vector<16xf32>
        %mul3A_638 = arith.constant 16 : i32
        %mul3A_639 = arith.muli %scan3A_122, %mul3A_638 : i32
        %add3A_640 = arith.constant 8 : i32
        %add3A_641 = arith.addi %mul3A_639, %add3A_640 : i32
        %get3A_642 = arith.index_cast %add3A_641 : i32 to index
        %get3A_643 = arith.constant 0 : index
        %get3A_644 = tpu.vector_load %arg13[%get3A_642, %get3A_643] {strides = array<i32>} : memref<128x128xf32, #tpu.memory_space<vmem>>, vector<16xf32>,
        %mul3A_645 = arith.mulf %get3A_644, %broadcast_in_dim3A_637 : vector<16xf32>
        %swap3A_646 = arith.index_cast %add3A_641 : i32 to index
        %swap3A_647 = arith.constant 0 : index
        %swap3A_648 = tpu.vector_load %arg13[%swap3A_646, %swap3A_647] {strides = array<i32>} : memref<128x128xf32, #tpu.memory_space<vmem>>, vector<16xf32>,
        tpu.vector_store %arg13[%swap3A_646, %swap3A_647], %mul3A_645 {strides = array<i32>} : memref<128x128xf32, #tpu.memory_space<vmem>>, vector<16xf32>,
        %get3A_649 = arith.index_cast %add3A_641 : i32 to index
        %get3A_650 = arith.constant 16 : index
        %get3A_651 = tpu.vector_load %arg13[%get3A_649, %get3A_650] {strides = array<i32>} : memref<128x128xf32, #tpu.memory_space<vmem>>, vector<16xf32>,
        %mul3A_652 = arith.mulf %get3A_651, %broadcast_in_dim3A_637 : vector<16xf32>
        %swap3A_653 = arith.index_cast %add3A_641 : i32 to index
        %swap3A_654 = arith.constant 16 : index
        %swap3A_655 = tpu.vector_load %arg13[%swap3A_653, %swap3A_654] {strides = array<i32>} : memref<128x128xf32, #tpu.memory_space<vmem>>, vector<16xf32>,
        tpu.vector_store %arg13[%swap3A_653, %swap3A_654], %mul3A_652 {strides = array<i32>} : memref<128x128xf32, #tpu.memory_space<vmem>>, vector<16xf32>,
        %get3A_656 = arith.index_cast %add3A_641 : i32 to index
        %get3A_657 = arith.constant 32 : index
        %get3A_658 = tpu.vector_load %arg13[%get3A_656, %get3A_657] {strides = array<i32>} : memref<128x128xf32, #tpu.memory_space<vmem>>, vector<16xf32>,
        %mul3A_659 = arith.mulf %get3A_658, %broadcast_in_dim3A_637 : vector<16xf32>
        %swap3A_660 = arith.index_cast %add3A_641 : i32 to index
        %swap3A_661 = arith.constant 32 : index
        %swap3A_662 = tpu.vector_load %arg13[%swap3A_660, %swap3A_661] {strides = array<i32>} : memref<128x128xf32, #tpu.memory_space<vmem>>, vector<16xf32>,
        tpu.vector_store %arg13[%swap3A_660, %swap3A_661], %mul3A_659 {strides = array<i32>} : memref<128x128xf32, #tpu.memory_space<vmem>>, vector<16xf32>,
        %get3A_663 = arith.index_cast %add3A_641 : i32 to index
        %get3A_664 = arith.constant 48 : index
        %get3A_665 = tpu.vector_load %arg13[%get3A_663, %get3A_664] {strides = array<i32>} : memref<128x128xf32, #tpu.memory_space<vmem>>, vector<16xf32>,
        %mul3A_666 = arith.mulf %get3A_665, %broadcast_in_dim3A_637 : vector<16xf32>
        %swap3A_667 = arith.index_cast %add3A_641 : i32 to index
        %swap3A_668 = arith.constant 48 : index
        %swap3A_669 = tpu.vector_load %arg13[%swap3A_667, %swap3A_668] {strides = array<i32>} : memref<128x128xf32, #tpu.memory_space<vmem>>, vector<16xf32>,
        tpu.vector_store %arg13[%swap3A_667, %swap3A_668], %mul3A_666 {strides = array<i32>} : memref<128x128xf32, #tpu.memory_space<vmem>>, vector<16xf32>,
        %get3A_670 = arith.index_cast %add3A_641 : i32 to index
        %get3A_671 = arith.constant 64 : index
        %get3A_672 = tpu.vector_load %arg13[%get3A_670, %get3A_671] {strides = array<i32>} : memref<128x128xf32, #tpu.memory_space<vmem>>, vector<16xf32>,
        %mul3A_673 = arith.mulf %get3A_672, %broadcast_in_dim3A_637 : vector<16xf32>
        %swap3A_674 = arith.index_cast %add3A_641 : i32 to index
        %swap3A_675 = arith.constant 64 : index
        %swap3A_676 = tpu.vector_load %arg13[%swap3A_674, %swap3A_675] {strides = array<i32>} : memref<128x128xf32, #tpu.memory_space<vmem>>, vector<16xf32>,
        tpu.vector_store %arg13[%swap3A_674, %swap3A_675], %mul3A_673 {strides = array<i32>} : memref<128x128xf32, #tpu.memory_space<vmem>>, vector<16xf32>,
        %get3A_677 = arith.index_cast %add3A_641 : i32 to index
        %get3A_678 = arith.constant 80 : index
        %get3A_679 = tpu.vector_load %arg13[%get3A_677, %get3A_678] {strides = array<i32>} : memref<128x128xf32, #tpu.memory_space<vmem>>, vector<16xf32>,
        %mul3A_680 = arith.mulf %get3A_679, %broadcast_in_dim3A_637 : vector<16xf32>
        %swap3A_681 = arith.index_cast %add3A_641 : i32 to index
        %swap3A_682 = arith.constant 80 : index
        %swap3A_683 = tpu.vector_load %arg13[%swap3A_681, %swap3A_682] {strides = array<i32>} : memref<128x128xf32, #tpu.memory_space<vmem>>, vector<16xf32>,
        tpu.vector_store %arg13[%swap3A_681, %swap3A_682], %mul3A_680 {strides = array<i32>} : memref<128x128xf32, #tpu.memory_space<vmem>>, vector<16xf32>,
        %get3A_684 = arith.index_cast %add3A_641 : i32 to index
        %get3A_685 = arith.constant 96 : index
        %get3A_686 = tpu.vector_load %arg13[%get3A_684, %get3A_685] {strides = array<i32>} : memref<128x128xf32, #tpu.memory_space<vmem>>, vector<16xf32>,
        %mul3A_687 = arith.mulf %get3A_686, %broadcast_in_dim3A_637 : vector<16xf32>
        %swap3A_688 = arith.index_cast %add3A_641 : i32 to index
        %swap3A_689 = arith.constant 96 : index
        %swap3A_690 = tpu.vector_load %arg13[%swap3A_688, %swap3A_689] {strides = array<i32>} : memref<128x128xf32, #tpu.memory_space<vmem>>, vector<16xf32>,
        tpu.vector_store %arg13[%swap3A_688, %swap3A_689], %mul3A_687 {strides = array<i32>} : memref<128x128xf32, #tpu.memory_space<vmem>>, vector<16xf32>,
        %get3A_691 = arith.index_cast %add3A_641 : i32 to index
        %get3A_692 = arith.constant 112 : index
        %get3A_693 = tpu.vector_load %arg13[%get3A_691, %get3A_692] {strides = array<i32>} : memref<128x128xf32, #tpu.memory_space<vmem>>, vector<16xf32>,
        %mul3A_694 = arith.mulf %get3A_693, %broadcast_in_dim3A_637 : vector<16xf32>
        %swap3A_695 = arith.index_cast %add3A_641 : i32 to index
        %swap3A_696 = arith.constant 112 : index
        %swap3A_697 = tpu.vector_load %arg13[%swap3A_695, %swap3A_696] {strides = array<i32>} : memref<128x128xf32, #tpu.memory_space<vmem>>, vector<16xf32>,
        tpu.vector_store %arg13[%swap3A_695, %swap3A_696], %mul3A_694 {strides = array<i32>} : memref<128x128xf32, #tpu.memory_space<vmem>>, vector<16xf32>,
        %slice3A_698 = vector.extract_strided_slice %exp3A {offsets = [9], sizes = [1], strides = [1]} : vector<16xf32> to vector<1xf32>
        %squeeze3A_699 = vector.extract %slice3A_698[0] : f32 from vector<1xf32>
        %broadcast_in_dim3A_700 = vector.broadcast %squeeze3A_699 : f32 to vector<16xf32>
        %mul3A_701 = arith.constant 16 : i32
        %mul3A_702 = arith.muli %scan3A_122, %mul3A_701 : i32
        %add3A_703 = arith.constant 9 : i32
        %add3A_704 = arith.addi %mul3A_702, %add3A_703 : i32
        %get3A_705 = arith.index_cast %add3A_704 : i32 to index
        %get3A_706 = arith.constant 0 : index
        %get3A_707 = tpu.vector_load %arg13[%get3A_705, %get3A_706] {strides = array<i32>} : memref<128x128xf32, #tpu.memory_space<vmem>>, vector<16xf32>,
        %mul3A_708 = arith.mulf %get3A_707, %broadcast_in_dim3A_700 : vector<16xf32>
        %swap3A_709 = arith.index_cast %add3A_704 : i32 to index
        %swap3A_710 = arith.constant 0 : index
        %swap3A_711 = tpu.vector_load %arg13[%swap3A_709, %swap3A_710] {strides = array<i32>} : memref<128x128xf32, #tpu.memory_space<vmem>>, vector<16xf32>,
        tpu.vector_store %arg13[%swap3A_709, %swap3A_710], %mul3A_708 {strides = array<i32>} : memref<128x128xf32, #tpu.memory_space<vmem>>, vector<16xf32>,
        %get3A_712 = arith.index_cast %add3A_704 : i32 to index
        %get3A_713 = arith.constant 16 : index
        %get3A_714 = tpu.vector_load %arg13[%get3A_712, %get3A_713] {strides = array<i32>} : memref<128x128xf32, #tpu.memory_space<vmem>>, vector<16xf32>,
        %mul3A_715 = arith.mulf %get3A_714, %broadcast_in_dim3A_700 : vector<16xf32>
        %swap3A_716 = arith.index_cast %add3A_704 : i32 to index
        %swap3A_717 = arith.constant 16 : index
        %swap3A_718 = tpu.vector_load %arg13[%swap3A_716, %swap3A_717] {strides = array<i32>} : memref<128x128xf32, #tpu.memory_space<vmem>>, vector<16xf32>,
        tpu.vector_store %arg13[%swap3A_716, %swap3A_717], %mul3A_715 {strides = array<i32>} : memref<128x128xf32, #tpu.memory_space<vmem>>, vector<16xf32>,
        %get3A_719 = arith.index_cast %add3A_704 : i32 to index
        %get3A_720 = arith.constant 32 : index
        %get3A_721 = tpu.vector_load %arg13[%get3A_719, %get3A_720] {strides = array<i32>} : memref<128x128xf32, #tpu.memory_space<vmem>>, vector<16xf32>,
        %mul3A_722 = arith.mulf %get3A_721, %broadcast_in_dim3A_700 : vector<16xf32>
        %swap3A_723 = arith.index_cast %add3A_704 : i32 to index
        %swap3A_724 = arith.constant 32 : index
        %swap3A_725 = tpu.vector_load %arg13[%swap3A_723, %swap3A_724] {strides = array<i32>} : memref<128x128xf32, #tpu.memory_space<vmem>>, vector<16xf32>,
        tpu.vector_store %arg13[%swap3A_723, %swap3A_724], %mul3A_722 {strides = array<i32>} : memref<128x128xf32, #tpu.memory_space<vmem>>, vector<16xf32>,
        %get3A_726 = arith.index_cast %add3A_704 : i32 to index
        %get3A_727 = arith.constant 48 : index
        %get3A_728 = tpu.vector_load %arg13[%get3A_726, %get3A_727] {strides = array<i32>} : memref<128x128xf32, #tpu.memory_space<vmem>>, vector<16xf32>,
        %mul3A_729 = arith.mulf %get3A_728, %broadcast_in_dim3A_700 : vector<16xf32>
        %swap3A_730 = arith.index_cast %add3A_704 : i32 to index
        %swap3A_731 = arith.constant 48 : index
        %swap3A_732 = tpu.vector_load %arg13[%swap3A_730, %swap3A_731] {strides = array<i32>} : memref<128x128xf32, #tpu.memory_space<vmem>>, vector<16xf32>,
        tpu.vector_store %arg13[%swap3A_730, %swap3A_731], %mul3A_729 {strides = array<i32>} : memref<128x128xf32, #tpu.memory_space<vmem>>, vector<16xf32>,
        %get3A_733 = arith.index_cast %add3A_704 : i32 to index
        %get3A_734 = arith.constant 64 : index
        %get3A_735 = tpu.vector_load %arg13[%get3A_733, %get3A_734] {strides = array<i32>} : memref<128x128xf32, #tpu.memory_space<vmem>>, vector<16xf32>,
        %mul3A_736 = arith.mulf %get3A_735, %broadcast_in_dim3A_700 : vector<16xf32>
        %swap3A_737 = arith.index_cast %add3A_704 : i32 to index
        %swap3A_738 = arith.constant 64 : index
        %swap3A_739 = tpu.vector_load %arg13[%swap3A_737, %swap3A_738] {strides = array<i32>} : memref<128x128xf32, #tpu.memory_space<vmem>>, vector<16xf32>,
        tpu.vector_store %arg13[%swap3A_737, %swap3A_738], %mul3A_736 {strides = array<i32>} : memref<128x128xf32, #tpu.memory_space<vmem>>, vector<16xf32>,
        %get3A_740 = arith.index_cast %add3A_704 : i32 to index
        %get3A_741 = arith.constant 80 : index
        %get3A_742 = tpu.vector_load %arg13[%get3A_740, %get3A_741] {strides = array<i32>} : memref<128x128xf32, #tpu.memory_space<vmem>>, vector<16xf32>,
        %mul3A_743 = arith.mulf %get3A_742, %broadcast_in_dim3A_700 : vector<16xf32>
        %swap3A_744 = arith.index_cast %add3A_704 : i32 to index
        %swap3A_745 = arith.constant 80 : index
        %swap3A_746 = tpu.vector_load %arg13[%swap3A_744, %swap3A_745] {strides = array<i32>} : memref<128x128xf32, #tpu.memory_space<vmem>>, vector<16xf32>,
        tpu.vector_store %arg13[%swap3A_744, %swap3A_745], %mul3A_743 {strides = array<i32>} : memref<128x128xf32, #tpu.memory_space<vmem>>, vector<16xf32>,
        %get3A_747 = arith.index_cast %add3A_704 : i32 to index
        %get3A_748 = arith.constant 96 : index
        %get3A_749 = tpu.vector_load %arg13[%get3A_747, %get3A_748] {strides = array<i32>} : memref<128x128xf32, #tpu.memory_space<vmem>>, vector<16xf32>,
        %mul3A_750 = arith.mulf %get3A_749, %broadcast_in_dim3A_700 : vector<16xf32>
        %swap3A_751 = arith.index_cast %add3A_704 : i32 to index
        %swap3A_752 = arith.constant 96 : index
        %swap3A_753 = tpu.vector_load %arg13[%swap3A_751, %swap3A_752] {strides = array<i32>} : memref<128x128xf32, #tpu.memory_space<vmem>>, vector<16xf32>,
        tpu.vector_store %arg13[%swap3A_751, %swap3A_752], %mul3A_750 {strides = array<i32>} : memref<128x128xf32, #tpu.memory_space<vmem>>, vector<16xf32>,
        %get3A_754 = arith.index_cast %add3A_704 : i32 to index
        %get3A_755 = arith.constant 112 : index
        %get3A_756 = tpu.vector_load %arg13[%get3A_754, %get3A_755] {strides = array<i32>} : memref<128x128xf32, #tpu.memory_space<vmem>>, vector<16xf32>,
        %mul3A_757 = arith.mulf %get3A_756, %broadcast_in_dim3A_700 : vector<16xf32>
        %swap3A_758 = arith.index_cast %add3A_704 : i32 to index
        %swap3A_759 = arith.constant 112 : index
        %swap3A_760 = tpu.vector_load %arg13[%swap3A_758, %swap3A_759] {strides = array<i32>} : memref<128x128xf32, #tpu.memory_space<vmem>>, vector<16xf32>,
        tpu.vector_store %arg13[%swap3A_758, %swap3A_759], %mul3A_757 {strides = array<i32>} : memref<128x128xf32, #tpu.memory_space<vmem>>, vector<16xf32>,
        %slice3A_761 = vector.extract_strided_slice %exp3A {offsets = [10], sizes = [1], strides = [1]} : vector<16xf32> to vector<1xf32>
        %squeeze3A_762 = vector.extract %slice3A_761[0] : f32 from vector<1xf32>
        %broadcast_in_dim3A_763 = vector.broadcast %squeeze3A_762 : f32 to vector<16xf32>
        %mul3A_764 = arith.constant 16 : i32
        %mul3A_765 = arith.muli %scan3A_122, %mul3A_764 : i32
        %add3A_766 = arith.constant 10 : i32
        %add3A_767 = arith.addi %mul3A_765, %add3A_766 : i32
        %get3A_768 = arith.index_cast %add3A_767 : i32 to index
        %get3A_769 = arith.constant 0 : index
        %get3A_770 = tpu.vector_load %arg13[%get3A_768, %get3A_769] {strides = array<i32>} : memref<128x128xf32, #tpu.memory_space<vmem>>, vector<16xf32>,
        %mul3A_771 = arith.mulf %get3A_770, %broadcast_in_dim3A_763 : vector<16xf32>
        %swap3A_772 = arith.index_cast %add3A_767 : i32 to index
        %swap3A_773 = arith.constant 0 : index
        %swap3A_774 = tpu.vector_load %arg13[%swap3A_772, %swap3A_773] {strides = array<i32>} : memref<128x128xf32, #tpu.memory_space<vmem>>, vector<16xf32>,
        tpu.vector_store %arg13[%swap3A_772, %swap3A_773], %mul3A_771 {strides = array<i32>} : memref<128x128xf32, #tpu.memory_space<vmem>>, vector<16xf32>,
        %get3A_775 = arith.index_cast %add3A_767 : i32 to index
        %get3A_776 = arith.constant 16 : index
        %get3A_777 = tpu.vector_load %arg13[%get3A_775, %get3A_776] {strides = array<i32>} : memref<128x128xf32, #tpu.memory_space<vmem>>, vector<16xf32>,
        %mul3A_778 = arith.mulf %get3A_777, %broadcast_in_dim3A_763 : vector<16xf32>
        %swap3A_779 = arith.index_cast %add3A_767 : i32 to index
        %swap3A_780 = arith.constant 16 : index
        %swap3A_781 = tpu.vector_load %arg13[%swap3A_779, %swap3A_780] {strides = array<i32>} : memref<128x128xf32, #tpu.memory_space<vmem>>, vector<16xf32>,
        tpu.vector_store %arg13[%swap3A_779, %swap3A_780], %mul3A_778 {strides = array<i32>} : memref<128x128xf32, #tpu.memory_space<vmem>>, vector<16xf32>,
        %get3A_782 = arith.index_cast %add3A_767 : i32 to index
        %get3A_783 = arith.constant 32 : index
        %get3A_784 = tpu.vector_load %arg13[%get3A_782, %get3A_783] {strides = array<i32>} : memref<128x128xf32, #tpu.memory_space<vmem>>, vector<16xf32>,
        %mul3A_785 = arith.mulf %get3A_784, %broadcast_in_dim3A_763 : vector<16xf32>
        %swap3A_786 = arith.index_cast %add3A_767 : i32 to index
        %swap3A_787 = arith.constant 32 : index
        %swap3A_788 = tpu.vector_load %arg13[%swap3A_786, %swap3A_787] {strides = array<i32>} : memref<128x128xf32, #tpu.memory_space<vmem>>, vector<16xf32>,
        tpu.vector_store %arg13[%swap3A_786, %swap3A_787], %mul3A_785 {strides = array<i32>} : memref<128x128xf32, #tpu.memory_space<vmem>>, vector<16xf32>,
        %get3A_789 = arith.index_cast %add3A_767 : i32 to index
        %get3A_790 = arith.constant 48 : index
        %get3A_791 = tpu.vector_load %arg13[%get3A_789, %get3A_790] {strides = array<i32>} : memref<128x128xf32, #tpu.memory_space<vmem>>, vector<16xf32>,
        %mul3A_792 = arith.mulf %get3A_791, %broadcast_in_dim3A_763 : vector<16xf32>
        %swap3A_793 = arith.index_cast %add3A_767 : i32 to index
        %swap3A_794 = arith.constant 48 : index
        %swap3A_795 = tpu.vector_load %arg13[%swap3A_793, %swap3A_794] {strides = array<i32>} : memref<128x128xf32, #tpu.memory_space<vmem>>, vector<16xf32>,
        tpu.vector_store %arg13[%swap3A_793, %swap3A_794], %mul3A_792 {strides = array<i32>} : memref<128x128xf32, #tpu.memory_space<vmem>>, vector<16xf32>,
        %get3A_796 = arith.index_cast %add3A_767 : i32 to index
        %get3A_797 = arith.constant 64 : index
        %get3A_798 = tpu.vector_load %arg13[%get3A_796, %get3A_797] {strides = array<i32>} : memref<128x128xf32, #tpu.memory_space<vmem>>, vector<16xf32>,
        %mul3A_799 = arith.mulf %get3A_798, %broadcast_in_dim3A_763 : vector<16xf32>
        %swap3A_800 = arith.index_cast %add3A_767 : i32 to index
        %swap3A_801 = arith.constant 64 : index
        %swap3A_802 = tpu.vector_load %arg13[%swap3A_800, %swap3A_801] {strides = array<i32>} : memref<128x128xf32, #tpu.memory_space<vmem>>, vector<16xf32>,
        tpu.vector_store %arg13[%swap3A_800, %swap3A_801], %mul3A_799 {strides = array<i32>} : memref<128x128xf32, #tpu.memory_space<vmem>>, vector<16xf32>,
        %get3A_803 = arith.index_cast %add3A_767 : i32 to index
        %get3A_804 = arith.constant 80 : index
        %get3A_805 = tpu.vector_load %arg13[%get3A_803, %get3A_804] {strides = array<i32>} : memref<128x128xf32, #tpu.memory_space<vmem>>, vector<16xf32>,
        %mul3A_806 = arith.mulf %get3A_805, %broadcast_in_dim3A_763 : vector<16xf32>
        %swap3A_807 = arith.index_cast %add3A_767 : i32 to index
        %swap3A_808 = arith.constant 80 : index
        %swap3A_809 = tpu.vector_load %arg13[%swap3A_807, %swap3A_808] {strides = array<i32>} : memref<128x128xf32, #tpu.memory_space<vmem>>, vector<16xf32>,
        tpu.vector_store %arg13[%swap3A_807, %swap3A_808], %mul3A_806 {strides = array<i32>} : memref<128x128xf32, #tpu.memory_space<vmem>>, vector<16xf32>,
        %get3A_810 = arith.index_cast %add3A_767 : i32 to index
        %get3A_811 = arith.constant 96 : index
        %get3A_812 = tpu.vector_load %arg13[%get3A_810, %get3A_811] {strides = array<i32>} : memref<128x128xf32, #tpu.memory_space<vmem>>, vector<16xf32>,
        %mul3A_813 = arith.mulf %get3A_812, %broadcast_in_dim3A_763 : vector<16xf32>
        %swap3A_814 = arith.index_cast %add3A_767 : i32 to index
        %swap3A_815 = arith.constant 96 : index
        %swap3A_816 = tpu.vector_load %arg13[%swap3A_814, %swap3A_815] {strides = array<i32>} : memref<128x128xf32, #tpu.memory_space<vmem>>, vector<16xf32>,
        tpu.vector_store %arg13[%swap3A_814, %swap3A_815], %mul3A_813 {strides = array<i32>} : memref<128x128xf32, #tpu.memory_space<vmem>>, vector<16xf32>,
        %get3A_817 = arith.index_cast %add3A_767 : i32 to index
        %get3A_818 = arith.constant 112 : index
        %get3A_819 = tpu.vector_load %arg13[%get3A_817, %get3A_818] {strides = array<i32>} : memref<128x128xf32, #tpu.memory_space<vmem>>, vector<16xf32>,
        %mul3A_820 = arith.mulf %get3A_819, %broadcast_in_dim3A_763 : vector<16xf32>
        %swap3A_821 = arith.index_cast %add3A_767 : i32 to index
        %swap3A_822 = arith.constant 112 : index
        %swap3A_823 = tpu.vector_load %arg13[%swap3A_821, %swap3A_822] {strides = array<i32>} : memref<128x128xf32, #tpu.memory_space<vmem>>, vector<16xf32>,
        tpu.vector_store %arg13[%swap3A_821, %swap3A_822], %mul3A_820 {strides = array<i32>} : memref<128x128xf32, #tpu.memory_space<vmem>>, vector<16xf32>,
        %slice3A_824 = vector.extract_strided_slice %exp3A {offsets = [11], sizes = [1], strides = [1]} : vector<16xf32> to vector<1xf32>
        %squeeze3A_825 = vector.extract %slice3A_824[0] : f32 from vector<1xf32>
        %broadcast_in_dim3A_826 = vector.broadcast %squeeze3A_825 : f32 to vector<16xf32>
        %mul3A_827 = arith.constant 16 : i32
        %mul3A_828 = arith.muli %scan3A_122, %mul3A_827 : i32
        %add3A_829 = arith.constant 11 : i32
        %add3A_830 = arith.addi %mul3A_828, %add3A_829 : i32
        %get3A_831 = arith.index_cast %add3A_830 : i32 to index
        %get3A_832 = arith.constant 0 : index
        %get3A_833 = tpu.vector_load %arg13[%get3A_831, %get3A_832] {strides = array<i32>} : memref<128x128xf32, #tpu.memory_space<vmem>>, vector<16xf32>,
        %mul3A_834 = arith.mulf %get3A_833, %broadcast_in_dim3A_826 : vector<16xf32>
        %swap3A_835 = arith.index_cast %add3A_830 : i32 to index
        %swap3A_836 = arith.constant 0 : index
        %swap3A_837 = tpu.vector_load %arg13[%swap3A_835, %swap3A_836] {strides = array<i32>} : memref<128x128xf32, #tpu.memory_space<vmem>>, vector<16xf32>,
        tpu.vector_store %arg13[%swap3A_835, %swap3A_836], %mul3A_834 {strides = array<i32>} : memref<128x128xf32, #tpu.memory_space<vmem>>, vector<16xf32>,
        %get3A_838 = arith.index_cast %add3A_830 : i32 to index
        %get3A_839 = arith.constant 16 : index
        %get3A_840 = tpu.vector_load %arg13[%get3A_838, %get3A_839] {strides = array<i32>} : memref<128x128xf32, #tpu.memory_space<vmem>>, vector<16xf32>,
        %mul3A_841 = arith.mulf %get3A_840, %broadcast_in_dim3A_826 : vector<16xf32>
        %swap3A_842 = arith.index_cast %add3A_830 : i32 to index
        %swap3A_843 = arith.constant 16 : index
        %swap3A_844 = tpu.vector_load %arg13[%swap3A_842, %swap3A_843] {strides = array<i32>} : memref<128x128xf32, #tpu.memory_space<vmem>>, vector<16xf32>,
        tpu.vector_store %arg13[%swap3A_842, %swap3A_843], %mul3A_841 {strides = array<i32>} : memref<128x128xf32, #tpu.memory_space<vmem>>, vector<16xf32>,
        %get3A_845 = arith.index_cast %add3A_830 : i32 to index
        %get3A_846 = arith.constant 32 : index
        %get3A_847 = tpu.vector_load %arg13[%get3A_845, %get3A_846] {strides = array<i32>} : memref<128x128xf32, #tpu.memory_space<vmem>>, vector<16xf32>,
        %mul3A_848 = arith.mulf %get3A_847, %broadcast_in_dim3A_826 : vector<16xf32>
        %swap3A_849 = arith.index_cast %add3A_830 : i32 to index
        %swap3A_850 = arith.constant 32 : index
        %swap3A_851 = tpu.vector_load %arg13[%swap3A_849, %swap3A_850] {strides = array<i32>} : memref<128x128xf32, #tpu.memory_space<vmem>>, vector<16xf32>,
        tpu.vector_store %arg13[%swap3A_849, %swap3A_850], %mul3A_848 {strides = array<i32>} : memref<128x128xf32, #tpu.memory_space<vmem>>, vector<16xf32>,
        %get3A_852 = arith.index_cast %add3A_830 : i32 to index
        %get3A_853 = arith.constant 48 : index
        %get3A_854 = tpu.vector_load %arg13[%get3A_852, %get3A_853] {strides = array<i32>} : memref<128x128xf32, #tpu.memory_space<vmem>>, vector<16xf32>,
        %mul3A_855 = arith.mulf %get3A_854, %broadcast_in_dim3A_826 : vector<16xf32>
        %swap3A_856 = arith.index_cast %add3A_830 : i32 to index
        %swap3A_857 = arith.constant 48 : index
        %swap3A_858 = tpu.vector_load %arg13[%swap3A_856, %swap3A_857] {strides = array<i32>} : memref<128x128xf32, #tpu.memory_space<vmem>>, vector<16xf32>,
        tpu.vector_store %arg13[%swap3A_856, %swap3A_857], %mul3A_855 {strides = array<i32>} : memref<128x128xf32, #tpu.memory_space<vmem>>, vector<16xf32>,
        %get3A_859 = arith.index_cast %add3A_830 : i32 to index
        %get3A_860 = arith.constant 64 : index
        %get3A_861 = tpu.vector_load %arg13[%get3A_859, %get3A_860] {strides = array<i32>} : memref<128x128xf32, #tpu.memory_space<vmem>>, vector<16xf32>,
        %mul3A_862 = arith.mulf %get3A_861, %broadcast_in_dim3A_826 : vector<16xf32>
        %swap3A_863 = arith.index_cast %add3A_830 : i32 to index
        %swap3A_864 = arith.constant 64 : index
        %swap3A_865 = tpu.vector_load %arg13[%swap3A_863, %swap3A_864] {strides = array<i32>} : memref<128x128xf32, #tpu.memory_space<vmem>>, vector<16xf32>,
        tpu.vector_store %arg13[%swap3A_863, %swap3A_864], %mul3A_862 {strides = array<i32>} : memref<128x128xf32, #tpu.memory_space<vmem>>, vector<16xf32>,
        %get3A_866 = arith.index_cast %add3A_830 : i32 to index
        %get3A_867 = arith.constant 80 : index
        %get3A_868 = tpu.vector_load %arg13[%get3A_866, %get3A_867] {strides = array<i32>} : memref<128x128xf32, #tpu.memory_space<vmem>>, vector<16xf32>,
        %mul3A_869 = arith.mulf %get3A_868, %broadcast_in_dim3A_826 : vector<16xf32>
        %swap3A_870 = arith.index_cast %add3A_830 : i32 to index
        %swap3A_871 = arith.constant 80 : index
        %swap3A_872 = tpu.vector_load %arg13[%swap3A_870, %swap3A_871] {strides = array<i32>} : memref<128x128xf32, #tpu.memory_space<vmem>>, vector<16xf32>,
        tpu.vector_store %arg13[%swap3A_870, %swap3A_871], %mul3A_869 {strides = array<i32>} : memref<128x128xf32, #tpu.memory_space<vmem>>, vector<16xf32>,
        %get3A_873 = arith.index_cast %add3A_830 : i32 to index
        %get3A_874 = arith.constant 96 : index
        %get3A_875 = tpu.vector_load %arg13[%get3A_873, %get3A_874] {strides = array<i32>} : memref<128x128xf32, #tpu.memory_space<vmem>>, vector<16xf32>,
        %mul3A_876 = arith.mulf %get3A_875, %broadcast_in_dim3A_826 : vector<16xf32>
        %swap3A_877 = arith.index_cast %add3A_830 : i32 to index
        %swap3A_878 = arith.constant 96 : index
        %swap3A_879 = tpu.vector_load %arg13[%swap3A_877, %swap3A_878] {strides = array<i32>} : memref<128x128xf32, #tpu.memory_space<vmem>>, vector<16xf32>,
        tpu.vector_store %arg13[%swap3A_877, %swap3A_878], %mul3A_876 {strides = array<i32>} : memref<128x128xf32, #tpu.memory_space<vmem>>, vector<16xf32>,
        %get3A_880 = arith.index_cast %add3A_830 : i32 to index
        %get3A_881 = arith.constant 112 : index
        %get3A_882 = tpu.vector_load %arg13[%get3A_880, %get3A_881] {strides = array<i32>} : memref<128x128xf32, #tpu.memory_space<vmem>>, vector<16xf32>,
        %mul3A_883 = arith.mulf %get3A_882, %broadcast_in_dim3A_826 : vector<16xf32>
        %swap3A_884 = arith.index_cast %add3A_830 : i32 to index
        %swap3A_885 = arith.constant 112 : index
        %swap3A_886 = tpu.vector_load %arg13[%swap3A_884, %swap3A_885] {strides = array<i32>} : memref<128x128xf32, #tpu.memory_space<vmem>>, vector<16xf32>,
        tpu.vector_store %arg13[%swap3A_884, %swap3A_885], %mul3A_883 {strides = array<i32>} : memref<128x128xf32, #tpu.memory_space<vmem>>, vector<16xf32>,
        %slice3A_887 = vector.extract_strided_slice %exp3A {offsets = [12], sizes = [1], strides = [1]} : vector<16xf32> to vector<1xf32>
        %squeeze3A_888 = vector.extract %slice3A_887[0] : f32 from vector<1xf32>
        %broadcast_in_dim3A_889 = vector.broadcast %squeeze3A_888 : f32 to vector<16xf32>
        %mul3A_890 = arith.constant 16 : i32
        %mul3A_891 = arith.muli %scan3A_122, %mul3A_890 : i32
        %add3A_892 = arith.constant 12 : i32
        %add3A_893 = arith.addi %mul3A_891, %add3A_892 : i32
        %get3A_894 = arith.index_cast %add3A_893 : i32 to index
        %get3A_895 = arith.constant 0 : index
        %get3A_896 = tpu.vector_load %arg13[%get3A_894, %get3A_895] {strides = array<i32>} : memref<128x128xf32, #tpu.memory_space<vmem>>, vector<16xf32>,
        %mul3A_897 = arith.mulf %get3A_896, %broadcast_in_dim3A_889 : vector<16xf32>
        %swap3A_898 = arith.index_cast %add3A_893 : i32 to index
        %swap3A_899 = arith.constant 0 : index
        %swap3A_900 = tpu.vector_load %arg13[%swap3A_898, %swap3A_899] {strides = array<i32>} : memref<128x128xf32, #tpu.memory_space<vmem>>, vector<16xf32>,
        tpu.vector_store %arg13[%swap3A_898, %swap3A_899], %mul3A_897 {strides = array<i32>} : memref<128x128xf32, #tpu.memory_space<vmem>>, vector<16xf32>,
        %get3A_901 = arith.index_cast %add3A_893 : i32 to index
        %get3A_902 = arith.constant 16 : index
        %get3A_903 = tpu.vector_load %arg13[%get3A_901, %get3A_902] {strides = array<i32>} : memref<128x128xf32, #tpu.memory_space<vmem>>, vector<16xf32>,
        %mul3A_904 = arith.mulf %get3A_903, %broadcast_in_dim3A_889 : vector<16xf32>
        %swap3A_905 = arith.index_cast %add3A_893 : i32 to index
        %swap3A_906 = arith.constant 16 : index
        %swap3A_907 = tpu.vector_load %arg13[%swap3A_905, %swap3A_906] {strides = array<i32>} : memref<128x128xf32, #tpu.memory_space<vmem>>, vector<16xf32>,
        tpu.vector_store %arg13[%swap3A_905, %swap3A_906], %mul3A_904 {strides = array<i32>} : memref<128x128xf32, #tpu.memory_space<vmem>>, vector<16xf32>,
        %get3A_908 = arith.index_cast %add3A_893 : i32 to index
        %get3A_909 = arith.constant 32 : index
        %get3A_910 = tpu.vector_load %arg13[%get3A_908, %get3A_909] {strides = array<i32>} : memref<128x128xf32, #tpu.memory_space<vmem>>, vector<16xf32>,
        %mul3A_911 = arith.mulf %get3A_910, %broadcast_in_dim3A_889 : vector<16xf32>
        %swap3A_912 = arith.index_cast %add3A_893 : i32 to index
        %swap3A_913 = arith.constant 32 : index
        %swap3A_914 = tpu.vector_load %arg13[%swap3A_912, %swap3A_913] {strides = array<i32>} : memref<128x128xf32, #tpu.memory_space<vmem>>, vector<16xf32>,
        tpu.vector_store %arg13[%swap3A_912, %swap3A_913], %mul3A_911 {strides = array<i32>} : memref<128x128xf32, #tpu.memory_space<vmem>>, vector<16xf32>,
        %get3A_915 = arith.index_cast %add3A_893 : i32 to index
        %get3A_916 = arith.constant 48 : index
        %get3A_917 = tpu.vector_load %arg13[%get3A_915, %get3A_916] {strides = array<i32>} : memref<128x128xf32, #tpu.memory_space<vmem>>, vector<16xf32>,
        %mul3A_918 = arith.mulf %get3A_917, %broadcast_in_dim3A_889 : vector<16xf32>
        %swap3A_919 = arith.index_cast %add3A_893 : i32 to index
        %swap3A_920 = arith.constant 48 : index
        %swap3A_921 = tpu.vector_load %arg13[%swap3A_919, %swap3A_920] {strides = array<i32>} : memref<128x128xf32, #tpu.memory_space<vmem>>, vector<16xf32>,
        tpu.vector_store %arg13[%swap3A_919, %swap3A_920], %mul3A_918 {strides = array<i32>} : memref<128x128xf32, #tpu.memory_space<vmem>>, vector<16xf32>,
        %get3A_922 = arith.index_cast %add3A_893 : i32 to index
        %get3A_923 = arith.constant 64 : index
        %get3A_924 = tpu.vector_load %arg13[%get3A_922, %get3A_923] {strides = array<i32>} : memref<128x128xf32, #tpu.memory_space<vmem>>, vector<16xf32>,
        %mul3A_925 = arith.mulf %get3A_924, %broadcast_in_dim3A_889 : vector<16xf32>
        %swap3A_926 = arith.index_cast %add3A_893 : i32 to index
        %swap3A_927 = arith.constant 64 : index
        %swap3A_928 = tpu.vector_load %arg13[%swap3A_926, %swap3A_927] {strides = array<i32>} : memref<128x128xf32, #tpu.memory_space<vmem>>, vector<16xf32>,
        tpu.vector_store %arg13[%swap3A_926, %swap3A_927], %mul3A_925 {strides = array<i32>} : memref<128x128xf32, #tpu.memory_space<vmem>>, vector<16xf32>,
        %get3A_929 = arith.index_cast %add3A_893 : i32 to index
        %get3A_930 = arith.constant 80 : index
        %get3A_931 = tpu.vector_load %arg13[%get3A_929, %get3A_930] {strides = array<i32>} : memref<128x128xf32, #tpu.memory_space<vmem>>, vector<16xf32>,
        %mul3A_932 = arith.mulf %get3A_931, %broadcast_in_dim3A_889 : vector<16xf32>
        %swap3A_933 = arith.index_cast %add3A_893 : i32 to index
        %swap3A_934 = arith.constant 80 : index
        %swap3A_935 = tpu.vector_load %arg13[%swap3A_933, %swap3A_934] {strides = array<i32>} : memref<128x128xf32, #tpu.memory_space<vmem>>, vector<16xf32>,
        tpu.vector_store %arg13[%swap3A_933, %swap3A_934], %mul3A_932 {strides = array<i32>} : memref<128x128xf32, #tpu.memory_space<vmem>>, vector<16xf32>,
        %get3A_936 = arith.index_cast %add3A_893 : i32 to index
        %get3A_937 = arith.constant 96 : index
        %get3A_938 = tpu.vector_load %arg13[%get3A_936, %get3A_937] {strides = array<i32>} : memref<128x128xf32, #tpu.memory_space<vmem>>, vector<16xf32>,
        %mul3A_939 = arith.mulf %get3A_938, %broadcast_in_dim3A_889 : vector<16xf32>
        %swap3A_940 = arith.index_cast %add3A_893 : i32 to index
        %swap3A_941 = arith.constant 96 : index
        %swap3A_942 = tpu.vector_load %arg13[%swap3A_940, %swap3A_941] {strides = array<i32>} : memref<128x128xf32, #tpu.memory_space<vmem>>, vector<16xf32>,
        tpu.vector_store %arg13[%swap3A_940, %swap3A_941], %mul3A_939 {strides = array<i32>} : memref<128x128xf32, #tpu.memory_space<vmem>>, vector<16xf32>,
        %get3A_943 = arith.index_cast %add3A_893 : i32 to index
        %get3A_944 = arith.constant 112 : index
        %get3A_945 = tpu.vector_load %arg13[%get3A_943, %get3A_944] {strides = array<i32>} : memref<128x128xf32, #tpu.memory_space<vmem>>, vector<16xf32>,
        %mul3A_946 = arith.mulf %get3A_945, %broadcast_in_dim3A_889 : vector<16xf32>
        %swap3A_947 = arith.index_cast %add3A_893 : i32 to index
        %swap3A_948 = arith.constant 112 : index
        %swap3A_949 = tpu.vector_load %arg13[%swap3A_947, %swap3A_948] {strides = array<i32>} : memref<128x128xf32, #tpu.memory_space<vmem>>, vector<16xf32>,
        tpu.vector_store %arg13[%swap3A_947, %swap3A_948], %mul3A_946 {strides = array<i32>} : memref<128x128xf32, #tpu.memory_space<vmem>>, vector<16xf32>,
        %slice3A_950 = vector.extract_strided_slice %exp3A {offsets = [13], sizes = [1], strides = [1]} : vector<16xf32> to vector<1xf32>
        %squeeze3A_951 = vector.extract %slice3A_950[0] : f32 from vector<1xf32>
        %broadcast_in_dim3A_952 = vector.broadcast %squeeze3A_951 : f32 to vector<16xf32>
        %mul3A_953 = arith.constant 16 : i32
        %mul3A_954 = arith.muli %scan3A_122, %mul3A_953 : i32
        %add3A_955 = arith.constant 13 : i32
        %add3A_956 = arith.addi %mul3A_954, %add3A_955 : i32
        %get3A_957 = arith.index_cast %add3A_956 : i32 to index
        %get3A_958 = arith.constant 0 : index
        %get3A_959 = tpu.vector_load %arg13[%get3A_957, %get3A_958] {strides = array<i32>} : memref<128x128xf32, #tpu.memory_space<vmem>>, vector<16xf32>,
        %mul3A_960 = arith.mulf %get3A_959, %broadcast_in_dim3A_952 : vector<16xf32>
        %swap3A_961 = arith.index_cast %add3A_956 : i32 to index
        %swap3A_962 = arith.constant 0 : index
        %swap3A_963 = tpu.vector_load %arg13[%swap3A_961, %swap3A_962] {strides = array<i32>} : memref<128x128xf32, #tpu.memory_space<vmem>>, vector<16xf32>,
        tpu.vector_store %arg13[%swap3A_961, %swap3A_962], %mul3A_960 {strides = array<i32>} : memref<128x128xf32, #tpu.memory_space<vmem>>, vector<16xf32>,
        %get3A_964 = arith.index_cast %add3A_956 : i32 to index
        %get3A_965 = arith.constant 16 : index
        %get3A_966 = tpu.vector_load %arg13[%get3A_964, %get3A_965] {strides = array<i32>} : memref<128x128xf32, #tpu.memory_space<vmem>>, vector<16xf32>,
        %mul3A_967 = arith.mulf %get3A_966, %broadcast_in_dim3A_952 : vector<16xf32>
        %swap3A_968 = arith.index_cast %add3A_956 : i32 to index
        %swap3A_969 = arith.constant 16 : index
        %swap3A_970 = tpu.vector_load %arg13[%swap3A_968, %swap3A_969] {strides = array<i32>} : memref<128x128xf32, #tpu.memory_space<vmem>>, vector<16xf32>,
        tpu.vector_store %arg13[%swap3A_968, %swap3A_969], %mul3A_967 {strides = array<i32>} : memref<128x128xf32, #tpu.memory_space<vmem>>, vector<16xf32>,
        %get3A_971 = arith.index_cast %add3A_956 : i32 to index
        %get3A_972 = arith.constant 32 : index
        %get3A_973 = tpu.vector_load %arg13[%get3A_971, %get3A_972] {strides = array<i32>} : memref<128x128xf32, #tpu.memory_space<vmem>>, vector<16xf32>,
        %mul3A_974 = arith.mulf %get3A_973, %broadcast_in_dim3A_952 : vector<16xf32>
        %swap3A_975 = arith.index_cast %add3A_956 : i32 to index
        %swap3A_976 = arith.constant 32 : index
        %swap3A_977 = tpu.vector_load %arg13[%swap3A_975, %swap3A_976] {strides = array<i32>} : memref<128x128xf32, #tpu.memory_space<vmem>>, vector<16xf32>,
        tpu.vector_store %arg13[%swap3A_975, %swap3A_976], %mul3A_974 {strides = array<i32>} : memref<128x128xf32, #tpu.memory_space<vmem>>, vector<16xf32>,
        %get3A_978 = arith.index_cast %add3A_956 : i32 to index
        %get3A_979 = arith.constant 48 : index
        %get3A_980 = tpu.vector_load %arg13[%get3A_978, %get3A_979] {strides = array<i32>} : memref<128x128xf32, #tpu.memory_space<vmem>>, vector<16xf32>,
        %mul3A_981 = arith.mulf %get3A_980, %broadcast_in_dim3A_952 : vector<16xf32>
        %swap3A_982 = arith.index_cast %add3A_956 : i32 to index
        %swap3A_983 = arith.constant 48 : index
        %swap3A_984 = tpu.vector_load %arg13[%swap3A_982, %swap3A_983] {strides = array<i32>} : memref<128x128xf32, #tpu.memory_space<vmem>>, vector<16xf32>,
        tpu.vector_store %arg13[%swap3A_982, %swap3A_983], %mul3A_981 {strides = array<i32>} : memref<128x128xf32, #tpu.memory_space<vmem>>, vector<16xf32>,
        %get3A_985 = arith.index_cast %add3A_956 : i32 to index
        %get3A_986 = arith.constant 64 : index
        %get3A_987 = tpu.vector_load %arg13[%get3A_985, %get3A_986] {strides = array<i32>} : memref<128x128xf32, #tpu.memory_space<vmem>>, vector<16xf32>,
        %mul3A_988 = arith.mulf %get3A_987, %broadcast_in_dim3A_952 : vector<16xf32>
        %swap3A_989 = arith.index_cast %add3A_956 : i32 to index
        %swap3A_990 = arith.constant 64 : index
        %swap3A_991 = tpu.vector_load %arg13[%swap3A_989, %swap3A_990] {strides = array<i32>} : memref<128x128xf32, #tpu.memory_space<vmem>>, vector<16xf32>,
        tpu.vector_store %arg13[%swap3A_989, %swap3A_990], %mul3A_988 {strides = array<i32>} : memref<128x128xf32, #tpu.memory_space<vmem>>, vector<16xf32>,
        %get3A_992 = arith.index_cast %add3A_956 : i32 to index
        %get3A_993 = arith.constant 80 : index
        %get3A_994 = tpu.vector_load %arg13[%get3A_992, %get3A_993] {strides = array<i32>} : memref<128x128xf32, #tpu.memory_space<vmem>>, vector<16xf32>,
        %mul3A_995 = arith.mulf %get3A_994, %broadcast_in_dim3A_952 : vector<16xf32>
        %swap3A_996 = arith.index_cast %add3A_956 : i32 to index
        %swap3A_997 = arith.constant 80 : index
        %swap3A_998 = tpu.vector_load %arg13[%swap3A_996, %swap3A_997] {strides = array<i32>} : memref<128x128xf32, #tpu.memory_space<vmem>>, vector<16xf32>,
        tpu.vector_store %arg13[%swap3A_996, %swap3A_997], %mul3A_995 {strides = array<i32>} : memref<128x128xf32, #tpu.memory_space<vmem>>, vector<16xf32>,
        %get3A_999 = arith.index_cast %add3A_956 : i32 to index
        %get3A_1000 = arith.constant 96 : index
        %get3A_1001 = tpu.vector_load %arg13[%get3A_999, %get3A_1000] {strides = array<i32>} : memref<128x128xf32, #tpu.memory_space<vmem>>, vector<16xf32>,
        %mul3A_1002 = arith.mulf %get3A_1001, %broadcast_in_dim3A_952 : vector<16xf32>
        %swap3A_1003 = arith.index_cast %add3A_956 : i32 to index
        %swap3A_1004 = arith.constant 96 : index
        %swap3A_1005 = tpu.vector_load %arg13[%swap3A_1003, %swap3A_1004] {strides = array<i32>} : memref<128x128xf32, #tpu.memory_space<vmem>>, vector<16xf32>,
        tpu.vector_store %arg13[%swap3A_1003, %swap3A_1004], %mul3A_1002 {strides = array<i32>} : memref<128x128xf32, #tpu.memory_space<vmem>>, vector<16xf32>,
        %get3A_1006 = arith.index_cast %add3A_956 : i32 to index
        %get3A_1007 = arith.constant 112 : index
        %get3A_1008 = tpu.vector_load %arg13[%get3A_1006, %get3A_1007] {strides = array<i32>} : memref<128x128xf32, #tpu.memory_space<vmem>>, vector<16xf32>,
        %mul3A_1009 = arith.mulf %get3A_1008, %broadcast_in_dim3A_952 : vector<16xf32>
        %swap3A_1010 = arith.index_cast %add3A_956 : i32 to index
        %swap3A_1011 = arith.constant 112 : index
        %swap3A_1012 = tpu.vector_load %arg13[%swap3A_1010, %swap3A_1011] {strides = array<i32>} : memref<128x128xf32, #tpu.memory_space<vmem>>, vector<16xf32>,
        tpu.vector_store %arg13[%swap3A_1010, %swap3A_1011], %mul3A_1009 {strides = array<i32>} : memref<128x128xf32, #tpu.memory_space<vmem>>, vector<16xf32>,
        %slice3A_1013 = vector.extract_strided_slice %exp3A {offsets = [14], sizes = [1], strides = [1]} : vector<16xf32> to vector<1xf32>
        %squeeze3A_1014 = vector.extract %slice3A_1013[0] : f32 from vector<1xf32>
        %broadcast_in_dim3A_1015 = vector.broadcast %squeeze3A_1014 : f32 to vector<16xf32>
        %mul3A_1016 = arith.constant 16 : i32
        %mul3A_1017 = arith.muli %scan3A_122, %mul3A_1016 : i32
        %add3A_1018 = arith.constant 14 : i32
        %add3A_1019 = arith.addi %mul3A_1017, %add3A_1018 : i32
        %get3A_1020 = arith.index_cast %add3A_1019 : i32 to index
        %get3A_1021 = arith.constant 0 : index
        %get3A_1022 = tpu.vector_load %arg13[%get3A_1020, %get3A_1021] {strides = array<i32>} : memref<128x128xf32, #tpu.memory_space<vmem>>, vector<16xf32>,
        %mul3A_1023 = arith.mulf %get3A_1022, %broadcast_in_dim3A_1015 : vector<16xf32>
        %swap3A_1024 = arith.index_cast %add3A_1019 : i32 to index
        %swap3A_1025 = arith.constant 0 : index
        %swap3A_1026 = tpu.vector_load %arg13[%swap3A_1024, %swap3A_1025] {strides = array<i32>} : memref<128x128xf32, #tpu.memory_space<vmem>>, vector<16xf32>,
        tpu.vector_store %arg13[%swap3A_1024, %swap3A_1025], %mul3A_1023 {strides = array<i32>} : memref<128x128xf32, #tpu.memory_space<vmem>>, vector<16xf32>,
        %get3A_1027 = arith.index_cast %add3A_1019 : i32 to index
        %get3A_1028 = arith.constant 16 : index
        %get3A_1029 = tpu.vector_load %arg13[%get3A_1027, %get3A_1028] {strides = array<i32>} : memref<128x128xf32, #tpu.memory_space<vmem>>, vector<16xf32>,
        %mul3A_1030 = arith.mulf %get3A_1029, %broadcast_in_dim3A_1015 : vector<16xf32>
        %swap3A_1031 = arith.index_cast %add3A_1019 : i32 to index
        %swap3A_1032 = arith.constant 16 : index
        %swap3A_1033 = tpu.vector_load %arg13[%swap3A_1031, %swap3A_1032] {strides = array<i32>} : memref<128x128xf32, #tpu.memory_space<vmem>>, vector<16xf32>,
        tpu.vector_store %arg13[%swap3A_1031, %swap3A_1032], %mul3A_1030 {strides = array<i32>} : memref<128x128xf32, #tpu.memory_space<vmem>>, vector<16xf32>,
        %get3A_1034 = arith.index_cast %add3A_1019 : i32 to index
        %get3A_1035 = arith.constant 32 : index
        %get3A_1036 = tpu.vector_load %arg13[%get3A_1034, %get3A_1035] {strides = array<i32>} : memref<128x128xf32, #tpu.memory_space<vmem>>, vector<16xf32>,
        %mul3A_1037 = arith.mulf %get3A_1036, %broadcast_in_dim3A_1015 : vector<16xf32>
        %swap3A_1038 = arith.index_cast %add3A_1019 : i32 to index
        %swap3A_1039 = arith.constant 32 : index
        %swap3A_1040 = tpu.vector_load %arg13[%swap3A_1038, %swap3A_1039] {strides = array<i32>} : memref<128x128xf32, #tpu.memory_space<vmem>>, vector<16xf32>,
        tpu.vector_store %arg13[%swap3A_1038, %swap3A_1039], %mul3A_1037 {strides = array<i32>} : memref<128x128xf32, #tpu.memory_space<vmem>>, vector<16xf32>,
        %get3A_1041 = arith.index_cast %add3A_1019 : i32 to index
        %get3A_1042 = arith.constant 48 : index
        %get3A_1043 = tpu.vector_load %arg13[%get3A_1041, %get3A_1042] {strides = array<i32>} : memref<128x128xf32, #tpu.memory_space<vmem>>, vector<16xf32>,
        %mul3A_1044 = arith.mulf %get3A_1043, %broadcast_in_dim3A_1015 : vector<16xf32>
        %swap3A_1045 = arith.index_cast %add3A_1019 : i32 to index
        %swap3A_1046 = arith.constant 48 : index
        %swap3A_1047 = tpu.vector_load %arg13[%swap3A_1045, %swap3A_1046] {strides = array<i32>} : memref<128x128xf32, #tpu.memory_space<vmem>>, vector<16xf32>,
        tpu.vector_store %arg13[%swap3A_1045, %swap3A_1046], %mul3A_1044 {strides = array<i32>} : memref<128x128xf32, #tpu.memory_space<vmem>>, vector<16xf32>,
        %get3A_1048 = arith.index_cast %add3A_1019 : i32 to index
        %get3A_1049 = arith.constant 64 : index
        %get3A_1050 = tpu.vector_load %arg13[%get3A_1048, %get3A_1049] {strides = array<i32>} : memref<128x128xf32, #tpu.memory_space<vmem>>, vector<16xf32>,
        %mul3A_1051 = arith.mulf %get3A_1050, %broadcast_in_dim3A_1015 : vector<16xf32>
        %swap3A_1052 = arith.index_cast %add3A_1019 : i32 to index
        %swap3A_1053 = arith.constant 64 : index
        %swap3A_1054 = tpu.vector_load %arg13[%swap3A_1052, %swap3A_1053] {strides = array<i32>} : memref<128x128xf32, #tpu.memory_space<vmem>>, vector<16xf32>,
        tpu.vector_store %arg13[%swap3A_1052, %swap3A_1053], %mul3A_1051 {strides = array<i32>} : memref<128x128xf32, #tpu.memory_space<vmem>>, vector<16xf32>,
        %get3A_1055 = arith.index_cast %add3A_1019 : i32 to index
        %get3A_1056 = arith.constant 80 : index
        %get3A_1057 = tpu.vector_load %arg13[%get3A_1055, %get3A_1056] {strides = array<i32>} : memref<128x128xf32, #tpu.memory_space<vmem>>, vector<16xf32>,
        %mul3A_1058 = arith.mulf %get3A_1057, %broadcast_in_dim3A_1015 : vector<16xf32>
        %swap3A_1059 = arith.index_cast %add3A_1019 : i32 to index
        %swap3A_1060 = arith.constant 80 : index
        %swap3A_1061 = tpu.vector_load %arg13[%swap3A_1059, %swap3A_1060] {strides = array<i32>} : memref<128x128xf32, #tpu.memory_space<vmem>>, vector<16xf32>,
        tpu.vector_store %arg13[%swap3A_1059, %swap3A_1060], %mul3A_1058 {strides = array<i32>} : memref<128x128xf32, #tpu.memory_space<vmem>>, vector<16xf32>,
        %get3A_1062 = arith.index_cast %add3A_1019 : i32 to index
        %get3A_1063 = arith.constant 96 : index
        %get3A_1064 = tpu.vector_load %arg13[%get3A_1062, %get3A_1063] {strides = array<i32>} : memref<128x128xf32, #tpu.memory_space<vmem>>, vector<16xf32>,
        %mul3A_1065 = arith.mulf %get3A_1064, %broadcast_in_dim3A_1015 : vector<16xf32>
        %swap3A_1066 = arith.index_cast %add3A_1019 : i32 to index
        %swap3A_1067 = arith.constant 96 : index
        %swap3A_1068 = tpu.vector_load %arg13[%swap3A_1066, %swap3A_1067] {strides = array<i32>} : memref<128x128xf32, #tpu.memory_space<vmem>>, vector<16xf32>,
        tpu.vector_store %arg13[%swap3A_1066, %swap3A_1067], %mul3A_1065 {strides = array<i32>} : memref<128x128xf32, #tpu.memory_space<vmem>>, vector<16xf32>,
        %get3A_1069 = arith.index_cast %add3A_1019 : i32 to index
        %get3A_1070 = arith.constant 112 : index
        %get3A_1071 = tpu.vector_load %arg13[%get3A_1069, %get3A_1070] {strides = array<i32>} : memref<128x128xf32, #tpu.memory_space<vmem>>, vector<16xf32>,
        %mul3A_1072 = arith.mulf %get3A_1071, %broadcast_in_dim3A_1015 : vector<16xf32>
        %swap3A_1073 = arith.index_cast %add3A_1019 : i32 to index
        %swap3A_1074 = arith.constant 112 : index
        %swap3A_1075 = tpu.vector_load %arg13[%swap3A_1073, %swap3A_1074] {strides = array<i32>} : memref<128x128xf32, #tpu.memory_space<vmem>>, vector<16xf32>,
        tpu.vector_store %arg13[%swap3A_1073, %swap3A_1074], %mul3A_1072 {strides = array<i32>} : memref<128x128xf32, #tpu.memory_space<vmem>>, vector<16xf32>,
        %slice3A_1076 = vector.extract_strided_slice %exp3A {offsets = [15], sizes = [1], strides = [1]} : vector<16xf32> to vector<1xf32>
        %squeeze3A_1077 = vector.extract %slice3A_1076[0] : f32 from vector<1xf32>
        %broadcast_in_dim3A_1078 = vector.broadcast %squeeze3A_1077 : f32 to vector<16xf32>
        %mul3A_1079 = arith.constant 16 : i32
        %mul3A_1080 = arith.muli %scan3A_122, %mul3A_1079 : i32
        %add3A_1081 = arith.constant 15 : i32
        %add3A_1082 = arith.addi %mul3A_1080, %add3A_1081 : i32
        %get3A_1083 = arith.index_cast %add3A_1082 : i32 to index
        %get3A_1084 = arith.constant 0 : index
        %get3A_1085 = tpu.vector_load %arg13[%get3A_1083, %get3A_1084] {strides = array<i32>} : memref<128x128xf32, #tpu.memory_space<vmem>>, vector<16xf32>,
        %mul3A_1086 = arith.mulf %get3A_1085, %broadcast_in_dim3A_1078 : vector<16xf32>
        %swap3A_1087 = arith.index_cast %add3A_1082 : i32 to index
        %swap3A_1088 = arith.constant 0 : index
        %swap3A_1089 = tpu.vector_load %arg13[%swap3A_1087, %swap3A_1088] {strides = array<i32>} : memref<128x128xf32, #tpu.memory_space<vmem>>, vector<16xf32>,
        tpu.vector_store %arg13[%swap3A_1087, %swap3A_1088], %mul3A_1086 {strides = array<i32>} : memref<128x128xf32, #tpu.memory_space<vmem>>, vector<16xf32>,
        %get3A_1090 = arith.index_cast %add3A_1082 : i32 to index
        %get3A_1091 = arith.constant 16 : index
        %get3A_1092 = tpu.vector_load %arg13[%get3A_1090, %get3A_1091] {strides = array<i32>} : memref<128x128xf32, #tpu.memory_space<vmem>>, vector<16xf32>,
        %mul3A_1093 = arith.mulf %get3A_1092, %broadcast_in_dim3A_1078 : vector<16xf32>
        %swap3A_1094 = arith.index_cast %add3A_1082 : i32 to index
        %swap3A_1095 = arith.constant 16 : index
        %swap3A_1096 = tpu.vector_load %arg13[%swap3A_1094, %swap3A_1095] {strides = array<i32>} : memref<128x128xf32, #tpu.memory_space<vmem>>, vector<16xf32>,
        tpu.vector_store %arg13[%swap3A_1094, %swap3A_1095], %mul3A_1093 {strides = array<i32>} : memref<128x128xf32, #tpu.memory_space<vmem>>, vector<16xf32>,
        %get3A_1097 = arith.index_cast %add3A_1082 : i32 to index
        %get3A_1098 = arith.constant 32 : index
        %get3A_1099 = tpu.vector_load %arg13[%get3A_1097, %get3A_1098] {strides = array<i32>} : memref<128x128xf32, #tpu.memory_space<vmem>>, vector<16xf32>,
        %mul3A_1100 = arith.mulf %get3A_1099, %broadcast_in_dim3A_1078 : vector<16xf32>
        %swap3A_1101 = arith.index_cast %add3A_1082 : i32 to index
        %swap3A_1102 = arith.constant 32 : index
        %swap3A_1103 = tpu.vector_load %arg13[%swap3A_1101, %swap3A_1102] {strides = array<i32>} : memref<128x128xf32, #tpu.memory_space<vmem>>, vector<16xf32>,
        tpu.vector_store %arg13[%swap3A_1101, %swap3A_1102], %mul3A_1100 {strides = array<i32>} : memref<128x128xf32, #tpu.memory_space<vmem>>, vector<16xf32>,
        %get3A_1104 = arith.index_cast %add3A_1082 : i32 to index
        %get3A_1105 = arith.constant 48 : index
        %get3A_1106 = tpu.vector_load %arg13[%get3A_1104, %get3A_1105] {strides = array<i32>} : memref<128x128xf32, #tpu.memory_space<vmem>>, vector<16xf32>,
        %mul3A_1107 = arith.mulf %get3A_1106, %broadcast_in_dim3A_1078 : vector<16xf32>
        %swap3A_1108 = arith.index_cast %add3A_1082 : i32 to index
        %swap3A_1109 = arith.constant 48 : index
        %swap3A_1110 = tpu.vector_load %arg13[%swap3A_1108, %swap3A_1109] {strides = array<i32>} : memref<128x128xf32, #tpu.memory_space<vmem>>, vector<16xf32>,
        tpu.vector_store %arg13[%swap3A_1108, %swap3A_1109], %mul3A_1107 {strides = array<i32>} : memref<128x128xf32, #tpu.memory_space<vmem>>, vector<16xf32>,
        %get3A_1111 = arith.index_cast %add3A_1082 : i32 to index
        %get3A_1112 = arith.constant 64 : index
        %get3A_1113 = tpu.vector_load %arg13[%get3A_1111, %get3A_1112] {strides = array<i32>} : memref<128x128xf32, #tpu.memory_space<vmem>>, vector<16xf32>,
        %mul3A_1114 = arith.mulf %get3A_1113, %broadcast_in_dim3A_1078 : vector<16xf32>
        %swap3A_1115 = arith.index_cast %add3A_1082 : i32 to index
        %swap3A_1116 = arith.constant 64 : index
        %swap3A_1117 = tpu.vector_load %arg13[%swap3A_1115, %swap3A_1116] {strides = array<i32>} : memref<128x128xf32, #tpu.memory_space<vmem>>, vector<16xf32>,
        tpu.vector_store %arg13[%swap3A_1115, %swap3A_1116], %mul3A_1114 {strides = array<i32>} : memref<128x128xf32, #tpu.memory_space<vmem>>, vector<16xf32>,
        %get3A_1118 = arith.index_cast %add3A_1082 : i32 to index
        %get3A_1119 = arith.constant 80 : index
        %get3A_1120 = tpu.vector_load %arg13[%get3A_1118, %get3A_1119] {strides = array<i32>} : memref<128x128xf32, #tpu.memory_space<vmem>>, vector<16xf32>,
        %mul3A_1121 = arith.mulf %get3A_1120, %broadcast_in_dim3A_1078 : vector<16xf32>
        %swap3A_1122 = arith.index_cast %add3A_1082 : i32 to index
        %swap3A_1123 = arith.constant 80 : index
        %swap3A_1124 = tpu.vector_load %arg13[%swap3A_1122, %swap3A_1123] {strides = array<i32>} : memref<128x128xf32, #tpu.memory_space<vmem>>, vector<16xf32>,
        tpu.vector_store %arg13[%swap3A_1122, %swap3A_1123], %mul3A_1121 {strides = array<i32>} : memref<128x128xf32, #tpu.memory_space<vmem>>, vector<16xf32>,
        %get3A_1125 = arith.index_cast %add3A_1082 : i32 to index
        %get3A_1126 = arith.constant 96 : index
        %get3A_1127 = tpu.vector_load %arg13[%get3A_1125, %get3A_1126] {strides = array<i32>} : memref<128x128xf32, #tpu.memory_space<vmem>>, vector<16xf32>,
        %mul3A_1128 = arith.mulf %get3A_1127, %broadcast_in_dim3A_1078 : vector<16xf32>
        %swap3A_1129 = arith.index_cast %add3A_1082 : i32 to index
        %swap3A_1130 = arith.constant 96 : index
        %swap3A_1131 = tpu.vector_load %arg13[%swap3A_1129, %swap3A_1130] {strides = array<i32>} : memref<128x128xf32, #tpu.memory_space<vmem>>, vector<16xf32>,
        tpu.vector_store %arg13[%swap3A_1129, %swap3A_1130], %mul3A_1128 {strides = array<i32>} : memref<128x128xf32, #tpu.memory_space<vmem>>, vector<16xf32>,
        %get3A_1132 = arith.index_cast %add3A_1082 : i32 to index
        %get3A_1133 = arith.constant 112 : index
        %get3A_1134 = tpu.vector_load %arg13[%get3A_1132, %get3A_1133] {strides = array<i32>} : memref<128x128xf32, #tpu.memory_space<vmem>>, vector<16xf32>,
        %mul3A_1135 = arith.mulf %get3A_1134, %broadcast_in_dim3A_1078 : vector<16xf32>
        %swap3A_1136 = arith.index_cast %add3A_1082 : i32 to index
        %swap3A_1137 = arith.constant 112 : index
        %swap3A_1138 = tpu.vector_load %arg13[%swap3A_1136, %swap3A_1137] {strides = array<i32>} : memref<128x128xf32, #tpu.memory_space<vmem>>, vector<16xf32>,
        tpu.vector_store %arg13[%swap3A_1136, %swap3A_1137], %mul3A_1135 {strides = array<i32>} : memref<128x128xf32, #tpu.memory_space<vmem>>, vector<16xf32>,
      }
      %scan3A_92 = arith.constant 8 : i32
      %dma_start3A_93 = arith.constant 0 : i32
      %dma_start3A_94 = arith.constant 0 : i32
      %dma_start3A_95 = tpu.memref_slice %arg22[%dma_start3A_93, %dma_start3A_94] : memref<10240x128xf32, #tpu.memory_space<vmem_shared>> -> memref<10240x128xf32, #tpu.memory_space<vmem_shared>>
      tpu.enqueue_indirect_dma source(%arg13 : memref<128x128xf32, #tpu.memory_space<vmem>>) target(%dma_start3A_95 : memref<10240x128xf32, #tpu.memory_space<vmem_shared>>) offsets(%arg9 : memref<128xi32, #tpu.memory_space<vmem>>) semaphore(%arg26 : memref<!tpu.dma_semaphore, #tpu.memory_space<semaphore_mem>>) {add = true}
      %dma_start3A_96 = arith.constant 0 : i32
      %dma_start3A_97 = tpu.memref_slice %arg23[%dma_start3A_96] : memref<10240xf32, #tpu.memory_space<vmem_shared>> -> memref<10240xf32, #tpu.memory_space<vmem_shared>>
      tpu.enqueue_indirect_dma source(%arg19 : memref<128xf32, #tpu.memory_space<vmem>>) target(%dma_start3A_97 : memref<10240xf32, #tpu.memory_space<vmem_shared>>) offsets(%arg9 : memref<128xi32, #tpu.memory_space<vmem>>) semaphore(%arg26 : memref<!tpu.dma_semaphore, #tpu.memory_space<semaphore_mem>>) {add = true}
      %dma_wait3A_98 = arith.constant 0 : i32
      %dma_wait3A_99 = arith.constant 0 : i32
      %dma_wait3A_100 = tpu.memref_slice %arg2[%dma_wait3A_98, %dma_wait3A_99] : memref<10240x128xf32, #tpu.memory_space<hbm>> -> memref<10240x128xf32, #tpu.memory_space<hbm>>
      tpu.wait_indirect_dma semaphore(%arg25 : memref<!tpu.dma_semaphore, #tpu.memory_space<semaphore_mem>>) src(%dma_wait3A_100 : memref<10240x128xf32, #tpu.memory_space<hbm>>) dst(%arg14 : memref<128x128xf32, #tpu.memory_space<vmem>>)
      %dma_wait3A_101 = arith.constant 0 : i32
      %dma_wait3A_102 = tpu.memref_slice %arg3[%dma_wait3A_101] : memref<10240xf32, #tpu.memory_space<hbm>> -> memref<10240xf32, #tpu.memory_space<hbm>>
      tpu.wait_indirect_dma semaphore(%arg25 : memref<!tpu.dma_semaphore, #tpu.memory_space<semaphore_mem>>) src(%dma_wait3A_102 : memref<10240xf32, #tpu.memory_space<hbm>>) dst(%arg16 : memref<128xf32, #tpu.memory_space<vmem>>)
      %dma_wait3A_103 = arith.constant 0 : i32
      %dma_wait3A_104 = tpu.memref_slice %arg4[%dma_wait3A_103] : memref<10240xf32, #tpu.memory_space<hbm>> -> memref<10240xf32, #tpu.memory_space<hbm>>
      tpu.wait_indirect_dma semaphore(%arg25 : memref<!tpu.dma_semaphore, #tpu.memory_space<semaphore_mem>>) src(%dma_wait3A_104 : memref<10240xf32, #tpu.memory_space<hbm>>) dst(%arg18 : memref<128xf32, #tpu.memory_space<vmem>>)
      %scan3A_105 = arith.constant 0 : i32
      %scan3A_106 = arith.constant 0 : i32
      %scan3A_107 = arith.constant 8 : i32
      %scan3A_108 = arith.addi %scan3A_106, %scan3A_107 : i32
      %scan3A_109 = arith.constant 1 : i32
      scf.for %scan3A_122 = %scan3A_106 to %scan3A_108 step %scan3A_109  : i32 {
        %mul3A_123 = arith.constant 16 : i32
        %mul3A_124 = arith.muli %scan3A_122, %mul3A_123 : i32
        %get3A = arith.index_cast %mul3A_124 : i32 to index
        %get3A_125 = tpu.vector_load %arg16[%get3A] {strides = array<i32>} : memref<128xf32, #tpu.memory_space<vmem>>, vector<16xf32>,
        %get3A_126 = arith.index_cast %mul3A_124 : i32 to index
        %get3A_127 = tpu.vector_load %arg18[%get3A_126] {strides = array<i32>} : memref<128xf32, #tpu.memory_space<vmem>>, vector<16xf32>,
        %add3A_128 = arith.addf %get3A_125, %get3A_127 : vector<16xf32>
        %mul3A_129 = arith.constant 1.000000e-01 : f32
        %mul3A_130 = vector.broadcast %mul3A_129 : f32 to vector<16xf32>
        %mul3A_131 = arith.mulf %add3A_128, %mul3A_130 : vector<16xf32>
        %max3A = arith.maximumf %add3A_128, %mul3A_131 : vector<16xf32>
        %exp3A = math.exp %max3A : vector<16xf32>
        %swap3A = arith.index_cast %mul3A_124 : i32 to index
        %swap3A_132 = tpu.vector_load %arg20[%swap3A] {strides = array<i32>} : memref<128xf32, #tpu.memory_space<vmem>>, vector<16xf32>,
        tpu.vector_store %arg20[%swap3A], %exp3A {strides = array<i32>} : memref<128xf32, #tpu.memory_space<vmem>>, vector<16xf32>,
        %slice3A = vector.extract_strided_slice %exp3A {offsets = [0], sizes = [1], strides = [1]} : vector<16xf32> to vector<1xf32>
        %squeeze3A = vector.extract %slice3A[0] : f32 from vector<1xf32>
        %broadcast_in_dim3A_133 = vector.broadcast %squeeze3A : f32 to vector<16xf32>
        %mul3A_134 = arith.constant 16 : i32
        %mul3A_135 = arith.muli %scan3A_122, %mul3A_134 : i32
        %add3A_136 = arith.constant 0 : i32
        %add3A_137 = arith.addi %mul3A_135, %add3A_136 : i32
        %get3A_138 = arith.index_cast %add3A_137 : i32 to index
        %get3A_139 = arith.constant 0 : index
        %get3A_140 = tpu.vector_load %arg14[%get3A_138, %get3A_139] {strides = array<i32>} : memref<128x128xf32, #tpu.memory_space<vmem>>, vector<16xf32>,
        %mul3A_141 = arith.mulf %get3A_140, %broadcast_in_dim3A_133 : vector<16xf32>
        %swap3A_142 = arith.index_cast %add3A_137 : i32 to index
        %swap3A_143 = arith.constant 0 : index
        %swap3A_144 = tpu.vector_load %arg14[%swap3A_142, %swap3A_143] {strides = array<i32>} : memref<128x128xf32, #tpu.memory_space<vmem>>, vector<16xf32>,
        tpu.vector_store %arg14[%swap3A_142, %swap3A_143], %mul3A_141 {strides = array<i32>} : memref<128x128xf32, #tpu.memory_space<vmem>>, vector<16xf32>,
        %get3A_145 = arith.index_cast %add3A_137 : i32 to index
        %get3A_146 = arith.constant 16 : index
        %get3A_147 = tpu.vector_load %arg14[%get3A_145, %get3A_146] {strides = array<i32>} : memref<128x128xf32, #tpu.memory_space<vmem>>, vector<16xf32>,
        %mul3A_148 = arith.mulf %get3A_147, %broadcast_in_dim3A_133 : vector<16xf32>
        %swap3A_149 = arith.index_cast %add3A_137 : i32 to index
        %swap3A_150 = arith.constant 16 : index
        %swap3A_151 = tpu.vector_load %arg14[%swap3A_149, %swap3A_150] {strides = array<i32>} : memref<128x128xf32, #tpu.memory_space<vmem>>, vector<16xf32>,
        tpu.vector_store %arg14[%swap3A_149, %swap3A_150], %mul3A_148 {strides = array<i32>} : memref<128x128xf32, #tpu.memory_space<vmem>>, vector<16xf32>,
        %get3A_152 = arith.index_cast %add3A_137 : i32 to index
        %get3A_153 = arith.constant 32 : index
        %get3A_154 = tpu.vector_load %arg14[%get3A_152, %get3A_153] {strides = array<i32>} : memref<128x128xf32, #tpu.memory_space<vmem>>, vector<16xf32>,
        %mul3A_155 = arith.mulf %get3A_154, %broadcast_in_dim3A_133 : vector<16xf32>
        %swap3A_156 = arith.index_cast %add3A_137 : i32 to index
        %swap3A_157 = arith.constant 32 : index
        %swap3A_158 = tpu.vector_load %arg14[%swap3A_156, %swap3A_157] {strides = array<i32>} : memref<128x128xf32, #tpu.memory_space<vmem>>, vector<16xf32>,
        tpu.vector_store %arg14[%swap3A_156, %swap3A_157], %mul3A_155 {strides = array<i32>} : memref<128x128xf32, #tpu.memory_space<vmem>>, vector<16xf32>,
        %get3A_159 = arith.index_cast %add3A_137 : i32 to index
        %get3A_160 = arith.constant 48 : index
        %get3A_161 = tpu.vector_load %arg14[%get3A_159, %get3A_160] {strides = array<i32>} : memref<128x128xf32, #tpu.memory_space<vmem>>, vector<16xf32>,
        %mul3A_162 = arith.mulf %get3A_161, %broadcast_in_dim3A_133 : vector<16xf32>
        %swap3A_163 = arith.index_cast %add3A_137 : i32 to index
        %swap3A_164 = arith.constant 48 : index
        %swap3A_165 = tpu.vector_load %arg14[%swap3A_163, %swap3A_164] {strides = array<i32>} : memref<128x128xf32, #tpu.memory_space<vmem>>, vector<16xf32>,
        tpu.vector_store %arg14[%swap3A_163, %swap3A_164], %mul3A_162 {strides = array<i32>} : memref<128x128xf32, #tpu.memory_space<vmem>>, vector<16xf32>,
        %get3A_166 = arith.index_cast %add3A_137 : i32 to index
        %get3A_167 = arith.constant 64 : index
        %get3A_168 = tpu.vector_load %arg14[%get3A_166, %get3A_167] {strides = array<i32>} : memref<128x128xf32, #tpu.memory_space<vmem>>, vector<16xf32>,
        %mul3A_169 = arith.mulf %get3A_168, %broadcast_in_dim3A_133 : vector<16xf32>
        %swap3A_170 = arith.index_cast %add3A_137 : i32 to index
        %swap3A_171 = arith.constant 64 : index
        %swap3A_172 = tpu.vector_load %arg14[%swap3A_170, %swap3A_171] {strides = array<i32>} : memref<128x128xf32, #tpu.memory_space<vmem>>, vector<16xf32>,
        tpu.vector_store %arg14[%swap3A_170, %swap3A_171], %mul3A_169 {strides = array<i32>} : memref<128x128xf32, #tpu.memory_space<vmem>>, vector<16xf32>,
        %get3A_173 = arith.index_cast %add3A_137 : i32 to index
        %get3A_174 = arith.constant 80 : index
        %get3A_175 = tpu.vector_load %arg14[%get3A_173, %get3A_174] {strides = array<i32>} : memref<128x128xf32, #tpu.memory_space<vmem>>, vector<16xf32>,
        %mul3A_176 = arith.mulf %get3A_175, %broadcast_in_dim3A_133 : vector<16xf32>
        %swap3A_177 = arith.index_cast %add3A_137 : i32 to index
        %swap3A_178 = arith.constant 80 : index
        %swap3A_179 = tpu.vector_load %arg14[%swap3A_177, %swap3A_178] {strides = array<i32>} : memref<128x128xf32, #tpu.memory_space<vmem>>, vector<16xf32>,
        tpu.vector_store %arg14[%swap3A_177, %swap3A_178], %mul3A_176 {strides = array<i32>} : memref<128x128xf32, #tpu.memory_space<vmem>>, vector<16xf32>,
        %get3A_180 = arith.index_cast %add3A_137 : i32 to index
        %get3A_181 = arith.constant 96 : index
        %get3A_182 = tpu.vector_load %arg14[%get3A_180, %get3A_181] {strides = array<i32>} : memref<128x128xf32, #tpu.memory_space<vmem>>, vector<16xf32>,
        %mul3A_183 = arith.mulf %get3A_182, %broadcast_in_dim3A_133 : vector<16xf32>
        %swap3A_184 = arith.index_cast %add3A_137 : i32 to index
        %swap3A_185 = arith.constant 96 : index
        %swap3A_186 = tpu.vector_load %arg14[%swap3A_184, %swap3A_185] {strides = array<i32>} : memref<128x128xf32, #tpu.memory_space<vmem>>, vector<16xf32>,
        tpu.vector_store %arg14[%swap3A_184, %swap3A_185], %mul3A_183 {strides = array<i32>} : memref<128x128xf32, #tpu.memory_space<vmem>>, vector<16xf32>,
        %get3A_187 = arith.index_cast %add3A_137 : i32 to index
        %get3A_188 = arith.constant 112 : index
        %get3A_189 = tpu.vector_load %arg14[%get3A_187, %get3A_188] {strides = array<i32>} : memref<128x128xf32, #tpu.memory_space<vmem>>, vector<16xf32>,
        %mul3A_190 = arith.mulf %get3A_189, %broadcast_in_dim3A_133 : vector<16xf32>
        %swap3A_191 = arith.index_cast %add3A_137 : i32 to index
        %swap3A_192 = arith.constant 112 : index
        %swap3A_193 = tpu.vector_load %arg14[%swap3A_191, %swap3A_192] {strides = array<i32>} : memref<128x128xf32, #tpu.memory_space<vmem>>, vector<16xf32>,
        tpu.vector_store %arg14[%swap3A_191, %swap3A_192], %mul3A_190 {strides = array<i32>} : memref<128x128xf32, #tpu.memory_space<vmem>>, vector<16xf32>,
        %slice3A_194 = vector.extract_strided_slice %exp3A {offsets = [1], sizes = [1], strides = [1]} : vector<16xf32> to vector<1xf32>
        %squeeze3A_195 = vector.extract %slice3A_194[0] : f32 from vector<1xf32>
        %broadcast_in_dim3A_196 = vector.broadcast %squeeze3A_195 : f32 to vector<16xf32>
        %mul3A_197 = arith.constant 16 : i32
        %mul3A_198 = arith.muli %scan3A_122, %mul3A_197 : i32
        %add3A_199 = arith.constant 1 : i32
        %add3A_200 = arith.addi %mul3A_198, %add3A_199 : i32
        %get3A_201 = arith.index_cast %add3A_200 : i32 to index
        %get3A_202 = arith.constant 0 : index
        %get3A_203 = tpu.vector_load %arg14[%get3A_201, %get3A_202] {strides = array<i32>} : memref<128x128xf32, #tpu.memory_space<vmem>>, vector<16xf32>,
        %mul3A_204 = arith.mulf %get3A_203, %broadcast_in_dim3A_196 : vector<16xf32>
        %swap3A_205 = arith.index_cast %add3A_200 : i32 to index
        %swap3A_206 = arith.constant 0 : index
        %swap3A_207 = tpu.vector_load %arg14[%swap3A_205, %swap3A_206] {strides = array<i32>} : memref<128x128xf32, #tpu.memory_space<vmem>>, vector<16xf32>,
        tpu.vector_store %arg14[%swap3A_205, %swap3A_206], %mul3A_204 {strides = array<i32>} : memref<128x128xf32, #tpu.memory_space<vmem>>, vector<16xf32>,
        %get3A_208 = arith.index_cast %add3A_200 : i32 to index
        %get3A_209 = arith.constant 16 : index
        %get3A_210 = tpu.vector_load %arg14[%get3A_208, %get3A_209] {strides = array<i32>} : memref<128x128xf32, #tpu.memory_space<vmem>>, vector<16xf32>,
        %mul3A_211 = arith.mulf %get3A_210, %broadcast_in_dim3A_196 : vector<16xf32>
        %swap3A_212 = arith.index_cast %add3A_200 : i32 to index
        %swap3A_213 = arith.constant 16 : index
        %swap3A_214 = tpu.vector_load %arg14[%swap3A_212, %swap3A_213] {strides = array<i32>} : memref<128x128xf32, #tpu.memory_space<vmem>>, vector<16xf32>,
        tpu.vector_store %arg14[%swap3A_212, %swap3A_213], %mul3A_211 {strides = array<i32>} : memref<128x128xf32, #tpu.memory_space<vmem>>, vector<16xf32>,
        %get3A_215 = arith.index_cast %add3A_200 : i32 to index
        %get3A_216 = arith.constant 32 : index
        %get3A_217 = tpu.vector_load %arg14[%get3A_215, %get3A_216] {strides = array<i32>} : memref<128x128xf32, #tpu.memory_space<vmem>>, vector<16xf32>,
        %mul3A_218 = arith.mulf %get3A_217, %broadcast_in_dim3A_196 : vector<16xf32>
        %swap3A_219 = arith.index_cast %add3A_200 : i32 to index
        %swap3A_220 = arith.constant 32 : index
        %swap3A_221 = tpu.vector_load %arg14[%swap3A_219, %swap3A_220] {strides = array<i32>} : memref<128x128xf32, #tpu.memory_space<vmem>>, vector<16xf32>,
        tpu.vector_store %arg14[%swap3A_219, %swap3A_220], %mul3A_218 {strides = array<i32>} : memref<128x128xf32, #tpu.memory_space<vmem>>, vector<16xf32>,
        %get3A_222 = arith.index_cast %add3A_200 : i32 to index
        %get3A_223 = arith.constant 48 : index
        %get3A_224 = tpu.vector_load %arg14[%get3A_222, %get3A_223] {strides = array<i32>} : memref<128x128xf32, #tpu.memory_space<vmem>>, vector<16xf32>,
        %mul3A_225 = arith.mulf %get3A_224, %broadcast_in_dim3A_196 : vector<16xf32>
        %swap3A_226 = arith.index_cast %add3A_200 : i32 to index
        %swap3A_227 = arith.constant 48 : index
        %swap3A_228 = tpu.vector_load %arg14[%swap3A_226, %swap3A_227] {strides = array<i32>} : memref<128x128xf32, #tpu.memory_space<vmem>>, vector<16xf32>,
        tpu.vector_store %arg14[%swap3A_226, %swap3A_227], %mul3A_225 {strides = array<i32>} : memref<128x128xf32, #tpu.memory_space<vmem>>, vector<16xf32>,
        %get3A_229 = arith.index_cast %add3A_200 : i32 to index
        %get3A_230 = arith.constant 64 : index
        %get3A_231 = tpu.vector_load %arg14[%get3A_229, %get3A_230] {strides = array<i32>} : memref<128x128xf32, #tpu.memory_space<vmem>>, vector<16xf32>,
        %mul3A_232 = arith.mulf %get3A_231, %broadcast_in_dim3A_196 : vector<16xf32>
        %swap3A_233 = arith.index_cast %add3A_200 : i32 to index
        %swap3A_234 = arith.constant 64 : index
        %swap3A_235 = tpu.vector_load %arg14[%swap3A_233, %swap3A_234] {strides = array<i32>} : memref<128x128xf32, #tpu.memory_space<vmem>>, vector<16xf32>,
        tpu.vector_store %arg14[%swap3A_233, %swap3A_234], %mul3A_232 {strides = array<i32>} : memref<128x128xf32, #tpu.memory_space<vmem>>, vector<16xf32>,
        %get3A_236 = arith.index_cast %add3A_200 : i32 to index
        %get3A_237 = arith.constant 80 : index
        %get3A_238 = tpu.vector_load %arg14[%get3A_236, %get3A_237] {strides = array<i32>} : memref<128x128xf32, #tpu.memory_space<vmem>>, vector<16xf32>,
        %mul3A_239 = arith.mulf %get3A_238, %broadcast_in_dim3A_196 : vector<16xf32>
        %swap3A_240 = arith.index_cast %add3A_200 : i32 to index
        %swap3A_241 = arith.constant 80 : index
        %swap3A_242 = tpu.vector_load %arg14[%swap3A_240, %swap3A_241] {strides = array<i32>} : memref<128x128xf32, #tpu.memory_space<vmem>>, vector<16xf32>,
        tpu.vector_store %arg14[%swap3A_240, %swap3A_241], %mul3A_239 {strides = array<i32>} : memref<128x128xf32, #tpu.memory_space<vmem>>, vector<16xf32>,
        %get3A_243 = arith.index_cast %add3A_200 : i32 to index
        %get3A_244 = arith.constant 96 : index
        %get3A_245 = tpu.vector_load %arg14[%get3A_243, %get3A_244] {strides = array<i32>} : memref<128x128xf32, #tpu.memory_space<vmem>>, vector<16xf32>,
        %mul3A_246 = arith.mulf %get3A_245, %broadcast_in_dim3A_196 : vector<16xf32>
        %swap3A_247 = arith.index_cast %add3A_200 : i32 to index
        %swap3A_248 = arith.constant 96 : index
        %swap3A_249 = tpu.vector_load %arg14[%swap3A_247, %swap3A_248] {strides = array<i32>} : memref<128x128xf32, #tpu.memory_space<vmem>>, vector<16xf32>,
        tpu.vector_store %arg14[%swap3A_247, %swap3A_248], %mul3A_246 {strides = array<i32>} : memref<128x128xf32, #tpu.memory_space<vmem>>, vector<16xf32>,
        %get3A_250 = arith.index_cast %add3A_200 : i32 to index
        %get3A_251 = arith.constant 112 : index
        %get3A_252 = tpu.vector_load %arg14[%get3A_250, %get3A_251] {strides = array<i32>} : memref<128x128xf32, #tpu.memory_space<vmem>>, vector<16xf32>,
        %mul3A_253 = arith.mulf %get3A_252, %broadcast_in_dim3A_196 : vector<16xf32>
        %swap3A_254 = arith.index_cast %add3A_200 : i32 to index
        %swap3A_255 = arith.constant 112 : index
        %swap3A_256 = tpu.vector_load %arg14[%swap3A_254, %swap3A_255] {strides = array<i32>} : memref<128x128xf32, #tpu.memory_space<vmem>>, vector<16xf32>,
        tpu.vector_store %arg14[%swap3A_254, %swap3A_255], %mul3A_253 {strides = array<i32>} : memref<128x128xf32, #tpu.memory_space<vmem>>, vector<16xf32>,
        %slice3A_257 = vector.extract_strided_slice %exp3A {offsets = [2], sizes = [1], strides = [1]} : vector<16xf32> to vector<1xf32>
        %squeeze3A_258 = vector.extract %slice3A_257[0] : f32 from vector<1xf32>
        %broadcast_in_dim3A_259 = vector.broadcast %squeeze3A_258 : f32 to vector<16xf32>
        %mul3A_260 = arith.constant 16 : i32
        %mul3A_261 = arith.muli %scan3A_122, %mul3A_260 : i32
        %add3A_262 = arith.constant 2 : i32
        %add3A_263 = arith.addi %mul3A_261, %add3A_262 : i32
        %get3A_264 = arith.index_cast %add3A_263 : i32 to index
        %get3A_265 = arith.constant 0 : index
        %get3A_266 = tpu.vector_load %arg14[%get3A_264, %get3A_265] {strides = array<i32>} : memref<128x128xf32, #tpu.memory_space<vmem>>, vector<16xf32>,
        %mul3A_267 = arith.mulf %get3A_266, %broadcast_in_dim3A_259 : vector<16xf32>
        %swap3A_268 = arith.index_cast %add3A_263 : i32 to index
        %swap3A_269 = arith.constant 0 : index
        %swap3A_270 = tpu.vector_load %arg14[%swap3A_268, %swap3A_269] {strides = array<i32>} : memref<128x128xf32, #tpu.memory_space<vmem>>, vector<16xf32>,
        tpu.vector_store %arg14[%swap3A_268, %swap3A_269], %mul3A_267 {strides = array<i32>} : memref<128x128xf32, #tpu.memory_space<vmem>>, vector<16xf32>,
        %get3A_271 = arith.index_cast %add3A_263 : i32 to index
        %get3A_272 = arith.constant 16 : index
        %get3A_273 = tpu.vector_load %arg14[%get3A_271, %get3A_272] {strides = array<i32>} : memref<128x128xf32, #tpu.memory_space<vmem>>, vector<16xf32>,
        %mul3A_274 = arith.mulf %get3A_273, %broadcast_in_dim3A_259 : vector<16xf32>
        %swap3A_275 = arith.index_cast %add3A_263 : i32 to index
        %swap3A_276 = arith.constant 16 : index
        %swap3A_277 = tpu.vector_load %arg14[%swap3A_275, %swap3A_276] {strides = array<i32>} : memref<128x128xf32, #tpu.memory_space<vmem>>, vector<16xf32>,
        tpu.vector_store %arg14[%swap3A_275, %swap3A_276], %mul3A_274 {strides = array<i32>} : memref<128x128xf32, #tpu.memory_space<vmem>>, vector<16xf32>,
        %get3A_278 = arith.index_cast %add3A_263 : i32 to index
        %get3A_279 = arith.constant 32 : index
        %get3A_280 = tpu.vector_load %arg14[%get3A_278, %get3A_279] {strides = array<i32>} : memref<128x128xf32, #tpu.memory_space<vmem>>, vector<16xf32>,
        %mul3A_281 = arith.mulf %get3A_280, %broadcast_in_dim3A_259 : vector<16xf32>
        %swap3A_282 = arith.index_cast %add3A_263 : i32 to index
        %swap3A_283 = arith.constant 32 : index
        %swap3A_284 = tpu.vector_load %arg14[%swap3A_282, %swap3A_283] {strides = array<i32>} : memref<128x128xf32, #tpu.memory_space<vmem>>, vector<16xf32>,
        tpu.vector_store %arg14[%swap3A_282, %swap3A_283], %mul3A_281 {strides = array<i32>} : memref<128x128xf32, #tpu.memory_space<vmem>>, vector<16xf32>,
        %get3A_285 = arith.index_cast %add3A_263 : i32 to index
        %get3A_286 = arith.constant 48 : index
        %get3A_287 = tpu.vector_load %arg14[%get3A_285, %get3A_286] {strides = array<i32>} : memref<128x128xf32, #tpu.memory_space<vmem>>, vector<16xf32>,
        %mul3A_288 = arith.mulf %get3A_287, %broadcast_in_dim3A_259 : vector<16xf32>
        %swap3A_289 = arith.index_cast %add3A_263 : i32 to index
        %swap3A_290 = arith.constant 48 : index
        %swap3A_291 = tpu.vector_load %arg14[%swap3A_289, %swap3A_290] {strides = array<i32>} : memref<128x128xf32, #tpu.memory_space<vmem>>, vector<16xf32>,
        tpu.vector_store %arg14[%swap3A_289, %swap3A_290], %mul3A_288 {strides = array<i32>} : memref<128x128xf32, #tpu.memory_space<vmem>>, vector<16xf32>,
        %get3A_292 = arith.index_cast %add3A_263 : i32 to index
        %get3A_293 = arith.constant 64 : index
        %get3A_294 = tpu.vector_load %arg14[%get3A_292, %get3A_293] {strides = array<i32>} : memref<128x128xf32, #tpu.memory_space<vmem>>, vector<16xf32>,
        %mul3A_295 = arith.mulf %get3A_294, %broadcast_in_dim3A_259 : vector<16xf32>
        %swap3A_296 = arith.index_cast %add3A_263 : i32 to index
        %swap3A_297 = arith.constant 64 : index
        %swap3A_298 = tpu.vector_load %arg14[%swap3A_296, %swap3A_297] {strides = array<i32>} : memref<128x128xf32, #tpu.memory_space<vmem>>, vector<16xf32>,
        tpu.vector_store %arg14[%swap3A_296, %swap3A_297], %mul3A_295 {strides = array<i32>} : memref<128x128xf32, #tpu.memory_space<vmem>>, vector<16xf32>,
        %get3A_299 = arith.index_cast %add3A_263 : i32 to index
        %get3A_300 = arith.constant 80 : index
        %get3A_301 = tpu.vector_load %arg14[%get3A_299, %get3A_300] {strides = array<i32>} : memref<128x128xf32, #tpu.memory_space<vmem>>, vector<16xf32>,
        %mul3A_302 = arith.mulf %get3A_301, %broadcast_in_dim3A_259 : vector<16xf32>
        %swap3A_303 = arith.index_cast %add3A_263 : i32 to index
        %swap3A_304 = arith.constant 80 : index
        %swap3A_305 = tpu.vector_load %arg14[%swap3A_303, %swap3A_304] {strides = array<i32>} : memref<128x128xf32, #tpu.memory_space<vmem>>, vector<16xf32>,
        tpu.vector_store %arg14[%swap3A_303, %swap3A_304], %mul3A_302 {strides = array<i32>} : memref<128x128xf32, #tpu.memory_space<vmem>>, vector<16xf32>,
        %get3A_306 = arith.index_cast %add3A_263 : i32 to index
        %get3A_307 = arith.constant 96 : index
        %get3A_308 = tpu.vector_load %arg14[%get3A_306, %get3A_307] {strides = array<i32>} : memref<128x128xf32, #tpu.memory_space<vmem>>, vector<16xf32>,
        %mul3A_309 = arith.mulf %get3A_308, %broadcast_in_dim3A_259 : vector<16xf32>
        %swap3A_310 = arith.index_cast %add3A_263 : i32 to index
        %swap3A_311 = arith.constant 96 : index
        %swap3A_312 = tpu.vector_load %arg14[%swap3A_310, %swap3A_311] {strides = array<i32>} : memref<128x128xf32, #tpu.memory_space<vmem>>, vector<16xf32>,
        tpu.vector_store %arg14[%swap3A_310, %swap3A_311], %mul3A_309 {strides = array<i32>} : memref<128x128xf32, #tpu.memory_space<vmem>>, vector<16xf32>,
        %get3A_313 = arith.index_cast %add3A_263 : i32 to index
        %get3A_314 = arith.constant 112 : index
        %get3A_315 = tpu.vector_load %arg14[%get3A_313, %get3A_314] {strides = array<i32>} : memref<128x128xf32, #tpu.memory_space<vmem>>, vector<16xf32>,
        %mul3A_316 = arith.mulf %get3A_315, %broadcast_in_dim3A_259 : vector<16xf32>
        %swap3A_317 = arith.index_cast %add3A_263 : i32 to index
        %swap3A_318 = arith.constant 112 : index
        %swap3A_319 = tpu.vector_load %arg14[%swap3A_317, %swap3A_318] {strides = array<i32>} : memref<128x128xf32, #tpu.memory_space<vmem>>, vector<16xf32>,
        tpu.vector_store %arg14[%swap3A_317, %swap3A_318], %mul3A_316 {strides = array<i32>} : memref<128x128xf32, #tpu.memory_space<vmem>>, vector<16xf32>,
        %slice3A_320 = vector.extract_strided_slice %exp3A {offsets = [3], sizes = [1], strides = [1]} : vector<16xf32> to vector<1xf32>
        %squeeze3A_321 = vector.extract %slice3A_320[0] : f32 from vector<1xf32>
        %broadcast_in_dim3A_322 = vector.broadcast %squeeze3A_321 : f32 to vector<16xf32>
        %mul3A_323 = arith.constant 16 : i32
        %mul3A_324 = arith.muli %scan3A_122, %mul3A_323 : i32
        %add3A_325 = arith.constant 3 : i32
        %add3A_326 = arith.addi %mul3A_324, %add3A_325 : i32
        %get3A_327 = arith.index_cast %add3A_326 : i32 to index
        %get3A_328 = arith.constant 0 : index
        %get3A_329 = tpu.vector_load %arg14[%get3A_327, %get3A_328] {strides = array<i32>} : memref<128x128xf32, #tpu.memory_space<vmem>>, vector<16xf32>,
        %mul3A_330 = arith.mulf %get3A_329, %broadcast_in_dim3A_322 : vector<16xf32>
        %swap3A_331 = arith.index_cast %add3A_326 : i32 to index
        %swap3A_332 = arith.constant 0 : index
        %swap3A_333 = tpu.vector_load %arg14[%swap3A_331, %swap3A_332] {strides = array<i32>} : memref<128x128xf32, #tpu.memory_space<vmem>>, vector<16xf32>,
        tpu.vector_store %arg14[%swap3A_331, %swap3A_332], %mul3A_330 {strides = array<i32>} : memref<128x128xf32, #tpu.memory_space<vmem>>, vector<16xf32>,
        %get3A_334 = arith.index_cast %add3A_326 : i32 to index
        %get3A_335 = arith.constant 16 : index
        %get3A_336 = tpu.vector_load %arg14[%get3A_334, %get3A_335] {strides = array<i32>} : memref<128x128xf32, #tpu.memory_space<vmem>>, vector<16xf32>,
        %mul3A_337 = arith.mulf %get3A_336, %broadcast_in_dim3A_322 : vector<16xf32>
        %swap3A_338 = arith.index_cast %add3A_326 : i32 to index
        %swap3A_339 = arith.constant 16 : index
        %swap3A_340 = tpu.vector_load %arg14[%swap3A_338, %swap3A_339] {strides = array<i32>} : memref<128x128xf32, #tpu.memory_space<vmem>>, vector<16xf32>,
        tpu.vector_store %arg14[%swap3A_338, %swap3A_339], %mul3A_337 {strides = array<i32>} : memref<128x128xf32, #tpu.memory_space<vmem>>, vector<16xf32>,
        %get3A_341 = arith.index_cast %add3A_326 : i32 to index
        %get3A_342 = arith.constant 32 : index
        %get3A_343 = tpu.vector_load %arg14[%get3A_341, %get3A_342] {strides = array<i32>} : memref<128x128xf32, #tpu.memory_space<vmem>>, vector<16xf32>,
        %mul3A_344 = arith.mulf %get3A_343, %broadcast_in_dim3A_322 : vector<16xf32>
        %swap3A_345 = arith.index_cast %add3A_326 : i32 to index
        %swap3A_346 = arith.constant 32 : index
        %swap3A_347 = tpu.vector_load %arg14[%swap3A_345, %swap3A_346] {strides = array<i32>} : memref<128x128xf32, #tpu.memory_space<vmem>>, vector<16xf32>,
        tpu.vector_store %arg14[%swap3A_345, %swap3A_346], %mul3A_344 {strides = array<i32>} : memref<128x128xf32, #tpu.memory_space<vmem>>, vector<16xf32>,
        %get3A_348 = arith.index_cast %add3A_326 : i32 to index
        %get3A_349 = arith.constant 48 : index
        %get3A_350 = tpu.vector_load %arg14[%get3A_348, %get3A_349] {strides = array<i32>} : memref<128x128xf32, #tpu.memory_space<vmem>>, vector<16xf32>,
        %mul3A_351 = arith.mulf %get3A_350, %broadcast_in_dim3A_322 : vector<16xf32>
        %swap3A_352 = arith.index_cast %add3A_326 : i32 to index
        %swap3A_353 = arith.constant 48 : index
        %swap3A_354 = tpu.vector_load %arg14[%swap3A_352, %swap3A_353] {strides = array<i32>} : memref<128x128xf32, #tpu.memory_space<vmem>>, vector<16xf32>,
        tpu.vector_store %arg14[%swap3A_352, %swap3A_353], %mul3A_351 {strides = array<i32>} : memref<128x128xf32, #tpu.memory_space<vmem>>, vector<16xf32>,
        %get3A_355 = arith.index_cast %add3A_326 : i32 to index
        %get3A_356 = arith.constant 64 : index
        %get3A_357 = tpu.vector_load %arg14[%get3A_355, %get3A_356] {strides = array<i32>} : memref<128x128xf32, #tpu.memory_space<vmem>>, vector<16xf32>,
        %mul3A_358 = arith.mulf %get3A_357, %broadcast_in_dim3A_322 : vector<16xf32>
        %swap3A_359 = arith.index_cast %add3A_326 : i32 to index
        %swap3A_360 = arith.constant 64 : index
        %swap3A_361 = tpu.vector_load %arg14[%swap3A_359, %swap3A_360] {strides = array<i32>} : memref<128x128xf32, #tpu.memory_space<vmem>>, vector<16xf32>,
        tpu.vector_store %arg14[%swap3A_359, %swap3A_360], %mul3A_358 {strides = array<i32>} : memref<128x128xf32, #tpu.memory_space<vmem>>, vector<16xf32>,
        %get3A_362 = arith.index_cast %add3A_326 : i32 to index
        %get3A_363 = arith.constant 80 : index
        %get3A_364 = tpu.vector_load %arg14[%get3A_362, %get3A_363] {strides = array<i32>} : memref<128x128xf32, #tpu.memory_space<vmem>>, vector<16xf32>,
        %mul3A_365 = arith.mulf %get3A_364, %broadcast_in_dim3A_322 : vector<16xf32>
        %swap3A_366 = arith.index_cast %add3A_326 : i32 to index
        %swap3A_367 = arith.constant 80 : index
        %swap3A_368 = tpu.vector_load %arg14[%swap3A_366, %swap3A_367] {strides = array<i32>} : memref<128x128xf32, #tpu.memory_space<vmem>>, vector<16xf32>,
        tpu.vector_store %arg14[%swap3A_366, %swap3A_367], %mul3A_365 {strides = array<i32>} : memref<128x128xf32, #tpu.memory_space<vmem>>, vector<16xf32>,
        %get3A_369 = arith.index_cast %add3A_326 : i32 to index
        %get3A_370 = arith.constant 96 : index
        %get3A_371 = tpu.vector_load %arg14[%get3A_369, %get3A_370] {strides = array<i32>} : memref<128x128xf32, #tpu.memory_space<vmem>>, vector<16xf32>,
        %mul3A_372 = arith.mulf %get3A_371, %broadcast_in_dim3A_322 : vector<16xf32>
        %swap3A_373 = arith.index_cast %add3A_326 : i32 to index
        %swap3A_374 = arith.constant 96 : index
        %swap3A_375 = tpu.vector_load %arg14[%swap3A_373, %swap3A_374] {strides = array<i32>} : memref<128x128xf32, #tpu.memory_space<vmem>>, vector<16xf32>,
        tpu.vector_store %arg14[%swap3A_373, %swap3A_374], %mul3A_372 {strides = array<i32>} : memref<128x128xf32, #tpu.memory_space<vmem>>, vector<16xf32>,
        %get3A_376 = arith.index_cast %add3A_326 : i32 to index
        %get3A_377 = arith.constant 112 : index
        %get3A_378 = tpu.vector_load %arg14[%get3A_376, %get3A_377] {strides = array<i32>} : memref<128x128xf32, #tpu.memory_space<vmem>>, vector<16xf32>,
        %mul3A_379 = arith.mulf %get3A_378, %broadcast_in_dim3A_322 : vector<16xf32>
        %swap3A_380 = arith.index_cast %add3A_326 : i32 to index
        %swap3A_381 = arith.constant 112 : index
        %swap3A_382 = tpu.vector_load %arg14[%swap3A_380, %swap3A_381] {strides = array<i32>} : memref<128x128xf32, #tpu.memory_space<vmem>>, vector<16xf32>,
        tpu.vector_store %arg14[%swap3A_380, %swap3A_381], %mul3A_379 {strides = array<i32>} : memref<128x128xf32, #tpu.memory_space<vmem>>, vector<16xf32>,
        %slice3A_383 = vector.extract_strided_slice %exp3A {offsets = [4], sizes = [1], strides = [1]} : vector<16xf32> to vector<1xf32>
        %squeeze3A_384 = vector.extract %slice3A_383[0] : f32 from vector<1xf32>
        %broadcast_in_dim3A_385 = vector.broadcast %squeeze3A_384 : f32 to vector<16xf32>
        %mul3A_386 = arith.constant 16 : i32
        %mul3A_387 = arith.muli %scan3A_122, %mul3A_386 : i32
        %add3A_388 = arith.constant 4 : i32
        %add3A_389 = arith.addi %mul3A_387, %add3A_388 : i32
        %get3A_390 = arith.index_cast %add3A_389 : i32 to index
        %get3A_391 = arith.constant 0 : index
        %get3A_392 = tpu.vector_load %arg14[%get3A_390, %get3A_391] {strides = array<i32>} : memref<128x128xf32, #tpu.memory_space<vmem>>, vector<16xf32>,
        %mul3A_393 = arith.mulf %get3A_392, %broadcast_in_dim3A_385 : vector<16xf32>
        %swap3A_394 = arith.index_cast %add3A_389 : i32 to index
        %swap3A_395 = arith.constant 0 : index
        %swap3A_396 = tpu.vector_load %arg14[%swap3A_394, %swap3A_395] {strides = array<i32>} : memref<128x128xf32, #tpu.memory_space<vmem>>, vector<16xf32>,
        tpu.vector_store %arg14[%swap3A_394, %swap3A_395], %mul3A_393 {strides = array<i32>} : memref<128x128xf32, #tpu.memory_space<vmem>>, vector<16xf32>,
        %get3A_397 = arith.index_cast %add3A_389 : i32 to index
        %get3A_398 = arith.constant 16 : index
        %get3A_399 = tpu.vector_load %arg14[%get3A_397, %get3A_398] {strides = array<i32>} : memref<128x128xf32, #tpu.memory_space<vmem>>, vector<16xf32>,
        %mul3A_400 = arith.mulf %get3A_399, %broadcast_in_dim3A_385 : vector<16xf32>
        %swap3A_401 = arith.index_cast %add3A_389 : i32 to index
        %swap3A_402 = arith.constant 16 : index
        %swap3A_403 = tpu.vector_load %arg14[%swap3A_401, %swap3A_402] {strides = array<i32>} : memref<128x128xf32, #tpu.memory_space<vmem>>, vector<16xf32>,
        tpu.vector_store %arg14[%swap3A_401, %swap3A_402], %mul3A_400 {strides = array<i32>} : memref<128x128xf32, #tpu.memory_space<vmem>>, vector<16xf32>,
        %get3A_404 = arith.index_cast %add3A_389 : i32 to index
        %get3A_405 = arith.constant 32 : index
        %get3A_406 = tpu.vector_load %arg14[%get3A_404, %get3A_405] {strides = array<i32>} : memref<128x128xf32, #tpu.memory_space<vmem>>, vector<16xf32>,
        %mul3A_407 = arith.mulf %get3A_406, %broadcast_in_dim3A_385 : vector<16xf32>
        %swap3A_408 = arith.index_cast %add3A_389 : i32 to index
        %swap3A_409 = arith.constant 32 : index
        %swap3A_410 = tpu.vector_load %arg14[%swap3A_408, %swap3A_409] {strides = array<i32>} : memref<128x128xf32, #tpu.memory_space<vmem>>, vector<16xf32>,
        tpu.vector_store %arg14[%swap3A_408, %swap3A_409], %mul3A_407 {strides = array<i32>} : memref<128x128xf32, #tpu.memory_space<vmem>>, vector<16xf32>,
        %get3A_411 = arith.index_cast %add3A_389 : i32 to index
        %get3A_412 = arith.constant 48 : index
        %get3A_413 = tpu.vector_load %arg14[%get3A_411, %get3A_412] {strides = array<i32>} : memref<128x128xf32, #tpu.memory_space<vmem>>, vector<16xf32>,
        %mul3A_414 = arith.mulf %get3A_413, %broadcast_in_dim3A_385 : vector<16xf32>
        %swap3A_415 = arith.index_cast %add3A_389 : i32 to index
        %swap3A_416 = arith.constant 48 : index
        %swap3A_417 = tpu.vector_load %arg14[%swap3A_415, %swap3A_416] {strides = array<i32>} : memref<128x128xf32, #tpu.memory_space<vmem>>, vector<16xf32>,
        tpu.vector_store %arg14[%swap3A_415, %swap3A_416], %mul3A_414 {strides = array<i32>} : memref<128x128xf32, #tpu.memory_space<vmem>>, vector<16xf32>,
        %get3A_418 = arith.index_cast %add3A_389 : i32 to index
        %get3A_419 = arith.constant 64 : index
        %get3A_420 = tpu.vector_load %arg14[%get3A_418, %get3A_419] {strides = array<i32>} : memref<128x128xf32, #tpu.memory_space<vmem>>, vector<16xf32>,
        %mul3A_421 = arith.mulf %get3A_420, %broadcast_in_dim3A_385 : vector<16xf32>
        %swap3A_422 = arith.index_cast %add3A_389 : i32 to index
        %swap3A_423 = arith.constant 64 : index
        %swap3A_424 = tpu.vector_load %arg14[%swap3A_422, %swap3A_423] {strides = array<i32>} : memref<128x128xf32, #tpu.memory_space<vmem>>, vector<16xf32>,
        tpu.vector_store %arg14[%swap3A_422, %swap3A_423], %mul3A_421 {strides = array<i32>} : memref<128x128xf32, #tpu.memory_space<vmem>>, vector<16xf32>,
        %get3A_425 = arith.index_cast %add3A_389 : i32 to index
        %get3A_426 = arith.constant 80 : index
        %get3A_427 = tpu.vector_load %arg14[%get3A_425, %get3A_426] {strides = array<i32>} : memref<128x128xf32, #tpu.memory_space<vmem>>, vector<16xf32>,
        %mul3A_428 = arith.mulf %get3A_427, %broadcast_in_dim3A_385 : vector<16xf32>
        %swap3A_429 = arith.index_cast %add3A_389 : i32 to index
        %swap3A_430 = arith.constant 80 : index
        %swap3A_431 = tpu.vector_load %arg14[%swap3A_429, %swap3A_430] {strides = array<i32>} : memref<128x128xf32, #tpu.memory_space<vmem>>, vector<16xf32>,
        tpu.vector_store %arg14[%swap3A_429, %swap3A_430], %mul3A_428 {strides = array<i32>} : memref<128x128xf32, #tpu.memory_space<vmem>>, vector<16xf32>,
        %get3A_432 = arith.index_cast %add3A_389 : i32 to index
        %get3A_433 = arith.constant 96 : index
        %get3A_434 = tpu.vector_load %arg14[%get3A_432, %get3A_433] {strides = array<i32>} : memref<128x128xf32, #tpu.memory_space<vmem>>, vector<16xf32>,
        %mul3A_435 = arith.mulf %get3A_434, %broadcast_in_dim3A_385 : vector<16xf32>
        %swap3A_436 = arith.index_cast %add3A_389 : i32 to index
        %swap3A_437 = arith.constant 96 : index
        %swap3A_438 = tpu.vector_load %arg14[%swap3A_436, %swap3A_437] {strides = array<i32>} : memref<128x128xf32, #tpu.memory_space<vmem>>, vector<16xf32>,
        tpu.vector_store %arg14[%swap3A_436, %swap3A_437], %mul3A_435 {strides = array<i32>} : memref<128x128xf32, #tpu.memory_space<vmem>>, vector<16xf32>,
        %get3A_439 = arith.index_cast %add3A_389 : i32 to index
        %get3A_440 = arith.constant 112 : index
        %get3A_441 = tpu.vector_load %arg14[%get3A_439, %get3A_440] {strides = array<i32>} : memref<128x128xf32, #tpu.memory_space<vmem>>, vector<16xf32>,
        %mul3A_442 = arith.mulf %get3A_441, %broadcast_in_dim3A_385 : vector<16xf32>
        %swap3A_443 = arith.index_cast %add3A_389 : i32 to index
        %swap3A_444 = arith.constant 112 : index
        %swap3A_445 = tpu.vector_load %arg14[%swap3A_443, %swap3A_444] {strides = array<i32>} : memref<128x128xf32, #tpu.memory_space<vmem>>, vector<16xf32>,
        tpu.vector_store %arg14[%swap3A_443, %swap3A_444], %mul3A_442 {strides = array<i32>} : memref<128x128xf32, #tpu.memory_space<vmem>>, vector<16xf32>,
        %slice3A_446 = vector.extract_strided_slice %exp3A {offsets = [5], sizes = [1], strides = [1]} : vector<16xf32> to vector<1xf32>
        %squeeze3A_447 = vector.extract %slice3A_446[0] : f32 from vector<1xf32>
        %broadcast_in_dim3A_448 = vector.broadcast %squeeze3A_447 : f32 to vector<16xf32>
        %mul3A_449 = arith.constant 16 : i32
        %mul3A_450 = arith.muli %scan3A_122, %mul3A_449 : i32
        %add3A_451 = arith.constant 5 : i32
        %add3A_452 = arith.addi %mul3A_450, %add3A_451 : i32
        %get3A_453 = arith.index_cast %add3A_452 : i32 to index
        %get3A_454 = arith.constant 0 : index
        %get3A_455 = tpu.vector_load %arg14[%get3A_453, %get3A_454] {strides = array<i32>} : memref<128x128xf32, #tpu.memory_space<vmem>>, vector<16xf32>,
        %mul3A_456 = arith.mulf %get3A_455, %broadcast_in_dim3A_448 : vector<16xf32>
        %swap3A_457 = arith.index_cast %add3A_452 : i32 to index
        %swap3A_458 = arith.constant 0 : index
        %swap3A_459 = tpu.vector_load %arg14[%swap3A_457, %swap3A_458] {strides = array<i32>} : memref<128x128xf32, #tpu.memory_space<vmem>>, vector<16xf32>,
        tpu.vector_store %arg14[%swap3A_457, %swap3A_458], %mul3A_456 {strides = array<i32>} : memref<128x128xf32, #tpu.memory_space<vmem>>, vector<16xf32>,
        %get3A_460 = arith.index_cast %add3A_452 : i32 to index
        %get3A_461 = arith.constant 16 : index
        %get3A_462 = tpu.vector_load %arg14[%get3A_460, %get3A_461] {strides = array<i32>} : memref<128x128xf32, #tpu.memory_space<vmem>>, vector<16xf32>,
        %mul3A_463 = arith.mulf %get3A_462, %broadcast_in_dim3A_448 : vector<16xf32>
        %swap3A_464 = arith.index_cast %add3A_452 : i32 to index
        %swap3A_465 = arith.constant 16 : index
        %swap3A_466 = tpu.vector_load %arg14[%swap3A_464, %swap3A_465] {strides = array<i32>} : memref<128x128xf32, #tpu.memory_space<vmem>>, vector<16xf32>,
        tpu.vector_store %arg14[%swap3A_464, %swap3A_465], %mul3A_463 {strides = array<i32>} : memref<128x128xf32, #tpu.memory_space<vmem>>, vector<16xf32>,
        %get3A_467 = arith.index_cast %add3A_452 : i32 to index
        %get3A_468 = arith.constant 32 : index
        %get3A_469 = tpu.vector_load %arg14[%get3A_467, %get3A_468] {strides = array<i32>} : memref<128x128xf32, #tpu.memory_space<vmem>>, vector<16xf32>,
        %mul3A_470 = arith.mulf %get3A_469, %broadcast_in_dim3A_448 : vector<16xf32>
        %swap3A_471 = arith.index_cast %add3A_452 : i32 to index
        %swap3A_472 = arith.constant 32 : index
        %swap3A_473 = tpu.vector_load %arg14[%swap3A_471, %swap3A_472] {strides = array<i32>} : memref<128x128xf32, #tpu.memory_space<vmem>>, vector<16xf32>,
        tpu.vector_store %arg14[%swap3A_471, %swap3A_472], %mul3A_470 {strides = array<i32>} : memref<128x128xf32, #tpu.memory_space<vmem>>, vector<16xf32>,
        %get3A_474 = arith.index_cast %add3A_452 : i32 to index
        %get3A_475 = arith.constant 48 : index
        %get3A_476 = tpu.vector_load %arg14[%get3A_474, %get3A_475] {strides = array<i32>} : memref<128x128xf32, #tpu.memory_space<vmem>>, vector<16xf32>,
        %mul3A_477 = arith.mulf %get3A_476, %broadcast_in_dim3A_448 : vector<16xf32>
        %swap3A_478 = arith.index_cast %add3A_452 : i32 to index
        %swap3A_479 = arith.constant 48 : index
        %swap3A_480 = tpu.vector_load %arg14[%swap3A_478, %swap3A_479] {strides = array<i32>} : memref<128x128xf32, #tpu.memory_space<vmem>>, vector<16xf32>,
        tpu.vector_store %arg14[%swap3A_478, %swap3A_479], %mul3A_477 {strides = array<i32>} : memref<128x128xf32, #tpu.memory_space<vmem>>, vector<16xf32>,
        %get3A_481 = arith.index_cast %add3A_452 : i32 to index
        %get3A_482 = arith.constant 64 : index
        %get3A_483 = tpu.vector_load %arg14[%get3A_481, %get3A_482] {strides = array<i32>} : memref<128x128xf32, #tpu.memory_space<vmem>>, vector<16xf32>,
        %mul3A_484 = arith.mulf %get3A_483, %broadcast_in_dim3A_448 : vector<16xf32>
        %swap3A_485 = arith.index_cast %add3A_452 : i32 to index
        %swap3A_486 = arith.constant 64 : index
        %swap3A_487 = tpu.vector_load %arg14[%swap3A_485, %swap3A_486] {strides = array<i32>} : memref<128x128xf32, #tpu.memory_space<vmem>>, vector<16xf32>,
        tpu.vector_store %arg14[%swap3A_485, %swap3A_486], %mul3A_484 {strides = array<i32>} : memref<128x128xf32, #tpu.memory_space<vmem>>, vector<16xf32>,
        %get3A_488 = arith.index_cast %add3A_452 : i32 to index
        %get3A_489 = arith.constant 80 : index
        %get3A_490 = tpu.vector_load %arg14[%get3A_488, %get3A_489] {strides = array<i32>} : memref<128x128xf32, #tpu.memory_space<vmem>>, vector<16xf32>,
        %mul3A_491 = arith.mulf %get3A_490, %broadcast_in_dim3A_448 : vector<16xf32>
        %swap3A_492 = arith.index_cast %add3A_452 : i32 to index
        %swap3A_493 = arith.constant 80 : index
        %swap3A_494 = tpu.vector_load %arg14[%swap3A_492, %swap3A_493] {strides = array<i32>} : memref<128x128xf32, #tpu.memory_space<vmem>>, vector<16xf32>,
        tpu.vector_store %arg14[%swap3A_492, %swap3A_493], %mul3A_491 {strides = array<i32>} : memref<128x128xf32, #tpu.memory_space<vmem>>, vector<16xf32>,
        %get3A_495 = arith.index_cast %add3A_452 : i32 to index
        %get3A_496 = arith.constant 96 : index
        %get3A_497 = tpu.vector_load %arg14[%get3A_495, %get3A_496] {strides = array<i32>} : memref<128x128xf32, #tpu.memory_space<vmem>>, vector<16xf32>,
        %mul3A_498 = arith.mulf %get3A_497, %broadcast_in_dim3A_448 : vector<16xf32>
        %swap3A_499 = arith.index_cast %add3A_452 : i32 to index
        %swap3A_500 = arith.constant 96 : index
        %swap3A_501 = tpu.vector_load %arg14[%swap3A_499, %swap3A_500] {strides = array<i32>} : memref<128x128xf32, #tpu.memory_space<vmem>>, vector<16xf32>,
        tpu.vector_store %arg14[%swap3A_499, %swap3A_500], %mul3A_498 {strides = array<i32>} : memref<128x128xf32, #tpu.memory_space<vmem>>, vector<16xf32>,
        %get3A_502 = arith.index_cast %add3A_452 : i32 to index
        %get3A_503 = arith.constant 112 : index
        %get3A_504 = tpu.vector_load %arg14[%get3A_502, %get3A_503] {strides = array<i32>} : memref<128x128xf32, #tpu.memory_space<vmem>>, vector<16xf32>,
        %mul3A_505 = arith.mulf %get3A_504, %broadcast_in_dim3A_448 : vector<16xf32>
        %swap3A_506 = arith.index_cast %add3A_452 : i32 to index
        %swap3A_507 = arith.constant 112 : index
        %swap3A_508 = tpu.vector_load %arg14[%swap3A_506, %swap3A_507] {strides = array<i32>} : memref<128x128xf32, #tpu.memory_space<vmem>>, vector<16xf32>,
        tpu.vector_store %arg14[%swap3A_506, %swap3A_507], %mul3A_505 {strides = array<i32>} : memref<128x128xf32, #tpu.memory_space<vmem>>, vector<16xf32>,
        %slice3A_509 = vector.extract_strided_slice %exp3A {offsets = [6], sizes = [1], strides = [1]} : vector<16xf32> to vector<1xf32>
        %squeeze3A_510 = vector.extract %slice3A_509[0] : f32 from vector<1xf32>
        %broadcast_in_dim3A_511 = vector.broadcast %squeeze3A_510 : f32 to vector<16xf32>
        %mul3A_512 = arith.constant 16 : i32
        %mul3A_513 = arith.muli %scan3A_122, %mul3A_512 : i32
        %add3A_514 = arith.constant 6 : i32
        %add3A_515 = arith.addi %mul3A_513, %add3A_514 : i32
        %get3A_516 = arith.index_cast %add3A_515 : i32 to index
        %get3A_517 = arith.constant 0 : index
        %get3A_518 = tpu.vector_load %arg14[%get3A_516, %get3A_517] {strides = array<i32>} : memref<128x128xf32, #tpu.memory_space<vmem>>, vector<16xf32>,
        %mul3A_519 = arith.mulf %get3A_518, %broadcast_in_dim3A_511 : vector<16xf32>
        %swap3A_520 = arith.index_cast %add3A_515 : i32 to index
        %swap3A_521 = arith.constant 0 : index
        %swap3A_522 = tpu.vector_load %arg14[%swap3A_520, %swap3A_521] {strides = array<i32>} : memref<128x128xf32, #tpu.memory_space<vmem>>, vector<16xf32>,
        tpu.vector_store %arg14[%swap3A_520, %swap3A_521], %mul3A_519 {strides = array<i32>} : memref<128x128xf32, #tpu.memory_space<vmem>>, vector<16xf32>,
        %get3A_523 = arith.index_cast %add3A_515 : i32 to index
        %get3A_524 = arith.constant 16 : index
        %get3A_525 = tpu.vector_load %arg14[%get3A_523, %get3A_524] {strides = array<i32>} : memref<128x128xf32, #tpu.memory_space<vmem>>, vector<16xf32>,
        %mul3A_526 = arith.mulf %get3A_525, %broadcast_in_dim3A_511 : vector<16xf32>
        %swap3A_527 = arith.index_cast %add3A_515 : i32 to index
        %swap3A_528 = arith.constant 16 : index
        %swap3A_529 = tpu.vector_load %arg14[%swap3A_527, %swap3A_528] {strides = array<i32>} : memref<128x128xf32, #tpu.memory_space<vmem>>, vector<16xf32>,
        tpu.vector_store %arg14[%swap3A_527, %swap3A_528], %mul3A_526 {strides = array<i32>} : memref<128x128xf32, #tpu.memory_space<vmem>>, vector<16xf32>,
        %get3A_530 = arith.index_cast %add3A_515 : i32 to index
        %get3A_531 = arith.constant 32 : index
        %get3A_532 = tpu.vector_load %arg14[%get3A_530, %get3A_531] {strides = array<i32>} : memref<128x128xf32, #tpu.memory_space<vmem>>, vector<16xf32>,
        %mul3A_533 = arith.mulf %get3A_532, %broadcast_in_dim3A_511 : vector<16xf32>
        %swap3A_534 = arith.index_cast %add3A_515 : i32 to index
        %swap3A_535 = arith.constant 32 : index
        %swap3A_536 = tpu.vector_load %arg14[%swap3A_534, %swap3A_535] {strides = array<i32>} : memref<128x128xf32, #tpu.memory_space<vmem>>, vector<16xf32>,
        tpu.vector_store %arg14[%swap3A_534, %swap3A_535], %mul3A_533 {strides = array<i32>} : memref<128x128xf32, #tpu.memory_space<vmem>>, vector<16xf32>,
        %get3A_537 = arith.index_cast %add3A_515 : i32 to index
        %get3A_538 = arith.constant 48 : index
        %get3A_539 = tpu.vector_load %arg14[%get3A_537, %get3A_538] {strides = array<i32>} : memref<128x128xf32, #tpu.memory_space<vmem>>, vector<16xf32>,
        %mul3A_540 = arith.mulf %get3A_539, %broadcast_in_dim3A_511 : vector<16xf32>
        %swap3A_541 = arith.index_cast %add3A_515 : i32 to index
        %swap3A_542 = arith.constant 48 : index
        %swap3A_543 = tpu.vector_load %arg14[%swap3A_541, %swap3A_542] {strides = array<i32>} : memref<128x128xf32, #tpu.memory_space<vmem>>, vector<16xf32>,
        tpu.vector_store %arg14[%swap3A_541, %swap3A_542], %mul3A_540 {strides = array<i32>} : memref<128x128xf32, #tpu.memory_space<vmem>>, vector<16xf32>,
        %get3A_544 = arith.index_cast %add3A_515 : i32 to index
        %get3A_545 = arith.constant 64 : index
        %get3A_546 = tpu.vector_load %arg14[%get3A_544, %get3A_545] {strides = array<i32>} : memref<128x128xf32, #tpu.memory_space<vmem>>, vector<16xf32>,
        %mul3A_547 = arith.mulf %get3A_546, %broadcast_in_dim3A_511 : vector<16xf32>
        %swap3A_548 = arith.index_cast %add3A_515 : i32 to index
        %swap3A_549 = arith.constant 64 : index
        %swap3A_550 = tpu.vector_load %arg14[%swap3A_548, %swap3A_549] {strides = array<i32>} : memref<128x128xf32, #tpu.memory_space<vmem>>, vector<16xf32>,
        tpu.vector_store %arg14[%swap3A_548, %swap3A_549], %mul3A_547 {strides = array<i32>} : memref<128x128xf32, #tpu.memory_space<vmem>>, vector<16xf32>,
        %get3A_551 = arith.index_cast %add3A_515 : i32 to index
        %get3A_552 = arith.constant 80 : index
        %get3A_553 = tpu.vector_load %arg14[%get3A_551, %get3A_552] {strides = array<i32>} : memref<128x128xf32, #tpu.memory_space<vmem>>, vector<16xf32>,
        %mul3A_554 = arith.mulf %get3A_553, %broadcast_in_dim3A_511 : vector<16xf32>
        %swap3A_555 = arith.index_cast %add3A_515 : i32 to index
        %swap3A_556 = arith.constant 80 : index
        %swap3A_557 = tpu.vector_load %arg14[%swap3A_555, %swap3A_556] {strides = array<i32>} : memref<128x128xf32, #tpu.memory_space<vmem>>, vector<16xf32>,
        tpu.vector_store %arg14[%swap3A_555, %swap3A_556], %mul3A_554 {strides = array<i32>} : memref<128x128xf32, #tpu.memory_space<vmem>>, vector<16xf32>,
        %get3A_558 = arith.index_cast %add3A_515 : i32 to index
        %get3A_559 = arith.constant 96 : index
        %get3A_560 = tpu.vector_load %arg14[%get3A_558, %get3A_559] {strides = array<i32>} : memref<128x128xf32, #tpu.memory_space<vmem>>, vector<16xf32>,
        %mul3A_561 = arith.mulf %get3A_560, %broadcast_in_dim3A_511 : vector<16xf32>
        %swap3A_562 = arith.index_cast %add3A_515 : i32 to index
        %swap3A_563 = arith.constant 96 : index
        %swap3A_564 = tpu.vector_load %arg14[%swap3A_562, %swap3A_563] {strides = array<i32>} : memref<128x128xf32, #tpu.memory_space<vmem>>, vector<16xf32>,
        tpu.vector_store %arg14[%swap3A_562, %swap3A_563], %mul3A_561 {strides = array<i32>} : memref<128x128xf32, #tpu.memory_space<vmem>>, vector<16xf32>,
        %get3A_565 = arith.index_cast %add3A_515 : i32 to index
        %get3A_566 = arith.constant 112 : index
        %get3A_567 = tpu.vector_load %arg14[%get3A_565, %get3A_566] {strides = array<i32>} : memref<128x128xf32, #tpu.memory_space<vmem>>, vector<16xf32>,
        %mul3A_568 = arith.mulf %get3A_567, %broadcast_in_dim3A_511 : vector<16xf32>
        %swap3A_569 = arith.index_cast %add3A_515 : i32 to index
        %swap3A_570 = arith.constant 112 : index
        %swap3A_571 = tpu.vector_load %arg14[%swap3A_569, %swap3A_570] {strides = array<i32>} : memref<128x128xf32, #tpu.memory_space<vmem>>, vector<16xf32>,
        tpu.vector_store %arg14[%swap3A_569, %swap3A_570], %mul3A_568 {strides = array<i32>} : memref<128x128xf32, #tpu.memory_space<vmem>>, vector<16xf32>,
        %slice3A_572 = vector.extract_strided_slice %exp3A {offsets = [7], sizes = [1], strides = [1]} : vector<16xf32> to vector<1xf32>
        %squeeze3A_573 = vector.extract %slice3A_572[0] : f32 from vector<1xf32>
        %broadcast_in_dim3A_574 = vector.broadcast %squeeze3A_573 : f32 to vector<16xf32>
        %mul3A_575 = arith.constant 16 : i32
        %mul3A_576 = arith.muli %scan3A_122, %mul3A_575 : i32
        %add3A_577 = arith.constant 7 : i32
        %add3A_578 = arith.addi %mul3A_576, %add3A_577 : i32
        %get3A_579 = arith.index_cast %add3A_578 : i32 to index
        %get3A_580 = arith.constant 0 : index
        %get3A_581 = tpu.vector_load %arg14[%get3A_579, %get3A_580] {strides = array<i32>} : memref<128x128xf32, #tpu.memory_space<vmem>>, vector<16xf32>,
        %mul3A_582 = arith.mulf %get3A_581, %broadcast_in_dim3A_574 : vector<16xf32>
        %swap3A_583 = arith.index_cast %add3A_578 : i32 to index
        %swap3A_584 = arith.constant 0 : index
        %swap3A_585 = tpu.vector_load %arg14[%swap3A_583, %swap3A_584] {strides = array<i32>} : memref<128x128xf32, #tpu.memory_space<vmem>>, vector<16xf32>,
        tpu.vector_store %arg14[%swap3A_583, %swap3A_584], %mul3A_582 {strides = array<i32>} : memref<128x128xf32, #tpu.memory_space<vmem>>, vector<16xf32>,
        %get3A_586 = arith.index_cast %add3A_578 : i32 to index
        %get3A_587 = arith.constant 16 : index
        %get3A_588 = tpu.vector_load %arg14[%get3A_586, %get3A_587] {strides = array<i32>} : memref<128x128xf32, #tpu.memory_space<vmem>>, vector<16xf32>,
        %mul3A_589 = arith.mulf %get3A_588, %broadcast_in_dim3A_574 : vector<16xf32>
        %swap3A_590 = arith.index_cast %add3A_578 : i32 to index
        %swap3A_591 = arith.constant 16 : index
        %swap3A_592 = tpu.vector_load %arg14[%swap3A_590, %swap3A_591] {strides = array<i32>} : memref<128x128xf32, #tpu.memory_space<vmem>>, vector<16xf32>,
        tpu.vector_store %arg14[%swap3A_590, %swap3A_591], %mul3A_589 {strides = array<i32>} : memref<128x128xf32, #tpu.memory_space<vmem>>, vector<16xf32>,
        %get3A_593 = arith.index_cast %add3A_578 : i32 to index
        %get3A_594 = arith.constant 32 : index
        %get3A_595 = tpu.vector_load %arg14[%get3A_593, %get3A_594] {strides = array<i32>} : memref<128x128xf32, #tpu.memory_space<vmem>>, vector<16xf32>,
        %mul3A_596 = arith.mulf %get3A_595, %broadcast_in_dim3A_574 : vector<16xf32>
        %swap3A_597 = arith.index_cast %add3A_578 : i32 to index
        %swap3A_598 = arith.constant 32 : index
        %swap3A_599 = tpu.vector_load %arg14[%swap3A_597, %swap3A_598] {strides = array<i32>} : memref<128x128xf32, #tpu.memory_space<vmem>>, vector<16xf32>,
        tpu.vector_store %arg14[%swap3A_597, %swap3A_598], %mul3A_596 {strides = array<i32>} : memref<128x128xf32, #tpu.memory_space<vmem>>, vector<16xf32>,
        %get3A_600 = arith.index_cast %add3A_578 : i32 to index
        %get3A_601 = arith.constant 48 : index
        %get3A_602 = tpu.vector_load %arg14[%get3A_600, %get3A_601] {strides = array<i32>} : memref<128x128xf32, #tpu.memory_space<vmem>>, vector<16xf32>,
        %mul3A_603 = arith.mulf %get3A_602, %broadcast_in_dim3A_574 : vector<16xf32>
        %swap3A_604 = arith.index_cast %add3A_578 : i32 to index
        %swap3A_605 = arith.constant 48 : index
        %swap3A_606 = tpu.vector_load %arg14[%swap3A_604, %swap3A_605] {strides = array<i32>} : memref<128x128xf32, #tpu.memory_space<vmem>>, vector<16xf32>,
        tpu.vector_store %arg14[%swap3A_604, %swap3A_605], %mul3A_603 {strides = array<i32>} : memref<128x128xf32, #tpu.memory_space<vmem>>, vector<16xf32>,
        %get3A_607 = arith.index_cast %add3A_578 : i32 to index
        %get3A_608 = arith.constant 64 : index
        %get3A_609 = tpu.vector_load %arg14[%get3A_607, %get3A_608] {strides = array<i32>} : memref<128x128xf32, #tpu.memory_space<vmem>>, vector<16xf32>,
        %mul3A_610 = arith.mulf %get3A_609, %broadcast_in_dim3A_574 : vector<16xf32>
        %swap3A_611 = arith.index_cast %add3A_578 : i32 to index
        %swap3A_612 = arith.constant 64 : index
        %swap3A_613 = tpu.vector_load %arg14[%swap3A_611, %swap3A_612] {strides = array<i32>} : memref<128x128xf32, #tpu.memory_space<vmem>>, vector<16xf32>,
        tpu.vector_store %arg14[%swap3A_611, %swap3A_612], %mul3A_610 {strides = array<i32>} : memref<128x128xf32, #tpu.memory_space<vmem>>, vector<16xf32>,
        %get3A_614 = arith.index_cast %add3A_578 : i32 to index
        %get3A_615 = arith.constant 80 : index
        %get3A_616 = tpu.vector_load %arg14[%get3A_614, %get3A_615] {strides = array<i32>} : memref<128x128xf32, #tpu.memory_space<vmem>>, vector<16xf32>,
        %mul3A_617 = arith.mulf %get3A_616, %broadcast_in_dim3A_574 : vector<16xf32>
        %swap3A_618 = arith.index_cast %add3A_578 : i32 to index
        %swap3A_619 = arith.constant 80 : index
        %swap3A_620 = tpu.vector_load %arg14[%swap3A_618, %swap3A_619] {strides = array<i32>} : memref<128x128xf32, #tpu.memory_space<vmem>>, vector<16xf32>,
        tpu.vector_store %arg14[%swap3A_618, %swap3A_619], %mul3A_617 {strides = array<i32>} : memref<128x128xf32, #tpu.memory_space<vmem>>, vector<16xf32>,
        %get3A_621 = arith.index_cast %add3A_578 : i32 to index
        %get3A_622 = arith.constant 96 : index
        %get3A_623 = tpu.vector_load %arg14[%get3A_621, %get3A_622] {strides = array<i32>} : memref<128x128xf32, #tpu.memory_space<vmem>>, vector<16xf32>,
        %mul3A_624 = arith.mulf %get3A_623, %broadcast_in_dim3A_574 : vector<16xf32>
        %swap3A_625 = arith.index_cast %add3A_578 : i32 to index
        %swap3A_626 = arith.constant 96 : index
        %swap3A_627 = tpu.vector_load %arg14[%swap3A_625, %swap3A_626] {strides = array<i32>} : memref<128x128xf32, #tpu.memory_space<vmem>>, vector<16xf32>,
        tpu.vector_store %arg14[%swap3A_625, %swap3A_626], %mul3A_624 {strides = array<i32>} : memref<128x128xf32, #tpu.memory_space<vmem>>, vector<16xf32>,
        %get3A_628 = arith.index_cast %add3A_578 : i32 to index
        %get3A_629 = arith.constant 112 : index
        %get3A_630 = tpu.vector_load %arg14[%get3A_628, %get3A_629] {strides = array<i32>} : memref<128x128xf32, #tpu.memory_space<vmem>>, vector<16xf32>,
        %mul3A_631 = arith.mulf %get3A_630, %broadcast_in_dim3A_574 : vector<16xf32>
        %swap3A_632 = arith.index_cast %add3A_578 : i32 to index
        %swap3A_633 = arith.constant 112 : index
        %swap3A_634 = tpu.vector_load %arg14[%swap3A_632, %swap3A_633] {strides = array<i32>} : memref<128x128xf32, #tpu.memory_space<vmem>>, vector<16xf32>,
        tpu.vector_store %arg14[%swap3A_632, %swap3A_633], %mul3A_631 {strides = array<i32>} : memref<128x128xf32, #tpu.memory_space<vmem>>, vector<16xf32>,
        %slice3A_635 = vector.extract_strided_slice %exp3A {offsets = [8], sizes = [1], strides = [1]} : vector<16xf32> to vector<1xf32>
        %squeeze3A_636 = vector.extract %slice3A_635[0] : f32 from vector<1xf32>
        %broadcast_in_dim3A_637 = vector.broadcast %squeeze3A_636 : f32 to vector<16xf32>
        %mul3A_638 = arith.constant 16 : i32
        %mul3A_639 = arith.muli %scan3A_122, %mul3A_638 : i32
        %add3A_640 = arith.constant 8 : i32
        %add3A_641 = arith.addi %mul3A_639, %add3A_640 : i32
        %get3A_642 = arith.index_cast %add3A_641 : i32 to index
        %get3A_643 = arith.constant 0 : index
        %get3A_644 = tpu.vector_load %arg14[%get3A_642, %get3A_643] {strides = array<i32>} : memref<128x128xf32, #tpu.memory_space<vmem>>, vector<16xf32>,
        %mul3A_645 = arith.mulf %get3A_644, %broadcast_in_dim3A_637 : vector<16xf32>
        %swap3A_646 = arith.index_cast %add3A_641 : i32 to index
        %swap3A_647 = arith.constant 0 : index
        %swap3A_648 = tpu.vector_load %arg14[%swap3A_646, %swap3A_647] {strides = array<i32>} : memref<128x128xf32, #tpu.memory_space<vmem>>, vector<16xf32>,
        tpu.vector_store %arg14[%swap3A_646, %swap3A_647], %mul3A_645 {strides = array<i32>} : memref<128x128xf32, #tpu.memory_space<vmem>>, vector<16xf32>,
        %get3A_649 = arith.index_cast %add3A_641 : i32 to index
        %get3A_650 = arith.constant 16 : index
        %get3A_651 = tpu.vector_load %arg14[%get3A_649, %get3A_650] {strides = array<i32>} : memref<128x128xf32, #tpu.memory_space<vmem>>, vector<16xf32>,
        %mul3A_652 = arith.mulf %get3A_651, %broadcast_in_dim3A_637 : vector<16xf32>
        %swap3A_653 = arith.index_cast %add3A_641 : i32 to index
        %swap3A_654 = arith.constant 16 : index
        %swap3A_655 = tpu.vector_load %arg14[%swap3A_653, %swap3A_654] {strides = array<i32>} : memref<128x128xf32, #tpu.memory_space<vmem>>, vector<16xf32>,
        tpu.vector_store %arg14[%swap3A_653, %swap3A_654], %mul3A_652 {strides = array<i32>} : memref<128x128xf32, #tpu.memory_space<vmem>>, vector<16xf32>,
        %get3A_656 = arith.index_cast %add3A_641 : i32 to index
        %get3A_657 = arith.constant 32 : index
        %get3A_658 = tpu.vector_load %arg14[%get3A_656, %get3A_657] {strides = array<i32>} : memref<128x128xf32, #tpu.memory_space<vmem>>, vector<16xf32>,
        %mul3A_659 = arith.mulf %get3A_658, %broadcast_in_dim3A_637 : vector<16xf32>
        %swap3A_660 = arith.index_cast %add3A_641 : i32 to index
        %swap3A_661 = arith.constant 32 : index
        %swap3A_662 = tpu.vector_load %arg14[%swap3A_660, %swap3A_661] {strides = array<i32>} : memref<128x128xf32, #tpu.memory_space<vmem>>, vector<16xf32>,
        tpu.vector_store %arg14[%swap3A_660, %swap3A_661], %mul3A_659 {strides = array<i32>} : memref<128x128xf32, #tpu.memory_space<vmem>>, vector<16xf32>,
        %get3A_663 = arith.index_cast %add3A_641 : i32 to index
        %get3A_664 = arith.constant 48 : index
        %get3A_665 = tpu.vector_load %arg14[%get3A_663, %get3A_664] {strides = array<i32>} : memref<128x128xf32, #tpu.memory_space<vmem>>, vector<16xf32>,
        %mul3A_666 = arith.mulf %get3A_665, %broadcast_in_dim3A_637 : vector<16xf32>
        %swap3A_667 = arith.index_cast %add3A_641 : i32 to index
        %swap3A_668 = arith.constant 48 : index
        %swap3A_669 = tpu.vector_load %arg14[%swap3A_667, %swap3A_668] {strides = array<i32>} : memref<128x128xf32, #tpu.memory_space<vmem>>, vector<16xf32>,
        tpu.vector_store %arg14[%swap3A_667, %swap3A_668], %mul3A_666 {strides = array<i32>} : memref<128x128xf32, #tpu.memory_space<vmem>>, vector<16xf32>,
        %get3A_670 = arith.index_cast %add3A_641 : i32 to index
        %get3A_671 = arith.constant 64 : index
        %get3A_672 = tpu.vector_load %arg14[%get3A_670, %get3A_671] {strides = array<i32>} : memref<128x128xf32, #tpu.memory_space<vmem>>, vector<16xf32>,
        %mul3A_673 = arith.mulf %get3A_672, %broadcast_in_dim3A_637 : vector<16xf32>
        %swap3A_674 = arith.index_cast %add3A_641 : i32 to index
        %swap3A_675 = arith.constant 64 : index
        %swap3A_676 = tpu.vector_load %arg14[%swap3A_674, %swap3A_675] {strides = array<i32>} : memref<128x128xf32, #tpu.memory_space<vmem>>, vector<16xf32>,
        tpu.vector_store %arg14[%swap3A_674, %swap3A_675], %mul3A_673 {strides = array<i32>} : memref<128x128xf32, #tpu.memory_space<vmem>>, vector<16xf32>,
        %get3A_677 = arith.index_cast %add3A_641 : i32 to index
        %get3A_678 = arith.constant 80 : index
        %get3A_679 = tpu.vector_load %arg14[%get3A_677, %get3A_678] {strides = array<i32>} : memref<128x128xf32, #tpu.memory_space<vmem>>, vector<16xf32>,
        %mul3A_680 = arith.mulf %get3A_679, %broadcast_in_dim3A_637 : vector<16xf32>
        %swap3A_681 = arith.index_cast %add3A_641 : i32 to index
        %swap3A_682 = arith.constant 80 : index
        %swap3A_683 = tpu.vector_load %arg14[%swap3A_681, %swap3A_682] {strides = array<i32>} : memref<128x128xf32, #tpu.memory_space<vmem>>, vector<16xf32>,
        tpu.vector_store %arg14[%swap3A_681, %swap3A_682], %mul3A_680 {strides = array<i32>} : memref<128x128xf32, #tpu.memory_space<vmem>>, vector<16xf32>,
        %get3A_684 = arith.index_cast %add3A_641 : i32 to index
        %get3A_685 = arith.constant 96 : index
        %get3A_686 = tpu.vector_load %arg14[%get3A_684, %get3A_685] {strides = array<i32>} : memref<128x128xf32, #tpu.memory_space<vmem>>, vector<16xf32>,
        %mul3A_687 = arith.mulf %get3A_686, %broadcast_in_dim3A_637 : vector<16xf32>
        %swap3A_688 = arith.index_cast %add3A_641 : i32 to index
        %swap3A_689 = arith.constant 96 : index
        %swap3A_690 = tpu.vector_load %arg14[%swap3A_688, %swap3A_689] {strides = array<i32>} : memref<128x128xf32, #tpu.memory_space<vmem>>, vector<16xf32>,
        tpu.vector_store %arg14[%swap3A_688, %swap3A_689], %mul3A_687 {strides = array<i32>} : memref<128x128xf32, #tpu.memory_space<vmem>>, vector<16xf32>,
        %get3A_691 = arith.index_cast %add3A_641 : i32 to index
        %get3A_692 = arith.constant 112 : index
        %get3A_693 = tpu.vector_load %arg14[%get3A_691, %get3A_692] {strides = array<i32>} : memref<128x128xf32, #tpu.memory_space<vmem>>, vector<16xf32>,
        %mul3A_694 = arith.mulf %get3A_693, %broadcast_in_dim3A_637 : vector<16xf32>
        %swap3A_695 = arith.index_cast %add3A_641 : i32 to index
        %swap3A_696 = arith.constant 112 : index
        %swap3A_697 = tpu.vector_load %arg14[%swap3A_695, %swap3A_696] {strides = array<i32>} : memref<128x128xf32, #tpu.memory_space<vmem>>, vector<16xf32>,
        tpu.vector_store %arg14[%swap3A_695, %swap3A_696], %mul3A_694 {strides = array<i32>} : memref<128x128xf32, #tpu.memory_space<vmem>>, vector<16xf32>,
        %slice3A_698 = vector.extract_strided_slice %exp3A {offsets = [9], sizes = [1], strides = [1]} : vector<16xf32> to vector<1xf32>
        %squeeze3A_699 = vector.extract %slice3A_698[0] : f32 from vector<1xf32>
        %broadcast_in_dim3A_700 = vector.broadcast %squeeze3A_699 : f32 to vector<16xf32>
        %mul3A_701 = arith.constant 16 : i32
        %mul3A_702 = arith.muli %scan3A_122, %mul3A_701 : i32
        %add3A_703 = arith.constant 9 : i32
        %add3A_704 = arith.addi %mul3A_702, %add3A_703 : i32
        %get3A_705 = arith.index_cast %add3A_704 : i32 to index
        %get3A_706 = arith.constant 0 : index
        %get3A_707 = tpu.vector_load %arg14[%get3A_705, %get3A_706] {strides = array<i32>} : memref<128x128xf32, #tpu.memory_space<vmem>>, vector<16xf32>,
        %mul3A_708 = arith.mulf %get3A_707, %broadcast_in_dim3A_700 : vector<16xf32>
        %swap3A_709 = arith.index_cast %add3A_704 : i32 to index
        %swap3A_710 = arith.constant 0 : index
        %swap3A_711 = tpu.vector_load %arg14[%swap3A_709, %swap3A_710] {strides = array<i32>} : memref<128x128xf32, #tpu.memory_space<vmem>>, vector<16xf32>,
        tpu.vector_store %arg14[%swap3A_709, %swap3A_710], %mul3A_708 {strides = array<i32>} : memref<128x128xf32, #tpu.memory_space<vmem>>, vector<16xf32>,
        %get3A_712 = arith.index_cast %add3A_704 : i32 to index
        %get3A_713 = arith.constant 16 : index
        %get3A_714 = tpu.vector_load %arg14[%get3A_712, %get3A_713] {strides = array<i32>} : memref<128x128xf32, #tpu.memory_space<vmem>>, vector<16xf32>,
        %mul3A_715 = arith.mulf %get3A_714, %broadcast_in_dim3A_700 : vector<16xf32>
        %swap3A_716 = arith.index_cast %add3A_704 : i32 to index
        %swap3A_717 = arith.constant 16 : index
        %swap3A_718 = tpu.vector_load %arg14[%swap3A_716, %swap3A_717] {strides = array<i32>} : memref<128x128xf32, #tpu.memory_space<vmem>>, vector<16xf32>,
        tpu.vector_store %arg14[%swap3A_716, %swap3A_717], %mul3A_715 {strides = array<i32>} : memref<128x128xf32, #tpu.memory_space<vmem>>, vector<16xf32>,
        %get3A_719 = arith.index_cast %add3A_704 : i32 to index
        %get3A_720 = arith.constant 32 : index
        %get3A_721 = tpu.vector_load %arg14[%get3A_719, %get3A_720] {strides = array<i32>} : memref<128x128xf32, #tpu.memory_space<vmem>>, vector<16xf32>,
        %mul3A_722 = arith.mulf %get3A_721, %broadcast_in_dim3A_700 : vector<16xf32>
        %swap3A_723 = arith.index_cast %add3A_704 : i32 to index
        %swap3A_724 = arith.constant 32 : index
        %swap3A_725 = tpu.vector_load %arg14[%swap3A_723, %swap3A_724] {strides = array<i32>} : memref<128x128xf32, #tpu.memory_space<vmem>>, vector<16xf32>,
        tpu.vector_store %arg14[%swap3A_723, %swap3A_724], %mul3A_722 {strides = array<i32>} : memref<128x128xf32, #tpu.memory_space<vmem>>, vector<16xf32>,
        %get3A_726 = arith.index_cast %add3A_704 : i32 to index
        %get3A_727 = arith.constant 48 : index
        %get3A_728 = tpu.vector_load %arg14[%get3A_726, %get3A_727] {strides = array<i32>} : memref<128x128xf32, #tpu.memory_space<vmem>>, vector<16xf32>,
        %mul3A_729 = arith.mulf %get3A_728, %broadcast_in_dim3A_700 : vector<16xf32>
        %swap3A_730 = arith.index_cast %add3A_704 : i32 to index
        %swap3A_731 = arith.constant 48 : index
        %swap3A_732 = tpu.vector_load %arg14[%swap3A_730, %swap3A_731] {strides = array<i32>} : memref<128x128xf32, #tpu.memory_space<vmem>>, vector<16xf32>,
        tpu.vector_store %arg14[%swap3A_730, %swap3A_731], %mul3A_729 {strides = array<i32>} : memref<128x128xf32, #tpu.memory_space<vmem>>, vector<16xf32>,
        %get3A_733 = arith.index_cast %add3A_704 : i32 to index
        %get3A_734 = arith.constant 64 : index
        %get3A_735 = tpu.vector_load %arg14[%get3A_733, %get3A_734] {strides = array<i32>} : memref<128x128xf32, #tpu.memory_space<vmem>>, vector<16xf32>,
        %mul3A_736 = arith.mulf %get3A_735, %broadcast_in_dim3A_700 : vector<16xf32>
        %swap3A_737 = arith.index_cast %add3A_704 : i32 to index
        %swap3A_738 = arith.constant 64 : index
        %swap3A_739 = tpu.vector_load %arg14[%swap3A_737, %swap3A_738] {strides = array<i32>} : memref<128x128xf32, #tpu.memory_space<vmem>>, vector<16xf32>,
        tpu.vector_store %arg14[%swap3A_737, %swap3A_738], %mul3A_736 {strides = array<i32>} : memref<128x128xf32, #tpu.memory_space<vmem>>, vector<16xf32>,
        %get3A_740 = arith.index_cast %add3A_704 : i32 to index
        %get3A_741 = arith.constant 80 : index
        %get3A_742 = tpu.vector_load %arg14[%get3A_740, %get3A_741] {strides = array<i32>} : memref<128x128xf32, #tpu.memory_space<vmem>>, vector<16xf32>,
        %mul3A_743 = arith.mulf %get3A_742, %broadcast_in_dim3A_700 : vector<16xf32>
        %swap3A_744 = arith.index_cast %add3A_704 : i32 to index
        %swap3A_745 = arith.constant 80 : index
        %swap3A_746 = tpu.vector_load %arg14[%swap3A_744, %swap3A_745] {strides = array<i32>} : memref<128x128xf32, #tpu.memory_space<vmem>>, vector<16xf32>,
        tpu.vector_store %arg14[%swap3A_744, %swap3A_745], %mul3A_743 {strides = array<i32>} : memref<128x128xf32, #tpu.memory_space<vmem>>, vector<16xf32>,
        %get3A_747 = arith.index_cast %add3A_704 : i32 to index
        %get3A_748 = arith.constant 96 : index
        %get3A_749 = tpu.vector_load %arg14[%get3A_747, %get3A_748] {strides = array<i32>} : memref<128x128xf32, #tpu.memory_space<vmem>>, vector<16xf32>,
        %mul3A_750 = arith.mulf %get3A_749, %broadcast_in_dim3A_700 : vector<16xf32>
        %swap3A_751 = arith.index_cast %add3A_704 : i32 to index
        %swap3A_752 = arith.constant 96 : index
        %swap3A_753 = tpu.vector_load %arg14[%swap3A_751, %swap3A_752] {strides = array<i32>} : memref<128x128xf32, #tpu.memory_space<vmem>>, vector<16xf32>,
        tpu.vector_store %arg14[%swap3A_751, %swap3A_752], %mul3A_750 {strides = array<i32>} : memref<128x128xf32, #tpu.memory_space<vmem>>, vector<16xf32>,
        %get3A_754 = arith.index_cast %add3A_704 : i32 to index
        %get3A_755 = arith.constant 112 : index
        %get3A_756 = tpu.vector_load %arg14[%get3A_754, %get3A_755] {strides = array<i32>} : memref<128x128xf32, #tpu.memory_space<vmem>>, vector<16xf32>,
        %mul3A_757 = arith.mulf %get3A_756, %broadcast_in_dim3A_700 : vector<16xf32>
        %swap3A_758 = arith.index_cast %add3A_704 : i32 to index
        %swap3A_759 = arith.constant 112 : index
        %swap3A_760 = tpu.vector_load %arg14[%swap3A_758, %swap3A_759] {strides = array<i32>} : memref<128x128xf32, #tpu.memory_space<vmem>>, vector<16xf32>,
        tpu.vector_store %arg14[%swap3A_758, %swap3A_759], %mul3A_757 {strides = array<i32>} : memref<128x128xf32, #tpu.memory_space<vmem>>, vector<16xf32>,
        %slice3A_761 = vector.extract_strided_slice %exp3A {offsets = [10], sizes = [1], strides = [1]} : vector<16xf32> to vector<1xf32>
        %squeeze3A_762 = vector.extract %slice3A_761[0] : f32 from vector<1xf32>
        %broadcast_in_dim3A_763 = vector.broadcast %squeeze3A_762 : f32 to vector<16xf32>
        %mul3A_764 = arith.constant 16 : i32
        %mul3A_765 = arith.muli %scan3A_122, %mul3A_764 : i32
        %add3A_766 = arith.constant 10 : i32
        %add3A_767 = arith.addi %mul3A_765, %add3A_766 : i32
        %get3A_768 = arith.index_cast %add3A_767 : i32 to index
        %get3A_769 = arith.constant 0 : index
        %get3A_770 = tpu.vector_load %arg14[%get3A_768, %get3A_769] {strides = array<i32>} : memref<128x128xf32, #tpu.memory_space<vmem>>, vector<16xf32>,
        %mul3A_771 = arith.mulf %get3A_770, %broadcast_in_dim3A_763 : vector<16xf32>
        %swap3A_772 = arith.index_cast %add3A_767 : i32 to index
        %swap3A_773 = arith.constant 0 : index
        %swap3A_774 = tpu.vector_load %arg14[%swap3A_772, %swap3A_773] {strides = array<i32>} : memref<128x128xf32, #tpu.memory_space<vmem>>, vector<16xf32>,
        tpu.vector_store %arg14[%swap3A_772, %swap3A_773], %mul3A_771 {strides = array<i32>} : memref<128x128xf32, #tpu.memory_space<vmem>>, vector<16xf32>,
        %get3A_775 = arith.index_cast %add3A_767 : i32 to index
        %get3A_776 = arith.constant 16 : index
        %get3A_777 = tpu.vector_load %arg14[%get3A_775, %get3A_776] {strides = array<i32>} : memref<128x128xf32, #tpu.memory_space<vmem>>, vector<16xf32>,
        %mul3A_778 = arith.mulf %get3A_777, %broadcast_in_dim3A_763 : vector<16xf32>
        %swap3A_779 = arith.index_cast %add3A_767 : i32 to index
        %swap3A_780 = arith.constant 16 : index
        %swap3A_781 = tpu.vector_load %arg14[%swap3A_779, %swap3A_780] {strides = array<i32>} : memref<128x128xf32, #tpu.memory_space<vmem>>, vector<16xf32>,
        tpu.vector_store %arg14[%swap3A_779, %swap3A_780], %mul3A_778 {strides = array<i32>} : memref<128x128xf32, #tpu.memory_space<vmem>>, vector<16xf32>,
        %get3A_782 = arith.index_cast %add3A_767 : i32 to index
        %get3A_783 = arith.constant 32 : index
        %get3A_784 = tpu.vector_load %arg14[%get3A_782, %get3A_783] {strides = array<i32>} : memref<128x128xf32, #tpu.memory_space<vmem>>, vector<16xf32>,
        %mul3A_785 = arith.mulf %get3A_784, %broadcast_in_dim3A_763 : vector<16xf32>
        %swap3A_786 = arith.index_cast %add3A_767 : i32 to index
        %swap3A_787 = arith.constant 32 : index
        %swap3A_788 = tpu.vector_load %arg14[%swap3A_786, %swap3A_787] {strides = array<i32>} : memref<128x128xf32, #tpu.memory_space<vmem>>, vector<16xf32>,
        tpu.vector_store %arg14[%swap3A_786, %swap3A_787], %mul3A_785 {strides = array<i32>} : memref<128x128xf32, #tpu.memory_space<vmem>>, vector<16xf32>,
        %get3A_789 = arith.index_cast %add3A_767 : i32 to index
        %get3A_790 = arith.constant 48 : index
        %get3A_791 = tpu.vector_load %arg14[%get3A_789, %get3A_790] {strides = array<i32>} : memref<128x128xf32, #tpu.memory_space<vmem>>, vector<16xf32>,
        %mul3A_792 = arith.mulf %get3A_791, %broadcast_in_dim3A_763 : vector<16xf32>
        %swap3A_793 = arith.index_cast %add3A_767 : i32 to index
        %swap3A_794 = arith.constant 48 : index
        %swap3A_795 = tpu.vector_load %arg14[%swap3A_793, %swap3A_794] {strides = array<i32>} : memref<128x128xf32, #tpu.memory_space<vmem>>, vector<16xf32>,
        tpu.vector_store %arg14[%swap3A_793, %swap3A_794], %mul3A_792 {strides = array<i32>} : memref<128x128xf32, #tpu.memory_space<vmem>>, vector<16xf32>,
        %get3A_796 = arith.index_cast %add3A_767 : i32 to index
        %get3A_797 = arith.constant 64 : index
        %get3A_798 = tpu.vector_load %arg14[%get3A_796, %get3A_797] {strides = array<i32>} : memref<128x128xf32, #tpu.memory_space<vmem>>, vector<16xf32>,
        %mul3A_799 = arith.mulf %get3A_798, %broadcast_in_dim3A_763 : vector<16xf32>
        %swap3A_800 = arith.index_cast %add3A_767 : i32 to index
        %swap3A_801 = arith.constant 64 : index
        %swap3A_802 = tpu.vector_load %arg14[%swap3A_800, %swap3A_801] {strides = array<i32>} : memref<128x128xf32, #tpu.memory_space<vmem>>, vector<16xf32>,
        tpu.vector_store %arg14[%swap3A_800, %swap3A_801], %mul3A_799 {strides = array<i32>} : memref<128x128xf32, #tpu.memory_space<vmem>>, vector<16xf32>,
        %get3A_803 = arith.index_cast %add3A_767 : i32 to index
        %get3A_804 = arith.constant 80 : index
        %get3A_805 = tpu.vector_load %arg14[%get3A_803, %get3A_804] {strides = array<i32>} : memref<128x128xf32, #tpu.memory_space<vmem>>, vector<16xf32>,
        %mul3A_806 = arith.mulf %get3A_805, %broadcast_in_dim3A_763 : vector<16xf32>
        %swap3A_807 = arith.index_cast %add3A_767 : i32 to index
        %swap3A_808 = arith.constant 80 : index
        %swap3A_809 = tpu.vector_load %arg14[%swap3A_807, %swap3A_808] {strides = array<i32>} : memref<128x128xf32, #tpu.memory_space<vmem>>, vector<16xf32>,
        tpu.vector_store %arg14[%swap3A_807, %swap3A_808], %mul3A_806 {strides = array<i32>} : memref<128x128xf32, #tpu.memory_space<vmem>>, vector<16xf32>,
        %get3A_810 = arith.index_cast %add3A_767 : i32 to index
        %get3A_811 = arith.constant 96 : index
        %get3A_812 = tpu.vector_load %arg14[%get3A_810, %get3A_811] {strides = array<i32>} : memref<128x128xf32, #tpu.memory_space<vmem>>, vector<16xf32>,
        %mul3A_813 = arith.mulf %get3A_812, %broadcast_in_dim3A_763 : vector<16xf32>
        %swap3A_814 = arith.index_cast %add3A_767 : i32 to index
        %swap3A_815 = arith.constant 96 : index
        %swap3A_816 = tpu.vector_load %arg14[%swap3A_814, %swap3A_815] {strides = array<i32>} : memref<128x128xf32, #tpu.memory_space<vmem>>, vector<16xf32>,
        tpu.vector_store %arg14[%swap3A_814, %swap3A_815], %mul3A_813 {strides = array<i32>} : memref<128x128xf32, #tpu.memory_space<vmem>>, vector<16xf32>,
        %get3A_817 = arith.index_cast %add3A_767 : i32 to index
        %get3A_818 = arith.constant 112 : index
        %get3A_819 = tpu.vector_load %arg14[%get3A_817, %get3A_818] {strides = array<i32>} : memref<128x128xf32, #tpu.memory_space<vmem>>, vector<16xf32>,
        %mul3A_820 = arith.mulf %get3A_819, %broadcast_in_dim3A_763 : vector<16xf32>
        %swap3A_821 = arith.index_cast %add3A_767 : i32 to index
        %swap3A_822 = arith.constant 112 : index
        %swap3A_823 = tpu.vector_load %arg14[%swap3A_821, %swap3A_822] {strides = array<i32>} : memref<128x128xf32, #tpu.memory_space<vmem>>, vector<16xf32>,
        tpu.vector_store %arg14[%swap3A_821, %swap3A_822], %mul3A_820 {strides = array<i32>} : memref<128x128xf32, #tpu.memory_space<vmem>>, vector<16xf32>,
        %slice3A_824 = vector.extract_strided_slice %exp3A {offsets = [11], sizes = [1], strides = [1]} : vector<16xf32> to vector<1xf32>
        %squeeze3A_825 = vector.extract %slice3A_824[0] : f32 from vector<1xf32>
        %broadcast_in_dim3A_826 = vector.broadcast %squeeze3A_825 : f32 to vector<16xf32>
        %mul3A_827 = arith.constant 16 : i32
        %mul3A_828 = arith.muli %scan3A_122, %mul3A_827 : i32
        %add3A_829 = arith.constant 11 : i32
        %add3A_830 = arith.addi %mul3A_828, %add3A_829 : i32
        %get3A_831 = arith.index_cast %add3A_830 : i32 to index
        %get3A_832 = arith.constant 0 : index
        %get3A_833 = tpu.vector_load %arg14[%get3A_831, %get3A_832] {strides = array<i32>} : memref<128x128xf32, #tpu.memory_space<vmem>>, vector<16xf32>,
        %mul3A_834 = arith.mulf %get3A_833, %broadcast_in_dim3A_826 : vector<16xf32>
        %swap3A_835 = arith.index_cast %add3A_830 : i32 to index
        %swap3A_836 = arith.constant 0 : index
        %swap3A_837 = tpu.vector_load %arg14[%swap3A_835, %swap3A_836] {strides = array<i32>} : memref<128x128xf32, #tpu.memory_space<vmem>>, vector<16xf32>,
        tpu.vector_store %arg14[%swap3A_835, %swap3A_836], %mul3A_834 {strides = array<i32>} : memref<128x128xf32, #tpu.memory_space<vmem>>, vector<16xf32>,
        %get3A_838 = arith.index_cast %add3A_830 : i32 to index
        %get3A_839 = arith.constant 16 : index
        %get3A_840 = tpu.vector_load %arg14[%get3A_838, %get3A_839] {strides = array<i32>} : memref<128x128xf32, #tpu.memory_space<vmem>>, vector<16xf32>,
        %mul3A_841 = arith.mulf %get3A_840, %broadcast_in_dim3A_826 : vector<16xf32>
        %swap3A_842 = arith.index_cast %add3A_830 : i32 to index
        %swap3A_843 = arith.constant 16 : index
        %swap3A_844 = tpu.vector_load %arg14[%swap3A_842, %swap3A_843] {strides = array<i32>} : memref<128x128xf32, #tpu.memory_space<vmem>>, vector<16xf32>,
        tpu.vector_store %arg14[%swap3A_842, %swap3A_843], %mul3A_841 {strides = array<i32>} : memref<128x128xf32, #tpu.memory_space<vmem>>, vector<16xf32>,
        %get3A_845 = arith.index_cast %add3A_830 : i32 to index
        %get3A_846 = arith.constant 32 : index
        %get3A_847 = tpu.vector_load %arg14[%get3A_845, %get3A_846] {strides = array<i32>} : memref<128x128xf32, #tpu.memory_space<vmem>>, vector<16xf32>,
        %mul3A_848 = arith.mulf %get3A_847, %broadcast_in_dim3A_826 : vector<16xf32>
        %swap3A_849 = arith.index_cast %add3A_830 : i32 to index
        %swap3A_850 = arith.constant 32 : index
        %swap3A_851 = tpu.vector_load %arg14[%swap3A_849, %swap3A_850] {strides = array<i32>} : memref<128x128xf32, #tpu.memory_space<vmem>>, vector<16xf32>,
        tpu.vector_store %arg14[%swap3A_849, %swap3A_850], %mul3A_848 {strides = array<i32>} : memref<128x128xf32, #tpu.memory_space<vmem>>, vector<16xf32>,
        %get3A_852 = arith.index_cast %add3A_830 : i32 to index
        %get3A_853 = arith.constant 48 : index
        %get3A_854 = tpu.vector_load %arg14[%get3A_852, %get3A_853] {strides = array<i32>} : memref<128x128xf32, #tpu.memory_space<vmem>>, vector<16xf32>,
        %mul3A_855 = arith.mulf %get3A_854, %broadcast_in_dim3A_826 : vector<16xf32>
        %swap3A_856 = arith.index_cast %add3A_830 : i32 to index
        %swap3A_857 = arith.constant 48 : index
        %swap3A_858 = tpu.vector_load %arg14[%swap3A_856, %swap3A_857] {strides = array<i32>} : memref<128x128xf32, #tpu.memory_space<vmem>>, vector<16xf32>,
        tpu.vector_store %arg14[%swap3A_856, %swap3A_857], %mul3A_855 {strides = array<i32>} : memref<128x128xf32, #tpu.memory_space<vmem>>, vector<16xf32>,
        %get3A_859 = arith.index_cast %add3A_830 : i32 to index
        %get3A_860 = arith.constant 64 : index
        %get3A_861 = tpu.vector_load %arg14[%get3A_859, %get3A_860] {strides = array<i32>} : memref<128x128xf32, #tpu.memory_space<vmem>>, vector<16xf32>,
        %mul3A_862 = arith.mulf %get3A_861, %broadcast_in_dim3A_826 : vector<16xf32>
        %swap3A_863 = arith.index_cast %add3A_830 : i32 to index
        %swap3A_864 = arith.constant 64 : index
        %swap3A_865 = tpu.vector_load %arg14[%swap3A_863, %swap3A_864] {strides = array<i32>} : memref<128x128xf32, #tpu.memory_space<vmem>>, vector<16xf32>,
        tpu.vector_store %arg14[%swap3A_863, %swap3A_864], %mul3A_862 {strides = array<i32>} : memref<128x128xf32, #tpu.memory_space<vmem>>, vector<16xf32>,
        %get3A_866 = arith.index_cast %add3A_830 : i32 to index
        %get3A_867 = arith.constant 80 : index
        %get3A_868 = tpu.vector_load %arg14[%get3A_866, %get3A_867] {strides = array<i32>} : memref<128x128xf32, #tpu.memory_space<vmem>>, vector<16xf32>,
        %mul3A_869 = arith.mulf %get3A_868, %broadcast_in_dim3A_826 : vector<16xf32>
        %swap3A_870 = arith.index_cast %add3A_830 : i32 to index
        %swap3A_871 = arith.constant 80 : index
        %swap3A_872 = tpu.vector_load %arg14[%swap3A_870, %swap3A_871] {strides = array<i32>} : memref<128x128xf32, #tpu.memory_space<vmem>>, vector<16xf32>,
        tpu.vector_store %arg14[%swap3A_870, %swap3A_871], %mul3A_869 {strides = array<i32>} : memref<128x128xf32, #tpu.memory_space<vmem>>, vector<16xf32>,
        %get3A_873 = arith.index_cast %add3A_830 : i32 to index
        %get3A_874 = arith.constant 96 : index
        %get3A_875 = tpu.vector_load %arg14[%get3A_873, %get3A_874] {strides = array<i32>} : memref<128x128xf32, #tpu.memory_space<vmem>>, vector<16xf32>,
        %mul3A_876 = arith.mulf %get3A_875, %broadcast_in_dim3A_826 : vector<16xf32>
        %swap3A_877 = arith.index_cast %add3A_830 : i32 to index
        %swap3A_878 = arith.constant 96 : index
        %swap3A_879 = tpu.vector_load %arg14[%swap3A_877, %swap3A_878] {strides = array<i32>} : memref<128x128xf32, #tpu.memory_space<vmem>>, vector<16xf32>,
        tpu.vector_store %arg14[%swap3A_877, %swap3A_878], %mul3A_876 {strides = array<i32>} : memref<128x128xf32, #tpu.memory_space<vmem>>, vector<16xf32>,
        %get3A_880 = arith.index_cast %add3A_830 : i32 to index
        %get3A_881 = arith.constant 112 : index
        %get3A_882 = tpu.vector_load %arg14[%get3A_880, %get3A_881] {strides = array<i32>} : memref<128x128xf32, #tpu.memory_space<vmem>>, vector<16xf32>,
        %mul3A_883 = arith.mulf %get3A_882, %broadcast_in_dim3A_826 : vector<16xf32>
        %swap3A_884 = arith.index_cast %add3A_830 : i32 to index
        %swap3A_885 = arith.constant 112 : index
        %swap3A_886 = tpu.vector_load %arg14[%swap3A_884, %swap3A_885] {strides = array<i32>} : memref<128x128xf32, #tpu.memory_space<vmem>>, vector<16xf32>,
        tpu.vector_store %arg14[%swap3A_884, %swap3A_885], %mul3A_883 {strides = array<i32>} : memref<128x128xf32, #tpu.memory_space<vmem>>, vector<16xf32>,
        %slice3A_887 = vector.extract_strided_slice %exp3A {offsets = [12], sizes = [1], strides = [1]} : vector<16xf32> to vector<1xf32>
        %squeeze3A_888 = vector.extract %slice3A_887[0] : f32 from vector<1xf32>
        %broadcast_in_dim3A_889 = vector.broadcast %squeeze3A_888 : f32 to vector<16xf32>
        %mul3A_890 = arith.constant 16 : i32
        %mul3A_891 = arith.muli %scan3A_122, %mul3A_890 : i32
        %add3A_892 = arith.constant 12 : i32
        %add3A_893 = arith.addi %mul3A_891, %add3A_892 : i32
        %get3A_894 = arith.index_cast %add3A_893 : i32 to index
        %get3A_895 = arith.constant 0 : index
        %get3A_896 = tpu.vector_load %arg14[%get3A_894, %get3A_895] {strides = array<i32>} : memref<128x128xf32, #tpu.memory_space<vmem>>, vector<16xf32>,
        %mul3A_897 = arith.mulf %get3A_896, %broadcast_in_dim3A_889 : vector<16xf32>
        %swap3A_898 = arith.index_cast %add3A_893 : i32 to index
        %swap3A_899 = arith.constant 0 : index
        %swap3A_900 = tpu.vector_load %arg14[%swap3A_898, %swap3A_899] {strides = array<i32>} : memref<128x128xf32, #tpu.memory_space<vmem>>, vector<16xf32>,
        tpu.vector_store %arg14[%swap3A_898, %swap3A_899], %mul3A_897 {strides = array<i32>} : memref<128x128xf32, #tpu.memory_space<vmem>>, vector<16xf32>,
        %get3A_901 = arith.index_cast %add3A_893 : i32 to index
        %get3A_902 = arith.constant 16 : index
        %get3A_903 = tpu.vector_load %arg14[%get3A_901, %get3A_902] {strides = array<i32>} : memref<128x128xf32, #tpu.memory_space<vmem>>, vector<16xf32>,
        %mul3A_904 = arith.mulf %get3A_903, %broadcast_in_dim3A_889 : vector<16xf32>
        %swap3A_905 = arith.index_cast %add3A_893 : i32 to index
        %swap3A_906 = arith.constant 16 : index
        %swap3A_907 = tpu.vector_load %arg14[%swap3A_905, %swap3A_906] {strides = array<i32>} : memref<128x128xf32, #tpu.memory_space<vmem>>, vector<16xf32>,
        tpu.vector_store %arg14[%swap3A_905, %swap3A_906], %mul3A_904 {strides = array<i32>} : memref<128x128xf32, #tpu.memory_space<vmem>>, vector<16xf32>,
        %get3A_908 = arith.index_cast %add3A_893 : i32 to index
        %get3A_909 = arith.constant 32 : index
        %get3A_910 = tpu.vector_load %arg14[%get3A_908, %get3A_909] {strides = array<i32>} : memref<128x128xf32, #tpu.memory_space<vmem>>, vector<16xf32>,
        %mul3A_911 = arith.mulf %get3A_910, %broadcast_in_dim3A_889 : vector<16xf32>
        %swap3A_912 = arith.index_cast %add3A_893 : i32 to index
        %swap3A_913 = arith.constant 32 : index
        %swap3A_914 = tpu.vector_load %arg14[%swap3A_912, %swap3A_913] {strides = array<i32>} : memref<128x128xf32, #tpu.memory_space<vmem>>, vector<16xf32>,
        tpu.vector_store %arg14[%swap3A_912, %swap3A_913], %mul3A_911 {strides = array<i32>} : memref<128x128xf32, #tpu.memory_space<vmem>>, vector<16xf32>,
        %get3A_915 = arith.index_cast %add3A_893 : i32 to index
        %get3A_916 = arith.constant 48 : index
        %get3A_917 = tpu.vector_load %arg14[%get3A_915, %get3A_916] {strides = array<i32>} : memref<128x128xf32, #tpu.memory_space<vmem>>, vector<16xf32>,
        %mul3A_918 = arith.mulf %get3A_917, %broadcast_in_dim3A_889 : vector<16xf32>
        %swap3A_919 = arith.index_cast %add3A_893 : i32 to index
        %swap3A_920 = arith.constant 48 : index
        %swap3A_921 = tpu.vector_load %arg14[%swap3A_919, %swap3A_920] {strides = array<i32>} : memref<128x128xf32, #tpu.memory_space<vmem>>, vector<16xf32>,
        tpu.vector_store %arg14[%swap3A_919, %swap3A_920], %mul3A_918 {strides = array<i32>} : memref<128x128xf32, #tpu.memory_space<vmem>>, vector<16xf32>,
        %get3A_922 = arith.index_cast %add3A_893 : i32 to index
        %get3A_923 = arith.constant 64 : index
        %get3A_924 = tpu.vector_load %arg14[%get3A_922, %get3A_923] {strides = array<i32>} : memref<128x128xf32, #tpu.memory_space<vmem>>, vector<16xf32>,
        %mul3A_925 = arith.mulf %get3A_924, %broadcast_in_dim3A_889 : vector<16xf32>
        %swap3A_926 = arith.index_cast %add3A_893 : i32 to index
        %swap3A_927 = arith.constant 64 : index
        %swap3A_928 = tpu.vector_load %arg14[%swap3A_926, %swap3A_927] {strides = array<i32>} : memref<128x128xf32, #tpu.memory_space<vmem>>, vector<16xf32>,
        tpu.vector_store %arg14[%swap3A_926, %swap3A_927], %mul3A_925 {strides = array<i32>} : memref<128x128xf32, #tpu.memory_space<vmem>>, vector<16xf32>,
        %get3A_929 = arith.index_cast %add3A_893 : i32 to index
        %get3A_930 = arith.constant 80 : index
        %get3A_931 = tpu.vector_load %arg14[%get3A_929, %get3A_930] {strides = array<i32>} : memref<128x128xf32, #tpu.memory_space<vmem>>, vector<16xf32>,
        %mul3A_932 = arith.mulf %get3A_931, %broadcast_in_dim3A_889 : vector<16xf32>
        %swap3A_933 = arith.index_cast %add3A_893 : i32 to index
        %swap3A_934 = arith.constant 80 : index
        %swap3A_935 = tpu.vector_load %arg14[%swap3A_933, %swap3A_934] {strides = array<i32>} : memref<128x128xf32, #tpu.memory_space<vmem>>, vector<16xf32>,
        tpu.vector_store %arg14[%swap3A_933, %swap3A_934], %mul3A_932 {strides = array<i32>} : memref<128x128xf32, #tpu.memory_space<vmem>>, vector<16xf32>,
        %get3A_936 = arith.index_cast %add3A_893 : i32 to index
        %get3A_937 = arith.constant 96 : index
        %get3A_938 = tpu.vector_load %arg14[%get3A_936, %get3A_937] {strides = array<i32>} : memref<128x128xf32, #tpu.memory_space<vmem>>, vector<16xf32>,
        %mul3A_939 = arith.mulf %get3A_938, %broadcast_in_dim3A_889 : vector<16xf32>
        %swap3A_940 = arith.index_cast %add3A_893 : i32 to index
        %swap3A_941 = arith.constant 96 : index
        %swap3A_942 = tpu.vector_load %arg14[%swap3A_940, %swap3A_941] {strides = array<i32>} : memref<128x128xf32, #tpu.memory_space<vmem>>, vector<16xf32>,
        tpu.vector_store %arg14[%swap3A_940, %swap3A_941], %mul3A_939 {strides = array<i32>} : memref<128x128xf32, #tpu.memory_space<vmem>>, vector<16xf32>,
        %get3A_943 = arith.index_cast %add3A_893 : i32 to index
        %get3A_944 = arith.constant 112 : index
        %get3A_945 = tpu.vector_load %arg14[%get3A_943, %get3A_944] {strides = array<i32>} : memref<128x128xf32, #tpu.memory_space<vmem>>, vector<16xf32>,
        %mul3A_946 = arith.mulf %get3A_945, %broadcast_in_dim3A_889 : vector<16xf32>
        %swap3A_947 = arith.index_cast %add3A_893 : i32 to index
        %swap3A_948 = arith.constant 112 : index
        %swap3A_949 = tpu.vector_load %arg14[%swap3A_947, %swap3A_948] {strides = array<i32>} : memref<128x128xf32, #tpu.memory_space<vmem>>, vector<16xf32>,
        tpu.vector_store %arg14[%swap3A_947, %swap3A_948], %mul3A_946 {strides = array<i32>} : memref<128x128xf32, #tpu.memory_space<vmem>>, vector<16xf32>,
        %slice3A_950 = vector.extract_strided_slice %exp3A {offsets = [13], sizes = [1], strides = [1]} : vector<16xf32> to vector<1xf32>
        %squeeze3A_951 = vector.extract %slice3A_950[0] : f32 from vector<1xf32>
        %broadcast_in_dim3A_952 = vector.broadcast %squeeze3A_951 : f32 to vector<16xf32>
        %mul3A_953 = arith.constant 16 : i32
        %mul3A_954 = arith.muli %scan3A_122, %mul3A_953 : i32
        %add3A_955 = arith.constant 13 : i32
        %add3A_956 = arith.addi %mul3A_954, %add3A_955 : i32
        %get3A_957 = arith.index_cast %add3A_956 : i32 to index
        %get3A_958 = arith.constant 0 : index
        %get3A_959 = tpu.vector_load %arg14[%get3A_957, %get3A_958] {strides = array<i32>} : memref<128x128xf32, #tpu.memory_space<vmem>>, vector<16xf32>,
        %mul3A_960 = arith.mulf %get3A_959, %broadcast_in_dim3A_952 : vector<16xf32>
        %swap3A_961 = arith.index_cast %add3A_956 : i32 to index
        %swap3A_962 = arith.constant 0 : index
        %swap3A_963 = tpu.vector_load %arg14[%swap3A_961, %swap3A_962] {strides = array<i32>} : memref<128x128xf32, #tpu.memory_space<vmem>>, vector<16xf32>,
        tpu.vector_store %arg14[%swap3A_961, %swap3A_962], %mul3A_960 {strides = array<i32>} : memref<128x128xf32, #tpu.memory_space<vmem>>, vector<16xf32>,
        %get3A_964 = arith.index_cast %add3A_956 : i32 to index
        %get3A_965 = arith.constant 16 : index
        %get3A_966 = tpu.vector_load %arg14[%get3A_964, %get3A_965] {strides = array<i32>} : memref<128x128xf32, #tpu.memory_space<vmem>>, vector<16xf32>,
        %mul3A_967 = arith.mulf %get3A_966, %broadcast_in_dim3A_952 : vector<16xf32>
        %swap3A_968 = arith.index_cast %add3A_956 : i32 to index
        %swap3A_969 = arith.constant 16 : index
        %swap3A_970 = tpu.vector_load %arg14[%swap3A_968, %swap3A_969] {strides = array<i32>} : memref<128x128xf32, #tpu.memory_space<vmem>>, vector<16xf32>,
        tpu.vector_store %arg14[%swap3A_968, %swap3A_969], %mul3A_967 {strides = array<i32>} : memref<128x128xf32, #tpu.memory_space<vmem>>, vector<16xf32>,
        %get3A_971 = arith.index_cast %add3A_956 : i32 to index
        %get3A_972 = arith.constant 32 : index
        %get3A_973 = tpu.vector_load %arg14[%get3A_971, %get3A_972] {strides = array<i32>} : memref<128x128xf32, #tpu.memory_space<vmem>>, vector<16xf32>,
        %mul3A_974 = arith.mulf %get3A_973, %broadcast_in_dim3A_952 : vector<16xf32>
        %swap3A_975 = arith.index_cast %add3A_956 : i32 to index
        %swap3A_976 = arith.constant 32 : index
        %swap3A_977 = tpu.vector_load %arg14[%swap3A_975, %swap3A_976] {strides = array<i32>} : memref<128x128xf32, #tpu.memory_space<vmem>>, vector<16xf32>,
        tpu.vector_store %arg14[%swap3A_975, %swap3A_976], %mul3A_974 {strides = array<i32>} : memref<128x128xf32, #tpu.memory_space<vmem>>, vector<16xf32>,
        %get3A_978 = arith.index_cast %add3A_956 : i32 to index
        %get3A_979 = arith.constant 48 : index
        %get3A_980 = tpu.vector_load %arg14[%get3A_978, %get3A_979] {strides = array<i32>} : memref<128x128xf32, #tpu.memory_space<vmem>>, vector<16xf32>,
        %mul3A_981 = arith.mulf %get3A_980, %broadcast_in_dim3A_952 : vector<16xf32>
        %swap3A_982 = arith.index_cast %add3A_956 : i32 to index
        %swap3A_983 = arith.constant 48 : index
        %swap3A_984 = tpu.vector_load %arg14[%swap3A_982, %swap3A_983] {strides = array<i32>} : memref<128x128xf32, #tpu.memory_space<vmem>>, vector<16xf32>,
        tpu.vector_store %arg14[%swap3A_982, %swap3A_983], %mul3A_981 {strides = array<i32>} : memref<128x128xf32, #tpu.memory_space<vmem>>, vector<16xf32>,
        %get3A_985 = arith.index_cast %add3A_956 : i32 to index
        %get3A_986 = arith.constant 64 : index
        %get3A_987 = tpu.vector_load %arg14[%get3A_985, %get3A_986] {strides = array<i32>} : memref<128x128xf32, #tpu.memory_space<vmem>>, vector<16xf32>,
        %mul3A_988 = arith.mulf %get3A_987, %broadcast_in_dim3A_952 : vector<16xf32>
        %swap3A_989 = arith.index_cast %add3A_956 : i32 to index
        %swap3A_990 = arith.constant 64 : index
        %swap3A_991 = tpu.vector_load %arg14[%swap3A_989, %swap3A_990] {strides = array<i32>} : memref<128x128xf32, #tpu.memory_space<vmem>>, vector<16xf32>,
        tpu.vector_store %arg14[%swap3A_989, %swap3A_990], %mul3A_988 {strides = array<i32>} : memref<128x128xf32, #tpu.memory_space<vmem>>, vector<16xf32>,
        %get3A_992 = arith.index_cast %add3A_956 : i32 to index
        %get3A_993 = arith.constant 80 : index
        %get3A_994 = tpu.vector_load %arg14[%get3A_992, %get3A_993] {strides = array<i32>} : memref<128x128xf32, #tpu.memory_space<vmem>>, vector<16xf32>,
        %mul3A_995 = arith.mulf %get3A_994, %broadcast_in_dim3A_952 : vector<16xf32>
        %swap3A_996 = arith.index_cast %add3A_956 : i32 to index
        %swap3A_997 = arith.constant 80 : index
        %swap3A_998 = tpu.vector_load %arg14[%swap3A_996, %swap3A_997] {strides = array<i32>} : memref<128x128xf32, #tpu.memory_space<vmem>>, vector<16xf32>,
        tpu.vector_store %arg14[%swap3A_996, %swap3A_997], %mul3A_995 {strides = array<i32>} : memref<128x128xf32, #tpu.memory_space<vmem>>, vector<16xf32>,
        %get3A_999 = arith.index_cast %add3A_956 : i32 to index
        %get3A_1000 = arith.constant 96 : index
        %get3A_1001 = tpu.vector_load %arg14[%get3A_999, %get3A_1000] {strides = array<i32>} : memref<128x128xf32, #tpu.memory_space<vmem>>, vector<16xf32>,
        %mul3A_1002 = arith.mulf %get3A_1001, %broadcast_in_dim3A_952 : vector<16xf32>
        %swap3A_1003 = arith.index_cast %add3A_956 : i32 to index
        %swap3A_1004 = arith.constant 96 : index
        %swap3A_1005 = tpu.vector_load %arg14[%swap3A_1003, %swap3A_1004] {strides = array<i32>} : memref<128x128xf32, #tpu.memory_space<vmem>>, vector<16xf32>,
        tpu.vector_store %arg14[%swap3A_1003, %swap3A_1004], %mul3A_1002 {strides = array<i32>} : memref<128x128xf32, #tpu.memory_space<vmem>>, vector<16xf32>,
        %get3A_1006 = arith.index_cast %add3A_956 : i32 to index
        %get3A_1007 = arith.constant 112 : index
        %get3A_1008 = tpu.vector_load %arg14[%get3A_1006, %get3A_1007] {strides = array<i32>} : memref<128x128xf32, #tpu.memory_space<vmem>>, vector<16xf32>,
        %mul3A_1009 = arith.mulf %get3A_1008, %broadcast_in_dim3A_952 : vector<16xf32>
        %swap3A_1010 = arith.index_cast %add3A_956 : i32 to index
        %swap3A_1011 = arith.constant 112 : index
        %swap3A_1012 = tpu.vector_load %arg14[%swap3A_1010, %swap3A_1011] {strides = array<i32>} : memref<128x128xf32, #tpu.memory_space<vmem>>, vector<16xf32>,
        tpu.vector_store %arg14[%swap3A_1010, %swap3A_1011], %mul3A_1009 {strides = array<i32>} : memref<128x128xf32, #tpu.memory_space<vmem>>, vector<16xf32>,
        %slice3A_1013 = vector.extract_strided_slice %exp3A {offsets = [14], sizes = [1], strides = [1]} : vector<16xf32> to vector<1xf32>
        %squeeze3A_1014 = vector.extract %slice3A_1013[0] : f32 from vector<1xf32>
        %broadcast_in_dim3A_1015 = vector.broadcast %squeeze3A_1014 : f32 to vector<16xf32>
        %mul3A_1016 = arith.constant 16 : i32
        %mul3A_1017 = arith.muli %scan3A_122, %mul3A_1016 : i32
        %add3A_1018 = arith.constant 14 : i32
        %add3A_1019 = arith.addi %mul3A_1017, %add3A_1018 : i32
        %get3A_1020 = arith.index_cast %add3A_1019 : i32 to index
        %get3A_1021 = arith.constant 0 : index
        %get3A_1022 = tpu.vector_load %arg14[%get3A_1020, %get3A_1021] {strides = array<i32>} : memref<128x128xf32, #tpu.memory_space<vmem>>, vector<16xf32>,
        %mul3A_1023 = arith.mulf %get3A_1022, %broadcast_in_dim3A_1015 : vector<16xf32>
        %swap3A_1024 = arith.index_cast %add3A_1019 : i32 to index
        %swap3A_1025 = arith.constant 0 : index
        %swap3A_1026 = tpu.vector_load %arg14[%swap3A_1024, %swap3A_1025] {strides = array<i32>} : memref<128x128xf32, #tpu.memory_space<vmem>>, vector<16xf32>,
        tpu.vector_store %arg14[%swap3A_1024, %swap3A_1025], %mul3A_1023 {strides = array<i32>} : memref<128x128xf32, #tpu.memory_space<vmem>>, vector<16xf32>,
        %get3A_1027 = arith.index_cast %add3A_1019 : i32 to index
        %get3A_1028 = arith.constant 16 : index
        %get3A_1029 = tpu.vector_load %arg14[%get3A_1027, %get3A_1028] {strides = array<i32>} : memref<128x128xf32, #tpu.memory_space<vmem>>, vector<16xf32>,
        %mul3A_1030 = arith.mulf %get3A_1029, %broadcast_in_dim3A_1015 : vector<16xf32>
        %swap3A_1031 = arith.index_cast %add3A_1019 : i32 to index
        %swap3A_1032 = arith.constant 16 : index
        %swap3A_1033 = tpu.vector_load %arg14[%swap3A_1031, %swap3A_1032] {strides = array<i32>} : memref<128x128xf32, #tpu.memory_space<vmem>>, vector<16xf32>,
        tpu.vector_store %arg14[%swap3A_1031, %swap3A_1032], %mul3A_1030 {strides = array<i32>} : memref<128x128xf32, #tpu.memory_space<vmem>>, vector<16xf32>,
        %get3A_1034 = arith.index_cast %add3A_1019 : i32 to index
        %get3A_1035 = arith.constant 32 : index
        %get3A_1036 = tpu.vector_load %arg14[%get3A_1034, %get3A_1035] {strides = array<i32>} : memref<128x128xf32, #tpu.memory_space<vmem>>, vector<16xf32>,
        %mul3A_1037 = arith.mulf %get3A_1036, %broadcast_in_dim3A_1015 : vector<16xf32>
        %swap3A_1038 = arith.index_cast %add3A_1019 : i32 to index
        %swap3A_1039 = arith.constant 32 : index
        %swap3A_1040 = tpu.vector_load %arg14[%swap3A_1038, %swap3A_1039] {strides = array<i32>} : memref<128x128xf32, #tpu.memory_space<vmem>>, vector<16xf32>,
        tpu.vector_store %arg14[%swap3A_1038, %swap3A_1039], %mul3A_1037 {strides = array<i32>} : memref<128x128xf32, #tpu.memory_space<vmem>>, vector<16xf32>,
        %get3A_1041 = arith.index_cast %add3A_1019 : i32 to index
        %get3A_1042 = arith.constant 48 : index
        %get3A_1043 = tpu.vector_load %arg14[%get3A_1041, %get3A_1042] {strides = array<i32>} : memref<128x128xf32, #tpu.memory_space<vmem>>, vector<16xf32>,
        %mul3A_1044 = arith.mulf %get3A_1043, %broadcast_in_dim3A_1015 : vector<16xf32>
        %swap3A_1045 = arith.index_cast %add3A_1019 : i32 to index
        %swap3A_1046 = arith.constant 48 : index
        %swap3A_1047 = tpu.vector_load %arg14[%swap3A_1045, %swap3A_1046] {strides = array<i32>} : memref<128x128xf32, #tpu.memory_space<vmem>>, vector<16xf32>,
        tpu.vector_store %arg14[%swap3A_1045, %swap3A_1046], %mul3A_1044 {strides = array<i32>} : memref<128x128xf32, #tpu.memory_space<vmem>>, vector<16xf32>,
        %get3A_1048 = arith.index_cast %add3A_1019 : i32 to index
        %get3A_1049 = arith.constant 64 : index
        %get3A_1050 = tpu.vector_load %arg14[%get3A_1048, %get3A_1049] {strides = array<i32>} : memref<128x128xf32, #tpu.memory_space<vmem>>, vector<16xf32>,
        %mul3A_1051 = arith.mulf %get3A_1050, %broadcast_in_dim3A_1015 : vector<16xf32>
        %swap3A_1052 = arith.index_cast %add3A_1019 : i32 to index
        %swap3A_1053 = arith.constant 64 : index
        %swap3A_1054 = tpu.vector_load %arg14[%swap3A_1052, %swap3A_1053] {strides = array<i32>} : memref<128x128xf32, #tpu.memory_space<vmem>>, vector<16xf32>,
        tpu.vector_store %arg14[%swap3A_1052, %swap3A_1053], %mul3A_1051 {strides = array<i32>} : memref<128x128xf32, #tpu.memory_space<vmem>>, vector<16xf32>,
        %get3A_1055 = arith.index_cast %add3A_1019 : i32 to index
        %get3A_1056 = arith.constant 80 : index
        %get3A_1057 = tpu.vector_load %arg14[%get3A_1055, %get3A_1056] {strides = array<i32>} : memref<128x128xf32, #tpu.memory_space<vmem>>, vector<16xf32>,
        %mul3A_1058 = arith.mulf %get3A_1057, %broadcast_in_dim3A_1015 : vector<16xf32>
        %swap3A_1059 = arith.index_cast %add3A_1019 : i32 to index
        %swap3A_1060 = arith.constant 80 : index
        %swap3A_1061 = tpu.vector_load %arg14[%swap3A_1059, %swap3A_1060] {strides = array<i32>} : memref<128x128xf32, #tpu.memory_space<vmem>>, vector<16xf32>,
        tpu.vector_store %arg14[%swap3A_1059, %swap3A_1060], %mul3A_1058 {strides = array<i32>} : memref<128x128xf32, #tpu.memory_space<vmem>>, vector<16xf32>,
        %get3A_1062 = arith.index_cast %add3A_1019 : i32 to index
        %get3A_1063 = arith.constant 96 : index
        %get3A_1064 = tpu.vector_load %arg14[%get3A_1062, %get3A_1063] {strides = array<i32>} : memref<128x128xf32, #tpu.memory_space<vmem>>, vector<16xf32>,
        %mul3A_1065 = arith.mulf %get3A_1064, %broadcast_in_dim3A_1015 : vector<16xf32>
        %swap3A_1066 = arith.index_cast %add3A_1019 : i32 to index
        %swap3A_1067 = arith.constant 96 : index
        %swap3A_1068 = tpu.vector_load %arg14[%swap3A_1066, %swap3A_1067] {strides = array<i32>} : memref<128x128xf32, #tpu.memory_space<vmem>>, vector<16xf32>,
        tpu.vector_store %arg14[%swap3A_1066, %swap3A_1067], %mul3A_1065 {strides = array<i32>} : memref<128x128xf32, #tpu.memory_space<vmem>>, vector<16xf32>,
        %get3A_1069 = arith.index_cast %add3A_1019 : i32 to index
        %get3A_1070 = arith.constant 112 : index
        %get3A_1071 = tpu.vector_load %arg14[%get3A_1069, %get3A_1070] {strides = array<i32>} : memref<128x128xf32, #tpu.memory_space<vmem>>, vector<16xf32>,
        %mul3A_1072 = arith.mulf %get3A_1071, %broadcast_in_dim3A_1015 : vector<16xf32>
        %swap3A_1073 = arith.index_cast %add3A_1019 : i32 to index
        %swap3A_1074 = arith.constant 112 : index
        %swap3A_1075 = tpu.vector_load %arg14[%swap3A_1073, %swap3A_1074] {strides = array<i32>} : memref<128x128xf32, #tpu.memory_space<vmem>>, vector<16xf32>,
        tpu.vector_store %arg14[%swap3A_1073, %swap3A_1074], %mul3A_1072 {strides = array<i32>} : memref<128x128xf32, #tpu.memory_space<vmem>>, vector<16xf32>,
        %slice3A_1076 = vector.extract_strided_slice %exp3A {offsets = [15], sizes = [1], strides = [1]} : vector<16xf32> to vector<1xf32>
        %squeeze3A_1077 = vector.extract %slice3A_1076[0] : f32 from vector<1xf32>
        %broadcast_in_dim3A_1078 = vector.broadcast %squeeze3A_1077 : f32 to vector<16xf32>
        %mul3A_1079 = arith.constant 16 : i32
        %mul3A_1080 = arith.muli %scan3A_122, %mul3A_1079 : i32
        %add3A_1081 = arith.constant 15 : i32
        %add3A_1082 = arith.addi %mul3A_1080, %add3A_1081 : i32
        %get3A_1083 = arith.index_cast %add3A_1082 : i32 to index
        %get3A_1084 = arith.constant 0 : index
        %get3A_1085 = tpu.vector_load %arg14[%get3A_1083, %get3A_1084] {strides = array<i32>} : memref<128x128xf32, #tpu.memory_space<vmem>>, vector<16xf32>,
        %mul3A_1086 = arith.mulf %get3A_1085, %broadcast_in_dim3A_1078 : vector<16xf32>
        %swap3A_1087 = arith.index_cast %add3A_1082 : i32 to index
        %swap3A_1088 = arith.constant 0 : index
        %swap3A_1089 = tpu.vector_load %arg14[%swap3A_1087, %swap3A_1088] {strides = array<i32>} : memref<128x128xf32, #tpu.memory_space<vmem>>, vector<16xf32>,
        tpu.vector_store %arg14[%swap3A_1087, %swap3A_1088], %mul3A_1086 {strides = array<i32>} : memref<128x128xf32, #tpu.memory_space<vmem>>, vector<16xf32>,
        %get3A_1090 = arith.index_cast %add3A_1082 : i32 to index
        %get3A_1091 = arith.constant 16 : index
        %get3A_1092 = tpu.vector_load %arg14[%get3A_1090, %get3A_1091] {strides = array<i32>} : memref<128x128xf32, #tpu.memory_space<vmem>>, vector<16xf32>,
        %mul3A_1093 = arith.mulf %get3A_1092, %broadcast_in_dim3A_1078 : vector<16xf32>
        %swap3A_1094 = arith.index_cast %add3A_1082 : i32 to index
        %swap3A_1095 = arith.constant 16 : index
        %swap3A_1096 = tpu.vector_load %arg14[%swap3A_1094, %swap3A_1095] {strides = array<i32>} : memref<128x128xf32, #tpu.memory_space<vmem>>, vector<16xf32>,
        tpu.vector_store %arg14[%swap3A_1094, %swap3A_1095], %mul3A_1093 {strides = array<i32>} : memref<128x128xf32, #tpu.memory_space<vmem>>, vector<16xf32>,
        %get3A_1097 = arith.index_cast %add3A_1082 : i32 to index
        %get3A_1098 = arith.constant 32 : index
        %get3A_1099 = tpu.vector_load %arg14[%get3A_1097, %get3A_1098] {strides = array<i32>} : memref<128x128xf32, #tpu.memory_space<vmem>>, vector<16xf32>,
        %mul3A_1100 = arith.mulf %get3A_1099, %broadcast_in_dim3A_1078 : vector<16xf32>
        %swap3A_1101 = arith.index_cast %add3A_1082 : i32 to index
        %swap3A_1102 = arith.constant 32 : index
        %swap3A_1103 = tpu.vector_load %arg14[%swap3A_1101, %swap3A_1102] {strides = array<i32>} : memref<128x128xf32, #tpu.memory_space<vmem>>, vector<16xf32>,
        tpu.vector_store %arg14[%swap3A_1101, %swap3A_1102], %mul3A_1100 {strides = array<i32>} : memref<128x128xf32, #tpu.memory_space<vmem>>, vector<16xf32>,
        %get3A_1104 = arith.index_cast %add3A_1082 : i32 to index
        %get3A_1105 = arith.constant 48 : index
        %get3A_1106 = tpu.vector_load %arg14[%get3A_1104, %get3A_1105] {strides = array<i32>} : memref<128x128xf32, #tpu.memory_space<vmem>>, vector<16xf32>,
        %mul3A_1107 = arith.mulf %get3A_1106, %broadcast_in_dim3A_1078 : vector<16xf32>
        %swap3A_1108 = arith.index_cast %add3A_1082 : i32 to index
        %swap3A_1109 = arith.constant 48 : index
        %swap3A_1110 = tpu.vector_load %arg14[%swap3A_1108, %swap3A_1109] {strides = array<i32>} : memref<128x128xf32, #tpu.memory_space<vmem>>, vector<16xf32>,
        tpu.vector_store %arg14[%swap3A_1108, %swap3A_1109], %mul3A_1107 {strides = array<i32>} : memref<128x128xf32, #tpu.memory_space<vmem>>, vector<16xf32>,
        %get3A_1111 = arith.index_cast %add3A_1082 : i32 to index
        %get3A_1112 = arith.constant 64 : index
        %get3A_1113 = tpu.vector_load %arg14[%get3A_1111, %get3A_1112] {strides = array<i32>} : memref<128x128xf32, #tpu.memory_space<vmem>>, vector<16xf32>,
        %mul3A_1114 = arith.mulf %get3A_1113, %broadcast_in_dim3A_1078 : vector<16xf32>
        %swap3A_1115 = arith.index_cast %add3A_1082 : i32 to index
        %swap3A_1116 = arith.constant 64 : index
        %swap3A_1117 = tpu.vector_load %arg14[%swap3A_1115, %swap3A_1116] {strides = array<i32>} : memref<128x128xf32, #tpu.memory_space<vmem>>, vector<16xf32>,
        tpu.vector_store %arg14[%swap3A_1115, %swap3A_1116], %mul3A_1114 {strides = array<i32>} : memref<128x128xf32, #tpu.memory_space<vmem>>, vector<16xf32>,
        %get3A_1118 = arith.index_cast %add3A_1082 : i32 to index
        %get3A_1119 = arith.constant 80 : index
        %get3A_1120 = tpu.vector_load %arg14[%get3A_1118, %get3A_1119] {strides = array<i32>} : memref<128x128xf32, #tpu.memory_space<vmem>>, vector<16xf32>,
        %mul3A_1121 = arith.mulf %get3A_1120, %broadcast_in_dim3A_1078 : vector<16xf32>
        %swap3A_1122 = arith.index_cast %add3A_1082 : i32 to index
        %swap3A_1123 = arith.constant 80 : index
        %swap3A_1124 = tpu.vector_load %arg14[%swap3A_1122, %swap3A_1123] {strides = array<i32>} : memref<128x128xf32, #tpu.memory_space<vmem>>, vector<16xf32>,
        tpu.vector_store %arg14[%swap3A_1122, %swap3A_1123], %mul3A_1121 {strides = array<i32>} : memref<128x128xf32, #tpu.memory_space<vmem>>, vector<16xf32>,
        %get3A_1125 = arith.index_cast %add3A_1082 : i32 to index
        %get3A_1126 = arith.constant 96 : index
        %get3A_1127 = tpu.vector_load %arg14[%get3A_1125, %get3A_1126] {strides = array<i32>} : memref<128x128xf32, #tpu.memory_space<vmem>>, vector<16xf32>,
        %mul3A_1128 = arith.mulf %get3A_1127, %broadcast_in_dim3A_1078 : vector<16xf32>
        %swap3A_1129 = arith.index_cast %add3A_1082 : i32 to index
        %swap3A_1130 = arith.constant 96 : index
        %swap3A_1131 = tpu.vector_load %arg14[%swap3A_1129, %swap3A_1130] {strides = array<i32>} : memref<128x128xf32, #tpu.memory_space<vmem>>, vector<16xf32>,
        tpu.vector_store %arg14[%swap3A_1129, %swap3A_1130], %mul3A_1128 {strides = array<i32>} : memref<128x128xf32, #tpu.memory_space<vmem>>, vector<16xf32>,
        %get3A_1132 = arith.index_cast %add3A_1082 : i32 to index
        %get3A_1133 = arith.constant 112 : index
        %get3A_1134 = tpu.vector_load %arg14[%get3A_1132, %get3A_1133] {strides = array<i32>} : memref<128x128xf32, #tpu.memory_space<vmem>>, vector<16xf32>,
        %mul3A_1135 = arith.mulf %get3A_1134, %broadcast_in_dim3A_1078 : vector<16xf32>
        %swap3A_1136 = arith.index_cast %add3A_1082 : i32 to index
        %swap3A_1137 = arith.constant 112 : index
        %swap3A_1138 = tpu.vector_load %arg14[%swap3A_1136, %swap3A_1137] {strides = array<i32>} : memref<128x128xf32, #tpu.memory_space<vmem>>, vector<16xf32>,
        tpu.vector_store %arg14[%swap3A_1136, %swap3A_1137], %mul3A_1135 {strides = array<i32>} : memref<128x128xf32, #tpu.memory_space<vmem>>, vector<16xf32>,
      }
      %scan3A_110 = arith.constant 8 : i32
      %add3A_111 = arith.constant 2 : i32
      %add3A_112 = arith.addi %mul3A_68, %add3A_111 : i32
      %lt3A = arith.constant 82 : i32
      %lt3A_113 = arith.cmpi slt, %add3A_112, %lt3A : i32
      %convert_element_type3A_114 = arith.extui %lt3A_113 : i1 to i32
      %cond3A_115 = arith.constant 0 : i32
      %cond3A_116 = arith.cmpi ne, %convert_element_type3A_114, %cond3A_115 : i32
      scf.if %cond3A_116 {
        %dma_wait3A_122 = arith.constant 0 : i32
        %dma_wait3A_123 = arith.constant 0 : i32
        %dma_wait3A_124 = tpu.memref_slice %arg22[%dma_wait3A_122, %dma_wait3A_123] : memref<10240x128xf32, #tpu.memory_space<vmem_shared>> -> memref<10240x128xf32, #tpu.memory_space<vmem_shared>>
        tpu.wait_indirect_dma semaphore(%arg26 : memref<!tpu.dma_semaphore, #tpu.memory_space<semaphore_mem>>) src(%arg13 : memref<128x128xf32, #tpu.memory_space<vmem>>) dst(%dma_wait3A_124 : memref<10240x128xf32, #tpu.memory_space<vmem_shared>>)
        %dma_wait3A_125 = arith.constant 0 : i32
        %dma_wait3A_126 = tpu.memref_slice %arg23[%dma_wait3A_125] : memref<10240xf32, #tpu.memory_space<vmem_shared>> -> memref<10240xf32, #tpu.memory_space<vmem_shared>>
        tpu.wait_indirect_dma semaphore(%arg26 : memref<!tpu.dma_semaphore, #tpu.memory_space<semaphore_mem>>) src(%arg19 : memref<128xf32, #tpu.memory_space<vmem>>) dst(%dma_wait3A_126 : memref<10240xf32, #tpu.memory_space<vmem_shared>>)
        %add3A_127 = arith.constant 2 : i32
        %add3A_128 = arith.addi %mul3A_68, %add3A_127 : i32
        "tpu.region"() ({
          %run_scoped3A_136 = tpu.sem_alloc : memref<!tpu.dma_semaphore, #tpu.memory_space<semaphore_mem>>
          %dma_start3A_137 = arith.constant 0 : i32
          %dma_start3A_138 = tpu.memref_slice %arg5[%add3A, %add3A_128, %dma_start3A_137] : memref<32x82x128xi32, #tpu.memory_space<hbm>> -> memref<1x1x128xi32, #tpu.memory_space<hbm>>
          %dma_start3A_139 = tpu.memref_squeeze %dma_start3A_138 : memref<1x1x128xi32, #tpu.memory_space<hbm>> -> memref<128xi32, #tpu.memory_space<hbm>>
          %dma_start3A_140 = arith.constant 0 : i32
          %dma_start3A_141 = tpu.memref_slice %arg5[%add3A, %add3A_128, %dma_start3A_140] : memref<32x82x128xi32, #tpu.memory_space<hbm>> -> memref<1x1x128xi32, #tpu.memory_space<hbm>>
          %dma_start3A_142 = tpu.memref_squeeze %dma_start3A_141 : memref<1x1x128xi32, #tpu.memory_space<hbm>> -> memref<128xi32, #tpu.memory_space<hbm>>
          tpu.enqueue_dma source(%dma_start3A_142 : memref<128xi32, #tpu.memory_space<hbm>>) target(%arg9 : memref<128xi32, #tpu.memory_space<vmem>>) target_semaphore(%run_scoped3A_136 : memref<!tpu.dma_semaphore, #tpu.memory_space<semaphore_mem>>)
          %dma_wait3A_143 = arith.constant 0 : i32
          %dma_wait3A_144 = tpu.memref_slice %arg5[%add3A, %add3A_128, %dma_wait3A_143] : memref<32x82x128xi32, #tpu.memory_space<hbm>> -> memref<1x1x128xi32, #tpu.memory_space<hbm>>
          %dma_wait3A_145 = tpu.memref_squeeze %dma_wait3A_144 : memref<1x1x128xi32, #tpu.memory_space<hbm>> -> memref<128xi32, #tpu.memory_space<hbm>>
          %dma_wait3A_146 = arith.constant 0 : i32
          %dma_wait3A_147 = tpu.memref_slice %arg5[%add3A, %add3A_128, %dma_wait3A_146] : memref<32x82x128xi32, #tpu.memory_space<hbm>> -> memref<1x1x128xi32, #tpu.memory_space<hbm>>
          %dma_wait3A_148 = tpu.memref_squeeze %dma_wait3A_147 : memref<1x1x128xi32, #tpu.memory_space<hbm>> -> memref<128xi32, #tpu.memory_space<hbm>>
          tpu.wait_dma2 semaphore(%run_scoped3A_136 : memref<!tpu.dma_semaphore, #tpu.memory_space<semaphore_mem>>) src(%dma_wait3A_148 : memref<128xi32, #tpu.memory_space<hbm>>) dst(%arg9 : memref<128xi32, #tpu.memory_space<vmem>>)
          tpu.yield
        }) : () -> ()
        "tpu.region"() ({
          %run_scoped3A_136 = tpu.sem_alloc : memref<!tpu.dma_semaphore, #tpu.memory_space<semaphore_mem>>
          %dma_start3A_137 = arith.constant 0 : i32
          %dma_start3A_138 = tpu.memref_slice %arg6[%add3A, %add3A_128, %dma_start3A_137] : memref<32x82x128xi32, #tpu.memory_space<hbm>> -> memref<1x1x128xi32, #tpu.memory_space<hbm>>
          %dma_start3A_139 = tpu.memref_squeeze %dma_start3A_138 : memref<1x1x128xi32, #tpu.memory_space<hbm>> -> memref<128xi32, #tpu.memory_space<hbm>>
          %dma_start3A_140 = arith.constant 0 : i32
          %dma_start3A_141 = tpu.memref_slice %arg6[%add3A, %add3A_128, %dma_start3A_140] : memref<32x82x128xi32, #tpu.memory_space<hbm>> -> memref<1x1x128xi32, #tpu.memory_space<hbm>>
          %dma_start3A_142 = tpu.memref_squeeze %dma_start3A_141 : memref<1x1x128xi32, #tpu.memory_space<hbm>> -> memref<128xi32, #tpu.memory_space<hbm>>
          tpu.enqueue_dma source(%dma_start3A_142 : memref<128xi32, #tpu.memory_space<hbm>>) target(%arg11 : memref<128xi32, #tpu.memory_space<vmem>>) target_semaphore(%run_scoped3A_136 : memref<!tpu.dma_semaphore, #tpu.memory_space<semaphore_mem>>)
          %dma_wait3A_143 = arith.constant 0 : i32
          %dma_wait3A_144 = tpu.memref_slice %arg6[%add3A, %add3A_128, %dma_wait3A_143] : memref<32x82x128xi32, #tpu.memory_space<hbm>> -> memref<1x1x128xi32, #tpu.memory_space<hbm>>
          %dma_wait3A_145 = tpu.memref_squeeze %dma_wait3A_144 : memref<1x1x128xi32, #tpu.memory_space<hbm>> -> memref<128xi32, #tpu.memory_space<hbm>>
          %dma_wait3A_146 = arith.constant 0 : i32
          %dma_wait3A_147 = tpu.memref_slice %arg6[%add3A, %add3A_128, %dma_wait3A_146] : memref<32x82x128xi32, #tpu.memory_space<hbm>> -> memref<1x1x128xi32, #tpu.memory_space<hbm>>
          %dma_wait3A_148 = tpu.memref_squeeze %dma_wait3A_147 : memref<1x1x128xi32, #tpu.memory_space<hbm>> -> memref<128xi32, #tpu.memory_space<hbm>>
          tpu.wait_dma2 semaphore(%run_scoped3A_136 : memref<!tpu.dma_semaphore, #tpu.memory_space<semaphore_mem>>) src(%dma_wait3A_148 : memref<128xi32, #tpu.memory_space<hbm>>) dst(%arg11 : memref<128xi32, #tpu.memory_space<vmem>>)
          tpu.yield
        }) : () -> ()
        %dma_start3A_129 = arith.constant 0 : i32
        %dma_start3A_130 = arith.constant 0 : i32
        %dma_start3A_131 = tpu.memref_slice %arg2[%dma_start3A_129, %dma_start3A_130] : memref<10240x128xf32, #tpu.memory_space<hbm>> -> memref<10240x128xf32, #tpu.memory_space<hbm>>
        tpu.enqueue_indirect_dma source(%dma_start3A_131 : memref<10240x128xf32, #tpu.memory_space<hbm>>) target(%arg13 : memref<128x128xf32, #tpu.memory_space<vmem>>) offsets(%arg11 : memref<128xi32, #tpu.memory_space<vmem>>) semaphore(%arg24 : memref<!tpu.dma_semaphore, #tpu.memory_space<semaphore_mem>>)
        %dma_start3A_132 = arith.constant 0 : i32
        %dma_start3A_133 = tpu.memref_slice %arg3[%dma_start3A_132] : memref<10240xf32, #tpu.memory_space<hbm>> -> memref<10240xf32, #tpu.memory_space<hbm>>
        tpu.enqueue_indirect_dma source(%dma_start3A_133 : memref<10240xf32, #tpu.memory_space<hbm>>) target(%arg15 : memref<128xf32, #tpu.memory_space<vmem>>) offsets(%arg9 : memref<128xi32, #tpu.memory_space<vmem>>) semaphore(%arg24 : memref<!tpu.dma_semaphore, #tpu.memory_space<semaphore_mem>>)
        %dma_start3A_134 = arith.constant 0 : i32
        %dma_start3A_135 = tpu.memref_slice %arg4[%dma_start3A_134] : memref<10240xf32, #tpu.memory_space<hbm>> -> memref<10240xf32, #tpu.memory_space<hbm>>
        tpu.enqueue_indirect_dma source(%dma_start3A_135 : memref<10240xf32, #tpu.memory_space<hbm>>) target(%arg17 : memref<128xf32, #tpu.memory_space<vmem>>) offsets(%arg11 : memref<128xi32, #tpu.memory_space<vmem>>) semaphore(%arg24 : memref<!tpu.dma_semaphore, #tpu.memory_space<semaphore_mem>>)
      } else {
      }
      %dma_start3A_117 = arith.constant 0 : i32
      %dma_start3A_118 = arith.constant 0 : i32
      %dma_start3A_119 = tpu.memref_slice %arg22[%dma_start3A_117, %dma_start3A_118] : memref<10240x128xf32, #tpu.memory_space<vmem_shared>> -> memref<10240x128xf32, #tpu.memory_space<vmem_shared>>
      tpu.enqueue_indirect_dma source(%arg14 : memref<128x128xf32, #tpu.memory_space<vmem>>) target(%dma_start3A_119 : memref<10240x128xf32, #tpu.memory_space<vmem_shared>>) offsets(%arg10 : memref<128xi32, #tpu.memory_space<vmem>>) semaphore(%arg27 : memref<!tpu.dma_semaphore, #tpu.memory_space<semaphore_mem>>) {add = true}
      %dma_start3A_120 = arith.constant 0 : i32
      %dma_start3A_121 = tpu.memref_slice %arg23[%dma_start3A_120] : memref<10240xf32, #tpu.memory_space<vmem_shared>> -> memref<10240xf32, #tpu.memory_space<vmem_shared>>
      tpu.enqueue_indirect_dma source(%arg20 : memref<128xf32, #tpu.memory_space<vmem>>) target(%dma_start3A_121 : memref<10240xf32, #tpu.memory_space<vmem_shared>>) offsets(%arg10 : memref<128xi32, #tpu.memory_space<vmem>>) semaphore(%arg27 : memref<!tpu.dma_semaphore, #tpu.memory_space<semaphore_mem>>) {add = true}
    }
    %scan3A_47 = arith.constant 41 : i32
    %dma_wait3A = arith.constant 0 : i32
    %dma_wait3A_48 = arith.constant 0 : i32
    %dma_wait3A_49 = tpu.memref_slice %arg22[%dma_wait3A, %dma_wait3A_48] : memref<10240x128xf32, #tpu.memory_space<vmem_shared>> -> memref<10240x128xf32, #tpu.memory_space<vmem_shared>>
    tpu.wait_indirect_dma semaphore(%arg26 : memref<!tpu.dma_semaphore, #tpu.memory_space<semaphore_mem>>) src(%arg13 : memref<128x128xf32, #tpu.memory_space<vmem>>) dst(%dma_wait3A_49 : memref<10240x128xf32, #tpu.memory_space<vmem_shared>>)
    %dma_wait3A_50 = arith.constant 0 : i32
    %dma_wait3A_51 = tpu.memref_slice %arg23[%dma_wait3A_50] : memref<10240xf32, #tpu.memory_space<vmem_shared>> -> memref<10240xf32, #tpu.memory_space<vmem_shared>>
    tpu.wait_indirect_dma semaphore(%arg26 : memref<!tpu.dma_semaphore, #tpu.memory_space<semaphore_mem>>) src(%arg19 : memref<128xf32, #tpu.memory_space<vmem>>) dst(%dma_wait3A_51 : memref<10240xf32, #tpu.memory_space<vmem_shared>>)
    %dma_wait3A_52 = arith.constant 0 : i32
    %dma_wait3A_53 = arith.constant 0 : i32
    %dma_wait3A_54 = tpu.memref_slice %arg22[%dma_wait3A_52, %dma_wait3A_53] : memref<10240x128xf32, #tpu.memory_space<vmem_shared>> -> memref<10240x128xf32, #tpu.memory_space<vmem_shared>>
    tpu.wait_indirect_dma semaphore(%arg27 : memref<!tpu.dma_semaphore, #tpu.memory_space<semaphore_mem>>) src(%arg14 : memref<128x128xf32, #tpu.memory_space<vmem>>) dst(%dma_wait3A_54 : memref<10240x128xf32, #tpu.memory_space<vmem_shared>>)
    %dma_wait3A_55 = arith.constant 0 : i32
    %dma_wait3A_56 = tpu.memref_slice %arg23[%dma_wait3A_55] : memref<10240xf32, #tpu.memory_space<vmem_shared>> -> memref<10240xf32, #tpu.memory_space<vmem_shared>>
    tpu.wait_indirect_dma semaphore(%arg27 : memref<!tpu.dma_semaphore, #tpu.memory_space<semaphore_mem>>) src(%arg20 : memref<128xf32, #tpu.memory_space<vmem>>) dst(%dma_wait3A_56 : memref<10240xf32, #tpu.memory_space<vmem_shared>>)
    %barrier3A_57 = arith.constant 0 : index
    tpu.barrier barrier_id(%barrier3A_57)
    %mul3A_58 = arith.constant 640 : i32
    %mul3A_59 = arith.muli %arg1, %mul3A_58 : i32
    %mul3A_60 = arith.constant 640 : i32
    %mul3A_61 = arith.muli %arg1, %mul3A_60 : i32
    "tpu.region"() ({
      %run_scoped3A_66 = tpu.sem_alloc : memref<!tpu.dma_semaphore, #tpu.memory_space<semaphore_mem>>
      %dma_start3A_67 = arith.constant 0 : i32
      %dma_start3A_68 = tpu.memref_slice %arg7[%arg0, %mul3A_61, %dma_start3A_67] : memref<2x10240x128xf32, #tpu.memory_space<hbm>> -> memref<1x640x128xf32, #tpu.memory_space<hbm>>
      %dma_start3A_69 = tpu.memref_squeeze %dma_start3A_68 : memref<1x640x128xf32, #tpu.memory_space<hbm>> -> memref<640x128xf32, #tpu.memory_space<hbm>>
      %dma_start3A_70 = arith.constant 0 : i32
      %dma_start3A_71 = tpu.memref_slice %arg22[%mul3A_59, %dma_start3A_70] : memref<10240x128xf32, #tpu.memory_space<vmem_shared>> -> memref<640x128xf32, #tpu.memory_space<vmem_shared>>
      tpu.enqueue_dma source(%dma_start3A_71 : memref<640x128xf32, #tpu.memory_space<vmem_shared>>) target(%dma_start3A_69 : memref<640x128xf32, #tpu.memory_space<hbm>>) target_semaphore(%run_scoped3A_66 : memref<!tpu.dma_semaphore, #tpu.memory_space<semaphore_mem>>)
      %dma_wait3A_72 = arith.constant 0 : i32
      %dma_wait3A_73 = tpu.memref_slice %arg7[%arg0, %mul3A_61, %dma_wait3A_72] : memref<2x10240x128xf32, #tpu.memory_space<hbm>> -> memref<1x640x128xf32, #tpu.memory_space<hbm>>
      %dma_wait3A_74 = tpu.memref_squeeze %dma_wait3A_73 : memref<1x640x128xf32, #tpu.memory_space<hbm>> -> memref<640x128xf32, #tpu.memory_space<hbm>>
      %dma_wait3A_75 = arith.constant 0 : i32
      %dma_wait3A_76 = tpu.memref_slice %arg22[%mul3A_59, %dma_wait3A_75] : memref<10240x128xf32, #tpu.memory_space<vmem_shared>> -> memref<640x128xf32, #tpu.memory_space<vmem_shared>>
      tpu.wait_dma2 semaphore(%run_scoped3A_66 : memref<!tpu.dma_semaphore, #tpu.memory_space<semaphore_mem>>) src(%dma_wait3A_76 : memref<640x128xf32, #tpu.memory_space<vmem_shared>>) dst(%dma_wait3A_74 : memref<640x128xf32, #tpu.memory_space<hbm>>)
      tpu.yield
    }) : () -> ()
    %mul3A_62 = arith.constant 640 : i32
    %mul3A_63 = arith.muli %arg1, %mul3A_62 : i32
    %mul3A_64 = arith.constant 640 : i32
    %mul3A_65 = arith.muli %arg1, %mul3A_64 : i32
    "tpu.region"() ({
      %run_scoped3A_66 = tpu.sem_alloc : memref<!tpu.dma_semaphore, #tpu.memory_space<semaphore_mem>>
      %dma_start3A_67 = tpu.memref_slice %arg8[%arg0, %mul3A_65] : memref<2x10240xf32, #tpu.memory_space<hbm>> -> memref<1x640xf32, #tpu.memory_space<hbm>>
      %dma_start3A_68 = tpu.memref_squeeze %dma_start3A_67 : memref<1x640xf32, #tpu.memory_space<hbm>> -> memref<640xf32, #tpu.memory_space<hbm>>
      %dma_start3A_69 = tpu.memref_slice %arg23[%mul3A_63] : memref<10240xf32, #tpu.memory_space<vmem_shared>> -> memref<640xf32, #tpu.memory_space<vmem_shared>>
      tpu.enqueue_dma source(%dma_start3A_69 : memref<640xf32, #tpu.memory_space<vmem_shared>>) target(%dma_start3A_68 : memref<640xf32, #tpu.memory_space<hbm>>) target_semaphore(%run_scoped3A_66 : memref<!tpu.dma_semaphore, #tpu.memory_space<semaphore_mem>>)
      %dma_wait3A_70 = tpu.memref_slice %arg8[%arg0, %mul3A_65] : memref<2x10240xf32, #tpu.memory_space<hbm>> -> memref<1x640xf32, #tpu.memory_space<hbm>>
      %dma_wait3A_71 = tpu.memref_squeeze %dma_wait3A_70 : memref<1x640xf32, #tpu.memory_space<hbm>> -> memref<640xf32, #tpu.memory_space<hbm>>
      %dma_wait3A_72 = tpu.memref_slice %arg23[%mul3A_63] : memref<10240xf32, #tpu.memory_space<vmem_shared>> -> memref<640xf32, #tpu.memory_space<vmem_shared>>
      tpu.wait_dma2 semaphore(%run_scoped3A_66 : memref<!tpu.dma_semaphore, #tpu.memory_space<semaphore_mem>>) src(%dma_wait3A_72 : memref<640xf32, #tpu.memory_space<vmem_shared>>) dst(%dma_wait3A_71 : memref<640xf32, #tpu.memory_space<hbm>>)
      tpu.yield
    }) : () -> ()
    return
  }
}

module attributes {stable_mosaic.version = 14 : i64} {
  func.func @_dense_body(%arg0: i32, %arg1: memref<1024x128xf32, #tpu.memory_space<vmem>>, %arg2: memref<128x128xf32, #tpu.memory_space<vmem>>, %arg3: memref<1x128xf32, #tpu.memory_space<vmem>>, %arg4: memref<1x128xf32, #tpu.memory_space<vmem>>, %arg5: memref<1x128xf32, #tpu.memory_space<vmem>>, %arg6: memref<1024x128xf32, #tpu.memory_space<vmem>>, %arg7: memref<2x1024xf32, #tpu.memory_space<vmem>>) attributes {dimension_semantics = [#tpu.dimension_semantics<arbitrary>], iteration_bounds = array<i64: 10>, scalar_prefetch = 0 : i64, scratch_operands = 0 : i64, tpu.core_type = #tpu.core_type<tc>, window_params = [{transform_indices = @transform_0, window_bounds = array<i64: 1024, 128>}, {pipeline_mode = #tpu.pipeline_mode<synchronous>, transform_indices = @transform_1, window_bounds = array<i64: 128, 128>}, {pipeline_mode = #tpu.pipeline_mode<synchronous>, transform_indices = @transform_2, window_bounds = array<i64: 1, 128>}, {pipeline_mode = #tpu.pipeline_mode<synchronous>, transform_indices = @transform_3, window_bounds = array<i64: 1, 128>}, {pipeline_mode = #tpu.pipeline_mode<synchronous>, transform_indices = @transform_4, window_bounds = array<i64: 1, 128>}, {transform_indices = @transform_5, window_bounds = array<i64: 1024, 128>}, {transform_indices = @transform_6, window_bounds = array<i64: 2, 1024>}]} {
    %get3A = arith.constant 0 : index
    %get3A_0 = arith.constant 0 : index
    %get3A_1 = vector.load %arg1[%get3A, %get3A_0] : memref<1024x128xf32, #tpu.memory_space<vmem>>, vector<1024x128xf32>
    %get3A_2 = arith.constant 0 : index
    %get3A_3 = arith.constant 0 : index
    %get3A_4 = vector.load %arg2[%get3A_2, %get3A_3] : memref<128x128xf32, #tpu.memory_space<vmem>>, vector<128x128xf32>
    %dot_general3A = arith.constant dense<0.000000e+00> : vector<1024x128xf32>
    %dot_general3A_5 = tpu.matmul %get3A_1, %get3A_4, %dot_general3A {dimension_numbers = #tpu.dot_dimension_numbers<[1], [0], [0], [1], [0, 0, 1, 1], [], []>, transpose_lhs_hint = false} : vector<1024x128xf32>, vector<128x128xf32>, vector<1024x128xf32> -> vector<1024x128xf32>
    %get3A_6 = arith.constant 0 : index
    %get3A_7 = arith.constant 0 : index
    %get3A_8 = vector.load %arg3[%get3A_6, %get3A_7] : memref<1x128xf32, #tpu.memory_space<vmem>>, vector<1x128xf32>
    %add3A = vector.broadcast %get3A_8 : vector<1x128xf32> to vector<1024x128xf32>
    %add3A_9 = arith.addf %dot_general3A_5, %add3A : vector<1024x128xf32>
    %swap3A = arith.constant 0 : index
    %swap3A_10 = arith.constant 0 : index
    %swap3A_11 = vector.load %arg6[%swap3A, %swap3A_10] : memref<1024x128xf32, #tpu.memory_space<vmem>>, vector<1024x128xf32>
    tpu.vector_store %arg6[%swap3A, %swap3A_10], %add3A_9 {strides = array<i32>} : memref<1024x128xf32, #tpu.memory_space<vmem>>, vector<1024x128xf32>,
    %get3A_12 = arith.constant 0 : index
    %get3A_13 = arith.constant 0 : index
    %get3A_14 = vector.load %arg4[%get3A_12, %get3A_13] : memref<1x128xf32, #tpu.memory_space<vmem>>, vector<1x128xf32>
    %mul3A = vector.broadcast %get3A_14 : vector<1x128xf32> to vector<1024x128xf32>
    %mul3A_15 = arith.mulf %add3A_9, %mul3A : vector<1024x128xf32>
    %reduce_sum3A = arith.constant dense<0.000000e+00> : vector<1024xf32>
    %reduce_sum3A_16 = vector.multi_reduction <add>, %mul3A_15, %reduce_sum3A [1] : vector<1024x128xf32> to vector<1024xf32>
    %swap3A_17 = arith.constant 0 : index
    %swap3A_18 = arith.constant 0 : index
    %swap3A_19 = vector.load %arg7[%swap3A_17, %swap3A_18] : memref<2x1024xf32, #tpu.memory_space<vmem>>, vector<1x1024xf32>
    %swap3A_20 = vector.shape_cast %swap3A_19 : vector<1x1024xf32> to vector<1024xf32>
    %swap3A_21 = vector.shape_cast %reduce_sum3A_16 : vector<1024xf32> to vector<1x1024xf32>
    tpu.vector_store %arg7[%swap3A_17, %swap3A_18], %swap3A_21 {strides = array<i32>} : memref<2x1024xf32, #tpu.memory_space<vmem>>, vector<1x1024xf32>,
    %get3A_22 = arith.constant 0 : index
    %get3A_23 = arith.constant 0 : index
    %get3A_24 = vector.load %arg5[%get3A_22, %get3A_23] : memref<1x128xf32, #tpu.memory_space<vmem>>, vector<1x128xf32>
    %mul3A_25 = vector.broadcast %get3A_24 : vector<1x128xf32> to vector<1024x128xf32>
    %mul3A_26 = arith.mulf %add3A_9, %mul3A_25 : vector<1024x128xf32>
    %reduce_sum3A_27 = arith.constant dense<0.000000e+00> : vector<1024xf32>
    %reduce_sum3A_28 = vector.multi_reduction <add>, %mul3A_26, %reduce_sum3A_27 [1] : vector<1024x128xf32> to vector<1024xf32>
    %swap3A_29 = arith.constant 1 : index
    %swap3A_30 = arith.constant 0 : index
    %swap3A_31 = vector.load %arg7[%swap3A_29, %swap3A_30] : memref<2x1024xf32, #tpu.memory_space<vmem>>, vector<1x1024xf32>
    %swap3A_32 = vector.shape_cast %swap3A_31 : vector<1x1024xf32> to vector<1024xf32>
    %swap3A_33 = vector.shape_cast %reduce_sum3A_28 : vector<1024xf32> to vector<1x1024xf32>
    tpu.vector_store %arg7[%swap3A_29, %swap3A_30], %swap3A_33 {strides = array<i32>} : memref<2x1024xf32, #tpu.memory_space<vmem>>, vector<1x1024xf32>,
    return
  }
  func.func @transform_0(%arg0: i32) -> (i32, i32) {
    %c0_i32 = arith.constant 0 : i32
    %c0_i32_0 = arith.constant 0 : i32
    return %arg0, %c0_i32 : i32, i32
  }
  func.func @transform_1(%arg0: i32) -> (i32, i32) {
    %c0_i32 = arith.constant 0 : i32
    %c0_i32_0 = arith.constant 0 : i32
    %c0_i32_1 = arith.constant 0 : i32
    return %c0_i32, %c0_i32_0 : i32, i32
  }
  func.func @transform_2(%arg0: i32) -> (i32, i32) {
    %c0_i32 = arith.constant 0 : i32
    %c0_i32_0 = arith.constant 0 : i32
    %c0_i32_1 = arith.constant 0 : i32
    return %c0_i32, %c0_i32_0 : i32, i32
  }
  func.func @transform_3(%arg0: i32) -> (i32, i32) {
    %c0_i32 = arith.constant 0 : i32
    %c0_i32_0 = arith.constant 0 : i32
    %c0_i32_1 = arith.constant 0 : i32
    return %c0_i32, %c0_i32_0 : i32, i32
  }
  func.func @transform_4(%arg0: i32) -> (i32, i32) {
    %c0_i32 = arith.constant 0 : i32
    %c0_i32_0 = arith.constant 0 : i32
    %c0_i32_1 = arith.constant 0 : i32
    return %c0_i32, %c0_i32_0 : i32, i32
  }
  func.func @transform_5(%arg0: i32) -> (i32, i32) {
    %c0_i32 = arith.constant 0 : i32
    %c0_i32_0 = arith.constant 0 : i32
    return %arg0, %c0_i32 : i32, i32
  }
  func.func @transform_6(%arg0: i32) -> (i32, i32) {
    %c0_i32 = arith.constant 0 : i32
    %c0_i32_0 = arith.constant 0 : i32
    return %c0_i32, %arg0 : i32, i32
  }
}

module attributes {stable_mosaic.version = 14 : i64} {
  func.func @_combine_body(%arg0: i32, %arg1: memref<1024x128xf32, #tpu.memory_space<vmem>>, %arg2: memref<1024x128xf32, #tpu.memory_space<vmem>>, %arg3: memref<2x1024xf32, #tpu.memory_space<vmem>>, %arg4: memref<1024x128xf32, #tpu.memory_space<vmem>>) attributes {dimension_semantics = [#tpu.dimension_semantics<arbitrary>], iteration_bounds = array<i64: 10>, scalar_prefetch = 0 : i64, scratch_operands = 0 : i64, tpu.core_type = #tpu.core_type<tc>, window_params = [{transform_indices = @transform_0, window_bounds = array<i64: 1024, 128>}, {transform_indices = @transform_1, window_bounds = array<i64: 1024, 128>}, {transform_indices = @transform_2, window_bounds = array<i64: 2, 1024>}, {transform_indices = @transform_3, window_bounds = array<i64: 1024, 128>}]} {
    %get3A = arith.constant 0 : index
    %get3A_0 = arith.constant 0 : index
    %get3A_1 = vector.load %arg1[%get3A, %get3A_0] : memref<1024x128xf32, #tpu.memory_space<vmem>>, vector<1024x128xf32>
    %get3A_2 = arith.constant 0 : index
    %get3A_3 = arith.constant 0 : index
    %get3A_4 = vector.load %arg2[%get3A_2, %get3A_3] : memref<1024x128xf32, #tpu.memory_space<vmem>>, vector<1024x128xf32>
    %add3A = arith.addf %get3A_1, %get3A_4 : vector<1024x128xf32>
    %get3A_5 = arith.constant 0 : index
    %get3A_6 = arith.constant 0 : index
    %get3A_7 = vector.load %arg3[%get3A_5, %get3A_6] : memref<2x1024xf32, #tpu.memory_space<vmem>>, vector<2x1024xf32>
    %reduce_sum3A = arith.constant dense<0.000000e+00> : vector<1024xf32>
    %reduce_sum3A_8 = vector.multi_reduction <add>, %get3A_7, %reduce_sum3A [0] : vector<2x1024xf32> to vector<1024xf32>
    %broadcast_in_dim3A = vector.shape_cast %reduce_sum3A_8 : vector<1024xf32> to vector<1024x1xf32>
    %div3A = vector.broadcast %broadcast_in_dim3A : vector<1024x1xf32> to vector<1024x128xf32>
    %div3A_9 = arith.divf %add3A, %div3A : vector<1024x128xf32>
    %swap3A = arith.constant 0 : index
    %swap3A_10 = arith.constant 0 : index
    %swap3A_11 = vector.load %arg4[%swap3A, %swap3A_10] : memref<1024x128xf32, #tpu.memory_space<vmem>>, vector<1024x128xf32>
    tpu.vector_store %arg4[%swap3A, %swap3A_10], %div3A_9 {strides = array<i32>} : memref<1024x128xf32, #tpu.memory_space<vmem>>, vector<1024x128xf32>,
    return
  }
  func.func @transform_0(%arg0: i32) -> (i32, i32) {
    %c0_i32 = arith.constant 0 : i32
    %c0_i32_0 = arith.constant 0 : i32
    return %arg0, %c0_i32 : i32, i32
  }
  func.func @transform_1(%arg0: i32) -> (i32, i32) {
    %c0_i32 = arith.constant 0 : i32
    %c0_i32_0 = arith.constant 0 : i32
    return %arg0, %c0_i32 : i32, i32
  }
  func.func @transform_2(%arg0: i32) -> (i32, i32) {
    %c0_i32 = arith.constant 0 : i32
    %c0_i32_0 = arith.constant 0 : i32
    return %c0_i32, %arg0 : i32, i32
  }
  func.func @transform_3(%arg0: i32) -> (i32, i32) {
    %c0_i32 = arith.constant 0 : i32
    %c0_i32_0 = arith.constant 0 : i32
    return %arg0, %c0_i32 : i32, i32
  }
}

</mosaic_0001>

<sc_bundles>
// kernel: kernel.5.cloned.1.call-start
scs
__scs_entry_jumppad:
0x0: {  	(pc) =	sbr.rel $0x88, $3  }
0x1: {  	(tag) =	ssettag $0x0;
	lr =	simm.s32 $0x1  }
0x2: {  	[smem:$0x3F9B] =	sst lr;
	_ =	strace $0xD0000000  }
0x3: {  	_ = 	snop  }
0x4: {  	_ = 	snop  }
0x5: {  	_ = 	snop  }
0x6: {  	_ = 	snop  }
0x7: {  	_ = 	snop  }
__scs_overlays_trampoline_lowered:
0x8: {  	[smem:$0x3FAA] =	sst s0  }
0x9: {  	[smem:$0x3FAB] =	sst s1  }
0xa: {  	[smem:$0x3FAC] =	sst s2  }
0xb: {  	[smem:$0x3FAD] =	sst s3  }
0xc: {  	[smem:$0x3FAE] =	sst s4  }
0xd: {  	[smem:$0x3FAF] =	sst s5  }
0xe: {  	[smem:$0x3FB0] =	sst s6  }
0xf: {  	[smem:$0x3FB1] =	sst s7  }
0x10: {  	[smem:$0x3FB2] =	sst s8  }
0x11: {  	[smem:$0x3FB3] =	sst s9;
	s0 =	simm.s32 @!p0 $0x0  }
0x12: {  	s1 =	sld [smem:$0x3F99];
	s0 =	simm.s32 @p0 $0x1  }
0x13: {  	[smem:$0x3FB4] =	sst s0;
	s0 =	simm.s32 @!p1 $0x0  }
0x14: {  	s2 =	sld [smem:$0x3F98];
	s0 =	simm.s32 @p1 $0x1  }
0x15: {  	[smem:$0x3FB5] =	sst s0;
	s0 =	simm.s32 @!p2 $0x0  }
0x16: {  	s3 =	sld [smem:$0x3FDB];
	s0 =	simm.s32 @p2 $0x1  }
0x17: {  	s4 =	simm.s32 $0x1BF5;
	[smem:$0x3FB7] =	sst s0  }
0x18: {  	s0 =	sld [smem:$0x3F9A];
	_ =	swait.ge [sflag:s4], $0x0  }
0x19: {  	s7 =	sld [smem:$0x3F9B]  }
0x1a: {  	s8 =	sadd.s32 $0xFFFFE003, lr  }
0x1b: {  	s9 =	sadd.s32 $0xFFFFFEF7, lr;
	s5 =	simm.s32 $0xFFFFFFFF;
	p2 =	slt.u32 s8, $0xFFFFF086  }
0x1c: {  	p1 =	slt.u32 s9, $0xF7A;
	s5 =	simm.s32 @!p2 $0x0  }
0x1d: {  	s5 =	simm.s32 @p1 $0x1;
	p0 =	seq.s32 s7, s2  }
0x1e: {  	s7 =	smul.u32 @!p0 $0xF7A, s2;
	p2 =	seq.s32 @!p0 s5, $0x0  }
0x1f: {  	s9 =	smul.u32 $0xF7A, s1;
	s8 =	simm.s32 @!p0 $0x1BF5;
	p2 =	por !p2, p0  }
0x20: {  	[sflag:s8] =	ssyncset.s32 @!p0 $0xFFFFF086;
	s6 =	sadd.s32 @!p0 s3, s7;
	s7 =	simm.s32 @!p0 $0x108  }
0x21: {  	s3 =	sadd.s32 s3, s9;
	s6 =	sadd.s32 @!p0 $0x88, s6;
	s7 =	simm.s32 @p2 $0x1082  }
0x22: {  	[simem:s7], [sflag:s8] =	dma.local @!p0 [hbm:s6], $0xF7A  }
0x23: {  	s9 =	sor.u32 $0xD0000000, s2;
	s6 =	simm.s32 $0x108;
	_ =	swait.ge @!p0 [sflag:s8], $0x0  }
0x24: {  	s3 =	sadd.s32 $0x88, s3;
	s6 =	simm.s32 @!p1 $0x1082;
	[sflag:s4] =	ssyncset.s32 $0xFFFFF086  }
0x25: {  	[simem:s6], [sflag:s4] =	dma.local [hbm:s3], $0xF7A  }
0x26: {  	[smem:$0x3F9B] =	sst s1;
	(tag) =	ssettag s2;
	_ =	strace s9  }
0x27: {  	s1 =	sld [smem:$0x3FAB]  }
0x28: {  	s2 =	sld [smem:$0x3FAC]  }
0x29: {  	s4 =	sld [smem:$0x3FAE]  }
0x2a: {  	p0 =	seq.s32 s5, $0x0;
	s5 =	sld [smem:$0x3FAF]  }
0x2b: {  	s6 =	sld [smem:$0x3FB0]  }
0x2c: {  	s7 =	sld [smem:$0x3FB1]  }
0x2d: {  	s3 =	simm.s32 $0x108;
	s8 =	sld [smem:$0x3FB2]  }
0x2e: {  	s3 =	simm.s32 @!p0 $0x1082;
	s9 =	sld [smem:$0x3FB3]  }
0x2f: {  	lr =	sadd.s32 s0, s3;
	s0 =	sld [smem:$0x3FAA]  }
0x30: {  	s3 =	sld [smem:$0x3FAD]  }
0x31: {  	[smem:$0x3FB6] =	sst s10  }
0x32: {  	s10 =	sld [smem:$0x3FB4];
	_ =	sdelay $0x3  }
0x33: {  	p0 =	seq.s32 s10, $0x1;
	s10 =	sld [smem:$0x3FB6];
	_ =	sdelay $0x3  }
0x34: {  	[smem:$0x3FB6] =	sst s10  }
0x35: {  	s10 =	sld [smem:$0x3FB5];
	_ =	sdelay $0x3  }
0x36: {  	p1 =	seq.s32 s10, $0x1;
	s10 =	sld [smem:$0x3FB6];
	_ =	sdelay $0x3  }
0x37: {  	[smem:$0x3FB6] =	sst s10  }
0x38: {  	s10 =	sld [smem:$0x3FB7]  }
0x39: {  	_ = 	snop;
	(pc) =	sbr.ind lr, $3  }
0x3a: {  	_ = 	snop  }
0x3b: {  	_ = 	snop  }
0x3c: {  	p2 =	seq.s32 s10, $0x1;
	s10 =	sld [smem:$0x3FB6]  }
0x3d: {  	_ =	shalt  }
0x3e: {  	_ =	shalt  }
0x3f: {  	_ =	shalt  }
0x40: {  	_ =	shalt  }
0x41: {  	_ =	shalt  }
0x42: {  	_ =	shalt  }
0x43: {  	_ =	shalt  }
0x44: {  	_ =	shalt  }
0x45: {  	_ =	shalt  }
0x46: {  	_ =	shalt  }
0x47: {  	_ =	shalt  }
0x48: {  	_ =	shalt  }
0x49: {  	_ =	shalt  }
0x4a: {  	_ =	shalt  }
0x4b: {  	_ =	shalt  }
0x4c: {  	_ =	shalt  }
0x4d: {  	_ =	shalt  }
0x4e: {  	_ =	shalt  }
0x4f: {  	_ =	shalt  }
0x50: {  	_ =	shalt  }
0x51: {  	_ =	shalt  }
0x52: {  	_ =	shalt  }
0x53: {  	_ =	shalt  }
0x54: {  	_ =	shalt  }
0x55: {  	_ =	shalt  }
0x56: {  	_ =	shalt  }
0x57: {  	_ =	shalt  }
0x58: {  	_ =	shalt  }
0x59: {  	_ =	shalt  }
0x5a: {  	_ =	shalt  }
0x5b: {  	_ =	shalt  }
0x5c: {  	_ =	shalt  }
0x5d: {  	_ =	shalt  }
0x5e: {  	_ =	shalt  }
0x5f: {  	_ =	shalt  }
0x60: {  	_ =	shalt  }
0x61: {  	_ =	shalt  }
0x62: {  	_ =	shalt  }
0x63: {  	_ =	shalt  }
0x64: {  	_ =	shalt  }
0x65: {  	_ =	shalt  }
0x66: {  	_ =	shalt  }
0x67: {  	_ =	shalt  }
0x68: {  	_ =	shalt  }
0x69: {  	_ =	shalt  }
0x6a: {  	_ =	shalt  }
0x6b: {  	_ =	shalt  }
0x6c: {  	_ =	shalt  }
0x6d: {  	_ =	shalt  }
0x6e: {  	_ =	shalt  }
0x6f: {  	_ =	shalt  }
0x70: {  	_ =	shalt  }
0x71: {  	_ =	shalt  }
0x72: {  	_ =	shalt  }
0x73: {  	_ =	shalt  }
0x74: {  	_ =	shalt  }
0x75: {  	_ =	shalt  }
0x76: {  	_ =	shalt  }
0x77: {  	_ =	shalt  }
0x78: {  	_ =	shalt  }
0x79: {  	_ =	shalt  }
0x7a: {  	_ =	shalt  }
0x7b: {  	_ =	shalt  }
0x7c: {  	_ =	shalt  }
0x7d: {  	_ =	shalt  }
0x7e: {  	_ =	shalt  }
0x7f: {  	_ =	shalt  }
0x80: {  	_ =	shalt  }
0x81: {  	_ =	shalt  }
0x82: {  	_ =	shalt  }
0x83: {  	_ =	shalt  }
0x84: {  	_ =	shalt  }
0x85: {  	_ =	shalt  }
0x86: {  	_ =	shalt  }
0x87: {  	_ =	shalt  }
.Lfunc_end0:
.L_simem_size_0:
called_computation_lowered:
.L_overlay_start_0:
0x88: {  	s2 =	sld [smem:$0x3FD9]  }
0x89: {  	s3 =	sld [smem:$0x3FFE];
	_ =	sdelay $0x1  }
0x8a: {  	s1 =	srdreg.scid  }
0x8b: {  	s0 =	sand.u32 $0x1, s1  }
0x8c: {  	s17 =	sshll.u32 s0, $0xA;
	s2 =	sadd.s32 s3, s2  }
0x8d: {  	s2 =	sadd.s32 s2, s17  }
0x8e: {  	[smem:$0x3FC2] =	sst s2  }
0x8f: {  	_ = 	snop  }
0x90: {  	s2 =	sld [smem:$0x3FD0];
	(tm) =	ssettm $0x1  }
0x91: {  	s18 =	sld [smem:$0x3FFB];
	_ =	sdelay $0x3  }
0x92: {  	_ =	strace s18  }
0x93: {  	s3 =	sld [smem:$0x3FFC];
	_ =	sdelay $0x3  }
0x94: {  	_ =	strace s3  }
0x95: {  	s3 =	sld [smem:$0x3FFD];
	_ =	sdelay $0x3  }
0x96: {  	_ =	strace s3  }
0x97: {  	_ =	strace $0x8FFFFFFF  }
0x98: {  	s19 =	sld [smem:$0x3FDB];
	_ =	sdelay $0x1  }
0x99: {  	s4 =	simm.s32 $_scs_section_size  }
0x9a: {  	s5 =	simm.s32 $_size__tile_overlayer_lowered;
	s6 =	simm.s32 $_tile_overlayer_lowered  }
0x9b: {  	s22 =	simm.s32 $0x1BFF;
	s21 =	sshll.u32 s6, $0x1;
	s3 =	sadd.s32 s4, s19  }
0x9c: {  	s7 =	simm.s32 $0x0;
	s20 =	sshll.u32 s5, $0x1;
	s5 =	sadd.s32 s21, s3  }
0x9d: {  	[timem:s7], [sflag:s22] =	dma.local [hbm:s5], s20  }
0x9e: {  	_ =	swait.ge [sflag:s22], s20  }
0x9f: {  	s4 =	ssub.s32 $0x0, s20;
	[sflag:s22] =	ssyncset.done $0x0  }
0xa0: {  	[sflag:s22] =	ssyncadd.s32 s4;
	_ =	sdelay $0x1  }
0xa1: {  	s23 =	simm.s32 $0x1B8B  }
0xa2: {  	_ =	swait.ge [sflag:s23], $0x1  }
0xa3: {  	[sflag:s23] =	ssyncset.done $0x0  }
0xa4: {  	s25 =	simm.s32 $0x1B8E;
	s24 =	sld [smem:$0x3FFE];
	[sflag:s23] =	ssyncadd.s32 $0xFFFFFFFF  }
0xa5: {  	s26 =	simm.s32 $execute0_lowered;
	[smem:$0x3FD2] =	sst s25  }
0xa6: {  	s5 =	sshll.u32 s26, $0x1;
	_ =	strace $0x80000046;
	[dreg:$0x1] =	wrdreg $0xFFFFFFFF  }
0xa7: {  	s28 =	simm.s32 $_size_execute0_lowered;
	s3 =	sadd.s32 s3, s5;
	[dreg:$0x0] =	wrdreg $0x0  }
0xa8: {  	s5 =	sshll.u32 s28, $0x1;
	[dreg:$0x2] =	wrdreg s3  }
0xa9: {  	[dreg:$0x3] =	wrdreg s5  }
0xaa: {  	[dreg:$0x4] =	wrdreg $0xC0  }
0xab: {  	_ =	task [dreg:s7], $0x5FFFF  }
0xac: {  	[dreg:$0x1] =	wrdreg $0xFFFFFFFF  }
0xad: {  	[dreg:$0x0] =	wrdreg $0x60  }
0xae: {  	[dreg:$0x2] =	wrdreg s24  }
0xaf: {  	[dreg:$0x3] =	wrdreg s2  }
0xb0: {  	[dreg:$0x4] =	wrdreg $0x87800  }
0xb1: {  	[dreg:$0x5] =	wrdreg $0x1C7800  }
0xb2: {  	[dreg:$0x6] =	wrdreg $0x9  }
0xb3: {  	_ =	task.clear_ibuf [dreg:s7], $0x7FFFF;
	_ =	strace $0x90000046  }
0xb4: {  	s29 =	simm.s32 $0x9;
	_ =	strace $0x80000048  }
0xb5: {  	_ =	swait.ge [sflag:s29], $0x1  }
0xb6: {  	[sflag:s29] =	ssyncadd.s32 $0xFFFFFFFF  }
0xb7: {  	_ =	strace $0x90000048  }
0xb8: {  	_ =	sfence  }
0xb9: {  	s30 =	sld [smem:$0x0];
	_ =	sdelay $0x2  }
0xba: {  	s31 =	sshll.u32 s1, $0xD;
	s1 =	sshrl.u32 s1, $0x2  }
0xbb: {  	s3 =	sand.u32 $0x4000, s31;
	s1 =	sadd.s32 s1, s30  }
0xbc: {  	s0 =	sor.u32 s3, s0;
	s1 =	sshll.u32 s1, $0x11  }
0xbd: {  	s0 =	sor.u32 s1, s0  }
0xbe: {  	s0 =	sadd.s32 $0x8F2B, s0  }
0xbf: {  	[sflag:s0] =	ssyncadd.remote.s32 $0x1  }
0xc0: {  	_ =	sfence.sel $0xFFFF  }
0xc1: {  	[dreg:$0x0] =	wrdreg $0xFFFFFFFF;
	(pc) =	sbr.abs _section_cstart, $3  }
0xc2: {  	[dreg:$0x1] =	wrdreg $0xFFFFFFFF  }
0xc3: {  	_ =	task.clear_ibuf [dreg:s7], $0x2FFFF;
	_ =	strace $0x9FFFFFFF  }
0xc4: {  	(tm) =	ssettm $0x7FFFFFFF  }
0xc5: {  	_ =	shalt  }
tec
execute0_lowered:
.L_overlay_start_1:
0x0: {  	(tag) =	ssettag $0x1  }
0x1: {  	s0 =	rddreg [dreg:$0x0]  }
0x2: {  	s1 =	rddreg [dreg:$0x1]  }
0x3: {  	s2 =	rddreg [dreg:$0x2]  }
0x4: {  	s3 =	rddreg [dreg:$0x3];
	s5 =	simm.s32 $0x0;
	s4 =	srdreg.scid  }
0x5: {  	s14 =	stileid.u32;
	s28 =	simm.s32 $0x8200;
	s29 =	simm.s32 $0x8300  }
0x6: {  	s30 =	simm.s32 $0x180;
	s31 =	simm.s32 $0x4200;
	s10 =	smul.u32 $0x14000, s14  }
0x7: {  	[smem:$0x7FF] =	sst s5;
	s4 =	sand.u32 $0x1, s4;
	s11 =	smul.u32 $0x500, s14  }
0x8: {  	s6 =	sadd.s32 $0xCA00, s0;
	s7 =	sadd.s32 $0x35000, s0;
	s25 =	smul.u32 $0x50000, s14  }
0x9: {  	s8 =	sadd.s32 $0x34A00, s0;
	s26 =	sshll.u32 s14, $0x1;
	s15 =	smul.u32 $0xA00, s14  }
0xa: {  	s14 =	simm.s32 $0x8480;
	s9 =	smul.u32 $0x140000, s4;
	_ =	strace $0x80000047  }
0xb: {  	s12 =	sshll.u32 s4, $0x7;
	s13 =	ssub.s32 $0x2, s4;
	s4 =	sor.u32 s4, s26  }
0xc: {  	s11 =	sor.u32 s12, s11;
	s12 =	sshrl.u32 s25, $0x2;
	s16 =	sshrl.u32 s13, $0x1  }
0xd: {  	s10 =	sadd.s32 s10, s9;
	s9 =	sadd.s32 $0x1A00, s0;
	s11 =	sshrl.u32 s11, $0x3  }
0xe: {  	s17 =	sadd.s32 s12, s2;
	s18 =	ssub.s32 s13, s16;
	s12 =	sshrl.u32 s15, $0x2  }
0xf: {  	s13 =	simm.s32 $0x2;
	s15 =	simm.s32 $0x3;
	s16 =	simm.s32 $0x0  }
0x10: {  	s10 =	sshrl.u32 s10, $0x3;
	s19 =	sadd.s32 $0x4000, s17;
	[dreg:$0x5] =	wrdreg s17  }
0x11: {  	s20 =	sadd.s32 $0x8000, s17;
	s21 =	sadd.s32 $0xC000, s17;
	[dreg:$0x6] =	wrdreg s19  }
0x12: {  	s23 =	sadd.s32 $0x10000, s17;
	s26 =	smax.u32 s18, $0x1;
	[dreg:$0x7] =	wrdreg s20  }
0x13: {  	s18 =	simm.s32 $0x10;
	s10 =	sadd.s32 s10, s0;
	[dreg:$0x8] =	wrdreg s21  }
0x14: {  	s0 =	sadd.s32 s11, s0;
	s11 =	smul.u32 $0x2C00, s4;
	[dreg:$0x9] =	wrdreg s23  }
0x15: {  	s19 =	sadd.s32 s12, s3;
	[dreg:$0xf] =	wrdreg s26;
	s23 =	simm.s32 $0x5  }
0x16: {  	s26 =	simm.s32 $0x80;
	s4 =	simm.s32 $0x1;
	s12 =	simm.s32 $0x8400  }
.Ltmp0:
0x17: {  	s10 =	sadd.s32 $0x35600, s10;
	[dreg:$0xa] =	wrdreg s19;
	(pc) =	sbr.rel .LBB2_1-.Ltmp0, $4  }
0x18: {  	s0 =	sadd.s32 $0x85600, s0;
	s22 =	sshrl.u32 s11, $0x3;
	[dreg:$0xd] =	wrdreg s10  }
0x19: {  	[dreg:$0xe] =	wrdreg s0;
	s0 =	simm.s32 $0x8280;
	s24 =	sadd.s32 s1, s22  }
0x1a: {  	s25 =	sadd.s32 s9, s22;
	s22 =	simm.s32 $0x200;
	[dreg:$0xb] =	wrdreg s24  }
0x1b: {  	v0 =	vimm.f32 $0.0e+00;
	[dreg:$0xc] =	wrdreg s25;
	s25 =	simm.s32 $0x100;
	s24 =	simm.s32 $0x8380  }
.LBB2_10:
0x1c: {  	[spmem:s2] =	stream.indirect.scatter.add.f32 [tilespmem:s31], [sflag:$0x4], $0x80, s26, s26, $0xb8;
	[tilespmem:$0x1CA00] =	vst v63  }
0x1d: {  	_ = 	snop  }
0x1e: {  	[spmem:s3] =	stream.indirect.scatter.add.f32 [tilespmem:s14], [sflag:$0x4], $0x1, s26, s26, $0xb8;
	[tilespmem:$0x1CA00] =	vst v63  }
0x1f: {  	_ =	swait.ge [sflag:s15], $0x4000  }
0x20: {  	[sflag:s15] =	ssyncset.done $0x0  }
0x21: {  	[sflag:s15] =	ssyncadd.s32 $0xFFFFC000  }
0x22: {  	_ =	swait.ge [sflag:s15], $0x80  }
0x23: {  	[sflag:s15] =	ssyncset.done $0x0  }
0x24: {  	s10 =	simm.s32 $0x4;
	[sflag:s15] =	ssyncadd.s32 $0xFFFFFF80  }
0x25: {  	_ =	swait.ge [sflag:s10], $0x4000  }
0x26: {  	[sflag:s10] =	ssyncset.done $0x0  }
0x27: {  	[sflag:s10] =	ssyncadd.s32 $0xFFFFC000  }
0x28: {  	_ =	swait.ge [sflag:s10], $0x80  }
0x29: {  	[sflag:s10] =	ssyncset.done $0x0  }
0x2a: {  	[sflag:s10] =	ssyncadd.s32 $0xFFFFFF80  }
0x2b: {  	s19 =	stileid.u32;
	[bflag:$0x0] =	sbarrier.arrive $0xFFFF  }
0x2c: {  	s10 =	sshll.u32 s19, $0x6;
	s17 =	rddreg [dreg:$0x5]  }
0x2d: {  	s10 =	sor.u32 $0x1C05, s10;
	s19 =	rddreg [dreg:$0xd];
	s16 =	sshrl.u32 s17, $0x3  }
0x2e: {  	[hbm:s19], [sflag:s10] =	dma.local [spmem:s16], $0x2800  }
0x2f: {  	_ =	swait.ge [sflag:s23], $0x2800  }
0x30: {  	s21 =	simm.s32 $0x20;
	[sflag:s23] =	ssyncset.done $0x0;
	s19 =	rddreg [dreg:$0xa]  }
0x31: {  	s20 =	rddreg [dreg:$0xe];
	[sflag:s23] =	ssyncadd.s32 $0xFFFFD800;
	s16 =	sshrl.u32 s19, $0x3  }
0x32: {  	[hbm:s20@s21], [sflag:s10] =	dma.strided [spmem:s16@s18], $0x50, s4, $0x10   }
0x33: {  	_ =	swait.ge [sflag:s23], $0x50  }
0x34: {  	s20 =	rddreg [dreg:$0x10]  }
0x35: {  	s21 =	rddreg [dreg:$0xf];
	s16 =	sadd.s32 $0x1, s20  }
0x36: {  	p0 =	sne.s32 s16, s21  }
.Ltmp1:
0x37: {  	_ = 	snop;
	(pc) =	sbr.rel @!p0 .LBB2_11-.Ltmp1, $3  }
0x38: {  	_ =	sdelay $0x1  }
0x39: {  	[sflag:s23] =	ssyncset.done $0x0  }
0x3a: {  	[sflag:s23] =	ssyncadd.s32 $0xFFFFFFB0  }
.LBB2_1:
0x3b: {  	[dreg:$0x10] =	wrdreg s16;
	s10 =	simm.s32 $0x0;
	s16 =	simm.s32 $0x200  }
.LBB2_2:
0x3c: {  	p0 =	sne.s32 s16, $0xFE00;
	[tilespmem:s10+$0x270] =	vst v0  }
0x3d: {  	[tilespmem:s10+$0x200] =	vst v0  }
0x3e: {  	[tilespmem:s10+$0x210] =	vst v0  }
.Ltmp2:
0x3f: {  	[tilespmem:s10+$0x220] =	vst v0;
	(pc) =	sbr.rel @p0 .LBB2_2-.Ltmp2, $4  }
0x40: {  	[tilespmem:s10+$0x230] =	vst v0  }
0x41: {  	[tilespmem:s10+$0x240] =	vst v0  }
0x42: {  	[tilespmem:s10+$0x250] =	vst v0  }
0x43: {  	[tilespmem:s10+$0x260] =	vst v0;
	s10 =	sshra.s32 s16, $0x2;
	s16 =	sadd.s32 $0x200, s16  }
0x44: {  	[tilespmem:s10+$0x270] =	vst v0  }
0x45: {  	[tilespmem:s10+$0x200] =	vst v0  }
0x46: {  	[tilespmem:s10+$0x210] =	vst v0  }
0x47: {  	[tilespmem:s10+$0x220] =	vst v0  }
0x48: {  	[tilespmem:s10+$0x230] =	vst v0  }
0x49: {  	[tilespmem:s10+$0x240] =	vst v0  }
0x4a: {  	[tilespmem:s10+$0x250] =	vst v0  }
0x4b: {  	[tilespmem:s10+$0x260] =	vst v0  }
0x4c: {  	[tilespmem:$0x8500] =	vst v0  }
0x4d: {  	[tilespmem:$0x8510] =	vst v0  }
0x4e: {  	[tilespmem:$0x8520] =	vst v0  }
0x4f: {  	[tilespmem:$0x8530] =	vst v0  }
0x50: {  	[tilespmem:$0x8540] =	vst v0  }
0x51: {  	[tilespmem:$0x8550] =	vst v0  }
0x52: {  	[tilespmem:$0x8560] =	vst v0  }
0x53: {  	[tilespmem:$0x8570] =	vst v0  }
0x54: {  	[tilespmem:$0x8580] =	vst v0  }
0x55: {  	[tilespmem:$0x8590] =	vst v0  }
0x56: {  	[tilespmem:$0x85A0] =	vst v0  }
0x57: {  	[tilespmem:$0x85B0] =	vst v0  }
0x58: {  	[tilespmem:$0x85C0] =	vst v0  }
0x59: {  	[tilespmem:$0x85D0] =	vst v0  }
0x5a: {  	[tilespmem:$0x85E0] =	vst v0  }
0x5b: {  	[tilespmem:$0x85F0] =	vst v0  }
0x5c: {  	[tilespmem:$0x8600] =	vst v0  }
0x5d: {  	[tilespmem:$0x8610] =	vst v0  }
0x5e: {  	[tilespmem:$0x8620] =	vst v0  }
0x5f: {  	[tilespmem:$0x8630] =	vst v0  }
0x60: {  	[tilespmem:$0x8640] =	vst v0  }
0x61: {  	[tilespmem:$0x8650] =	vst v0  }
0x62: {  	[tilespmem:$0x8660] =	vst v0  }
0x63: {  	[tilespmem:$0x8670] =	vst v0  }
0x64: {  	[tilespmem:$0x8680] =	vst v0  }
0x65: {  	[tilespmem:$0x8690] =	vst v0  }
0x66: {  	[tilespmem:$0x86A0] =	vst v0  }
0x67: {  	[tilespmem:$0x86B0] =	vst v0  }
0x68: {  	[tilespmem:$0x86C0] =	vst v0  }
0x69: {  	[tilespmem:$0x86D0] =	vst v0  }
0x6a: {  	[tilespmem:$0x86E0] =	vst v0  }
0x6b: {  	[tilespmem:$0x86F0] =	vst v0  }
0x6c: {  	[tilespmem:$0x8700] =	vst v0  }
0x6d: {  	[tilespmem:$0x8710] =	vst v0  }
0x6e: {  	[tilespmem:$0x8720] =	vst v0  }
0x6f: {  	[tilespmem:$0x8730] =	vst v0  }
0x70: {  	[tilespmem:$0x8740] =	vst v0  }
0x71: {  	[tilespmem:$0x8750] =	vst v0  }
0x72: {  	[tilespmem:$0x8760] =	vst v0  }
0x73: {  	[tilespmem:$0x8770] =	vst v0  }
0x74: {  	[spmem:s17] =	stream.linear.scatter [tilespmem:s22], [sflag:$0x5], $0x4000, $0x38;
	[tilespmem:$0x1CA00] =	vst v63  }
0x75: {  	_ =	swait.ge [sflag:s23], $0x4000  }
0x76: {  	[sflag:s23] =	ssyncset.done $0x0  }
0x77: {  	s17 =	rddreg [dreg:$0x6];
	[sflag:s23] =	ssyncadd.s32 $0xFFFFC000  }
0x78: {  	[spmem:s17] =	stream.linear.scatter [tilespmem:s22], [sflag:$0x5], $0x4000, $0x38;
	[tilespmem:$0x1CA00] =	vst v63  }
0x79: {  	_ =	swait.ge [sflag:s23], $0x4000  }
0x7a: {  	[sflag:s23] =	ssyncset.done $0x0  }
0x7b: {  	s20 =	rddreg [dreg:$0x7];
	[sflag:s23] =	ssyncadd.s32 $0xFFFFC000  }
0x7c: {  	[spmem:s20] =	stream.linear.scatter [tilespmem:s22], [sflag:$0x5], $0x4000, $0x38;
	[tilespmem:$0x1CA00] =	vst v63  }
0x7d: {  	_ =	swait.ge [sflag:s23], $0x4000  }
0x7e: {  	[sflag:s23] =	ssyncset.done $0x0  }
0x7f: {  	s21 =	rddreg [dreg:$0x8];
	[sflag:s23] =	ssyncadd.s32 $0xFFFFC000  }
0x80: {  	[spmem:s21] =	stream.linear.scatter [tilespmem:s22], [sflag:$0x5], $0x4000, $0x38;
	[tilespmem:$0x1CA00] =	vst v63  }
0x81: {  	_ =	swait.ge [sflag:s23], $0x4000  }
0x82: {  	[sflag:s23] =	ssyncset.done $0x0  }
0x83: {  	s16 =	rddreg [dreg:$0x9];
	[sflag:s23] =	ssyncadd.s32 $0xFFFFC000  }
0x84: {  	[spmem:s16] =	stream.linear.scatter [tilespmem:s22], [sflag:$0x5], $0x4000, $0x38;
	[tilespmem:$0x1CA00] =	vst v63  }
0x85: {  	_ =	swait.ge [sflag:s23], $0x4000  }
0x86: {  	[sflag:s23] =	ssyncset.done $0x0  }
0x87: {  	s17 =	simm.s32 $0x8500;
	[sflag:s23] =	ssyncadd.s32 $0xFFFFC000  }
0x88: {  	[spmem:s19] =	stream.linear.scatter [tilespmem:s17], [sflag:$0x5], $0x280, $0x38;
	[tilespmem:$0x1CA00] =	vst v63  }
0x89: {  	_ =	swait.ge [sflag:s23], $0x280  }
0x8a: {  	[sflag:s23] =	ssyncset.done $0x0  }
0x8b: {  	[sflag:s23] =	ssyncadd.s32 $0xFFFFFD80  }
0x8c: {  	[bflag:$0x0] =	sbarrier.arrive $0xFFFF  }
0x8d: {  	s19 =	simm.s32 $0x0;
	s20 =	rddreg [dreg:$0xb]  }
0x8e: {  	[tilespmem:s19], [sflag:$0x5] =	stream.linear.gather [hbm4b:s20+s19], $0x80, $0x38;
	[tilespmem:$0x1CA00] =	vst v63  }
0x8f: {  	_ =	swait.ge [sflag:s23], $0x80  }
0x90: {  	[sflag:s23] =	ssyncset.done $0x0  }
0x91: {  	s21 =	rddreg [dreg:$0xc];
	[sflag:s23] =	ssyncadd.s32 $0xFFFFFF80  }
0x92: {  	[tilespmem:s25], [sflag:$0x5] =	stream.linear.gather [hbm4b:s21+s19], $0x80, $0x38;
	[tilespmem:$0x1CA00] =	vst v63  }
0x93: {  	_ =	swait.ge [sflag:s23], $0x80  }
0x94: {  	[sflag:s23] =	ssyncset.done $0x0  }
0x95: {  	[sflag:s23] =	ssyncadd.s32 $0xFFFFFF80  }
0x96: {  	[tilespmem:s22], [sflag:$0x1] =	stream.indirect.gather [hbm4b:s6+s26], $0x80, s25, s26, $0xb8;
	[tilespmem:$0x1CA00] =	vst v63  }
0x97: {  	_ = 	snop  }
0x98: {  	[tilespmem:s28], [sflag:$0x1] =	stream.indirect.gather [hbm4b:s7+s26], $0x1, s19, s26, $0xb8;
	[tilespmem:$0x1CA00] =	vst v63  }
0x99: {  	s20 =	simm.s32 $0x0  }
0x9a: {  	[tilespmem:s29], [sflag:$0x1] =	stream.indirect.gather [hbm4b:s8+s26], $0x1, s25, s26, $0xb8;
	[tilespmem:$0x1CA00] =	vst v63  }
.LBB2_4:
0x9b: {  	p0 =	seq.s32 s20, $0x0  }
0x9c: {  	s21 =	sshll.u32 s20, $0x8;
	s10 =	simm.s32 @!p0 $0x4  }
0x9d: {  	s16 =	sand.u32 $0x3C00, s21;
	_ =	swait.ge @!p0 [sflag:s10], $0x4000  }
0x9e: {  	s17 =	sand.u32 $0x300, s21;
	s16 =	sadd.s32 s11, s16;
	[sflag:s10] =	ssyncset.done @!p0 $0x0  }
0x9f: {  	s16 =	sor.u32 s16, s17;
	[sflag:s10] =	ssyncadd.s32 @!p0 $0xFFFFC000  }
0xa0: {  	s16 =	sor.u32 $0x80, s16;
	_ =	swait.ge @!p0 [sflag:s10], $0x80  }
0xa1: {  	s16 =	sshrl.u32 s16, $0x3;
	[sflag:s10] =	ssyncset.done @!p0 $0x0  }
0xa2: {  	s17 =	sadd.s32 s1, s16;
	[sflag:s10] =	ssyncadd.s32 @!p0 $0xFFFFFF80  }
0xa3: {  	[tilespmem:s26], [sflag:$0x5] =	stream.linear.gather [hbm4b:s17+s19], $0x80, $0x38;
	[tilespmem:$0x1CA00] =	vst v63  }
0xa4: {  	_ =	swait.ge [sflag:s23], $0x80  }
0xa5: {  	[sflag:s23] =	ssyncset.done $0x0  }
0xa6: {  	s17 =	sadd.s32 s9, s16;
	[sflag:s23] =	ssyncadd.s32 $0xFFFFFF80  }
0xa7: {  	[tilespmem:s30], [sflag:$0x5] =	stream.linear.gather [hbm4b:s17+s19], $0x80, $0x38;
	[tilespmem:$0x1CA00] =	vst v63  }
0xa8: {  	_ =	swait.ge [sflag:s23], $0x80  }
0xa9: {  	[sflag:s23] =	ssyncset.done $0x0  }
0xaa: {  	[sflag:s23] =	ssyncadd.s32 $0xFFFFFF80  }
0xab: {  	[tilespmem:s31], [sflag:$0x2] =	stream.indirect.gather [hbm4b:s6+s26], $0x80, s30, s26, $0xb8;
	[tilespmem:$0x1CA00] =	vst v63  }
0xac: {  	_ = 	snop  }
0xad: {  	[tilespmem:s0], [sflag:$0x2] =	stream.indirect.gather [hbm4b:s7+s26], $0x1, s26, s26, $0xb8;
	[tilespmem:$0x1CA00] =	vst v63  }
0xae: {  	_ = 	snop  }
0xaf: {  	[tilespmem:s24], [sflag:$0x2] =	stream.indirect.gather [hbm4b:s8+s26], $0x1, s30, s26, $0xb8;
	[tilespmem:$0x1CA00] =	vst v63  }
0xb0: {  	_ =	swait.ge [sflag:s4], $0x4000  }
0xb1: {  	[sflag:s4] =	ssyncset.done $0x0  }
0xb2: {  	[sflag:s4] =	ssyncadd.s32 $0xFFFFC000  }
0xb3: {  	_ =	swait.ge [sflag:s4], $0x80  }
0xb4: {  	[sflag:s4] =	ssyncset.done $0x0  }
0xb5: {  	[sflag:s4] =	ssyncadd.s32 $0xFFFFFF80  }
0xb6: {  	_ =	swait.ge [sflag:s4], $0x80  }
0xb7: {  	[sflag:s4] =	ssyncset.done $0x0  }
0xb8: {  	s16 =	simm.s32 $0x0;
	[sflag:s4] =	ssyncadd.s32 $0xFFFFFF80  }
.LBB2_5:
0xb9: {  	s10 =	sshll.u32 s16, $0x4  }
0xba: {  	v1 =	vld [tilespmem:s10+$0x8200]  }
0xbb: {  	v2 =	vld [tilespmem:s10+$0x8300];
	_ =	sdelay $0x4  }
0xbc: {  	v1 =	vadd.f32 v2, v1;
	_ =	sdelay $0x1  }
0xbd: {  	v2 =	vmul.f32 $1.000000010e-01, v1;
	_ =	sdelay $0x1  }
0xbe: {  	v1 =	vmax.f32 v1, v2  }
0xbf: {  	v1 =	vmul.f32 $1.442695020e+00, v1;
	_ =	sdelay $0x1  }
0xc0: {  	(erf) = vpow2.f32 v1;
	_ =	sdelay $0x8  }
0xc1: {  	s17 =	sshll.u32 s16, $0xB;
	v1 =	vpop (erf)  }
0xc2: {  	s17 =	sand.u32 $0x3FFFF800, s17;
	[tilespmem:s10+$0x8400] =	vst v1  }
0xc3: {  	v2 =	vld [tilespmem:s17+$0x200]  }
0xc4: {  	v3 =	vld [tilespmem:s17+$0x210]  }
0xc5: {  	v4 =	vld [tilespmem:s17+$0x220]  }
0xc6: {  	v5 =	vbroadcast v1, $0x0;
	v6 =	vld [tilespmem:s17+$0x230]  }
0xc7: {  	v7 =	vld [tilespmem:s17+$0x240]  }
0xc8: {  	v8 =	vld [tilespmem:s17+$0x250];
	v2 =	vmul.f32 v5, v2  }
0xc9: {  	v9 =	vld [tilespmem:s17+$0x260];
	v3 =	vmul.f32 v5, v3  }
0xca: {  	v34 =	vld [tilespmem:s17+$0x270];
	[tilespmem:s17+$0x200] =	vst v2;
	v2 =	vmul.f32 v5, v4  }
0xcb: {  	v35 =	vld [tilespmem:s17+$0x280];
	[tilespmem:s17+$0x210] =	vst v3;
	v3 =	vmul.f32 v6, v5  }
0xcc: {  	v36 =	vld [tilespmem:s17+$0x290];
	[tilespmem:s17+$0x220] =	vst v2;
	v2 =	vmul.f32 v7, v5  }
0xcd: {  	v37 =	vld [tilespmem:s17+$0x2A0];
	[tilespmem:s17+$0x230] =	vst v3;
	v3 =	vmul.f32 v8, v5  }
0xce: {  	v38 =	vbroadcast v1, $0x1;
	v10 =	vld [tilespmem:s17+$0x2B0];
	[tilespmem:s17+$0x240] =	vst v2;
	v2 =	vmul.f32 v9, v5  }
0xcf: {  	v39 =	vld [tilespmem:s17+$0x2C0];
	[tilespmem:s17+$0x250] =	vst v3;
	v3 =	vmul.f32 v34, v5  }
0xd0: {  	v40 =	vld [tilespmem:s17+$0x2D0];
	[tilespmem:s17+$0x260] =	vst v2;
	v2 =	vmul.f32 v35, v38  }
0xd1: {  	v41 =	vld [tilespmem:s17+$0x2E0];
	[tilespmem:s17+$0x270] =	vst v3;
	v3 =	vmul.f32 v36, v38  }
0xd2: {  	v42 =	vld [tilespmem:s17+$0x2F0];
	[tilespmem:s17+$0x280] =	vst v2;
	v2 =	vmul.f32 v37, v38  }
0xd3: {  	v43 =	vld [tilespmem:s17+$0x300];
	[tilespmem:s17+$0x290] =	vst v3;
	v3 =	vmul.f32 v10, v38  }
0xd4: {  	v44 =	vld [tilespmem:s17+$0x310];
	[tilespmem:s17+$0x2A0] =	vst v2;
	v2 =	vmul.f32 v39, v38  }
0xd5: {  	v45 =	vld [tilespmem:s17+$0x320];
	[tilespmem:s17+$0x2B0] =	vst v3;
	v3 =	vmul.f32 v40, v38  }
0xd6: {  	v46 =	vbroadcast v1, $0x2;
	v47 =	vld [tilespmem:s17+$0x330];
	[tilespmem:s17+$0x2C0] =	vst v2;
	v2 =	vmul.f32 v41, v38  }
0xd7: {  	v48 =	vld [tilespmem:s17+$0x340];
	[tilespmem:s17+$0x2D0] =	vst v3;
	v3 =	vmul.f32 v42, v38  }
0xd8: {  	v49 =	vld [tilespmem:s17+$0x350];
	[tilespmem:s17+$0x2E0] =	vst v2;
	v2 =	vmul.f32 v43, v46  }
0xd9: {  	v50 =	vld [tilespmem:s17+$0x360];
	[tilespmem:s17+$0x2F0] =	vst v3;
	v3 =	vmul.f32 v44, v46  }
0xda: {  	v51 =	vld [tilespmem:s17+$0x370];
	[tilespmem:s17+$0x300] =	vst v2;
	v2 =	vmul.f32 v45, v46  }
0xdb: {  	v52 =	vld [tilespmem:s17+$0x380];
	[tilespmem:s17+$0x310] =	vst v3;
	v3 =	vmul.f32 v47, v46  }
0xdc: {  	v53 =	vld [tilespmem:s17+$0x390];
	[tilespmem:s17+$0x320] =	vst v2;
	v2 =	vmul.f32 v48, v46  }
0xdd: {  	v54 =	vld [tilespmem:s17+$0x3A0];
	[tilespmem:s17+$0x330] =	vst v3;
	v3 =	vmul.f32 v49, v46  }
0xde: {  	v55 =	vbroadcast v1, $0x3;
	v56 =	vld [tilespmem:s17+$0x3B0];
	[tilespmem:s17+$0x340] =	vst v2;
	v2 =	vmul.f32 v50, v46  }
0xdf: {  	v57 =	vld [tilespmem:s17+$0x3C0];
	[tilespmem:s17+$0x350] =	vst v3;
	v3 =	vmul.f32 v51, v46  }
0xe0: {  	v58 =	vld [tilespmem:s17+$0x3D0];
	[tilespmem:s17+$0x360] =	vst v2;
	v2 =	vmul.f32 v52, v55  }
0xe1: {  	v59 =	vld [tilespmem:s17+$0x3E0];
	[tilespmem:s17+$0x370] =	vst v3;
	v3 =	vmul.f32 v53, v55  }
0xe2: {  	v60 =	vld [tilespmem:s17+$0x3F0];
	[tilespmem:s17+$0x380] =	vst v2;
	v2 =	vmul.f32 v54, v55  }
0xe3: {  	v61 =	vld [tilespmem:s17+$0x400];
	[tilespmem:s17+$0x390] =	vst v3;
	v3 =	vmul.f32 v56, v55  }
0xe4: {  	v62 =	vld [tilespmem:s17+$0x410];
	[tilespmem:s17+$0x3A0] =	vst v2;
	v2 =	vmul.f32 v57, v55  }
0xe5: {  	v63 =	vld [tilespmem:s17+$0x420];
	[tilespmem:s17+$0x3B0] =	vst v3;
	v3 =	vmul.f32 v58, v55  }
0xe6: {  	v12 =	vbroadcast v1, $0x4;
	v13 =	vld [tilespmem:s17+$0x430];
	[tilespmem:s17+$0x3C0] =	vst v2;
	v2 =	vmul.f32 v59, v55  }
0xe7: {  	v14 =	vld [tilespmem:s17+$0x440];
	[tilespmem:s17+$0x3D0] =	vst v3;
	v3 =	vmul.f32 v60, v55  }
0xe8: {  	v15 =	vld [tilespmem:s17+$0x450];
	[tilespmem:s17+$0x3E0] =	vst v2;
	v2 =	vmul.f32 v61, v12  }
0xe9: {  	v16 =	vld [tilespmem:s17+$0x460];
	[tilespmem:s17+$0x3F0] =	vst v3;
	v3 =	vmul.f32 v62, v12  }
0xea: {  	v17 =	vld [tilespmem:s17+$0x470];
	[tilespmem:s17+$0x400] =	vst v2;
	v2 =	vmul.f32 v63, v12  }
0xeb: {  	v18 =	vld [tilespmem:s17+$0x480];
	[tilespmem:s17+$0x410] =	vst v3;
	v3 =	vmul.f32 v13, v12  }
0xec: {  	v19 =	vld [tilespmem:s17+$0x490];
	[tilespmem:s17+$0x420] =	vst v2;
	v2 =	vmul.f32 v14, v12  }
0xed: {  	v20 =	vld [tilespmem:s17+$0x4A0];
	[tilespmem:s17+$0x430] =	vst v3;
	v3 =	vmul.f32 v15, v12  }
0xee: {  	v21 =	vbroadcast v1, $0x5;
	v22 =	vld [tilespmem:s17+$0x4B0];
	[tilespmem:s17+$0x440] =	vst v2;
	v2 =	vmul.f32 v16, v12  }
0xef: {  	v23 =	vld [tilespmem:s17+$0x4C0];
	[tilespmem:s17+$0x450] =	vst v3;
	v3 =	vmul.f32 v17, v12  }
0xf0: {  	v24 =	vld [tilespmem:s17+$0x4D0];
	[tilespmem:s17+$0x460] =	vst v2;
	v2 =	vmul.f32 v18, v21  }
0xf1: {  	v25 =	vld [tilespmem:s17+$0x4E0];
	[tilespmem:s17+$0x470] =	vst v3;
	v3 =	vmul.f32 v19, v21  }
0xf2: {  	v26 =	vld [tilespmem:s17+$0x4F0];
	[tilespmem:s17+$0x480] =	vst v2;
	v2 =	vmul.f32 v20, v21  }
0xf3: {  	v27 =	vld [tilespmem:s17+$0x500];
	[tilespmem:s17+$0x490] =	vst v3;
	v3 =	vmul.f32 v22, v21  }
0xf4: {  	v28 =	vld [tilespmem:s17+$0x510];
	[tilespmem:s17+$0x4A0] =	vst v2;
	v2 =	vmul.f32 v23, v21  }
0xf5: {  	v29 =	vld [tilespmem:s17+$0x520];
	[tilespmem:s17+$0x4B0] =	vst v3;
	v3 =	vmul.f32 v24, v21  }
0xf6: {  	v30 =	vbroadcast v1, $0x6;
	v31 =	vld [tilespmem:s17+$0x530];
	[tilespmem:s17+$0x4C0] =	vst v2;
	v2 =	vmul.f32 v25, v21  }
0xf7: {  	v32 =	vld [tilespmem:s17+$0x540];
	[tilespmem:s17+$0x4D0] =	vst v3;
	v3 =	vmul.f32 v26, v21  }
0xf8: {  	v33 =	vld [tilespmem:s17+$0x550];
	[tilespmem:s17+$0x4E0] =	vst v2;
	v2 =	vmul.f32 v27, v30  }
0xf9: {  	v34 =	vld [tilespmem:s17+$0x560];
	[tilespmem:s17+$0x4F0] =	vst v3;
	v3 =	vmul.f32 v28, v30  }
0xfa: {  	v35 =	vld [tilespmem:s17+$0x570];
	[tilespmem:s17+$0x500] =	vst v2;
	v2 =	vmul.f32 v29, v30  }
0xfb: {  	v36 =	vld [tilespmem:s17+$0x580];
	[tilespmem:s17+$0x510] =	vst v3;
	v3 =	vmul.f32 v31, v30  }
0xfc: {  	v37 =	vld [tilespmem:s17+$0x590];
	[tilespmem:s17+$0x520] =	vst v2;
	v2 =	vmul.f32 v32, v30  }
0xfd: {  	v38 =	vld [tilespmem:s17+$0x5A0];
	[tilespmem:s17+$0x530] =	vst v3;
	v3 =	vmul.f32 v33, v30  }
0xfe: {  	v39 =	vbroadcast v1, $0x7;
	v40 =	vld [tilespmem:s17+$0x5B0];
	[tilespmem:s17+$0x540] =	vst v2;
	v2 =	vmul.f32 v34, v30  }
0xff: {  	v41 =	vld [tilespmem:s17+$0x5C0];
	[tilespmem:s17+$0x550] =	vst v3;
	v3 =	vmul.f32 v35, v30  }
0x100: {  	v42 =	vld [tilespmem:s17+$0x5D0];
	[tilespmem:s17+$0x560] =	vst v2;
	v2 =	vmul.f32 v36, v39  }
0x101: {  	v43 =	vld [tilespmem:s17+$0x5E0];
	[tilespmem:s17+$0x570] =	vst v3;
	v3 =	vmul.f32 v37, v39  }
0x102: {  	v44 =	vld [tilespmem:s17+$0x5F0];
	[tilespmem:s17+$0x580] =	vst v2;
	v2 =	vmul.f32 v38, v39  }
0x103: {  	v45 =	vld [tilespmem:s17+$0x600];
	[tilespmem:s17+$0x590] =	vst v3;
	v3 =	vmul.f32 v40, v39  }
0x104: {  	v46 =	vld [tilespmem:s17+$0x610];
	[tilespmem:s17+$0x5A0] =	vst v2;
	v2 =	vmul.f32 v41, v39  }
0x105: {  	v47 =	vld [tilespmem:s17+$0x620];
	[tilespmem:s17+$0x5B0] =	vst v3;
	v3 =	vmul.f32 v42, v39  }
0x106: {  	v48 =	vbroadcast v1, $0x8;
	v49 =	vld [tilespmem:s17+$0x630];
	[tilespmem:s17+$0x5C0] =	vst v2;
	v2 =	vmul.f32 v43, v39  }
0x107: {  	v50 =	vld [tilespmem:s17+$0x640];
	[tilespmem:s17+$0x5D0] =	vst v3;
	v3 =	vmul.f32 v44, v39  }
0x108: {  	v51 =	vld [tilespmem:s17+$0x650];
	[tilespmem:s17+$0x5E0] =	vst v2;
	v2 =	vmul.f32 v45, v48  }
0x109: {  	v52 =	vld [tilespmem:s17+$0x660];
	[tilespmem:s17+$0x5F0] =	vst v3;
	v3 =	vmul.f32 v46, v48  }
0x10a: {  	v53 =	vld [tilespmem:s17+$0x670];
	[tilespmem:s17+$0x600] =	vst v2;
	v2 =	vmul.f32 v47, v48  }
0x10b: {  	v54 =	vld [tilespmem:s17+$0x680];
	[tilespmem:s17+$0x610] =	vst v3;
	v3 =	vmul.f32 v49, v48  }
0x10c: {  	v55 =	vld [tilespmem:s17+$0x690];
	[tilespmem:s17+$0x620] =	vst v2;
	v2 =	vmul.f32 v50, v48  }
0x10d: {  	v56 =	vld [tilespmem:s17+$0x6A0];
	[tilespmem:s17+$0x630] =	vst v3;
	v3 =	vmul.f32 v51, v48  }
0x10e: {  	v57 =	vbroadcast v1, $0x9;
	v58 =	vld [tilespmem:s17+$0x6B0];
	[tilespmem:s17+$0x640] =	vst v2;
	v2 =	vmul.f32 v52, v48  }
0x10f: {  	v59 =	vld [tilespmem:s17+$0x6C0];
	[tilespmem:s17+$0x650] =	vst v3;
	v3 =	vmul.f32 v53, v48  }
0x110: {  	v60 =	vld [tilespmem:s17+$0x6D0];
	[tilespmem:s17+$0x660] =	vst v2;
	v2 =	vmul.f32 v54, v57  }
0x111: {  	v61 =	vld [tilespmem:s17+$0x6E0];
	[tilespmem:s17+$0x670] =	vst v3;
	v3 =	vmul.f32 v55, v57  }
0x112: {  	v62 =	vld [tilespmem:s17+$0x6F0];
	[tilespmem:s17+$0x680] =	vst v2;
	v2 =	vmul.f32 v56, v57  }
0x113: {  	v63 =	vld [tilespmem:s17+$0x700];
	[tilespmem:s17+$0x690] =	vst v3;
	v3 =	vmul.f32 v58, v57  }
0x114: {  	v12 =	vld [tilespmem:s17+$0x710];
	[tilespmem:s17+$0x6A0] =	vst v2;
	v2 =	vmul.f32 v59, v57  }
0x115: {  	v13 =	vld [tilespmem:s17+$0x720];
	[tilespmem:s17+$0x6B0] =	vst v3;
	v3 =	vmul.f32 v60, v57  }
0x116: {  	v14 =	vbroadcast v1, $0xA;
	v15 =	vld [tilespmem:s17+$0x730];
	[tilespmem:s17+$0x6C0] =	vst v2;
	v2 =	vmul.f32 v61, v57  }
0x117: {  	v16 =	vld [tilespmem:s17+$0x740];
	[tilespmem:s17+$0x6D0] =	vst v3;
	v3 =	vmul.f32 v62, v57  }
0x118: {  	v17 =	vld [tilespmem:s17+$0x750];
	[tilespmem:s17+$0x6E0] =	vst v2;
	v2 =	vmul.f32 v63, v14  }
0x119: {  	v18 =	vld [tilespmem:s17+$0x760];
	[tilespmem:s17+$0x6F0] =	vst v3;
	v3 =	vmul.f32 v12, v14  }
0x11a: {  	v19 =	vld [tilespmem:s17+$0x770];
	[tilespmem:s17+$0x700] =	vst v2;
	v2 =	vmul.f32 v13, v14  }
0x11b: {  	v20 =	vld [tilespmem:s17+$0x780];
	[tilespmem:s17+$0x710] =	vst v3;
	v3 =	vmul.f32 v15, v14  }
0x11c: {  	v21 =	vld [tilespmem:s17+$0x790];
	[tilespmem:s17+$0x720] =	vst v2;
	v2 =	vmul.f32 v16, v14  }
0x11d: {  	v22 =	vld [tilespmem:s17+$0x7A0];
	[tilespmem:s17+$0x730] =	vst v3;
	v3 =	vmul.f32 v17, v14  }
0x11e: {  	v23 =	vbroadcast v1, $0xB;
	v24 =	vld [tilespmem:s17+$0x7B0];
	[tilespmem:s17+$0x740] =	vst v2;
	v2 =	vmul.f32 v18, v14  }
0x11f: {  	v25 =	vld [tilespmem:s17+$0x7C0];
	[tilespmem:s17+$0x750] =	vst v3;
	v3 =	vmul.f32 v19, v14  }
0x120: {  	v26 =	vld [tilespmem:s17+$0x7D0];
	[tilespmem:s17+$0x760] =	vst v2;
	v2 =	vmul.f32 v20, v23  }
0x121: {  	v27 =	vld [tilespmem:s17+$0x7E0];
	[tilespmem:s17+$0x770] =	vst v3;
	v3 =	vmul.f32 v21, v23  }
0x122: {  	v28 =	vld [tilespmem:s17+$0x7F0];
	[tilespmem:s17+$0x780] =	vst v2;
	v2 =	vmul.f32 v22, v23  }
0x123: {  	v29 =	vld [tilespmem:s17+$0x800];
	[tilespmem:s17+$0x790] =	vst v3;
	v3 =	vmul.f32 v24, v23  }
0x124: {  	v30 =	vld [tilespmem:s17+$0x810];
	[tilespmem:s17+$0x7A0] =	vst v2;
	v2 =	vmul.f32 v25, v23  }
0x125: {  	v31 =	vld [tilespmem:s17+$0x820];
	[tilespmem:s17+$0x7B0] =	vst v3;
	v3 =	vmul.f32 v26, v23  }
0x126: {  	v32 =	vbroadcast v1, $0xC;
	v33 =	vld [tilespmem:s17+$0x830];
	[tilespmem:s17+$0x7C0] =	vst v2;
	v2 =	vmul.f32 v27, v23  }
0x127: {  	v34 =	vld [tilespmem:s17+$0x840];
	[tilespmem:s17+$0x7D0] =	vst v3;
	v3 =	vmul.f32 v28, v23  }
0x128: {  	v35 =	vld [tilespmem:s17+$0x850];
	[tilespmem:s17+$0x7E0] =	vst v2;
	v2 =	vmul.f32 v29, v32  }
0x129: {  	v36 =	vld [tilespmem:s17+$0x860];
	[tilespmem:s17+$0x7F0] =	vst v3;
	v3 =	vmul.f32 v30, v32  }
0x12a: {  	v37 =	vld [tilespmem:s17+$0x870];
	[tilespmem:s17+$0x800] =	vst v2;
	v2 =	vmul.f32 v31, v32  }
0x12b: {  	v38 =	vld [tilespmem:s17+$0x880];
	[tilespmem:s17+$0x810] =	vst v3;
	v3 =	vmul.f32 v33, v32  }
0x12c: {  	v39 =	vld [tilespmem:s17+$0x890];
	[tilespmem:s17+$0x820] =	vst v2;
	v2 =	vmul.f32 v34, v32  }
0x12d: {  	v40 =	vld [tilespmem:s17+$0x8A0];
	[tilespmem:s17+$0x830] =	vst v3;
	v3 =	vmul.f32 v35, v32  }
0x12e: {  	v41 =	vbroadcast v1, $0xD;
	v42 =	vld [tilespmem:s17+$0x8B0];
	[tilespmem:s17+$0x840] =	vst v2;
	v2 =	vmul.f32 v36, v32  }
0x12f: {  	v43 =	vld [tilespmem:s17+$0x8C0];
	[tilespmem:s17+$0x850] =	vst v3;
	v3 =	vmul.f32 v37, v32  }
0x130: {  	v44 =	vld [tilespmem:s17+$0x8D0];
	[tilespmem:s17+$0x860] =	vst v2;
	v2 =	vmul.f32 v38, v41  }
0x131: {  	v45 =	vld [tilespmem:s17+$0x8E0];
	[tilespmem:s17+$0x870] =	vst v3;
	v3 =	vmul.f32 v39, v41  }
0x132: {  	v46 =	vld [tilespmem:s17+$0x8F0];
	[tilespmem:s17+$0x880] =	vst v2;
	v2 =	vmul.f32 v40, v41  }
0x133: {  	v47 =	vld [tilespmem:s17+$0x900];
	[tilespmem:s17+$0x890] =	vst v3;
	v3 =	vmul.f32 v42, v41  }
0x134: {  	v48 =	vld [tilespmem:s17+$0x910];
	[tilespmem:s17+$0x8A0] =	vst v2;
	v2 =	vmul.f32 v43, v41  }
0x135: {  	v49 =	vld [tilespmem:s17+$0x920];
	[tilespmem:s17+$0x8B0] =	vst v3;
	v3 =	vmul.f32 v44, v41  }
0x136: {  	v50 =	vbroadcast v1, $0xE;
	v51 =	vld [tilespmem:s17+$0x930];
	[tilespmem:s17+$0x8C0] =	vst v2;
	v2 =	vmul.f32 v45, v41  }
0x137: {  	v52 =	vld [tilespmem:s17+$0x940];
	[tilespmem:s17+$0x8D0] =	vst v3;
	v3 =	vmul.f32 v46, v41  }
0x138: {  	v53 =	vld [tilespmem:s17+$0x950];
	[tilespmem:s17+$0x8E0] =	vst v2;
	v2 =	vmul.f32 v47, v50  }
0x139: {  	v54 =	vld [tilespmem:s17+$0x960];
	[tilespmem:s17+$0x8F0] =	vst v3;
	v3 =	vmul.f32 v48, v50  }
0x13a: {  	v55 =	vld [tilespmem:s17+$0x970];
	[tilespmem:s17+$0x900] =	vst v2;
	v2 =	vmul.f32 v49, v50  }
0x13b: {  	v56 =	vld [tilespmem:s17+$0x980];
	[tilespmem:s17+$0x910] =	vst v3;
	v3 =	vmul.f32 v51, v50  }
0x13c: {  	v57 =	vld [tilespmem:s17+$0x990];
	[tilespmem:s17+$0x920] =	vst v2;
	v2 =	vmul.f32 v52, v50  }
0x13d: {  	v58 =	vld [tilespmem:s17+$0x9A0];
	[tilespmem:s17+$0x930] =	vst v3;
	v3 =	vmul.f32 v53, v50  }
0x13e: {  	v1 =	vbroadcast v1, $0xF;
	v59 =	vld [tilespmem:s17+$0x9B0];
	[tilespmem:s17+$0x940] =	vst v2;
	v2 =	vmul.f32 v54, v50  }
0x13f: {  	v60 =	vld [tilespmem:s17+$0x9C0];
	[tilespmem:s17+$0x950] =	vst v3;
	v3 =	vmul.f32 v55, v50  }
0x140: {  	v61 =	vld [tilespmem:s17+$0x9D0];
	[tilespmem:s17+$0x960] =	vst v2;
	v2 =	vmul.f32 v56, v1  }
0x141: {  	v62 =	vld [tilespmem:s17+$0x9E0];
	[tilespmem:s17+$0x970] =	vst v3;
	v3 =	vmul.f32 v57, v1  }
0x142: {  	v63 =	vld [tilespmem:s17+$0x9F0];
	[tilespmem:s17+$0x980] =	vst v2;
	v2 =	vmul.f32 v58, v1  }
0x143: {  	[tilespmem:s17+$0x990] =	vst v3;
	v3 =	vmul.f32 v59, v1  }
0x144: {  	p0 =	sne.s32 s16, $0x7;
	[tilespmem:s17+$0x9A0] =	vst v2;
	v2 =	vmul.f32 v60, v1  }
.Ltmp3:
0x145: {  	[tilespmem:s17+$0x9B0] =	vst v3;
	v3 =	vmul.f32 v61, v1;
	(pc) =	sbr.rel @p0 .LBB2_5-.Ltmp3, $4  }
0x146: {  	[tilespmem:s17+$0x9C0] =	vst v2;
	v2 =	vmul.f32 v62, v1  }
0x147: {  	[tilespmem:s17+$0x9D0] =	vst v3;
	v1 =	vmul.f32 v63, v1  }
0x148: {  	[tilespmem:s17+$0x9E0] =	vst v2  }
0x149: {  	s16 =	sadd.s32 $0x1, s16;
	[tilespmem:s17+$0x9F0] =	vst v1  }
0x14a: {  	s16 =	simm.s32 $0x0  }
0x14b: {  	[spmem:s2] =	stream.indirect.scatter.add.f32 [tilespmem:s22], [sflag:$0x3], $0x80, s16, s26, $0xb8;
	[tilespmem:$0x1CA00] =	vst v63  }
0x14c: {  	_ = 	snop  }
0x14d: {  	[spmem:s3] =	stream.indirect.scatter.add.f32 [tilespmem:s12], [sflag:$0x3], $0x1, s16, s26, $0xb8;
	[tilespmem:$0x1CA00] =	vst v63  }
0x14e: {  	_ =	swait.ge [sflag:s13], $0x4000  }
0x14f: {  	[sflag:s13] =	ssyncset.done $0x0  }
0x150: {  	[sflag:s13] =	ssyncadd.s32 $0xFFFFC000  }
0x151: {  	_ =	swait.ge [sflag:s13], $0x80  }
0x152: {  	[sflag:s13] =	ssyncset.done $0x0  }
0x153: {  	[sflag:s13] =	ssyncadd.s32 $0xFFFFFF80  }
0x154: {  	_ =	swait.ge [sflag:s13], $0x80  }
0x155: {  	[sflag:s13] =	ssyncset.done $0x0  }
0x156: {  	[sflag:s13] =	ssyncadd.s32 $0xFFFFFF80  }
.LBB2_7:
0x157: {  	s10 =	sshll.u32 s16, $0x4  }
0x158: {  	v1 =	vld [tilespmem:s10+$0x8280]  }
0x159: {  	v2 =	vld [tilespmem:s10+$0x8380];
	_ =	sdelay $0x4  }
0x15a: {  	v1 =	vadd.f32 v2, v1;
	_ =	sdelay $0x1  }
0x15b: {  	v2 =	vmul.f32 $1.000000010e-01, v1;
	_ =	sdelay $0x1  }
0x15c: {  	v1 =	vmax.f32 v1, v2  }
0x15d: {  	v1 =	vmul.f32 $1.442695020e+00, v1;
	_ =	sdelay $0x1  }
0x15e: {  	(erf) = vpow2.f32 v1;
	_ =	sdelay $0x8  }
0x15f: {  	s17 =	sshll.u32 s16, $0xB;
	v1 =	vpop (erf)  }
0x160: {  	s17 =	sand.u32 $0x3FFFF800, s17;
	[tilespmem:s10+$0x8480] =	vst v1  }
0x161: {  	v2 =	vld [tilespmem:s17+$0x4200]  }
0x162: {  	v3 =	vld [tilespmem:s17+$0x4210]  }
0x163: {  	v4 =	vld [tilespmem:s17+$0x4220]  }
0x164: {  	v5 =	vbroadcast v1, $0x0;
	v6 =	vld [tilespmem:s17+$0x4230]  }
0x165: {  	v7 =	vld [tilespmem:s17+$0x4240]  }
0x166: {  	v8 =	vld [tilespmem:s17+$0x4250];
	v2 =	vmul.f32 v5, v2  }
0x167: {  	v9 =	vld [tilespmem:s17+$0x4260];
	v3 =	vmul.f32 v5, v3  }
0x168: {  	v34 =	vld [tilespmem:s17+$0x4270];
	[tilespmem:s17+$0x4200] =	vst v2;
	v2 =	vmul.f32 v5, v4  }
0x169: {  	v35 =	vld [tilespmem:s17+$0x4280];
	[tilespmem:s17+$0x4210] =	vst v3;
	v3 =	vmul.f32 v6, v5  }
0x16a: {  	v36 =	vld [tilespmem:s17+$0x4290];
	[tilespmem:s17+$0x4220] =	vst v2;
	v2 =	vmul.f32 v7, v5  }
0x16b: {  	v37 =	vld [tilespmem:s17+$0x42A0];
	[tilespmem:s17+$0x4230] =	vst v3;
	v3 =	vmul.f32 v8, v5  }
0x16c: {  	v38 =	vbroadcast v1, $0x1;
	v10 =	vld [tilespmem:s17+$0x42B0];
	[tilespmem:s17+$0x4240] =	vst v2;
	v2 =	vmul.f32 v9, v5  }
0x16d: {  	v39 =	vld [tilespmem:s17+$0x42C0];
	[tilespmem:s17+$0x4250] =	vst v3;
	v3 =	vmul.f32 v34, v5  }
0x16e: {  	v40 =	vld [tilespmem:s17+$0x42D0];
	[tilespmem:s17+$0x4260] =	vst v2;
	v2 =	vmul.f32 v35, v38  }
0x16f: {  	v41 =	vld [tilespmem:s17+$0x42E0];
	[tilespmem:s17+$0x4270] =	vst v3;
	v3 =	vmul.f32 v36, v38  }
0x170: {  	v42 =	vld [tilespmem:s17+$0x42F0];
	[tilespmem:s17+$0x4280] =	vst v2;
	v2 =	vmul.f32 v37, v38  }
0x171: {  	v43 =	vld [tilespmem:s17+$0x4300];
	[tilespmem:s17+$0x4290] =	vst v3;
	v3 =	vmul.f32 v10, v38  }
0x172: {  	v44 =	vld [tilespmem:s17+$0x4310];
	[tilespmem:s17+$0x42A0] =	vst v2;
	v2 =	vmul.f32 v39, v38  }
0x173: {  	v45 =	vld [tilespmem:s17+$0x4320];
	[tilespmem:s17+$0x42B0] =	vst v3;
	v3 =	vmul.f32 v40, v38  }
0x174: {  	v46 =	vbroadcast v1, $0x2;
	v47 =	vld [tilespmem:s17+$0x4330];
	[tilespmem:s17+$0x42C0] =	vst v2;
	v2 =	vmul.f32 v41, v38  }
0x175: {  	v48 =	vld [tilespmem:s17+$0x4340];
	[tilespmem:s17+$0x42D0] =	vst v3;
	v3 =	vmul.f32 v42, v38  }
0x176: {  	v49 =	vld [tilespmem:s17+$0x4350];
	[tilespmem:s17+$0x42E0] =	vst v2;
	v2 =	vmul.f32 v43, v46  }
0x177: {  	v50 =	vld [tilespmem:s17+$0x4360];
	[tilespmem:s17+$0x42F0] =	vst v3;
	v3 =	vmul.f32 v44, v46  }
0x178: {  	v51 =	vld [tilespmem:s17+$0x4370];
	[tilespmem:s17+$0x4300] =	vst v2;
	v2 =	vmul.f32 v45, v46  }
0x179: {  	v52 =	vld [tilespmem:s17+$0x4380];
	[tilespmem:s17+$0x4310] =	vst v3;
	v3 =	vmul.f32 v47, v46  }
0x17a: {  	v53 =	vld [tilespmem:s17+$0x4390];
	[tilespmem:s17+$0x4320] =	vst v2;
	v2 =	vmul.f32 v48, v46  }
0x17b: {  	v54 =	vld [tilespmem:s17+$0x43A0];
	[tilespmem:s17+$0x4330] =	vst v3;
	v3 =	vmul.f32 v49, v46  }
0x17c: {  	v55 =	vbroadcast v1, $0x3;
	v56 =	vld [tilespmem:s17+$0x43B0];
	[tilespmem:s17+$0x4340] =	vst v2;
	v2 =	vmul.f32 v50, v46  }
0x17d: {  	v57 =	vld [tilespmem:s17+$0x43C0];
	[tilespmem:s17+$0x4350] =	vst v3;
	v3 =	vmul.f32 v51, v46  }
0x17e: {  	v58 =	vld [tilespmem:s17+$0x43D0];
	[tilespmem:s17+$0x4360] =	vst v2;
	v2 =	vmul.f32 v52, v55  }
0x17f: {  	v59 =	vld [tilespmem:s17+$0x43E0];
	[tilespmem:s17+$0x4370] =	vst v3;
	v3 =	vmul.f32 v53, v55  }
0x180: {  	v60 =	vld [tilespmem:s17+$0x43F0];
	[tilespmem:s17+$0x4380] =	vst v2;
	v2 =	vmul.f32 v54, v55  }
0x181: {  	v61 =	vld [tilespmem:s17+$0x4400];
	[tilespmem:s17+$0x4390] =	vst v3;
	v3 =	vmul.f32 v56, v55  }
0x182: {  	v62 =	vld [tilespmem:s17+$0x4410];
	[tilespmem:s17+$0x43A0] =	vst v2;
	v2 =	vmul.f32 v57, v55  }
0x183: {  	v63 =	vld [tilespmem:s17+$0x4420];
	[tilespmem:s17+$0x43B0] =	vst v3;
	v3 =	vmul.f32 v58, v55  }
0x184: {  	v12 =	vbroadcast v1, $0x4;
	v13 =	vld [tilespmem:s17+$0x4430];
	[tilespmem:s17+$0x43C0] =	vst v2;
	v2 =	vmul.f32 v59, v55  }
0x185: {  	v14 =	vld [tilespmem:s17+$0x4440];
	[tilespmem:s17+$0x43D0] =	vst v3;
	v3 =	vmul.f32 v60, v55  }
0x186: {  	v15 =	vld [tilespmem:s17+$0x4450];
	[tilespmem:s17+$0x43E0] =	vst v2;
	v2 =	vmul.f32 v61, v12  }
0x187: {  	v16 =	vld [tilespmem:s17+$0x4460];
	[tilespmem:s17+$0x43F0] =	vst v3;
	v3 =	vmul.f32 v62, v12  }
0x188: {  	v17 =	vld [tilespmem:s17+$0x4470];
	[tilespmem:s17+$0x4400] =	vst v2;
	v2 =	vmul.f32 v63, v12  }
0x189: {  	v18 =	vld [tilespmem:s17+$0x4480];
	[tilespmem:s17+$0x4410] =	vst v3;
	v3 =	vmul.f32 v13, v12  }
0x18a: {  	v19 =	vld [tilespmem:s17+$0x4490];
	[tilespmem:s17+$0x4420] =	vst v2;
	v2 =	vmul.f32 v14, v12  }
0x18b: {  	v20 =	vld [tilespmem:s17+$0x44A0];
	[tilespmem:s17+$0x4430] =	vst v3;
	v3 =	vmul.f32 v15, v12  }
0x18c: {  	v21 =	vbroadcast v1, $0x5;
	v22 =	vld [tilespmem:s17+$0x44B0];
	[tilespmem:s17+$0x4440] =	vst v2;
	v2 =	vmul.f32 v16, v12  }
0x18d: {  	v23 =	vld [tilespmem:s17+$0x44C0];
	[tilespmem:s17+$0x4450] =	vst v3;
	v3 =	vmul.f32 v17, v12  }
0x18e: {  	v24 =	vld [tilespmem:s17+$0x44D0];
	[tilespmem:s17+$0x4460] =	vst v2;
	v2 =	vmul.f32 v18, v21  }
0x18f: {  	v25 =	vld [tilespmem:s17+$0x44E0];
	[tilespmem:s17+$0x4470] =	vst v3;
	v3 =	vmul.f32 v19, v21  }
0x190: {  	v26 =	vld [tilespmem:s17+$0x44F0];
	[tilespmem:s17+$0x4480] =	vst v2;
	v2 =	vmul.f32 v20, v21  }
0x191: {  	v27 =	vld [tilespmem:s17+$0x4500];
	[tilespmem:s17+$0x4490] =	vst v3;
	v3 =	vmul.f32 v22, v21  }
0x192: {  	v28 =	vld [tilespmem:s17+$0x4510];
	[tilespmem:s17+$0x44A0] =	vst v2;
	v2 =	vmul.f32 v23, v21  }
0x193: {  	v29 =	vld [tilespmem:s17+$0x4520];
	[tilespmem:s17+$0x44B0] =	vst v3;
	v3 =	vmul.f32 v24, v21  }
0x194: {  	v30 =	vbroadcast v1, $0x6;
	v31 =	vld [tilespmem:s17+$0x4530];
	[tilespmem:s17+$0x44C0] =	vst v2;
	v2 =	vmul.f32 v25, v21  }
0x195: {  	v32 =	vld [tilespmem:s17+$0x4540];
	[tilespmem:s17+$0x44D0] =	vst v3;
	v3 =	vmul.f32 v26, v21  }
0x196: {  	v33 =	vld [tilespmem:s17+$0x4550];
	[tilespmem:s17+$0x44E0] =	vst v2;
	v2 =	vmul.f32 v27, v30  }
0x197: {  	v34 =	vld [tilespmem:s17+$0x4560];
	[tilespmem:s17+$0x44F0] =	vst v3;
	v3 =	vmul.f32 v28, v30  }
0x198: {  	v35 =	vld [tilespmem:s17+$0x4570];
	[tilespmem:s17+$0x4500] =	vst v2;
	v2 =	vmul.f32 v29, v30  }
0x199: {  	v36 =	vld [tilespmem:s17+$0x4580];
	[tilespmem:s17+$0x4510] =	vst v3;
	v3 =	vmul.f32 v31, v30  }
0x19a: {  	v37 =	vld [tilespmem:s17+$0x4590];
	[tilespmem:s17+$0x4520] =	vst v2;
	v2 =	vmul.f32 v32, v30  }
0x19b: {  	v38 =	vld [tilespmem:s17+$0x45A0];
	[tilespmem:s17+$0x4530] =	vst v3;
	v3 =	vmul.f32 v33, v30  }
0x19c: {  	v39 =	vbroadcast v1, $0x7;
	v40 =	vld [tilespmem:s17+$0x45B0];
	[tilespmem:s17+$0x4540] =	vst v2;
	v2 =	vmul.f32 v34, v30  }
0x19d: {  	v41 =	vld [tilespmem:s17+$0x45C0];
	[tilespmem:s17+$0x4550] =	vst v3;
	v3 =	vmul.f32 v35, v30  }
0x19e: {  	v42 =	vld [tilespmem:s17+$0x45D0];
	[tilespmem:s17+$0x4560] =	vst v2;
	v2 =	vmul.f32 v36, v39  }
0x19f: {  	v43 =	vld [tilespmem:s17+$0x45E0];
	[tilespmem:s17+$0x4570] =	vst v3;
	v3 =	vmul.f32 v37, v39  }
0x1a0: {  	v44 =	vld [tilespmem:s17+$0x45F0];
	[tilespmem:s17+$0x4580] =	vst v2;
	v2 =	vmul.f32 v38, v39  }
0x1a1: {  	v45 =	vld [tilespmem:s17+$0x4600];
	[tilespmem:s17+$0x4590] =	vst v3;
	v3 =	vmul.f32 v40, v39  }
0x1a2: {  	v46 =	vld [tilespmem:s17+$0x4610];
	[tilespmem:s17+$0x45A0] =	vst v2;
	v2 =	vmul.f32 v41, v39  }
0x1a3: {  	v47 =	vld [tilespmem:s17+$0x4620];
	[tilespmem:s17+$0x45B0] =	vst v3;
	v3 =	vmul.f32 v42, v39  }
0x1a4: {  	v48 =	vbroadcast v1, $0x8;
	v49 =	vld [tilespmem:s17+$0x4630];
	[tilespmem:s17+$0x45C0] =	vst v2;
	v2 =	vmul.f32 v43, v39  }
0x1a5: {  	v50 =	vld [tilespmem:s17+$0x4640];
	[tilespmem:s17+$0x45D0] =	vst v3;
	v3 =	vmul.f32 v44, v39  }
0x1a6: {  	v51 =	vld [tilespmem:s17+$0x4650];
	[tilespmem:s17+$0x45E0] =	vst v2;
	v2 =	vmul.f32 v45, v48  }
0x1a7: {  	v52 =	vld [tilespmem:s17+$0x4660];
	[tilespmem:s17+$0x45F0] =	vst v3;
	v3 =	vmul.f32 v46, v48  }
0x1a8: {  	v53 =	vld [tilespmem:s17+$0x4670];
	[tilespmem:s17+$0x4600] =	vst v2;
	v2 =	vmul.f32 v47, v48  }
0x1a9: {  	v54 =	vld [tilespmem:s17+$0x4680];
	[tilespmem:s17+$0x4610] =	vst v3;
	v3 =	vmul.f32 v49, v48  }
0x1aa: {  	v55 =	vld [tilespmem:s17+$0x4690];
	[tilespmem:s17+$0x4620] =	vst v2;
	v2 =	vmul.f32 v50, v48  }
0x1ab: {  	v56 =	vld [tilespmem:s17+$0x46A0];
	[tilespmem:s17+$0x4630] =	vst v3;
	v3 =	vmul.f32 v51, v48  }
0x1ac: {  	v57 =	vbroadcast v1, $0x9;
	v58 =	vld [tilespmem:s17+$0x46B0];
	[tilespmem:s17+$0x4640] =	vst v2;
	v2 =	vmul.f32 v52, v48  }
0x1ad: {  	v59 =	vld [tilespmem:s17+$0x46C0];
	[tilespmem:s17+$0x4650] =	vst v3;
	v3 =	vmul.f32 v53, v48  }
0x1ae: {  	v60 =	vld [tilespmem:s17+$0x46D0];
	[tilespmem:s17+$0x4660] =	vst v2;
	v2 =	vmul.f32 v54, v57  }
0x1af: {  	v61 =	vld [tilespmem:s17+$0x46E0];
	[tilespmem:s17+$0x4670] =	vst v3;
	v3 =	vmul.f32 v55, v57  }
0x1b0: {  	v62 =	vld [tilespmem:s17+$0x46F0];
	[tilespmem:s17+$0x4680] =	vst v2;
	v2 =	vmul.f32 v56, v57  }
0x1b1: {  	v63 =	vld [tilespmem:s17+$0x4700];
	[tilespmem:s17+$0x4690] =	vst v3;
	v3 =	vmul.f32 v58, v57  }
0x1b2: {  	v12 =	vld [tilespmem:s17+$0x4710];
	[tilespmem:s17+$0x46A0] =	vst v2;
	v2 =	vmul.f32 v59, v57  }
0x1b3: {  	v13 =	vld [tilespmem:s17+$0x4720];
	[tilespmem:s17+$0x46B0] =	vst v3;
	v3 =	vmul.f32 v60, v57  }
0x1b4: {  	v14 =	vbroadcast v1, $0xA;
	v15 =	vld [tilespmem:s17+$0x4730];
	[tilespmem:s17+$0x46C0] =	vst v2;
	v2 =	vmul.f32 v61, v57  }
0x1b5: {  	v16 =	vld [tilespmem:s17+$0x4740];
	[tilespmem:s17+$0x46D0] =	vst v3;
	v3 =	vmul.f32 v62, v57  }
0x1b6: {  	v17 =	vld [tilespmem:s17+$0x4750];
	[tilespmem:s17+$0x46E0] =	vst v2;
	v2 =	vmul.f32 v63, v14  }
0x1b7: {  	v18 =	vld [tilespmem:s17+$0x4760];
	[tilespmem:s17+$0x46F0] =	vst v3;
	v3 =	vmul.f32 v12, v14  }
0x1b8: {  	v19 =	vld [tilespmem:s17+$0x4770];
	[tilespmem:s17+$0x4700] =	vst v2;
	v2 =	vmul.f32 v13, v14  }
0x1b9: {  	v20 =	vld [tilespmem:s17+$0x4780];
	[tilespmem:s17+$0x4710] =	vst v3;
	v3 =	vmul.f32 v15, v14  }
0x1ba: {  	v21 =	vld [tilespmem:s17+$0x4790];
	[tilespmem:s17+$0x4720] =	vst v2;
	v2 =	vmul.f32 v16, v14  }
0x1bb: {  	v22 =	vld [tilespmem:s17+$0x47A0];
	[tilespmem:s17+$0x4730] =	vst v3;
	v3 =	vmul.f32 v17, v14  }
0x1bc: {  	v23 =	vbroadcast v1, $0xB;
	v24 =	vld [tilespmem:s17+$0x47B0];
	[tilespmem:s17+$0x4740] =	vst v2;
	v2 =	vmul.f32 v18, v14  }
0x1bd: {  	v25 =	vld [tilespmem:s17+$0x47C0];
	[tilespmem:s17+$0x4750] =	vst v3;
	v3 =	vmul.f32 v19, v14  }
0x1be: {  	v26 =	vld [tilespmem:s17+$0x47D0];
	[tilespmem:s17+$0x4760] =	vst v2;
	v2 =	vmul.f32 v20, v23  }
0x1bf: {  	v27 =	vld [tilespmem:s17+$0x47E0];
	[tilespmem:s17+$0x4770] =	vst v3;
	v3 =	vmul.f32 v21, v23  }
0x1c0: {  	v28 =	vld [tilespmem:s17+$0x47F0];
	[tilespmem:s17+$0x4780] =	vst v2;
	v2 =	vmul.f32 v22, v23  }
0x1c1: {  	v29 =	vld [tilespmem:s17+$0x4800];
	[tilespmem:s17+$0x4790] =	vst v3;
	v3 =	vmul.f32 v24, v23  }
0x1c2: {  	v30 =	vld [tilespmem:s17+$0x4810];
	[tilespmem:s17+$0x47A0] =	vst v2;
	v2 =	vmul.f32 v25, v23  }
0x1c3: {  	v31 =	vld [tilespmem:s17+$0x4820];
	[tilespmem:s17+$0x47B0] =	vst v3;
	v3 =	vmul.f32 v26, v23  }
0x1c4: {  	v32 =	vbroadcast v1, $0xC;
	v33 =	vld [tilespmem:s17+$0x4830];
	[tilespmem:s17+$0x47C0] =	vst v2;
	v2 =	vmul.f32 v27, v23  }
0x1c5: {  	v34 =	vld [tilespmem:s17+$0x4840];
	[tilespmem:s17+$0x47D0] =	vst v3;
	v3 =	vmul.f32 v28, v23  }
0x1c6: {  	v35 =	vld [tilespmem:s17+$0x4850];
	[tilespmem:s17+$0x47E0] =	vst v2;
	v2 =	vmul.f32 v29, v32  }
0x1c7: {  	v36 =	vld [tilespmem:s17+$0x4860];
	[tilespmem:s17+$0x47F0] =	vst v3;
	v3 =	vmul.f32 v30, v32  }
0x1c8: {  	v37 =	vld [tilespmem:s17+$0x4870];
	[tilespmem:s17+$0x4800] =	vst v2;
	v2 =	vmul.f32 v31, v32  }
0x1c9: {  	v38 =	vld [tilespmem:s17+$0x4880];
	[tilespmem:s17+$0x4810] =	vst v3;
	v3 =	vmul.f32 v33, v32  }
0x1ca: {  	v39 =	vld [tilespmem:s17+$0x4890];
	[tilespmem:s17+$0x4820] =	vst v2;
	v2 =	vmul.f32 v34, v32  }
0x1cb: {  	v40 =	vld [tilespmem:s17+$0x48A0];
	[tilespmem:s17+$0x4830] =	vst v3;
	v3 =	vmul.f32 v35, v32  }
0x1cc: {  	v41 =	vbroadcast v1, $0xD;
	v42 =	vld [tilespmem:s17+$0x48B0];
	[tilespmem:s17+$0x4840] =	vst v2;
	v2 =	vmul.f32 v36, v32  }
0x1cd: {  	v43 =	vld [tilespmem:s17+$0x48C0];
	[tilespmem:s17+$0x4850] =	vst v3;
	v3 =	vmul.f32 v37, v32  }
0x1ce: {  	v44 =	vld [tilespmem:s17+$0x48D0];
	[tilespmem:s17+$0x4860] =	vst v2;
	v2 =	vmul.f32 v38, v41  }
0x1cf: {  	v45 =	vld [tilespmem:s17+$0x48E0];
	[tilespmem:s17+$0x4870] =	vst v3;
	v3 =	vmul.f32 v39, v41  }
0x1d0: {  	v46 =	vld [tilespmem:s17+$0x48F0];
	[tilespmem:s17+$0x4880] =	vst v2;
	v2 =	vmul.f32 v40, v41  }
0x1d1: {  	v47 =	vld [tilespmem:s17+$0x4900];
	[tilespmem:s17+$0x4890] =	vst v3;
	v3 =	vmul.f32 v42, v41  }
0x1d2: {  	v48 =	vld [tilespmem:s17+$0x4910];
	[tilespmem:s17+$0x48A0] =	vst v2;
	v2 =	vmul.f32 v43, v41  }
0x1d3: {  	v49 =	vld [tilespmem:s17+$0x4920];
	[tilespmem:s17+$0x48B0] =	vst v3;
	v3 =	vmul.f32 v44, v41  }
0x1d4: {  	v50 =	vbroadcast v1, $0xE;
	v51 =	vld [tilespmem:s17+$0x4930];
	[tilespmem:s17+$0x48C0] =	vst v2;
	v2 =	vmul.f32 v45, v41  }
0x1d5: {  	v52 =	vld [tilespmem:s17+$0x4940];
	[tilespmem:s17+$0x48D0] =	vst v3;
	v3 =	vmul.f32 v46, v41  }
0x1d6: {  	v53 =	vld [tilespmem:s17+$0x4950];
	[tilespmem:s17+$0x48E0] =	vst v2;
	v2 =	vmul.f32 v47, v50  }
0x1d7: {  	v54 =	vld [tilespmem:s17+$0x4960];
	[tilespmem:s17+$0x48F0] =	vst v3;
	v3 =	vmul.f32 v48, v50  }
0x1d8: {  	v55 =	vld [tilespmem:s17+$0x4970];
	[tilespmem:s17+$0x4900] =	vst v2;
	v2 =	vmul.f32 v49, v50  }
0x1d9: {  	v56 =	vld [tilespmem:s17+$0x4980];
	[tilespmem:s17+$0x4910] =	vst v3;
	v3 =	vmul.f32 v51, v50  }
0x1da: {  	v57 =	vld [tilespmem:s17+$0x4990];
	[tilespmem:s17+$0x4920] =	vst v2;
	v2 =	vmul.f32 v52, v50  }
0x1db: {  	v58 =	vld [tilespmem:s17+$0x49A0];
	[tilespmem:s17+$0x4930] =	vst v3;
	v3 =	vmul.f32 v53, v50  }
0x1dc: {  	v1 =	vbroadcast v1, $0xF;
	v59 =	vld [tilespmem:s17+$0x49B0];
	[tilespmem:s17+$0x4940] =	vst v2;
	v2 =	vmul.f32 v54, v50  }
0x1dd: {  	v60 =	vld [tilespmem:s17+$0x49C0];
	[tilespmem:s17+$0x4950] =	vst v3;
	v3 =	vmul.f32 v55, v50  }
0x1de: {  	v61 =	vld [tilespmem:s17+$0x49D0];
	[tilespmem:s17+$0x4960] =	vst v2;
	v2 =	vmul.f32 v56, v1  }
0x1df: {  	v62 =	vld [tilespmem:s17+$0x49E0];
	[tilespmem:s17+$0x4970] =	vst v3;
	v3 =	vmul.f32 v57, v1  }
0x1e0: {  	v63 =	vld [tilespmem:s17+$0x49F0];
	[tilespmem:s17+$0x4980] =	vst v2;
	v2 =	vmul.f32 v58, v1  }
0x1e1: {  	[tilespmem:s17+$0x4990] =	vst v3;
	v3 =	vmul.f32 v59, v1  }
0x1e2: {  	p0 =	sne.s32 s16, $0x7;
	[tilespmem:s17+$0x49A0] =	vst v2;
	v2 =	vmul.f32 v60, v1  }
.Ltmp4:
0x1e3: {  	[tilespmem:s17+$0x49B0] =	vst v3;
	v3 =	vmul.f32 v61, v1;
	(pc) =	sbr.rel @p0 .LBB2_7-.Ltmp4, $4  }
0x1e4: {  	[tilespmem:s17+$0x49C0] =	vst v2;
	v2 =	vmul.f32 v62, v1  }
0x1e5: {  	[tilespmem:s17+$0x49D0] =	vst v3;
	v1 =	vmul.f32 v63, v1  }
0x1e6: {  	[tilespmem:s17+$0x49E0] =	vst v2  }
0x1e7: {  	s16 =	sadd.s32 $0x1, s16;
	[tilespmem:s17+$0x49F0] =	vst v1  }
0x1e8: {  	p0 =	seq.s32 s20, $0x28  }
.Ltmp5:
0x1e9: {  	_ = 	snop;
	(pc) =	sbr.rel @p0 .LBB2_10-.Ltmp5, $1  }
0x1ea: {  	_ =	sdelay $0x3  }
0x1eb: {  	_ =	swait.ge [sflag:s15], $0x4000;
	s10 =	sadd.s32 $0x100, s21  }
0x1ec: {  	[sflag:s15] =	ssyncset.done $0x0;
	s16 =	sand.u32 $0x7C00, s10  }
0x1ed: {  	s10 =	sand.u32 $0x300, s10;
	[sflag:s15] =	ssyncadd.s32 $0xFFFFC000;
	s16 =	sadd.s32 s11, s16  }
0x1ee: {  	_ =	swait.ge [sflag:s15], $0x80;
	s10 =	sor.u32 s10, s16  }
0x1ef: {  	[sflag:s15] =	ssyncset.done $0x0;
	s10 =	sshrl.u32 s10, $0x3  }
0x1f0: {  	[sflag:s15] =	ssyncadd.s32 $0xFFFFFF80;
	s21 =	sadd.s32 s1, s10  }
0x1f1: {  	[tilespmem:s5], [sflag:$0x5] =	stream.linear.gather [hbm4b:s21+s5], $0x80, $0x38;
	[tilespmem:$0x1CA00] =	vst v63  }
0x1f2: {  	_ =	swait.ge [sflag:s23], $0x80  }
0x1f3: {  	[sflag:s23] =	ssyncset.done $0x0  }
0x1f4: {  	s10 =	sadd.s32 s9, s10;
	[sflag:s23] =	ssyncadd.s32 $0xFFFFFF80  }
0x1f5: {  	[tilespmem:s25], [sflag:$0x5] =	stream.linear.gather [hbm4b:s10+s5], $0x80, $0x38;
	[tilespmem:$0x1CA00] =	vst v63  }
0x1f6: {  	_ =	swait.ge [sflag:s23], $0x80  }
0x1f7: {  	[sflag:s23] =	ssyncset.done $0x0  }
0x1f8: {  	[sflag:s23] =	ssyncadd.s32 $0xFFFFFF80  }
0x1f9: {  	[tilespmem:s22], [sflag:$0x1] =	stream.indirect.gather [hbm4b:s6+s26], $0x80, s25, s26, $0xb8;
	[tilespmem:$0x1CA00] =	vst v63  }
0x1fa: {  	_ = 	snop  }
0x1fb: {  	[tilespmem:s28], [sflag:$0x1] =	stream.indirect.gather [hbm4b:s7+s26], $0x1, s5, s26, $0xb8;
	[tilespmem:$0x1CA00] =	vst v63  }
0x1fc: {  	_ = 	snop  }
0x1fd: {  	[tilespmem:s29], [sflag:$0x1] =	stream.indirect.gather [hbm4b:s8+s26], $0x1, s25, s26, $0xb8;
	[tilespmem:$0x1CA00] =	vst v63  }
.Ltmp6:
0x1fe: {  	_ = 	snop;
	(pc) =	sbr.rel .LBB2_4-.Ltmp6, $4  }
0x1ff: {  	_ = 	snop  }
0x200: {  	[spmem:s2] =	stream.indirect.scatter.add.f32 [tilespmem:s31], [sflag:$0x4], $0x80, s26, s26, $0xb8;
	[tilespmem:$0x1CA00] =	vst v63  }
0x201: {  	s20 =	sadd.s32 $0x1, s20  }
0x202: {  	[spmem:s3] =	stream.indirect.scatter.add.f32 [tilespmem:s14], [sflag:$0x4], $0x1, s26, s26, $0xb8;
	[tilespmem:$0x1CA00] =	vst v63  }
.LBB2_11:
0x203: {  	_ =	sfence.sel $0x180000  }
0x204: {  	[bflag:$0x0] =	sbarrier.arrive $0xFFFF  }
0x205: {  	_ =	strace $0x90000047  }
0x206: {  	s0 =	stileid.u32;
	[bflag:$0x2] =	sbarrier.arrive $0xFFFF  }
0x207: {  	p0 =	sne.s32 s0, $0x0;
	s0 =	rddreg [dreg:$0x4]  }
0x208: {  	s0 =	sadd.s32 @!p0 $0x100000, s0  }
0x209: {  	[sflag:s0] =	ssyncadd.tile.s32 @!p0 $0x1;
	_ =	shalt  }
.Lfunc_end2:
_tile_overlayer_lowered:
.L_overlay_start_2:
0x20a: {  	(tag) =	ssettag $0x2  }
0x20b: {  	s0 =	rddreg [dreg:$0x0];
	s2 =	stileid.u32  }
0x20c: {  	s1 =	rddreg [dreg:$0x1];
	p0 =	sne.s32 s2, $0x0  }
0x20d: {  	s3 =	rddreg [dreg:$0x2];
	[bflag:$0x3] =	sbarrier.arrive $0xFFFF;
	s2 =	simm.s32 @!p0 $0x1C05  }
0x20e: {  	[timem:s3], [sflag:s2] =	dma.local @!p0 [hbm:s0], s1  }
0x20f: {  	s0 =	simm.s32 @!p0 $0x5  }
0x210: {  	_ =	swait.ge @!p0 [sflag:s0], s1  }
0x211: {  	s1 =	ssub.s32 @!p0 $0x0, s1;
	[sflag:s0] =	ssyncset.done @!p0 $0x0  }
0x212: {  	[sflag:s0] =	ssyncadd.s32 @!p0 s1  }
0x213: {  	[bflag:$0x3] =	sbarrier.arrive $0xFFFF  }
0x214: {  	_ =	shalt  }

</sc_bundles>
